<compile_context>
chip_gen: v7x
topology: tpu7x:2x2x1
jax: 0.10.2.dev20260603
libtpu: 0.0.44.dev20260713+nightly
codegen_flags: <defaults>
</compile_context>

<pallas_src>
import jax
import jax.numpy as jnp
from jax import lax
from jax.experimental import pallas as pl
from jax.experimental.pallas import tpu as pltpu
from jax.experimental.pallas import tpu_sc as plsc

U = 100000
V = 1000000
D = 32
B = 16384
NNEG = 50

NC = 2
NS = 16
NW = NC * NS
CH = 16
PER_W = B // NW
NCHUNK = PER_W // CH
NROWS = CH * NNEG
NGRP = (NNEG + 15) // 16
SCHUNK = 128


def _tec_body(negs_hbm, s_hbm, hu_hbm, pi_hbm, qj_hbm, pos_hbm, neg_hbm,
              idx_n0, idx_n1, sr0, sr1, hu_v, pi_v, qj_v,
              pos_out, neg_out, sem0, sem1):
    wid = lax.axis_index("s") * NC + lax.axis_index("c")
    wbase = wid * PER_W
    iota = lax.iota(jnp.int32, 16)

    idx_n = (idx_n0, idx_n1)
    sr = (sr0, sr1)
    sems = (sem0, sem1)

    def fire(t, s):
        nb = (wbase + t * CH) * NNEG
        pltpu.sync_copy(negs_hbm.at[pl.ds(nb, NROWS)], idx_n[s])
        for off in range(0, NROWS, SCHUNK):
            w = min(SCHUNK, NROWS - off)
            pltpu.async_copy(s_hbm.at[idx_n[s].at[pl.ds(off, w)]],
                             sr[s].at[pl.ds(off, w)], sems[s])

    def drain(s):
        for off in range(0, NROWS, SCHUNK):
            w = min(SCHUNK, NROWS - off)
            pltpu.make_async_copy(s_hbm.at[idx_n[s].at[pl.ds(off, w)]],
                                  sr[s].at[pl.ds(off, w)], sems[s]).wait()

    def compute(t, s):
        base = wbase + t * CH
        pltpu.sync_copy(hu_hbm.at[pl.ds(base, CH)], hu_v)
        pltpu.sync_copy(pi_hbm.at[pl.ds(base, CH)], pi_v)
        pltpu.sync_copy(qj_hbm.at[pl.ds(base, CH)], qj_v)

        acc = jnp.zeros((16,), jnp.float32)
        for d in range(D):
            colv = (iota + d) & (D - 1)
            hv = plsc.load_gather(hu_v, [iota, colv])
            pv = plsc.load_gather(pi_v, [iota, colv])
            qv = plsc.load_gather(qj_v, [iota, colv])
            acc = acc + hv * (pv + qv)
        pos_out[...] = acc
        pltpu.sync_copy(pos_out, pos_hbm.at[pl.ds(base, CH)])

        def elem_body(b, ecarry):
            rows = [jnp.minimum(b * NNEG + g * 16 + iota, NROWS - 1)
                    for g in range(NGRP)]
            bv = jnp.full((16,), 0, jnp.int32) + b
            accs = [jnp.zeros((16,), jnp.float32) for _ in range(NGRP)]
            for d in range(D):
                colv = (iota + d) & (D - 1)
                hv = plsc.load_gather(hu_v, [bv, colv])
                for g in range(NGRP):
                    svv = plsc.load_gather(sr[s], [rows[g], colv])
                    accs[g] = accs[g] + hv * svv
            for g in range(NGRP):
                lane_n = g * 16 + iota
                plsc.store_scatter(neg_out, [b * NNEG + lane_n], accs[g],
                                   mask=lane_n < NNEG)
            return ecarry

        lax.fori_loop(0, CH, elem_body, 0)
        pltpu.sync_copy(neg_out, neg_hbm.at[pl.ds(base * NNEG, NROWS)])

    fire(0, 0)
    fire(1, 1)

    def body2(i, carry):
        tt = i * 2
        for s in (0, 1):
            t = tt + s
            drain(s)
            compute(t, s)

            @pl.when(t + 2 < NCHUNK)
            def _():
                fire(t + 2, s)
        return carry

    lax.fori_loop(0, NCHUNK // 2, body2, 0)


@jax.jit
def _run(negs_flat, s_tab, hu_g, pi_g, qj_g):
    mesh = plsc.VectorSubcoreMesh(core_axis_name="c", subcore_axis_name="s")
    f = pl.kernel(
        _tec_body,
        out_type=(
            jax.ShapeDtypeStruct((B,), jnp.float32),
            jax.ShapeDtypeStruct((B * NNEG,), jnp.float32),
        ),
        mesh=mesh,
        compiler_params=pltpu.CompilerParams(needs_layout_passes=False,
                                             use_tc_tiling_on_sc=False),
        scratch_types=(
            pltpu.VMEM((NROWS,), jnp.int32),
            pltpu.VMEM((NROWS,), jnp.int32),
            pltpu.VMEM((NROWS, D), jnp.float32),
            pltpu.VMEM((NROWS, D), jnp.float32),
            pltpu.VMEM((CH, D), jnp.float32),
            pltpu.VMEM((CH, D), jnp.float32),
            pltpu.VMEM((CH, D), jnp.float32),
            pltpu.VMEM((CH,), jnp.float32),
            pltpu.VMEM((NROWS,), jnp.float32),
            pltpu.SemaphoreType.DMA,
            pltpu.SemaphoreType.DMA,
        ),
    )
    return f(negs_flat, s_tab, hu_g, pi_g, qj_g)


def kernel(users, items_i, items_j, negs, h, p, q):
    s_tab = p + q
    hu_g = jnp.take(h, users.astype(jnp.int32), axis=0)
    pi_g = jnp.take(p, items_i, axis=0)
    qj_g = jnp.take(q, items_j, axis=0)
    pos, neg_flat = _run(negs.reshape(B * NNEG), s_tab, hu_g, pi_g, qj_g)
    return pos, neg_flat.reshape(B, NNEG)

# --- scband reference (transcript-rebuilt; emitter-appended) ---
"""Pipeline reference for scband-triple2-vec-81363860455958 (READ-ONLY COPY).

The authoritative reference and input builder live on the scoring server;
editing this copy changes nothing except your own understanding.
"""

import jax, jax.numpy as jnp
import numpy as np

U = 100000
V = 1000000
D = 32
B = 16384
NNEG = 50


def setup_inputs(seed: int = 0) -> dict:
    key = jax.random.key(seed)
    k1, k2, k3, k4, k5, k6, k7 = jax.random.split(key, 7)
    users = jax.random.randint(k1, (B,), 0, U, dtype=jnp.int64) if jax.config.jax_enable_x64 else jax.random.randint(k1, (B,), 0, U).astype(jnp.int32)
    items_i = jax.random.randint(k2, (B,), 0, V).astype(jnp.int32)
    items_j = jax.random.randint(k3, (B,), 0, V).astype(jnp.int32)
    negs = jax.random.randint(k4, (B, NNEG), 0, V).astype(jnp.int32)
    h = jax.random.normal(k5, (U, D), dtype=jnp.float32) * 0.02
    p = jax.random.normal(k6, (V, D), dtype=jnp.float32) * 0.02
    q = jax.random.normal(k7, (V, D), dtype=jnp.float32) * 0.02
    return {"users": users, "items_i": items_i, "items_j": items_j, "negs": negs, "h": h, "p": p, "q": q}


def reference(users, items_i, items_j, negs, h, p, q):
    # Embedding lookups (gather rows)
    h_u = jnp.take(h, users, axis=0)        # [B, D]
    p_i = jnp.take(p, items_i, axis=0)      # [B, D]
    q_j = jnp.take(q, items_j, axis=0)      # [B, D]
    pos_score = jnp.sum(h_u * (p_i + q_j), axis=1)  # [B]
    neg_p = jnp.take(p, negs, axis=0)       # [B, NNEG, D]
    neg_q = jnp.take(q, negs, axis=0)       # [B, NNEG, D]
    neg_scores = jnp.sum(h_u[:, None, :] * (neg_p + neg_q), axis=2)  # [B, NNEG]
    return (pos_score, neg_scores)

if __name__ == "__main__":
    import jax
    _d = setup_inputs()
    print(jax.jit(kernel)(*tuple(_d.values())))

</pallas_src>

<mosaic_0001>
#map = affine_map<(d0, d1) -> (0)>
#map1 = affine_map<(d0, d1) -> (0, 0)>
module attributes {stable_mosaic.version = 14 : i64} {
  func.func @_tec_body(%arg0: i32, %arg1: i32, %arg2: memref<819200xi32, #tpu.memory_space<hbm>>, %arg3: memref<1000000x32xf32, #tpu.memory_space<hbm>>, %arg4: memref<16384x32xf32, #tpu.memory_space<hbm>>, %arg5: memref<16384x32xf32, #tpu.memory_space<hbm>>, %arg6: memref<16384x32xf32, #tpu.memory_space<hbm>>, %arg7: memref<16384xf32, #tpu.memory_space<hbm>>, %arg8: memref<819200xf32, #tpu.memory_space<hbm>>, %arg9: memref<800xi32, #tpu.memory_space<vmem>>, %arg10: memref<800xi32, #tpu.memory_space<vmem>>, %arg11: memref<800x32xf32, #tpu.memory_space<vmem>>, %arg12: memref<800x32xf32, #tpu.memory_space<vmem>>, %arg13: memref<16x32xf32, #tpu.memory_space<vmem>>, %arg14: memref<16x32xf32, #tpu.memory_space<vmem>>, %arg15: memref<16x32xf32, #tpu.memory_space<vmem>>, %arg16: memref<16xf32, #tpu.memory_space<vmem>>, %arg17: memref<800xf32, #tpu.memory_space<vmem>>, %arg18: memref<!tpu.dma_semaphore, #tpu.memory_space<semaphore_mem>>, %arg19: memref<!tpu.dma_semaphore, #tpu.memory_space<semaphore_mem>>) attributes {dimension_semantics = [#tpu.dimension_semantics<core_parallel>, #tpu.dimension_semantics<subcore_parallel>], iteration_bounds = array<i64: 2, 16>, scalar_prefetch = 0 : i64, scratch_operands = 11 : i64, tpu.core_type = #tpu.core_type<sc_vector_subcore>, window_params = [{transform_indices = #map}, {transform_indices = #map1}, {transform_indices = #map1}, {transform_indices = #map1}, {transform_indices = #map1}, {transform_indices = #map}, {transform_indices = #map}]} {
    %mul3A = arith.constant 2 : i32
    %mul3A_0 = arith.muli %arg1, %mul3A : i32
    %add3A = arith.addi %mul3A_0, %arg0 : i32
    %mul3A_1 = arith.constant 512 : i32
    %mul3A_2 = arith.muli %add3A, %mul3A_1 : i32
    %iota3A = tpu.iota {dimensions = array<i32: 0>} : vector<16xi32>
    %add3A_3 = arith.constant 0 : i32
    %add3A_4 = arith.addi %mul3A_2, %add3A_3 : i32
    %mul3A_5 = arith.constant 50 : i32
    %mul3A_6 = arith.muli %add3A_4, %mul3A_5 : i32
    "tpu.region"() ({
      %run_scoped3A = tpu.sem_alloc : memref<!tpu.dma_semaphore, #tpu.memory_space<semaphore_mem>>
      %dma_start3A_127 = tpu.memref_slice %arg2[%mul3A_6] : memref<819200xi32, #tpu.memory_space<hbm>> -> memref<800xi32, #tpu.memory_space<hbm>>
      %dma_start3A_128 = tpu.memref_slice %arg2[%mul3A_6] : memref<819200xi32, #tpu.memory_space<hbm>> -> memref<800xi32, #tpu.memory_space<hbm>>
      tpu.enqueue_dma source(%dma_start3A_128 : memref<800xi32, #tpu.memory_space<hbm>>) target(%arg9 : memref<800xi32, #tpu.memory_space<vmem>>) target_semaphore(%run_scoped3A : memref<!tpu.dma_semaphore, #tpu.memory_space<semaphore_mem>>)
      %dma_wait3A = tpu.memref_slice %arg2[%mul3A_6] : memref<819200xi32, #tpu.memory_space<hbm>> -> memref<800xi32, #tpu.memory_space<hbm>>
      %dma_wait3A_129 = tpu.memref_slice %arg2[%mul3A_6] : memref<819200xi32, #tpu.memory_space<hbm>> -> memref<800xi32, #tpu.memory_space<hbm>>
      tpu.wait_dma2 semaphore(%run_scoped3A : memref<!tpu.dma_semaphore, #tpu.memory_space<semaphore_mem>>) src(%dma_wait3A_129 : memref<800xi32, #tpu.memory_space<hbm>>) dst(%arg9 : memref<800xi32, #tpu.memory_space<vmem>>)
      tpu.yield
    }) : () -> ()
    %dma_start3A = arith.constant 0 : i32
    %dma_start3A_7 = arith.constant 0 : i32
    %dma_start3A_8 = tpu.memref_slice %arg11[%dma_start3A, %dma_start3A_7] : memref<800x32xf32, #tpu.memory_space<vmem>> -> memref<128x32xf32, #tpu.memory_space<vmem>>
    %dma_start3A_9 = arith.constant 0 : i32
    %dma_start3A_10 = tpu.memref_slice %arg9[%dma_start3A_9] : memref<800xi32, #tpu.memory_space<vmem>> -> memref<128xi32, #tpu.memory_space<vmem>>
    %dma_start3A_11 = arith.constant 0 : i32
    %dma_start3A_12 = arith.constant 0 : i32
    %dma_start3A_13 = tpu.memref_slice %arg3[%dma_start3A_11, %dma_start3A_12] : memref<1000000x32xf32, #tpu.memory_space<hbm>> -> memref<1000000x32xf32, #tpu.memory_space<hbm>>
    tpu.enqueue_indirect_dma source(%dma_start3A_13 : memref<1000000x32xf32, #tpu.memory_space<hbm>>) target(%dma_start3A_8 : memref<128x32xf32, #tpu.memory_space<vmem>>) offsets(%dma_start3A_10 : memref<128xi32, #tpu.memory_space<vmem>>) semaphore(%arg18 : memref<!tpu.dma_semaphore, #tpu.memory_space<semaphore_mem>>)
    %dma_start3A_14 = arith.constant 128 : i32
    %dma_start3A_15 = arith.constant 0 : i32
    %dma_start3A_16 = tpu.memref_slice %arg11[%dma_start3A_14, %dma_start3A_15] : memref<800x32xf32, #tpu.memory_space<vmem>> -> memref<128x32xf32, #tpu.memory_space<vmem>>
    %dma_start3A_17 = arith.constant 128 : i32
    %dma_start3A_18 = tpu.memref_slice %arg9[%dma_start3A_17] : memref<800xi32, #tpu.memory_space<vmem>> -> memref<128xi32, #tpu.memory_space<vmem>>
    %dma_start3A_19 = arith.constant 0 : i32
    %dma_start3A_20 = arith.constant 0 : i32
    %dma_start3A_21 = tpu.memref_slice %arg3[%dma_start3A_19, %dma_start3A_20] : memref<1000000x32xf32, #tpu.memory_space<hbm>> -> memref<1000000x32xf32, #tpu.memory_space<hbm>>
    tpu.enqueue_indirect_dma source(%dma_start3A_21 : memref<1000000x32xf32, #tpu.memory_space<hbm>>) target(%dma_start3A_16 : memref<128x32xf32, #tpu.memory_space<vmem>>) offsets(%dma_start3A_18 : memref<128xi32, #tpu.memory_space<vmem>>) semaphore(%arg18 : memref<!tpu.dma_semaphore, #tpu.memory_space<semaphore_mem>>)
    %dma_start3A_22 = arith.constant 256 : i32
    %dma_start3A_23 = arith.constant 0 : i32
    %dma_start3A_24 = tpu.memref_slice %arg11[%dma_start3A_22, %dma_start3A_23] : memref<800x32xf32, #tpu.memory_space<vmem>> -> memref<128x32xf32, #tpu.memory_space<vmem>>
    %dma_start3A_25 = arith.constant 256 : i32
    %dma_start3A_26 = tpu.memref_slice %arg9[%dma_start3A_25] : memref<800xi32, #tpu.memory_space<vmem>> -> memref<128xi32, #tpu.memory_space<vmem>>
    %dma_start3A_27 = arith.constant 0 : i32
    %dma_start3A_28 = arith.constant 0 : i32
    %dma_start3A_29 = tpu.memref_slice %arg3[%dma_start3A_27, %dma_start3A_28] : memref<1000000x32xf32, #tpu.memory_space<hbm>> -> memref<1000000x32xf32, #tpu.memory_space<hbm>>
    tpu.enqueue_indirect_dma source(%dma_start3A_29 : memref<1000000x32xf32, #tpu.memory_space<hbm>>) target(%dma_start3A_24 : memref<128x32xf32, #tpu.memory_space<vmem>>) offsets(%dma_start3A_26 : memref<128xi32, #tpu.memory_space<vmem>>) semaphore(%arg18 : memref<!tpu.dma_semaphore, #tpu.memory_space<semaphore_mem>>)
    %dma_start3A_30 = arith.constant 384 : i32
    %dma_start3A_31 = arith.constant 0 : i32
    %dma_start3A_32 = tpu.memref_slice %arg11[%dma_start3A_30, %dma_start3A_31] : memref<800x32xf32, #tpu.memory_space<vmem>> -> memref<128x32xf32, #tpu.memory_space<vmem>>
    %dma_start3A_33 = arith.constant 384 : i32
    %dma_start3A_34 = tpu.memref_slice %arg9[%dma_start3A_33] : memref<800xi32, #tpu.memory_space<vmem>> -> memref<128xi32, #tpu.memory_space<vmem>>
    %dma_start3A_35 = arith.constant 0 : i32
    %dma_start3A_36 = arith.constant 0 : i32
    %dma_start3A_37 = tpu.memref_slice %arg3[%dma_start3A_35, %dma_start3A_36] : memref<1000000x32xf32, #tpu.memory_space<hbm>> -> memref<1000000x32xf32, #tpu.memory_space<hbm>>
    tpu.enqueue_indirect_dma source(%dma_start3A_37 : memref<1000000x32xf32, #tpu.memory_space<hbm>>) target(%dma_start3A_32 : memref<128x32xf32, #tpu.memory_space<vmem>>) offsets(%dma_start3A_34 : memref<128xi32, #tpu.memory_space<vmem>>) semaphore(%arg18 : memref<!tpu.dma_semaphore, #tpu.memory_space<semaphore_mem>>)
    %dma_start3A_38 = arith.constant 512 : i32
    %dma_start3A_39 = arith.constant 0 : i32
    %dma_start3A_40 = tpu.memref_slice %arg11[%dma_start3A_38, %dma_start3A_39] : memref<800x32xf32, #tpu.memory_space<vmem>> -> memref<128x32xf32, #tpu.memory_space<vmem>>
    %dma_start3A_41 = arith.constant 512 : i32
    %dma_start3A_42 = tpu.memref_slice %arg9[%dma_start3A_41] : memref<800xi32, #tpu.memory_space<vmem>> -> memref<128xi32, #tpu.memory_space<vmem>>
    %dma_start3A_43 = arith.constant 0 : i32
    %dma_start3A_44 = arith.constant 0 : i32
    %dma_start3A_45 = tpu.memref_slice %arg3[%dma_start3A_43, %dma_start3A_44] : memref<1000000x32xf32, #tpu.memory_space<hbm>> -> memref<1000000x32xf32, #tpu.memory_space<hbm>>
    tpu.enqueue_indirect_dma source(%dma_start3A_45 : memref<1000000x32xf32, #tpu.memory_space<hbm>>) target(%dma_start3A_40 : memref<128x32xf32, #tpu.memory_space<vmem>>) offsets(%dma_start3A_42 : memref<128xi32, #tpu.memory_space<vmem>>) semaphore(%arg18 : memref<!tpu.dma_semaphore, #tpu.memory_space<semaphore_mem>>)
    %dma_start3A_46 = arith.constant 640 : i32
    %dma_start3A_47 = arith.constant 0 : i32
    %dma_start3A_48 = tpu.memref_slice %arg11[%dma_start3A_46, %dma_start3A_47] : memref<800x32xf32, #tpu.memory_space<vmem>> -> memref<128x32xf32, #tpu.memory_space<vmem>>
    %dma_start3A_49 = arith.constant 640 : i32
    %dma_start3A_50 = tpu.memref_slice %arg9[%dma_start3A_49] : memref<800xi32, #tpu.memory_space<vmem>> -> memref<128xi32, #tpu.memory_space<vmem>>
    %dma_start3A_51 = arith.constant 0 : i32
    %dma_start3A_52 = arith.constant 0 : i32
    %dma_start3A_53 = tpu.memref_slice %arg3[%dma_start3A_51, %dma_start3A_52] : memref<1000000x32xf32, #tpu.memory_space<hbm>> -> memref<1000000x32xf32, #tpu.memory_space<hbm>>
    tpu.enqueue_indirect_dma source(%dma_start3A_53 : memref<1000000x32xf32, #tpu.memory_space<hbm>>) target(%dma_start3A_48 : memref<128x32xf32, #tpu.memory_space<vmem>>) offsets(%dma_start3A_50 : memref<128xi32, #tpu.memory_space<vmem>>) semaphore(%arg18 : memref<!tpu.dma_semaphore, #tpu.memory_space<semaphore_mem>>)
    %dma_start3A_54 = arith.constant 768 : i32
    %dma_start3A_55 = arith.constant 0 : i32
    %dma_start3A_56 = tpu.memref_slice %arg11[%dma_start3A_54, %dma_start3A_55] : memref<800x32xf32, #tpu.memory_space<vmem>> -> memref<32x32xf32, #tpu.memory_space<vmem>>
    %dma_start3A_57 = arith.constant 768 : i32
    %dma_start3A_58 = tpu.memref_slice %arg9[%dma_start3A_57] : memref<800xi32, #tpu.memory_space<vmem>> -> memref<32xi32, #tpu.memory_space<vmem>>
    %dma_start3A_59 = arith.constant 0 : i32
    %dma_start3A_60 = arith.constant 0 : i32
    %dma_start3A_61 = tpu.memref_slice %arg3[%dma_start3A_59, %dma_start3A_60] : memref<1000000x32xf32, #tpu.memory_space<hbm>> -> memref<1000000x32xf32, #tpu.memory_space<hbm>>
    tpu.enqueue_indirect_dma source(%dma_start3A_61 : memref<1000000x32xf32, #tpu.memory_space<hbm>>) target(%dma_start3A_56 : memref<32x32xf32, #tpu.memory_space<vmem>>) offsets(%dma_start3A_58 : memref<32xi32, #tpu.memory_space<vmem>>) semaphore(%arg18 : memref<!tpu.dma_semaphore, #tpu.memory_space<semaphore_mem>>)
    %add3A_62 = arith.constant 16 : i32
    %add3A_63 = arith.addi %mul3A_2, %add3A_62 : i32
    %mul3A_64 = arith.constant 50 : i32
    %mul3A_65 = arith.muli %add3A_63, %mul3A_64 : i32
    "tpu.region"() ({
      %run_scoped3A = tpu.sem_alloc : memref<!tpu.dma_semaphore, #tpu.memory_space<semaphore_mem>>
      %dma_start3A_127 = tpu.memref_slice %arg2[%mul3A_65] : memref<819200xi32, #tpu.memory_space<hbm>> -> memref<800xi32, #tpu.memory_space<hbm>>
      %dma_start3A_128 = tpu.memref_slice %arg2[%mul3A_65] : memref<819200xi32, #tpu.memory_space<hbm>> -> memref<800xi32, #tpu.memory_space<hbm>>
      tpu.enqueue_dma source(%dma_start3A_128 : memref<800xi32, #tpu.memory_space<hbm>>) target(%arg10 : memref<800xi32, #tpu.memory_space<vmem>>) target_semaphore(%run_scoped3A : memref<!tpu.dma_semaphore, #tpu.memory_space<semaphore_mem>>)
      %dma_wait3A = tpu.memref_slice %arg2[%mul3A_65] : memref<819200xi32, #tpu.memory_space<hbm>> -> memref<800xi32, #tpu.memory_space<hbm>>
      %dma_wait3A_129 = tpu.memref_slice %arg2[%mul3A_65] : memref<819200xi32, #tpu.memory_space<hbm>> -> memref<800xi32, #tpu.memory_space<hbm>>
      tpu.wait_dma2 semaphore(%run_scoped3A : memref<!tpu.dma_semaphore, #tpu.memory_space<semaphore_mem>>) src(%dma_wait3A_129 : memref<800xi32, #tpu.memory_space<hbm>>) dst(%arg10 : memref<800xi32, #tpu.memory_space<vmem>>)
      tpu.yield
    }) : () -> ()
    %dma_start3A_66 = arith.constant 0 : i32
    %dma_start3A_67 = arith.constant 0 : i32
    %dma_start3A_68 = tpu.memref_slice %arg12[%dma_start3A_66, %dma_start3A_67] : memref<800x32xf32, #tpu.memory_space<vmem>> -> memref<128x32xf32, #tpu.memory_space<vmem>>
    %dma_start3A_69 = arith.constant 0 : i32
    %dma_start3A_70 = tpu.memref_slice %arg10[%dma_start3A_69] : memref<800xi32, #tpu.memory_space<vmem>> -> memref<128xi32, #tpu.memory_space<vmem>>
    %dma_start3A_71 = arith.constant 0 : i32
    %dma_start3A_72 = arith.constant 0 : i32
    %dma_start3A_73 = tpu.memref_slice %arg3[%dma_start3A_71, %dma_start3A_72] : memref<1000000x32xf32, #tpu.memory_space<hbm>> -> memref<1000000x32xf32, #tpu.memory_space<hbm>>
    tpu.enqueue_indirect_dma source(%dma_start3A_73 : memref<1000000x32xf32, #tpu.memory_space<hbm>>) target(%dma_start3A_68 : memref<128x32xf32, #tpu.memory_space<vmem>>) offsets(%dma_start3A_70 : memref<128xi32, #tpu.memory_space<vmem>>) semaphore(%arg19 : memref<!tpu.dma_semaphore, #tpu.memory_space<semaphore_mem>>)
    %dma_start3A_74 = arith.constant 128 : i32
    %dma_start3A_75 = arith.constant 0 : i32
    %dma_start3A_76 = tpu.memref_slice %arg12[%dma_start3A_74, %dma_start3A_75] : memref<800x32xf32, #tpu.memory_space<vmem>> -> memref<128x32xf32, #tpu.memory_space<vmem>>
    %dma_start3A_77 = arith.constant 128 : i32
    %dma_start3A_78 = tpu.memref_slice %arg10[%dma_start3A_77] : memref<800xi32, #tpu.memory_space<vmem>> -> memref<128xi32, #tpu.memory_space<vmem>>
    %dma_start3A_79 = arith.constant 0 : i32
    %dma_start3A_80 = arith.constant 0 : i32
    %dma_start3A_81 = tpu.memref_slice %arg3[%dma_start3A_79, %dma_start3A_80] : memref<1000000x32xf32, #tpu.memory_space<hbm>> -> memref<1000000x32xf32, #tpu.memory_space<hbm>>
    tpu.enqueue_indirect_dma source(%dma_start3A_81 : memref<1000000x32xf32, #tpu.memory_space<hbm>>) target(%dma_start3A_76 : memref<128x32xf32, #tpu.memory_space<vmem>>) offsets(%dma_start3A_78 : memref<128xi32, #tpu.memory_space<vmem>>) semaphore(%arg19 : memref<!tpu.dma_semaphore, #tpu.memory_space<semaphore_mem>>)
    %dma_start3A_82 = arith.constant 256 : i32
    %dma_start3A_83 = arith.constant 0 : i32
    %dma_start3A_84 = tpu.memref_slice %arg12[%dma_start3A_82, %dma_start3A_83] : memref<800x32xf32, #tpu.memory_space<vmem>> -> memref<128x32xf32, #tpu.memory_space<vmem>>
    %dma_start3A_85 = arith.constant 256 : i32
    %dma_start3A_86 = tpu.memref_slice %arg10[%dma_start3A_85] : memref<800xi32, #tpu.memory_space<vmem>> -> memref<128xi32, #tpu.memory_space<vmem>>
    %dma_start3A_87 = arith.constant 0 : i32
    %dma_start3A_88 = arith.constant 0 : i32
    %dma_start3A_89 = tpu.memref_slice %arg3[%dma_start3A_87, %dma_start3A_88] : memref<1000000x32xf32, #tpu.memory_space<hbm>> -> memref<1000000x32xf32, #tpu.memory_space<hbm>>
    tpu.enqueue_indirect_dma source(%dma_start3A_89 : memref<1000000x32xf32, #tpu.memory_space<hbm>>) target(%dma_start3A_84 : memref<128x32xf32, #tpu.memory_space<vmem>>) offsets(%dma_start3A_86 : memref<128xi32, #tpu.memory_space<vmem>>) semaphore(%arg19 : memref<!tpu.dma_semaphore, #tpu.memory_space<semaphore_mem>>)
    %dma_start3A_90 = arith.constant 384 : i32
    %dma_start3A_91 = arith.constant 0 : i32
    %dma_start3A_92 = tpu.memref_slice %arg12[%dma_start3A_90, %dma_start3A_91] : memref<800x32xf32, #tpu.memory_space<vmem>> -> memref<128x32xf32, #tpu.memory_space<vmem>>
    %dma_start3A_93 = arith.constant 384 : i32
    %dma_start3A_94 = tpu.memref_slice %arg10[%dma_start3A_93] : memref<800xi32, #tpu.memory_space<vmem>> -> memref<128xi32, #tpu.memory_space<vmem>>
    %dma_start3A_95 = arith.constant 0 : i32
    %dma_start3A_96 = arith.constant 0 : i32
    %dma_start3A_97 = tpu.memref_slice %arg3[%dma_start3A_95, %dma_start3A_96] : memref<1000000x32xf32, #tpu.memory_space<hbm>> -> memref<1000000x32xf32, #tpu.memory_space<hbm>>
    tpu.enqueue_indirect_dma source(%dma_start3A_97 : memref<1000000x32xf32, #tpu.memory_space<hbm>>) target(%dma_start3A_92 : memref<128x32xf32, #tpu.memory_space<vmem>>) offsets(%dma_start3A_94 : memref<128xi32, #tpu.memory_space<vmem>>) semaphore(%arg19 : memref<!tpu.dma_semaphore, #tpu.memory_space<semaphore_mem>>)
    %dma_start3A_98 = arith.constant 512 : i32
    %dma_start3A_99 = arith.constant 0 : i32
    %dma_start3A_100 = tpu.memref_slice %arg12[%dma_start3A_98, %dma_start3A_99] : memref<800x32xf32, #tpu.memory_space<vmem>> -> memref<128x32xf32, #tpu.memory_space<vmem>>
    %dma_start3A_101 = arith.constant 512 : i32
    %dma_start3A_102 = tpu.memref_slice %arg10[%dma_start3A_101] : memref<800xi32, #tpu.memory_space<vmem>> -> memref<128xi32, #tpu.memory_space<vmem>>
    %dma_start3A_103 = arith.constant 0 : i32
    %dma_start3A_104 = arith.constant 0 : i32
    %dma_start3A_105 = tpu.memref_slice %arg3[%dma_start3A_103, %dma_start3A_104] : memref<1000000x32xf32, #tpu.memory_space<hbm>> -> memref<1000000x32xf32, #tpu.memory_space<hbm>>
    tpu.enqueue_indirect_dma source(%dma_start3A_105 : memref<1000000x32xf32, #tpu.memory_space<hbm>>) target(%dma_start3A_100 : memref<128x32xf32, #tpu.memory_space<vmem>>) offsets(%dma_start3A_102 : memref<128xi32, #tpu.memory_space<vmem>>) semaphore(%arg19 : memref<!tpu.dma_semaphore, #tpu.memory_space<semaphore_mem>>)
    %dma_start3A_106 = arith.constant 640 : i32
    %dma_start3A_107 = arith.constant 0 : i32
    %dma_start3A_108 = tpu.memref_slice %arg12[%dma_start3A_106, %dma_start3A_107] : memref<800x32xf32, #tpu.memory_space<vmem>> -> memref<128x32xf32, #tpu.memory_space<vmem>>
    %dma_start3A_109 = arith.constant 640 : i32
    %dma_start3A_110 = tpu.memref_slice %arg10[%dma_start3A_109] : memref<800xi32, #tpu.memory_space<vmem>> -> memref<128xi32, #tpu.memory_space<vmem>>
    %dma_start3A_111 = arith.constant 0 : i32
    %dma_start3A_112 = arith.constant 0 : i32
    %dma_start3A_113 = tpu.memref_slice %arg3[%dma_start3A_111, %dma_start3A_112] : memref<1000000x32xf32, #tpu.memory_space<hbm>> -> memref<1000000x32xf32, #tpu.memory_space<hbm>>
    tpu.enqueue_indirect_dma source(%dma_start3A_113 : memref<1000000x32xf32, #tpu.memory_space<hbm>>) target(%dma_start3A_108 : memref<128x32xf32, #tpu.memory_space<vmem>>) offsets(%dma_start3A_110 : memref<128xi32, #tpu.memory_space<vmem>>) semaphore(%arg19 : memref<!tpu.dma_semaphore, #tpu.memory_space<semaphore_mem>>)
    %dma_start3A_114 = arith.constant 768 : i32
    %dma_start3A_115 = arith.constant 0 : i32
    %dma_start3A_116 = tpu.memref_slice %arg12[%dma_start3A_114, %dma_start3A_115] : memref<800x32xf32, #tpu.memory_space<vmem>> -> memref<32x32xf32, #tpu.memory_space<vmem>>
    %dma_start3A_117 = arith.constant 768 : i32
    %dma_start3A_118 = tpu.memref_slice %arg10[%dma_start3A_117] : memref<800xi32, #tpu.memory_space<vmem>> -> memref<32xi32, #tpu.memory_space<vmem>>
    %dma_start3A_119 = arith.constant 0 : i32
    %dma_start3A_120 = arith.constant 0 : i32
    %dma_start3A_121 = tpu.memref_slice %arg3[%dma_start3A_119, %dma_start3A_120] : memref<1000000x32xf32, #tpu.memory_space<hbm>> -> memref<1000000x32xf32, #tpu.memory_space<hbm>>
    tpu.enqueue_indirect_dma source(%dma_start3A_121 : memref<1000000x32xf32, #tpu.memory_space<hbm>>) target(%dma_start3A_116 : memref<32x32xf32, #tpu.memory_space<vmem>>) offsets(%dma_start3A_118 : memref<32xi32, #tpu.memory_space<vmem>>) semaphore(%arg19 : memref<!tpu.dma_semaphore, #tpu.memory_space<semaphore_mem>>)
    %scan3A = arith.constant 0 : i32
    %scan3A_122 = arith.constant 0 : i32
    %scan3A_123 = arith.constant 16 : i32
    %scan3A_124 = arith.addi %scan3A_122, %scan3A_123 : i32
    %scan3A_125 = arith.constant 1 : i32
    scf.for %scan3A_127 = %scan3A_122 to %scan3A_124 step %scan3A_125  : i32 {
      %mul3A_128 = arith.constant 2 : i32
      %mul3A_129 = arith.muli %scan3A_127, %mul3A_128 : i32
      %add3A_130 = arith.constant 0 : i32
      %add3A_131 = arith.addi %mul3A_129, %add3A_130 : i32
      %dma_wait3A = arith.constant 0 : i32
      %dma_wait3A_132 = arith.constant 0 : i32
      %dma_wait3A_133 = tpu.memref_slice %arg11[%dma_wait3A, %dma_wait3A_132] : memref<800x32xf32, #tpu.memory_space<vmem>> -> memref<128x32xf32, #tpu.memory_space<vmem>>
      %dma_wait3A_134 = arith.constant 0 : i32
      %dma_wait3A_135 = tpu.memref_slice %arg9[%dma_wait3A_134] : memref<800xi32, #tpu.memory_space<vmem>> -> memref<128xi32, #tpu.memory_space<vmem>>
      %dma_wait3A_136 = arith.constant 0 : i32
      %dma_wait3A_137 = arith.constant 0 : i32
      %dma_wait3A_138 = tpu.memref_slice %arg3[%dma_wait3A_136, %dma_wait3A_137] : memref<1000000x32xf32, #tpu.memory_space<hbm>> -> memref<1000000x32xf32, #tpu.memory_space<hbm>>
      tpu.wait_indirect_dma semaphore(%arg18 : memref<!tpu.dma_semaphore, #tpu.memory_space<semaphore_mem>>) src(%dma_wait3A_138 : memref<1000000x32xf32, #tpu.memory_space<hbm>>) dst(%dma_wait3A_133 : memref<128x32xf32, #tpu.memory_space<vmem>>)
      %dma_wait3A_139 = arith.constant 128 : i32
      %dma_wait3A_140 = arith.constant 0 : i32
      %dma_wait3A_141 = tpu.memref_slice %arg11[%dma_wait3A_139, %dma_wait3A_140] : memref<800x32xf32, #tpu.memory_space<vmem>> -> memref<128x32xf32, #tpu.memory_space<vmem>>
      %dma_wait3A_142 = arith.constant 128 : i32
      %dma_wait3A_143 = tpu.memref_slice %arg9[%dma_wait3A_142] : memref<800xi32, #tpu.memory_space<vmem>> -> memref<128xi32, #tpu.memory_space<vmem>>
      %dma_wait3A_144 = arith.constant 0 : i32
      %dma_wait3A_145 = arith.constant 0 : i32
      %dma_wait3A_146 = tpu.memref_slice %arg3[%dma_wait3A_144, %dma_wait3A_145] : memref<1000000x32xf32, #tpu.memory_space<hbm>> -> memref<1000000x32xf32, #tpu.memory_space<hbm>>
      tpu.wait_indirect_dma semaphore(%arg18 : memref<!tpu.dma_semaphore, #tpu.memory_space<semaphore_mem>>) src(%dma_wait3A_146 : memref<1000000x32xf32, #tpu.memory_space<hbm>>) dst(%dma_wait3A_141 : memref<128x32xf32, #tpu.memory_space<vmem>>)
      %dma_wait3A_147 = arith.constant 256 : i32
      %dma_wait3A_148 = arith.constant 0 : i32
      %dma_wait3A_149 = tpu.memref_slice %arg11[%dma_wait3A_147, %dma_wait3A_148] : memref<800x32xf32, #tpu.memory_space<vmem>> -> memref<128x32xf32, #tpu.memory_space<vmem>>
      %dma_wait3A_150 = arith.constant 256 : i32
      %dma_wait3A_151 = tpu.memref_slice %arg9[%dma_wait3A_150] : memref<800xi32, #tpu.memory_space<vmem>> -> memref<128xi32, #tpu.memory_space<vmem>>
      %dma_wait3A_152 = arith.constant 0 : i32
      %dma_wait3A_153 = arith.constant 0 : i32
      %dma_wait3A_154 = tpu.memref_slice %arg3[%dma_wait3A_152, %dma_wait3A_153] : memref<1000000x32xf32, #tpu.memory_space<hbm>> -> memref<1000000x32xf32, #tpu.memory_space<hbm>>
      tpu.wait_indirect_dma semaphore(%arg18 : memref<!tpu.dma_semaphore, #tpu.memory_space<semaphore_mem>>) src(%dma_wait3A_154 : memref<1000000x32xf32, #tpu.memory_space<hbm>>) dst(%dma_wait3A_149 : memref<128x32xf32, #tpu.memory_space<vmem>>)
      %dma_wait3A_155 = arith.constant 384 : i32
      %dma_wait3A_156 = arith.constant 0 : i32
      %dma_wait3A_157 = tpu.memref_slice %arg11[%dma_wait3A_155, %dma_wait3A_156] : memref<800x32xf32, #tpu.memory_space<vmem>> -> memref<128x32xf32, #tpu.memory_space<vmem>>
      %dma_wait3A_158 = arith.constant 384 : i32
      %dma_wait3A_159 = tpu.memref_slice %arg9[%dma_wait3A_158] : memref<800xi32, #tpu.memory_space<vmem>> -> memref<128xi32, #tpu.memory_space<vmem>>
      %dma_wait3A_160 = arith.constant 0 : i32
      %dma_wait3A_161 = arith.constant 0 : i32
      %dma_wait3A_162 = tpu.memref_slice %arg3[%dma_wait3A_160, %dma_wait3A_161] : memref<1000000x32xf32, #tpu.memory_space<hbm>> -> memref<1000000x32xf32, #tpu.memory_space<hbm>>
      tpu.wait_indirect_dma semaphore(%arg18 : memref<!tpu.dma_semaphore, #tpu.memory_space<semaphore_mem>>) src(%dma_wait3A_162 : memref<1000000x32xf32, #tpu.memory_space<hbm>>) dst(%dma_wait3A_157 : memref<128x32xf32, #tpu.memory_space<vmem>>)
      %dma_wait3A_163 = arith.constant 512 : i32
      %dma_wait3A_164 = arith.constant 0 : i32
      %dma_wait3A_165 = tpu.memref_slice %arg11[%dma_wait3A_163, %dma_wait3A_164] : memref<800x32xf32, #tpu.memory_space<vmem>> -> memref<128x32xf32, #tpu.memory_space<vmem>>
      %dma_wait3A_166 = arith.constant 512 : i32
      %dma_wait3A_167 = tpu.memref_slice %arg9[%dma_wait3A_166] : memref<800xi32, #tpu.memory_space<vmem>> -> memref<128xi32, #tpu.memory_space<vmem>>
      %dma_wait3A_168 = arith.constant 0 : i32
      %dma_wait3A_169 = arith.constant 0 : i32
      %dma_wait3A_170 = tpu.memref_slice %arg3[%dma_wait3A_168, %dma_wait3A_169] : memref<1000000x32xf32, #tpu.memory_space<hbm>> -> memref<1000000x32xf32, #tpu.memory_space<hbm>>
      tpu.wait_indirect_dma semaphore(%arg18 : memref<!tpu.dma_semaphore, #tpu.memory_space<semaphore_mem>>) src(%dma_wait3A_170 : memref<1000000x32xf32, #tpu.memory_space<hbm>>) dst(%dma_wait3A_165 : memref<128x32xf32, #tpu.memory_space<vmem>>)
      %dma_wait3A_171 = arith.constant 640 : i32
      %dma_wait3A_172 = arith.constant 0 : i32
      %dma_wait3A_173 = tpu.memref_slice %arg11[%dma_wait3A_171, %dma_wait3A_172] : memref<800x32xf32, #tpu.memory_space<vmem>> -> memref<128x32xf32, #tpu.memory_space<vmem>>
      %dma_wait3A_174 = arith.constant 640 : i32
      %dma_wait3A_175 = tpu.memref_slice %arg9[%dma_wait3A_174] : memref<800xi32, #tpu.memory_space<vmem>> -> memref<128xi32, #tpu.memory_space<vmem>>
      %dma_wait3A_176 = arith.constant 0 : i32
      %dma_wait3A_177 = arith.constant 0 : i32
      %dma_wait3A_178 = tpu.memref_slice %arg3[%dma_wait3A_176, %dma_wait3A_177] : memref<1000000x32xf32, #tpu.memory_space<hbm>> -> memref<1000000x32xf32, #tpu.memory_space<hbm>>
      tpu.wait_indirect_dma semaphore(%arg18 : memref<!tpu.dma_semaphore, #tpu.memory_space<semaphore_mem>>) src(%dma_wait3A_178 : memref<1000000x32xf32, #tpu.memory_space<hbm>>) dst(%dma_wait3A_173 : memref<128x32xf32, #tpu.memory_space<vmem>>)
      %dma_wait3A_179 = arith.constant 768 : i32
      %dma_wait3A_180 = arith.constant 0 : i32
      %dma_wait3A_181 = tpu.memref_slice %arg11[%dma_wait3A_179, %dma_wait3A_180] : memref<800x32xf32, #tpu.memory_space<vmem>> -> memref<32x32xf32, #tpu.memory_space<vmem>>
      %dma_wait3A_182 = arith.constant 768 : i32
      %dma_wait3A_183 = tpu.memref_slice %arg9[%dma_wait3A_182] : memref<800xi32, #tpu.memory_space<vmem>> -> memref<32xi32, #tpu.memory_space<vmem>>
      %dma_wait3A_184 = arith.constant 0 : i32
      %dma_wait3A_185 = arith.constant 0 : i32
      %dma_wait3A_186 = tpu.memref_slice %arg3[%dma_wait3A_184, %dma_wait3A_185] : memref<1000000x32xf32, #tpu.memory_space<hbm>> -> memref<1000000x32xf32, #tpu.memory_space<hbm>>
      tpu.wait_indirect_dma semaphore(%arg18 : memref<!tpu.dma_semaphore, #tpu.memory_space<semaphore_mem>>) src(%dma_wait3A_186 : memref<1000000x32xf32, #tpu.memory_space<hbm>>) dst(%dma_wait3A_181 : memref<32x32xf32, #tpu.memory_space<vmem>>)
      %mul3A_187 = arith.constant 16 : i32
      %mul3A_188 = arith.muli %add3A_131, %mul3A_187 : i32
      %add3A_189 = arith.addi %mul3A_2, %mul3A_188 : i32
      "tpu.region"() ({
        %run_scoped3A = tpu.sem_alloc : memref<!tpu.dma_semaphore, #tpu.memory_space<semaphore_mem>>
        %dma_start3A_1050 = arith.constant 0 : i32
        %dma_start3A_1051 = tpu.memref_slice %arg4[%add3A_189, %dma_start3A_1050] : memref<16384x32xf32, #tpu.memory_space<hbm>> -> memref<16x32xf32, #tpu.memory_space<hbm>>
        %dma_start3A_1052 = arith.constant 0 : i32
        %dma_start3A_1053 = tpu.memref_slice %arg4[%add3A_189, %dma_start3A_1052] : memref<16384x32xf32, #tpu.memory_space<hbm>> -> memref<16x32xf32, #tpu.memory_space<hbm>>
        tpu.enqueue_dma source(%dma_start3A_1053 : memref<16x32xf32, #tpu.memory_space<hbm>>) target(%arg13 : memref<16x32xf32, #tpu.memory_space<vmem>>) target_semaphore(%run_scoped3A : memref<!tpu.dma_semaphore, #tpu.memory_space<semaphore_mem>>)
        %dma_wait3A_1054 = arith.constant 0 : i32
        %dma_wait3A_1055 = tpu.memref_slice %arg4[%add3A_189, %dma_wait3A_1054] : memref<16384x32xf32, #tpu.memory_space<hbm>> -> memref<16x32xf32, #tpu.memory_space<hbm>>
        %dma_wait3A_1056 = arith.constant 0 : i32
        %dma_wait3A_1057 = tpu.memref_slice %arg4[%add3A_189, %dma_wait3A_1056] : memref<16384x32xf32, #tpu.memory_space<hbm>> -> memref<16x32xf32, #tpu.memory_space<hbm>>
        tpu.wait_dma2 semaphore(%run_scoped3A : memref<!tpu.dma_semaphore, #tpu.memory_space<semaphore_mem>>) src(%dma_wait3A_1057 : memref<16x32xf32, #tpu.memory_space<hbm>>) dst(%arg13 : memref<16x32xf32, #tpu.memory_space<vmem>>)
        tpu.yield
      }) : () -> ()
      "tpu.region"() ({
        %run_scoped3A = tpu.sem_alloc : memref<!tpu.dma_semaphore, #tpu.memory_space<semaphore_mem>>
        %dma_start3A_1050 = arith.constant 0 : i32
        %dma_start3A_1051 = tpu.memref_slice %arg5[%add3A_189, %dma_start3A_1050] : memref<16384x32xf32, #tpu.memory_space<hbm>> -> memref<16x32xf32, #tpu.memory_space<hbm>>
        %dma_start3A_1052 = arith.constant 0 : i32
        %dma_start3A_1053 = tpu.memref_slice %arg5[%add3A_189, %dma_start3A_1052] : memref<16384x32xf32, #tpu.memory_space<hbm>> -> memref<16x32xf32, #tpu.memory_space<hbm>>
        tpu.enqueue_dma source(%dma_start3A_1053 : memref<16x32xf32, #tpu.memory_space<hbm>>) target(%arg14 : memref<16x32xf32, #tpu.memory_space<vmem>>) target_semaphore(%run_scoped3A : memref<!tpu.dma_semaphore, #tpu.memory_space<semaphore_mem>>)
        %dma_wait3A_1054 = arith.constant 0 : i32
        %dma_wait3A_1055 = tpu.memref_slice %arg5[%add3A_189, %dma_wait3A_1054] : memref<16384x32xf32, #tpu.memory_space<hbm>> -> memref<16x32xf32, #tpu.memory_space<hbm>>
        %dma_wait3A_1056 = arith.constant 0 : i32
        %dma_wait3A_1057 = tpu.memref_slice %arg5[%add3A_189, %dma_wait3A_1056] : memref<16384x32xf32, #tpu.memory_space<hbm>> -> memref<16x32xf32, #tpu.memory_space<hbm>>
        tpu.wait_dma2 semaphore(%run_scoped3A : memref<!tpu.dma_semaphore, #tpu.memory_space<semaphore_mem>>) src(%dma_wait3A_1057 : memref<16x32xf32, #tpu.memory_space<hbm>>) dst(%arg14 : memref<16x32xf32, #tpu.memory_space<vmem>>)
        tpu.yield
      }) : () -> ()
      "tpu.region"() ({
        %run_scoped3A = tpu.sem_alloc : memref<!tpu.dma_semaphore, #tpu.memory_space<semaphore_mem>>
        %dma_start3A_1050 = arith.constant 0 : i32
        %dma_start3A_1051 = tpu.memref_slice %arg6[%add3A_189, %dma_start3A_1050] : memref<16384x32xf32, #tpu.memory_space<hbm>> -> memref<16x32xf32, #tpu.memory_space<hbm>>
        %dma_start3A_1052 = arith.constant 0 : i32
        %dma_start3A_1053 = tpu.memref_slice %arg6[%add3A_189, %dma_start3A_1052] : memref<16384x32xf32, #tpu.memory_space<hbm>> -> memref<16x32xf32, #tpu.memory_space<hbm>>
        tpu.enqueue_dma source(%dma_start3A_1053 : memref<16x32xf32, #tpu.memory_space<hbm>>) target(%arg15 : memref<16x32xf32, #tpu.memory_space<vmem>>) target_semaphore(%run_scoped3A : memref<!tpu.dma_semaphore, #tpu.memory_space<semaphore_mem>>)
        %dma_wait3A_1054 = arith.constant 0 : i32
        %dma_wait3A_1055 = tpu.memref_slice %arg6[%add3A_189, %dma_wait3A_1054] : memref<16384x32xf32, #tpu.memory_space<hbm>> -> memref<16x32xf32, #tpu.memory_space<hbm>>
        %dma_wait3A_1056 = arith.constant 0 : i32
        %dma_wait3A_1057 = tpu.memref_slice %arg6[%add3A_189, %dma_wait3A_1056] : memref<16384x32xf32, #tpu.memory_space<hbm>> -> memref<16x32xf32, #tpu.memory_space<hbm>>
        tpu.wait_dma2 semaphore(%run_scoped3A : memref<!tpu.dma_semaphore, #tpu.memory_space<semaphore_mem>>) src(%dma_wait3A_1057 : memref<16x32xf32, #tpu.memory_space<hbm>>) dst(%arg15 : memref<16x32xf32, #tpu.memory_space<vmem>>)
        tpu.yield
      }) : () -> ()
      %broadcast_in_dim3A = arith.constant 0.000000e+00 : f32
      %broadcast_in_dim3A_190 = vector.broadcast %broadcast_in_dim3A : f32 to vector<16xf32>
      %add3A_191 = arith.constant 0 : i32
      %add3A_192 = vector.broadcast %add3A_191 : i32 to vector<16xi32>
      %add3A_193 = arith.addi %iota3A, %add3A_192 : vector<16xi32>
      %and3A = arith.constant 31 : i32
      %and3A_194 = vector.broadcast %and3A : i32 to vector<16xi32>
      %and3A_195 = arith.andi %add3A_193, %and3A_194 : vector<16xi32>
      %gather3A = tpu.vector_load_idx %arg13[%iota3A, %and3A_195] : memref<16x32xf32, #tpu.memory_space<vmem>>[vector<16xi32>, vector<16xi32>], vector<16xf32>,
      %gather3A_196 = tpu.vector_load_idx %arg14[%iota3A, %and3A_195] : memref<16x32xf32, #tpu.memory_space<vmem>>[vector<16xi32>, vector<16xi32>], vector<16xf32>,
      %gather3A_197 = tpu.vector_load_idx %arg15[%iota3A, %and3A_195] : memref<16x32xf32, #tpu.memory_space<vmem>>[vector<16xi32>, vector<16xi32>], vector<16xf32>,
      %add3A_198 = arith.addf %gather3A_196, %gather3A_197 : vector<16xf32>
      %mul3A_199 = arith.mulf %gather3A, %add3A_198 : vector<16xf32>
      %add3A_200 = arith.addf %broadcast_in_dim3A_190, %mul3A_199 : vector<16xf32>
      %add3A_201 = arith.constant 1 : i32
      %add3A_202 = vector.broadcast %add3A_201 : i32 to vector<16xi32>
      %add3A_203 = arith.addi %iota3A, %add3A_202 : vector<16xi32>
      %and3A_204 = arith.constant 31 : i32
      %and3A_205 = vector.broadcast %and3A_204 : i32 to vector<16xi32>
      %and3A_206 = arith.andi %add3A_203, %and3A_205 : vector<16xi32>
      %gather3A_207 = tpu.vector_load_idx %arg13[%iota3A, %and3A_206] : memref<16x32xf32, #tpu.memory_space<vmem>>[vector<16xi32>, vector<16xi32>], vector<16xf32>,
      %gather3A_208 = tpu.vector_load_idx %arg14[%iota3A, %and3A_206] : memref<16x32xf32, #tpu.memory_space<vmem>>[vector<16xi32>, vector<16xi32>], vector<16xf32>,
      %gather3A_209 = tpu.vector_load_idx %arg15[%iota3A, %and3A_206] : memref<16x32xf32, #tpu.memory_space<vmem>>[vector<16xi32>, vector<16xi32>], vector<16xf32>,
      %add3A_210 = arith.addf %gather3A_208, %gather3A_209 : vector<16xf32>
      %mul3A_211 = arith.mulf %gather3A_207, %add3A_210 : vector<16xf32>
      %add3A_212 = arith.addf %add3A_200, %mul3A_211 : vector<16xf32>
      %add3A_213 = arith.constant 2 : i32
      %add3A_214 = vector.broadcast %add3A_213 : i32 to vector<16xi32>
      %add3A_215 = arith.addi %iota3A, %add3A_214 : vector<16xi32>
      %and3A_216 = arith.constant 31 : i32
      %and3A_217 = vector.broadcast %and3A_216 : i32 to vector<16xi32>
      %and3A_218 = arith.andi %add3A_215, %and3A_217 : vector<16xi32>
      %gather3A_219 = tpu.vector_load_idx %arg13[%iota3A, %and3A_218] : memref<16x32xf32, #tpu.memory_space<vmem>>[vector<16xi32>, vector<16xi32>], vector<16xf32>,
      %gather3A_220 = tpu.vector_load_idx %arg14[%iota3A, %and3A_218] : memref<16x32xf32, #tpu.memory_space<vmem>>[vector<16xi32>, vector<16xi32>], vector<16xf32>,
      %gather3A_221 = tpu.vector_load_idx %arg15[%iota3A, %and3A_218] : memref<16x32xf32, #tpu.memory_space<vmem>>[vector<16xi32>, vector<16xi32>], vector<16xf32>,
      %add3A_222 = arith.addf %gather3A_220, %gather3A_221 : vector<16xf32>
      %mul3A_223 = arith.mulf %gather3A_219, %add3A_222 : vector<16xf32>
      %add3A_224 = arith.addf %add3A_212, %mul3A_223 : vector<16xf32>
      %add3A_225 = arith.constant 3 : i32
      %add3A_226 = vector.broadcast %add3A_225 : i32 to vector<16xi32>
      %add3A_227 = arith.addi %iota3A, %add3A_226 : vector<16xi32>
      %and3A_228 = arith.constant 31 : i32
      %and3A_229 = vector.broadcast %and3A_228 : i32 to vector<16xi32>
      %and3A_230 = arith.andi %add3A_227, %and3A_229 : vector<16xi32>
      %gather3A_231 = tpu.vector_load_idx %arg13[%iota3A, %and3A_230] : memref<16x32xf32, #tpu.memory_space<vmem>>[vector<16xi32>, vector<16xi32>], vector<16xf32>,
      %gather3A_232 = tpu.vector_load_idx %arg14[%iota3A, %and3A_230] : memref<16x32xf32, #tpu.memory_space<vmem>>[vector<16xi32>, vector<16xi32>], vector<16xf32>,
      %gather3A_233 = tpu.vector_load_idx %arg15[%iota3A, %and3A_230] : memref<16x32xf32, #tpu.memory_space<vmem>>[vector<16xi32>, vector<16xi32>], vector<16xf32>,
      %add3A_234 = arith.addf %gather3A_232, %gather3A_233 : vector<16xf32>
      %mul3A_235 = arith.mulf %gather3A_231, %add3A_234 : vector<16xf32>
      %add3A_236 = arith.addf %add3A_224, %mul3A_235 : vector<16xf32>
      %add3A_237 = arith.constant 4 : i32
      %add3A_238 = vector.broadcast %add3A_237 : i32 to vector<16xi32>
      %add3A_239 = arith.addi %iota3A, %add3A_238 : vector<16xi32>
      %and3A_240 = arith.constant 31 : i32
      %and3A_241 = vector.broadcast %and3A_240 : i32 to vector<16xi32>
      %and3A_242 = arith.andi %add3A_239, %and3A_241 : vector<16xi32>
      %gather3A_243 = tpu.vector_load_idx %arg13[%iota3A, %and3A_242] : memref<16x32xf32, #tpu.memory_space<vmem>>[vector<16xi32>, vector<16xi32>], vector<16xf32>,
      %gather3A_244 = tpu.vector_load_idx %arg14[%iota3A, %and3A_242] : memref<16x32xf32, #tpu.memory_space<vmem>>[vector<16xi32>, vector<16xi32>], vector<16xf32>,
      %gather3A_245 = tpu.vector_load_idx %arg15[%iota3A, %and3A_242] : memref<16x32xf32, #tpu.memory_space<vmem>>[vector<16xi32>, vector<16xi32>], vector<16xf32>,
      %add3A_246 = arith.addf %gather3A_244, %gather3A_245 : vector<16xf32>
      %mul3A_247 = arith.mulf %gather3A_243, %add3A_246 : vector<16xf32>
      %add3A_248 = arith.addf %add3A_236, %mul3A_247 : vector<16xf32>
      %add3A_249 = arith.constant 5 : i32
      %add3A_250 = vector.broadcast %add3A_249 : i32 to vector<16xi32>
      %add3A_251 = arith.addi %iota3A, %add3A_250 : vector<16xi32>
      %and3A_252 = arith.constant 31 : i32
      %and3A_253 = vector.broadcast %and3A_252 : i32 to vector<16xi32>
      %and3A_254 = arith.andi %add3A_251, %and3A_253 : vector<16xi32>
      %gather3A_255 = tpu.vector_load_idx %arg13[%iota3A, %and3A_254] : memref<16x32xf32, #tpu.memory_space<vmem>>[vector<16xi32>, vector<16xi32>], vector<16xf32>,
      %gather3A_256 = tpu.vector_load_idx %arg14[%iota3A, %and3A_254] : memref<16x32xf32, #tpu.memory_space<vmem>>[vector<16xi32>, vector<16xi32>], vector<16xf32>,
      %gather3A_257 = tpu.vector_load_idx %arg15[%iota3A, %and3A_254] : memref<16x32xf32, #tpu.memory_space<vmem>>[vector<16xi32>, vector<16xi32>], vector<16xf32>,
      %add3A_258 = arith.addf %gather3A_256, %gather3A_257 : vector<16xf32>
      %mul3A_259 = arith.mulf %gather3A_255, %add3A_258 : vector<16xf32>
      %add3A_260 = arith.addf %add3A_248, %mul3A_259 : vector<16xf32>
      %add3A_261 = arith.constant 6 : i32
      %add3A_262 = vector.broadcast %add3A_261 : i32 to vector<16xi32>
      %add3A_263 = arith.addi %iota3A, %add3A_262 : vector<16xi32>
      %and3A_264 = arith.constant 31 : i32
      %and3A_265 = vector.broadcast %and3A_264 : i32 to vector<16xi32>
      %and3A_266 = arith.andi %add3A_263, %and3A_265 : vector<16xi32>
      %gather3A_267 = tpu.vector_load_idx %arg13[%iota3A, %and3A_266] : memref<16x32xf32, #tpu.memory_space<vmem>>[vector<16xi32>, vector<16xi32>], vector<16xf32>,
      %gather3A_268 = tpu.vector_load_idx %arg14[%iota3A, %and3A_266] : memref<16x32xf32, #tpu.memory_space<vmem>>[vector<16xi32>, vector<16xi32>], vector<16xf32>,
      %gather3A_269 = tpu.vector_load_idx %arg15[%iota3A, %and3A_266] : memref<16x32xf32, #tpu.memory_space<vmem>>[vector<16xi32>, vector<16xi32>], vector<16xf32>,
      %add3A_270 = arith.addf %gather3A_268, %gather3A_269 : vector<16xf32>
      %mul3A_271 = arith.mulf %gather3A_267, %add3A_270 : vector<16xf32>
      %add3A_272 = arith.addf %add3A_260, %mul3A_271 : vector<16xf32>
      %add3A_273 = arith.constant 7 : i32
      %add3A_274 = vector.broadcast %add3A_273 : i32 to vector<16xi32>
      %add3A_275 = arith.addi %iota3A, %add3A_274 : vector<16xi32>
      %and3A_276 = arith.constant 31 : i32
      %and3A_277 = vector.broadcast %and3A_276 : i32 to vector<16xi32>
      %and3A_278 = arith.andi %add3A_275, %and3A_277 : vector<16xi32>
      %gather3A_279 = tpu.vector_load_idx %arg13[%iota3A, %and3A_278] : memref<16x32xf32, #tpu.memory_space<vmem>>[vector<16xi32>, vector<16xi32>], vector<16xf32>,
      %gather3A_280 = tpu.vector_load_idx %arg14[%iota3A, %and3A_278] : memref<16x32xf32, #tpu.memory_space<vmem>>[vector<16xi32>, vector<16xi32>], vector<16xf32>,
      %gather3A_281 = tpu.vector_load_idx %arg15[%iota3A, %and3A_278] : memref<16x32xf32, #tpu.memory_space<vmem>>[vector<16xi32>, vector<16xi32>], vector<16xf32>,
      %add3A_282 = arith.addf %gather3A_280, %gather3A_281 : vector<16xf32>
      %mul3A_283 = arith.mulf %gather3A_279, %add3A_282 : vector<16xf32>
      %add3A_284 = arith.addf %add3A_272, %mul3A_283 : vector<16xf32>
      %add3A_285 = arith.constant 8 : i32
      %add3A_286 = vector.broadcast %add3A_285 : i32 to vector<16xi32>
      %add3A_287 = arith.addi %iota3A, %add3A_286 : vector<16xi32>
      %and3A_288 = arith.constant 31 : i32
      %and3A_289 = vector.broadcast %and3A_288 : i32 to vector<16xi32>
      %and3A_290 = arith.andi %add3A_287, %and3A_289 : vector<16xi32>
      %gather3A_291 = tpu.vector_load_idx %arg13[%iota3A, %and3A_290] : memref<16x32xf32, #tpu.memory_space<vmem>>[vector<16xi32>, vector<16xi32>], vector<16xf32>,
      %gather3A_292 = tpu.vector_load_idx %arg14[%iota3A, %and3A_290] : memref<16x32xf32, #tpu.memory_space<vmem>>[vector<16xi32>, vector<16xi32>], vector<16xf32>,
      %gather3A_293 = tpu.vector_load_idx %arg15[%iota3A, %and3A_290] : memref<16x32xf32, #tpu.memory_space<vmem>>[vector<16xi32>, vector<16xi32>], vector<16xf32>,
      %add3A_294 = arith.addf %gather3A_292, %gather3A_293 : vector<16xf32>
      %mul3A_295 = arith.mulf %gather3A_291, %add3A_294 : vector<16xf32>
      %add3A_296 = arith.addf %add3A_284, %mul3A_295 : vector<16xf32>
      %add3A_297 = arith.constant 9 : i32
      %add3A_298 = vector.broadcast %add3A_297 : i32 to vector<16xi32>
      %add3A_299 = arith.addi %iota3A, %add3A_298 : vector<16xi32>
      %and3A_300 = arith.constant 31 : i32
      %and3A_301 = vector.broadcast %and3A_300 : i32 to vector<16xi32>
      %and3A_302 = arith.andi %add3A_299, %and3A_301 : vector<16xi32>
      %gather3A_303 = tpu.vector_load_idx %arg13[%iota3A, %and3A_302] : memref<16x32xf32, #tpu.memory_space<vmem>>[vector<16xi32>, vector<16xi32>], vector<16xf32>,
      %gather3A_304 = tpu.vector_load_idx %arg14[%iota3A, %and3A_302] : memref<16x32xf32, #tpu.memory_space<vmem>>[vector<16xi32>, vector<16xi32>], vector<16xf32>,
      %gather3A_305 = tpu.vector_load_idx %arg15[%iota3A, %and3A_302] : memref<16x32xf32, #tpu.memory_space<vmem>>[vector<16xi32>, vector<16xi32>], vector<16xf32>,
      %add3A_306 = arith.addf %gather3A_304, %gather3A_305 : vector<16xf32>
      %mul3A_307 = arith.mulf %gather3A_303, %add3A_306 : vector<16xf32>
      %add3A_308 = arith.addf %add3A_296, %mul3A_307 : vector<16xf32>
      %add3A_309 = arith.constant 10 : i32
      %add3A_310 = vector.broadcast %add3A_309 : i32 to vector<16xi32>
      %add3A_311 = arith.addi %iota3A, %add3A_310 : vector<16xi32>
      %and3A_312 = arith.constant 31 : i32
      %and3A_313 = vector.broadcast %and3A_312 : i32 to vector<16xi32>
      %and3A_314 = arith.andi %add3A_311, %and3A_313 : vector<16xi32>
      %gather3A_315 = tpu.vector_load_idx %arg13[%iota3A, %and3A_314] : memref<16x32xf32, #tpu.memory_space<vmem>>[vector<16xi32>, vector<16xi32>], vector<16xf32>,
      %gather3A_316 = tpu.vector_load_idx %arg14[%iota3A, %and3A_314] : memref<16x32xf32, #tpu.memory_space<vmem>>[vector<16xi32>, vector<16xi32>], vector<16xf32>,
      %gather3A_317 = tpu.vector_load_idx %arg15[%iota3A, %and3A_314] : memref<16x32xf32, #tpu.memory_space<vmem>>[vector<16xi32>, vector<16xi32>], vector<16xf32>,
      %add3A_318 = arith.addf %gather3A_316, %gather3A_317 : vector<16xf32>
      %mul3A_319 = arith.mulf %gather3A_315, %add3A_318 : vector<16xf32>
      %add3A_320 = arith.addf %add3A_308, %mul3A_319 : vector<16xf32>
      %add3A_321 = arith.constant 11 : i32
      %add3A_322 = vector.broadcast %add3A_321 : i32 to vector<16xi32>
      %add3A_323 = arith.addi %iota3A, %add3A_322 : vector<16xi32>
      %and3A_324 = arith.constant 31 : i32
      %and3A_325 = vector.broadcast %and3A_324 : i32 to vector<16xi32>
      %and3A_326 = arith.andi %add3A_323, %and3A_325 : vector<16xi32>
      %gather3A_327 = tpu.vector_load_idx %arg13[%iota3A, %and3A_326] : memref<16x32xf32, #tpu.memory_space<vmem>>[vector<16xi32>, vector<16xi32>], vector<16xf32>,
      %gather3A_328 = tpu.vector_load_idx %arg14[%iota3A, %and3A_326] : memref<16x32xf32, #tpu.memory_space<vmem>>[vector<16xi32>, vector<16xi32>], vector<16xf32>,
      %gather3A_329 = tpu.vector_load_idx %arg15[%iota3A, %and3A_326] : memref<16x32xf32, #tpu.memory_space<vmem>>[vector<16xi32>, vector<16xi32>], vector<16xf32>,
      %add3A_330 = arith.addf %gather3A_328, %gather3A_329 : vector<16xf32>
      %mul3A_331 = arith.mulf %gather3A_327, %add3A_330 : vector<16xf32>
      %add3A_332 = arith.addf %add3A_320, %mul3A_331 : vector<16xf32>
      %add3A_333 = arith.constant 12 : i32
      %add3A_334 = vector.broadcast %add3A_333 : i32 to vector<16xi32>
      %add3A_335 = arith.addi %iota3A, %add3A_334 : vector<16xi32>
      %and3A_336 = arith.constant 31 : i32
      %and3A_337 = vector.broadcast %and3A_336 : i32 to vector<16xi32>
      %and3A_338 = arith.andi %add3A_335, %and3A_337 : vector<16xi32>
      %gather3A_339 = tpu.vector_load_idx %arg13[%iota3A, %and3A_338] : memref<16x32xf32, #tpu.memory_space<vmem>>[vector<16xi32>, vector<16xi32>], vector<16xf32>,
      %gather3A_340 = tpu.vector_load_idx %arg14[%iota3A, %and3A_338] : memref<16x32xf32, #tpu.memory_space<vmem>>[vector<16xi32>, vector<16xi32>], vector<16xf32>,
      %gather3A_341 = tpu.vector_load_idx %arg15[%iota3A, %and3A_338] : memref<16x32xf32, #tpu.memory_space<vmem>>[vector<16xi32>, vector<16xi32>], vector<16xf32>,
      %add3A_342 = arith.addf %gather3A_340, %gather3A_341 : vector<16xf32>
      %mul3A_343 = arith.mulf %gather3A_339, %add3A_342 : vector<16xf32>
      %add3A_344 = arith.addf %add3A_332, %mul3A_343 : vector<16xf32>
      %add3A_345 = arith.constant 13 : i32
      %add3A_346 = vector.broadcast %add3A_345 : i32 to vector<16xi32>
      %add3A_347 = arith.addi %iota3A, %add3A_346 : vector<16xi32>
      %and3A_348 = arith.constant 31 : i32
      %and3A_349 = vector.broadcast %and3A_348 : i32 to vector<16xi32>
      %and3A_350 = arith.andi %add3A_347, %and3A_349 : vector<16xi32>
      %gather3A_351 = tpu.vector_load_idx %arg13[%iota3A, %and3A_350] : memref<16x32xf32, #tpu.memory_space<vmem>>[vector<16xi32>, vector<16xi32>], vector<16xf32>,
      %gather3A_352 = tpu.vector_load_idx %arg14[%iota3A, %and3A_350] : memref<16x32xf32, #tpu.memory_space<vmem>>[vector<16xi32>, vector<16xi32>], vector<16xf32>,
      %gather3A_353 = tpu.vector_load_idx %arg15[%iota3A, %and3A_350] : memref<16x32xf32, #tpu.memory_space<vmem>>[vector<16xi32>, vector<16xi32>], vector<16xf32>,
      %add3A_354 = arith.addf %gather3A_352, %gather3A_353 : vector<16xf32>
      %mul3A_355 = arith.mulf %gather3A_351, %add3A_354 : vector<16xf32>
      %add3A_356 = arith.addf %add3A_344, %mul3A_355 : vector<16xf32>
      %add3A_357 = arith.constant 14 : i32
      %add3A_358 = vector.broadcast %add3A_357 : i32 to vector<16xi32>
      %add3A_359 = arith.addi %iota3A, %add3A_358 : vector<16xi32>
      %and3A_360 = arith.constant 31 : i32
      %and3A_361 = vector.broadcast %and3A_360 : i32 to vector<16xi32>
      %and3A_362 = arith.andi %add3A_359, %and3A_361 : vector<16xi32>
      %gather3A_363 = tpu.vector_load_idx %arg13[%iota3A, %and3A_362] : memref<16x32xf32, #tpu.memory_space<vmem>>[vector<16xi32>, vector<16xi32>], vector<16xf32>,
      %gather3A_364 = tpu.vector_load_idx %arg14[%iota3A, %and3A_362] : memref<16x32xf32, #tpu.memory_space<vmem>>[vector<16xi32>, vector<16xi32>], vector<16xf32>,
      %gather3A_365 = tpu.vector_load_idx %arg15[%iota3A, %and3A_362] : memref<16x32xf32, #tpu.memory_space<vmem>>[vector<16xi32>, vector<16xi32>], vector<16xf32>,
      %add3A_366 = arith.addf %gather3A_364, %gather3A_365 : vector<16xf32>
      %mul3A_367 = arith.mulf %gather3A_363, %add3A_366 : vector<16xf32>
      %add3A_368 = arith.addf %add3A_356, %mul3A_367 : vector<16xf32>
      %add3A_369 = arith.constant 15 : i32
      %add3A_370 = vector.broadcast %add3A_369 : i32 to vector<16xi32>
      %add3A_371 = arith.addi %iota3A, %add3A_370 : vector<16xi32>
      %and3A_372 = arith.constant 31 : i32
      %and3A_373 = vector.broadcast %and3A_372 : i32 to vector<16xi32>
      %and3A_374 = arith.andi %add3A_371, %and3A_373 : vector<16xi32>
      %gather3A_375 = tpu.vector_load_idx %arg13[%iota3A, %and3A_374] : memref<16x32xf32, #tpu.memory_space<vmem>>[vector<16xi32>, vector<16xi32>], vector<16xf32>,
      %gather3A_376 = tpu.vector_load_idx %arg14[%iota3A, %and3A_374] : memref<16x32xf32, #tpu.memory_space<vmem>>[vector<16xi32>, vector<16xi32>], vector<16xf32>,
      %gather3A_377 = tpu.vector_load_idx %arg15[%iota3A, %and3A_374] : memref<16x32xf32, #tpu.memory_space<vmem>>[vector<16xi32>, vector<16xi32>], vector<16xf32>,
      %add3A_378 = arith.addf %gather3A_376, %gather3A_377 : vector<16xf32>
      %mul3A_379 = arith.mulf %gather3A_375, %add3A_378 : vector<16xf32>
      %add3A_380 = arith.addf %add3A_368, %mul3A_379 : vector<16xf32>
      %add3A_381 = arith.constant 16 : i32
      %add3A_382 = vector.broadcast %add3A_381 : i32 to vector<16xi32>
      %add3A_383 = arith.addi %iota3A, %add3A_382 : vector<16xi32>
      %and3A_384 = arith.constant 31 : i32
      %and3A_385 = vector.broadcast %and3A_384 : i32 to vector<16xi32>
      %and3A_386 = arith.andi %add3A_383, %and3A_385 : vector<16xi32>
      %gather3A_387 = tpu.vector_load_idx %arg13[%iota3A, %and3A_386] : memref<16x32xf32, #tpu.memory_space<vmem>>[vector<16xi32>, vector<16xi32>], vector<16xf32>,
      %gather3A_388 = tpu.vector_load_idx %arg14[%iota3A, %and3A_386] : memref<16x32xf32, #tpu.memory_space<vmem>>[vector<16xi32>, vector<16xi32>], vector<16xf32>,
      %gather3A_389 = tpu.vector_load_idx %arg15[%iota3A, %and3A_386] : memref<16x32xf32, #tpu.memory_space<vmem>>[vector<16xi32>, vector<16xi32>], vector<16xf32>,
      %add3A_390 = arith.addf %gather3A_388, %gather3A_389 : vector<16xf32>
      %mul3A_391 = arith.mulf %gather3A_387, %add3A_390 : vector<16xf32>
      %add3A_392 = arith.addf %add3A_380, %mul3A_391 : vector<16xf32>
      %add3A_393 = arith.constant 17 : i32
      %add3A_394 = vector.broadcast %add3A_393 : i32 to vector<16xi32>
      %add3A_395 = arith.addi %iota3A, %add3A_394 : vector<16xi32>
      %and3A_396 = arith.constant 31 : i32
      %and3A_397 = vector.broadcast %and3A_396 : i32 to vector<16xi32>
      %and3A_398 = arith.andi %add3A_395, %and3A_397 : vector<16xi32>
      %gather3A_399 = tpu.vector_load_idx %arg13[%iota3A, %and3A_398] : memref<16x32xf32, #tpu.memory_space<vmem>>[vector<16xi32>, vector<16xi32>], vector<16xf32>,
      %gather3A_400 = tpu.vector_load_idx %arg14[%iota3A, %and3A_398] : memref<16x32xf32, #tpu.memory_space<vmem>>[vector<16xi32>, vector<16xi32>], vector<16xf32>,
      %gather3A_401 = tpu.vector_load_idx %arg15[%iota3A, %and3A_398] : memref<16x32xf32, #tpu.memory_space<vmem>>[vector<16xi32>, vector<16xi32>], vector<16xf32>,
      %add3A_402 = arith.addf %gather3A_400, %gather3A_401 : vector<16xf32>
      %mul3A_403 = arith.mulf %gather3A_399, %add3A_402 : vector<16xf32>
      %add3A_404 = arith.addf %add3A_392, %mul3A_403 : vector<16xf32>
      %add3A_405 = arith.constant 18 : i32
      %add3A_406 = vector.broadcast %add3A_405 : i32 to vector<16xi32>
      %add3A_407 = arith.addi %iota3A, %add3A_406 : vector<16xi32>
      %and3A_408 = arith.constant 31 : i32
      %and3A_409 = vector.broadcast %and3A_408 : i32 to vector<16xi32>
      %and3A_410 = arith.andi %add3A_407, %and3A_409 : vector<16xi32>
      %gather3A_411 = tpu.vector_load_idx %arg13[%iota3A, %and3A_410] : memref<16x32xf32, #tpu.memory_space<vmem>>[vector<16xi32>, vector<16xi32>], vector<16xf32>,
      %gather3A_412 = tpu.vector_load_idx %arg14[%iota3A, %and3A_410] : memref<16x32xf32, #tpu.memory_space<vmem>>[vector<16xi32>, vector<16xi32>], vector<16xf32>,
      %gather3A_413 = tpu.vector_load_idx %arg15[%iota3A, %and3A_410] : memref<16x32xf32, #tpu.memory_space<vmem>>[vector<16xi32>, vector<16xi32>], vector<16xf32>,
      %add3A_414 = arith.addf %gather3A_412, %gather3A_413 : vector<16xf32>
      %mul3A_415 = arith.mulf %gather3A_411, %add3A_414 : vector<16xf32>
      %add3A_416 = arith.addf %add3A_404, %mul3A_415 : vector<16xf32>
      %add3A_417 = arith.constant 19 : i32
      %add3A_418 = vector.broadcast %add3A_417 : i32 to vector<16xi32>
      %add3A_419 = arith.addi %iota3A, %add3A_418 : vector<16xi32>
      %and3A_420 = arith.constant 31 : i32
      %and3A_421 = vector.broadcast %and3A_420 : i32 to vector<16xi32>
      %and3A_422 = arith.andi %add3A_419, %and3A_421 : vector<16xi32>
      %gather3A_423 = tpu.vector_load_idx %arg13[%iota3A, %and3A_422] : memref<16x32xf32, #tpu.memory_space<vmem>>[vector<16xi32>, vector<16xi32>], vector<16xf32>,
      %gather3A_424 = tpu.vector_load_idx %arg14[%iota3A, %and3A_422] : memref<16x32xf32, #tpu.memory_space<vmem>>[vector<16xi32>, vector<16xi32>], vector<16xf32>,
      %gather3A_425 = tpu.vector_load_idx %arg15[%iota3A, %and3A_422] : memref<16x32xf32, #tpu.memory_space<vmem>>[vector<16xi32>, vector<16xi32>], vector<16xf32>,
      %add3A_426 = arith.addf %gather3A_424, %gather3A_425 : vector<16xf32>
      %mul3A_427 = arith.mulf %gather3A_423, %add3A_426 : vector<16xf32>
      %add3A_428 = arith.addf %add3A_416, %mul3A_427 : vector<16xf32>
      %add3A_429 = arith.constant 20 : i32
      %add3A_430 = vector.broadcast %add3A_429 : i32 to vector<16xi32>
      %add3A_431 = arith.addi %iota3A, %add3A_430 : vector<16xi32>
      %and3A_432 = arith.constant 31 : i32
      %and3A_433 = vector.broadcast %and3A_432 : i32 to vector<16xi32>
      %and3A_434 = arith.andi %add3A_431, %and3A_433 : vector<16xi32>
      %gather3A_435 = tpu.vector_load_idx %arg13[%iota3A, %and3A_434] : memref<16x32xf32, #tpu.memory_space<vmem>>[vector<16xi32>, vector<16xi32>], vector<16xf32>,
      %gather3A_436 = tpu.vector_load_idx %arg14[%iota3A, %and3A_434] : memref<16x32xf32, #tpu.memory_space<vmem>>[vector<16xi32>, vector<16xi32>], vector<16xf32>,
      %gather3A_437 = tpu.vector_load_idx %arg15[%iota3A, %and3A_434] : memref<16x32xf32, #tpu.memory_space<vmem>>[vector<16xi32>, vector<16xi32>], vector<16xf32>,
      %add3A_438 = arith.addf %gather3A_436, %gather3A_437 : vector<16xf32>
      %mul3A_439 = arith.mulf %gather3A_435, %add3A_438 : vector<16xf32>
      %add3A_440 = arith.addf %add3A_428, %mul3A_439 : vector<16xf32>
      %add3A_441 = arith.constant 21 : i32
      %add3A_442 = vector.broadcast %add3A_441 : i32 to vector<16xi32>
      %add3A_443 = arith.addi %iota3A, %add3A_442 : vector<16xi32>
      %and3A_444 = arith.constant 31 : i32
      %and3A_445 = vector.broadcast %and3A_444 : i32 to vector<16xi32>
      %and3A_446 = arith.andi %add3A_443, %and3A_445 : vector<16xi32>
      %gather3A_447 = tpu.vector_load_idx %arg13[%iota3A, %and3A_446] : memref<16x32xf32, #tpu.memory_space<vmem>>[vector<16xi32>, vector<16xi32>], vector<16xf32>,
      %gather3A_448 = tpu.vector_load_idx %arg14[%iota3A, %and3A_446] : memref<16x32xf32, #tpu.memory_space<vmem>>[vector<16xi32>, vector<16xi32>], vector<16xf32>,
      %gather3A_449 = tpu.vector_load_idx %arg15[%iota3A, %and3A_446] : memref<16x32xf32, #tpu.memory_space<vmem>>[vector<16xi32>, vector<16xi32>], vector<16xf32>,
      %add3A_450 = arith.addf %gather3A_448, %gather3A_449 : vector<16xf32>
      %mul3A_451 = arith.mulf %gather3A_447, %add3A_450 : vector<16xf32>
      %add3A_452 = arith.addf %add3A_440, %mul3A_451 : vector<16xf32>
      %add3A_453 = arith.constant 22 : i32
      %add3A_454 = vector.broadcast %add3A_453 : i32 to vector<16xi32>
      %add3A_455 = arith.addi %iota3A, %add3A_454 : vector<16xi32>
      %and3A_456 = arith.constant 31 : i32
      %and3A_457 = vector.broadcast %and3A_456 : i32 to vector<16xi32>
      %and3A_458 = arith.andi %add3A_455, %and3A_457 : vector<16xi32>
      %gather3A_459 = tpu.vector_load_idx %arg13[%iota3A, %and3A_458] : memref<16x32xf32, #tpu.memory_space<vmem>>[vector<16xi32>, vector<16xi32>], vector<16xf32>,
      %gather3A_460 = tpu.vector_load_idx %arg14[%iota3A, %and3A_458] : memref<16x32xf32, #tpu.memory_space<vmem>>[vector<16xi32>, vector<16xi32>], vector<16xf32>,
      %gather3A_461 = tpu.vector_load_idx %arg15[%iota3A, %and3A_458] : memref<16x32xf32, #tpu.memory_space<vmem>>[vector<16xi32>, vector<16xi32>], vector<16xf32>,
      %add3A_462 = arith.addf %gather3A_460, %gather3A_461 : vector<16xf32>
      %mul3A_463 = arith.mulf %gather3A_459, %add3A_462 : vector<16xf32>
      %add3A_464 = arith.addf %add3A_452, %mul3A_463 : vector<16xf32>
      %add3A_465 = arith.constant 23 : i32
      %add3A_466 = vector.broadcast %add3A_465 : i32 to vector<16xi32>
      %add3A_467 = arith.addi %iota3A, %add3A_466 : vector<16xi32>
      %and3A_468 = arith.constant 31 : i32
      %and3A_469 = vector.broadcast %and3A_468 : i32 to vector<16xi32>
      %and3A_470 = arith.andi %add3A_467, %and3A_469 : vector<16xi32>
      %gather3A_471 = tpu.vector_load_idx %arg13[%iota3A, %and3A_470] : memref<16x32xf32, #tpu.memory_space<vmem>>[vector<16xi32>, vector<16xi32>], vector<16xf32>,
      %gather3A_472 = tpu.vector_load_idx %arg14[%iota3A, %and3A_470] : memref<16x32xf32, #tpu.memory_space<vmem>>[vector<16xi32>, vector<16xi32>], vector<16xf32>,
      %gather3A_473 = tpu.vector_load_idx %arg15[%iota3A, %and3A_470] : memref<16x32xf32, #tpu.memory_space<vmem>>[vector<16xi32>, vector<16xi32>], vector<16xf32>,
      %add3A_474 = arith.addf %gather3A_472, %gather3A_473 : vector<16xf32>
      %mul3A_475 = arith.mulf %gather3A_471, %add3A_474 : vector<16xf32>
      %add3A_476 = arith.addf %add3A_464, %mul3A_475 : vector<16xf32>
      %add3A_477 = arith.constant 24 : i32
      %add3A_478 = vector.broadcast %add3A_477 : i32 to vector<16xi32>
      %add3A_479 = arith.addi %iota3A, %add3A_478 : vector<16xi32>
      %and3A_480 = arith.constant 31 : i32
      %and3A_481 = vector.broadcast %and3A_480 : i32 to vector<16xi32>
      %and3A_482 = arith.andi %add3A_479, %and3A_481 : vector<16xi32>
      %gather3A_483 = tpu.vector_load_idx %arg13[%iota3A, %and3A_482] : memref<16x32xf32, #tpu.memory_space<vmem>>[vector<16xi32>, vector<16xi32>], vector<16xf32>,
      %gather3A_484 = tpu.vector_load_idx %arg14[%iota3A, %and3A_482] : memref<16x32xf32, #tpu.memory_space<vmem>>[vector<16xi32>, vector<16xi32>], vector<16xf32>,
      %gather3A_485 = tpu.vector_load_idx %arg15[%iota3A, %and3A_482] : memref<16x32xf32, #tpu.memory_space<vmem>>[vector<16xi32>, vector<16xi32>], vector<16xf32>,
      %add3A_486 = arith.addf %gather3A_484, %gather3A_485 : vector<16xf32>
      %mul3A_487 = arith.mulf %gather3A_483, %add3A_486 : vector<16xf32>
      %add3A_488 = arith.addf %add3A_476, %mul3A_487 : vector<16xf32>
      %add3A_489 = arith.constant 25 : i32
      %add3A_490 = vector.broadcast %add3A_489 : i32 to vector<16xi32>
      %add3A_491 = arith.addi %iota3A, %add3A_490 : vector<16xi32>
      %and3A_492 = arith.constant 31 : i32
      %and3A_493 = vector.broadcast %and3A_492 : i32 to vector<16xi32>
      %and3A_494 = arith.andi %add3A_491, %and3A_493 : vector<16xi32>
      %gather3A_495 = tpu.vector_load_idx %arg13[%iota3A, %and3A_494] : memref<16x32xf32, #tpu.memory_space<vmem>>[vector<16xi32>, vector<16xi32>], vector<16xf32>,
      %gather3A_496 = tpu.vector_load_idx %arg14[%iota3A, %and3A_494] : memref<16x32xf32, #tpu.memory_space<vmem>>[vector<16xi32>, vector<16xi32>], vector<16xf32>,
      %gather3A_497 = tpu.vector_load_idx %arg15[%iota3A, %and3A_494] : memref<16x32xf32, #tpu.memory_space<vmem>>[vector<16xi32>, vector<16xi32>], vector<16xf32>,
      %add3A_498 = arith.addf %gather3A_496, %gather3A_497 : vector<16xf32>
      %mul3A_499 = arith.mulf %gather3A_495, %add3A_498 : vector<16xf32>
      %add3A_500 = arith.addf %add3A_488, %mul3A_499 : vector<16xf32>
      %add3A_501 = arith.constant 26 : i32
      %add3A_502 = vector.broadcast %add3A_501 : i32 to vector<16xi32>
      %add3A_503 = arith.addi %iota3A, %add3A_502 : vector<16xi32>
      %and3A_504 = arith.constant 31 : i32
      %and3A_505 = vector.broadcast %and3A_504 : i32 to vector<16xi32>
      %and3A_506 = arith.andi %add3A_503, %and3A_505 : vector<16xi32>
      %gather3A_507 = tpu.vector_load_idx %arg13[%iota3A, %and3A_506] : memref<16x32xf32, #tpu.memory_space<vmem>>[vector<16xi32>, vector<16xi32>], vector<16xf32>,
      %gather3A_508 = tpu.vector_load_idx %arg14[%iota3A, %and3A_506] : memref<16x32xf32, #tpu.memory_space<vmem>>[vector<16xi32>, vector<16xi32>], vector<16xf32>,
      %gather3A_509 = tpu.vector_load_idx %arg15[%iota3A, %and3A_506] : memref<16x32xf32, #tpu.memory_space<vmem>>[vector<16xi32>, vector<16xi32>], vector<16xf32>,
      %add3A_510 = arith.addf %gather3A_508, %gather3A_509 : vector<16xf32>
      %mul3A_511 = arith.mulf %gather3A_507, %add3A_510 : vector<16xf32>
      %add3A_512 = arith.addf %add3A_500, %mul3A_511 : vector<16xf32>
      %add3A_513 = arith.constant 27 : i32
      %add3A_514 = vector.broadcast %add3A_513 : i32 to vector<16xi32>
      %add3A_515 = arith.addi %iota3A, %add3A_514 : vector<16xi32>
      %and3A_516 = arith.constant 31 : i32
      %and3A_517 = vector.broadcast %and3A_516 : i32 to vector<16xi32>
      %and3A_518 = arith.andi %add3A_515, %and3A_517 : vector<16xi32>
      %gather3A_519 = tpu.vector_load_idx %arg13[%iota3A, %and3A_518] : memref<16x32xf32, #tpu.memory_space<vmem>>[vector<16xi32>, vector<16xi32>], vector<16xf32>,
      %gather3A_520 = tpu.vector_load_idx %arg14[%iota3A, %and3A_518] : memref<16x32xf32, #tpu.memory_space<vmem>>[vector<16xi32>, vector<16xi32>], vector<16xf32>,
      %gather3A_521 = tpu.vector_load_idx %arg15[%iota3A, %and3A_518] : memref<16x32xf32, #tpu.memory_space<vmem>>[vector<16xi32>, vector<16xi32>], vector<16xf32>,
      %add3A_522 = arith.addf %gather3A_520, %gather3A_521 : vector<16xf32>
      %mul3A_523 = arith.mulf %gather3A_519, %add3A_522 : vector<16xf32>
      %add3A_524 = arith.addf %add3A_512, %mul3A_523 : vector<16xf32>
      %add3A_525 = arith.constant 28 : i32
      %add3A_526 = vector.broadcast %add3A_525 : i32 to vector<16xi32>
      %add3A_527 = arith.addi %iota3A, %add3A_526 : vector<16xi32>
      %and3A_528 = arith.constant 31 : i32
      %and3A_529 = vector.broadcast %and3A_528 : i32 to vector<16xi32>
      %and3A_530 = arith.andi %add3A_527, %and3A_529 : vector<16xi32>
      %gather3A_531 = tpu.vector_load_idx %arg13[%iota3A, %and3A_530] : memref<16x32xf32, #tpu.memory_space<vmem>>[vector<16xi32>, vector<16xi32>], vector<16xf32>,
      %gather3A_532 = tpu.vector_load_idx %arg14[%iota3A, %and3A_530] : memref<16x32xf32, #tpu.memory_space<vmem>>[vector<16xi32>, vector<16xi32>], vector<16xf32>,
      %gather3A_533 = tpu.vector_load_idx %arg15[%iota3A, %and3A_530] : memref<16x32xf32, #tpu.memory_space<vmem>>[vector<16xi32>, vector<16xi32>], vector<16xf32>,
      %add3A_534 = arith.addf %gather3A_532, %gather3A_533 : vector<16xf32>
      %mul3A_535 = arith.mulf %gather3A_531, %add3A_534 : vector<16xf32>
      %add3A_536 = arith.addf %add3A_524, %mul3A_535 : vector<16xf32>
      %add3A_537 = arith.constant 29 : i32
      %add3A_538 = vector.broadcast %add3A_537 : i32 to vector<16xi32>
      %add3A_539 = arith.addi %iota3A, %add3A_538 : vector<16xi32>
      %and3A_540 = arith.constant 31 : i32
      %and3A_541 = vector.broadcast %and3A_540 : i32 to vector<16xi32>
      %and3A_542 = arith.andi %add3A_539, %and3A_541 : vector<16xi32>
      %gather3A_543 = tpu.vector_load_idx %arg13[%iota3A, %and3A_542] : memref<16x32xf32, #tpu.memory_space<vmem>>[vector<16xi32>, vector<16xi32>], vector<16xf32>,
      %gather3A_544 = tpu.vector_load_idx %arg14[%iota3A, %and3A_542] : memref<16x32xf32, #tpu.memory_space<vmem>>[vector<16xi32>, vector<16xi32>], vector<16xf32>,
      %gather3A_545 = tpu.vector_load_idx %arg15[%iota3A, %and3A_542] : memref<16x32xf32, #tpu.memory_space<vmem>>[vector<16xi32>, vector<16xi32>], vector<16xf32>,
      %add3A_546 = arith.addf %gather3A_544, %gather3A_545 : vector<16xf32>
      %mul3A_547 = arith.mulf %gather3A_543, %add3A_546 : vector<16xf32>
      %add3A_548 = arith.addf %add3A_536, %mul3A_547 : vector<16xf32>
      %add3A_549 = arith.constant 30 : i32
      %add3A_550 = vector.broadcast %add3A_549 : i32 to vector<16xi32>
      %add3A_551 = arith.addi %iota3A, %add3A_550 : vector<16xi32>
      %and3A_552 = arith.constant 31 : i32
      %and3A_553 = vector.broadcast %and3A_552 : i32 to vector<16xi32>
      %and3A_554 = arith.andi %add3A_551, %and3A_553 : vector<16xi32>
      %gather3A_555 = tpu.vector_load_idx %arg13[%iota3A, %and3A_554] : memref<16x32xf32, #tpu.memory_space<vmem>>[vector<16xi32>, vector<16xi32>], vector<16xf32>,
      %gather3A_556 = tpu.vector_load_idx %arg14[%iota3A, %and3A_554] : memref<16x32xf32, #tpu.memory_space<vmem>>[vector<16xi32>, vector<16xi32>], vector<16xf32>,
      %gather3A_557 = tpu.vector_load_idx %arg15[%iota3A, %and3A_554] : memref<16x32xf32, #tpu.memory_space<vmem>>[vector<16xi32>, vector<16xi32>], vector<16xf32>,
      %add3A_558 = arith.addf %gather3A_556, %gather3A_557 : vector<16xf32>
      %mul3A_559 = arith.mulf %gather3A_555, %add3A_558 : vector<16xf32>
      %add3A_560 = arith.addf %add3A_548, %mul3A_559 : vector<16xf32>
      %add3A_561 = arith.constant 31 : i32
      %add3A_562 = vector.broadcast %add3A_561 : i32 to vector<16xi32>
      %add3A_563 = arith.addi %iota3A, %add3A_562 : vector<16xi32>
      %and3A_564 = arith.constant 31 : i32
      %and3A_565 = vector.broadcast %and3A_564 : i32 to vector<16xi32>
      %and3A_566 = arith.andi %add3A_563, %and3A_565 : vector<16xi32>
      %gather3A_567 = tpu.vector_load_idx %arg13[%iota3A, %and3A_566] : memref<16x32xf32, #tpu.memory_space<vmem>>[vector<16xi32>, vector<16xi32>], vector<16xf32>,
      %gather3A_568 = tpu.vector_load_idx %arg14[%iota3A, %and3A_566] : memref<16x32xf32, #tpu.memory_space<vmem>>[vector<16xi32>, vector<16xi32>], vector<16xf32>,
      %gather3A_569 = tpu.vector_load_idx %arg15[%iota3A, %and3A_566] : memref<16x32xf32, #tpu.memory_space<vmem>>[vector<16xi32>, vector<16xi32>], vector<16xf32>,
      %add3A_570 = arith.addf %gather3A_568, %gather3A_569 : vector<16xf32>
      %mul3A_571 = arith.mulf %gather3A_567, %add3A_570 : vector<16xf32>
      %add3A_572 = arith.addf %add3A_560, %mul3A_571 : vector<16xf32>
      %swap3A = arith.constant 0 : index
      %swap3A_573 = tpu.vector_load %arg16[%swap3A] {strides = array<i32>} : memref<16xf32, #tpu.memory_space<vmem>>, vector<16xf32>,
      tpu.vector_store %arg16[%swap3A], %add3A_572 {strides = array<i32>} : memref<16xf32, #tpu.memory_space<vmem>>, vector<16xf32>,
      "tpu.region"() ({
        %run_scoped3A = tpu.sem_alloc : memref<!tpu.dma_semaphore, #tpu.memory_space<semaphore_mem>>
        %dma_start3A_1050 = tpu.memref_slice %arg7[%add3A_189] : memref<16384xf32, #tpu.memory_space<hbm>> -> memref<16xf32, #tpu.memory_space<hbm>>
        %dma_start3A_1051 = tpu.memref_slice %arg7[%add3A_189] : memref<16384xf32, #tpu.memory_space<hbm>> -> memref<16xf32, #tpu.memory_space<hbm>>
        tpu.enqueue_dma source(%arg16 : memref<16xf32, #tpu.memory_space<vmem>>) target(%dma_start3A_1051 : memref<16xf32, #tpu.memory_space<hbm>>) target_semaphore(%run_scoped3A : memref<!tpu.dma_semaphore, #tpu.memory_space<semaphore_mem>>)
        %dma_wait3A_1052 = tpu.memref_slice %arg7[%add3A_189] : memref<16384xf32, #tpu.memory_space<hbm>> -> memref<16xf32, #tpu.memory_space<hbm>>
        %dma_wait3A_1053 = tpu.memref_slice %arg7[%add3A_189] : memref<16384xf32, #tpu.memory_space<hbm>> -> memref<16xf32, #tpu.memory_space<hbm>>
        tpu.wait_dma2 semaphore(%run_scoped3A : memref<!tpu.dma_semaphore, #tpu.memory_space<semaphore_mem>>) src(%arg16 : memref<16xf32, #tpu.memory_space<vmem>>) dst(%dma_wait3A_1053 : memref<16xf32, #tpu.memory_space<hbm>>)
        tpu.yield
      }) : () -> ()
      %scan3A_574 = arith.constant 0 : i32
      %scan3A_575 = arith.constant 0 : i32
      %scan3A_576 = arith.constant 16 : i32
      %scan3A_577 = arith.addi %scan3A_575, %scan3A_576 : i32
      %scan3A_578 = arith.constant 1 : i32
      scf.for %scan3A_1050 = %scan3A_575 to %scan3A_577 step %scan3A_578  : i32 {
        %mul3A_1051 = arith.constant 50 : i32
        %mul3A_1052 = arith.muli %scan3A_1050, %mul3A_1051 : i32
        %add3A_1053 = arith.constant 0 : i32
        %add3A_1054 = arith.addi %mul3A_1052, %add3A_1053 : i32
        %add3A_1055 = vector.broadcast %add3A_1054 : i32 to vector<16xi32>
        %add3A_1056 = arith.addi %add3A_1055, %iota3A : vector<16xi32>
        %min3A = arith.constant 799 : i32
        %min3A_1057 = vector.broadcast %min3A : i32 to vector<16xi32>
        %min3A_1058 = arith.minsi %add3A_1056, %min3A_1057 : vector<16xi32>
        %mul3A_1059 = arith.constant 50 : i32
        %mul3A_1060 = arith.muli %scan3A_1050, %mul3A_1059 : i32
        %add3A_1061 = arith.constant 16 : i32
        %add3A_1062 = arith.addi %mul3A_1060, %add3A_1061 : i32
        %add3A_1063 = vector.broadcast %add3A_1062 : i32 to vector<16xi32>
        %add3A_1064 = arith.addi %add3A_1063, %iota3A : vector<16xi32>
        %min3A_1065 = arith.constant 799 : i32
        %min3A_1066 = vector.broadcast %min3A_1065 : i32 to vector<16xi32>
        %min3A_1067 = arith.minsi %add3A_1064, %min3A_1066 : vector<16xi32>
        %mul3A_1068 = arith.constant 50 : i32
        %mul3A_1069 = arith.muli %scan3A_1050, %mul3A_1068 : i32
        %add3A_1070 = arith.constant 32 : i32
        %add3A_1071 = arith.addi %mul3A_1069, %add3A_1070 : i32
        %add3A_1072 = vector.broadcast %add3A_1071 : i32 to vector<16xi32>
        %add3A_1073 = arith.addi %add3A_1072, %iota3A : vector<16xi32>
        %min3A_1074 = arith.constant 799 : i32
        %min3A_1075 = vector.broadcast %min3A_1074 : i32 to vector<16xi32>
        %min3A_1076 = arith.minsi %add3A_1073, %min3A_1075 : vector<16xi32>
        %mul3A_1077 = arith.constant 50 : i32
        %mul3A_1078 = arith.muli %scan3A_1050, %mul3A_1077 : i32
        %add3A_1079 = arith.constant 48 : i32
        %add3A_1080 = arith.addi %mul3A_1078, %add3A_1079 : i32
        %add3A_1081 = vector.broadcast %add3A_1080 : i32 to vector<16xi32>
        %add3A_1082 = arith.addi %add3A_1081, %iota3A : vector<16xi32>
        %min3A_1083 = arith.constant 799 : i32
        %min3A_1084 = vector.broadcast %min3A_1083 : i32 to vector<16xi32>
        %min3A_1085 = arith.minsi %add3A_1082, %min3A_1084 : vector<16xi32>
        %broadcast_in_dim3A_1086 = arith.constant 0 : i32
        %broadcast_in_dim3A_1087 = vector.broadcast %broadcast_in_dim3A_1086 : i32 to vector<16xi32>
        %add3A_1088 = vector.broadcast %scan3A_1050 : i32 to vector<16xi32>
        %add3A_1089 = arith.addi %broadcast_in_dim3A_1087, %add3A_1088 : vector<16xi32>
        %broadcast_in_dim3A_1090 = arith.constant 0.000000e+00 : f32
        %broadcast_in_dim3A_1091 = vector.broadcast %broadcast_in_dim3A_1090 : f32 to vector<16xf32>
        %broadcast_in_dim3A_1092 = arith.constant 0.000000e+00 : f32
        %broadcast_in_dim3A_1093 = vector.broadcast %broadcast_in_dim3A_1092 : f32 to vector<16xf32>
        %broadcast_in_dim3A_1094 = arith.constant 0.000000e+00 : f32
        %broadcast_in_dim3A_1095 = vector.broadcast %broadcast_in_dim3A_1094 : f32 to vector<16xf32>
        %broadcast_in_dim3A_1096 = arith.constant 0.000000e+00 : f32
        %broadcast_in_dim3A_1097 = vector.broadcast %broadcast_in_dim3A_1096 : f32 to vector<16xf32>
        %add3A_1098 = arith.constant 0 : i32
        %add3A_1099 = vector.broadcast %add3A_1098 : i32 to vector<16xi32>
        %add3A_1100 = arith.addi %iota3A, %add3A_1099 : vector<16xi32>
        %and3A_1101 = arith.constant 31 : i32
        %and3A_1102 = vector.broadcast %and3A_1101 : i32 to vector<16xi32>
        %and3A_1103 = arith.andi %add3A_1100, %and3A_1102 : vector<16xi32>
        %gather3A_1104 = tpu.vector_load_idx %arg13[%add3A_1089, %and3A_1103] : memref<16x32xf32, #tpu.memory_space<vmem>>[vector<16xi32>, vector<16xi32>], vector<16xf32>,
        %gather3A_1105 = tpu.vector_load_idx %arg11[%min3A_1058, %and3A_1103] : memref<800x32xf32, #tpu.memory_space<vmem>>[vector<16xi32>, vector<16xi32>], vector<16xf32>,
        %mul3A_1106 = arith.mulf %gather3A_1104, %gather3A_1105 : vector<16xf32>
        %add3A_1107 = arith.addf %broadcast_in_dim3A_1091, %mul3A_1106 : vector<16xf32>
        %gather3A_1108 = tpu.vector_load_idx %arg11[%min3A_1067, %and3A_1103] : memref<800x32xf32, #tpu.memory_space<vmem>>[vector<16xi32>, vector<16xi32>], vector<16xf32>,
        %mul3A_1109 = arith.mulf %gather3A_1104, %gather3A_1108 : vector<16xf32>
        %add3A_1110 = arith.addf %broadcast_in_dim3A_1093, %mul3A_1109 : vector<16xf32>
        %gather3A_1111 = tpu.vector_load_idx %arg11[%min3A_1076, %and3A_1103] : memref<800x32xf32, #tpu.memory_space<vmem>>[vector<16xi32>, vector<16xi32>], vector<16xf32>,
        %mul3A_1112 = arith.mulf %gather3A_1104, %gather3A_1111 : vector<16xf32>
        %add3A_1113 = arith.addf %broadcast_in_dim3A_1095, %mul3A_1112 : vector<16xf32>
        %gather3A_1114 = tpu.vector_load_idx %arg11[%min3A_1085, %and3A_1103] : memref<800x32xf32, #tpu.memory_space<vmem>>[vector<16xi32>, vector<16xi32>], vector<16xf32>,
        %mul3A_1115 = arith.mulf %gather3A_1104, %gather3A_1114 : vector<16xf32>
        %add3A_1116 = arith.addf %broadcast_in_dim3A_1097, %mul3A_1115 : vector<16xf32>
        %add3A_1117 = arith.constant 1 : i32
        %add3A_1118 = vector.broadcast %add3A_1117 : i32 to vector<16xi32>
        %add3A_1119 = arith.addi %iota3A, %add3A_1118 : vector<16xi32>
        %and3A_1120 = arith.constant 31 : i32
        %and3A_1121 = vector.broadcast %and3A_1120 : i32 to vector<16xi32>
        %and3A_1122 = arith.andi %add3A_1119, %and3A_1121 : vector<16xi32>
        %gather3A_1123 = tpu.vector_load_idx %arg13[%add3A_1089, %and3A_1122] : memref<16x32xf32, #tpu.memory_space<vmem>>[vector<16xi32>, vector<16xi32>], vector<16xf32>,
        %gather3A_1124 = tpu.vector_load_idx %arg11[%min3A_1058, %and3A_1122] : memref<800x32xf32, #tpu.memory_space<vmem>>[vector<16xi32>, vector<16xi32>], vector<16xf32>,
        %mul3A_1125 = arith.mulf %gather3A_1123, %gather3A_1124 : vector<16xf32>
        %add3A_1126 = arith.addf %add3A_1107, %mul3A_1125 : vector<16xf32>
        %gather3A_1127 = tpu.vector_load_idx %arg11[%min3A_1067, %and3A_1122] : memref<800x32xf32, #tpu.memory_space<vmem>>[vector<16xi32>, vector<16xi32>], vector<16xf32>,
        %mul3A_1128 = arith.mulf %gather3A_1123, %gather3A_1127 : vector<16xf32>
        %add3A_1129 = arith.addf %add3A_1110, %mul3A_1128 : vector<16xf32>
        %gather3A_1130 = tpu.vector_load_idx %arg11[%min3A_1076, %and3A_1122] : memref<800x32xf32, #tpu.memory_space<vmem>>[vector<16xi32>, vector<16xi32>], vector<16xf32>,
        %mul3A_1131 = arith.mulf %gather3A_1123, %gather3A_1130 : vector<16xf32>
        %add3A_1132 = arith.addf %add3A_1113, %mul3A_1131 : vector<16xf32>
        %gather3A_1133 = tpu.vector_load_idx %arg11[%min3A_1085, %and3A_1122] : memref<800x32xf32, #tpu.memory_space<vmem>>[vector<16xi32>, vector<16xi32>], vector<16xf32>,
        %mul3A_1134 = arith.mulf %gather3A_1123, %gather3A_1133 : vector<16xf32>
        %add3A_1135 = arith.addf %add3A_1116, %mul3A_1134 : vector<16xf32>
        %add3A_1136 = arith.constant 2 : i32
        %add3A_1137 = vector.broadcast %add3A_1136 : i32 to vector<16xi32>
        %add3A_1138 = arith.addi %iota3A, %add3A_1137 : vector<16xi32>
        %and3A_1139 = arith.constant 31 : i32
        %and3A_1140 = vector.broadcast %and3A_1139 : i32 to vector<16xi32>
        %and3A_1141 = arith.andi %add3A_1138, %and3A_1140 : vector<16xi32>
        %gather3A_1142 = tpu.vector_load_idx %arg13[%add3A_1089, %and3A_1141] : memref<16x32xf32, #tpu.memory_space<vmem>>[vector<16xi32>, vector<16xi32>], vector<16xf32>,
        %gather3A_1143 = tpu.vector_load_idx %arg11[%min3A_1058, %and3A_1141] : memref<800x32xf32, #tpu.memory_space<vmem>>[vector<16xi32>, vector<16xi32>], vector<16xf32>,
        %mul3A_1144 = arith.mulf %gather3A_1142, %gather3A_1143 : vector<16xf32>
        %add3A_1145 = arith.addf %add3A_1126, %mul3A_1144 : vector<16xf32>
        %gather3A_1146 = tpu.vector_load_idx %arg11[%min3A_1067, %and3A_1141] : memref<800x32xf32, #tpu.memory_space<vmem>>[vector<16xi32>, vector<16xi32>], vector<16xf32>,
        %mul3A_1147 = arith.mulf %gather3A_1142, %gather3A_1146 : vector<16xf32>
        %add3A_1148 = arith.addf %add3A_1129, %mul3A_1147 : vector<16xf32>
        %gather3A_1149 = tpu.vector_load_idx %arg11[%min3A_1076, %and3A_1141] : memref<800x32xf32, #tpu.memory_space<vmem>>[vector<16xi32>, vector<16xi32>], vector<16xf32>,
        %mul3A_1150 = arith.mulf %gather3A_1142, %gather3A_1149 : vector<16xf32>
        %add3A_1151 = arith.addf %add3A_1132, %mul3A_1150 : vector<16xf32>
        %gather3A_1152 = tpu.vector_load_idx %arg11[%min3A_1085, %and3A_1141] : memref<800x32xf32, #tpu.memory_space<vmem>>[vector<16xi32>, vector<16xi32>], vector<16xf32>,
        %mul3A_1153 = arith.mulf %gather3A_1142, %gather3A_1152 : vector<16xf32>
        %add3A_1154 = arith.addf %add3A_1135, %mul3A_1153 : vector<16xf32>
        %add3A_1155 = arith.constant 3 : i32
        %add3A_1156 = vector.broadcast %add3A_1155 : i32 to vector<16xi32>
        %add3A_1157 = arith.addi %iota3A, %add3A_1156 : vector<16xi32>
        %and3A_1158 = arith.constant 31 : i32
        %and3A_1159 = vector.broadcast %and3A_1158 : i32 to vector<16xi32>
        %and3A_1160 = arith.andi %add3A_1157, %and3A_1159 : vector<16xi32>
        %gather3A_1161 = tpu.vector_load_idx %arg13[%add3A_1089, %and3A_1160] : memref<16x32xf32, #tpu.memory_space<vmem>>[vector<16xi32>, vector<16xi32>], vector<16xf32>,
        %gather3A_1162 = tpu.vector_load_idx %arg11[%min3A_1058, %and3A_1160] : memref<800x32xf32, #tpu.memory_space<vmem>>[vector<16xi32>, vector<16xi32>], vector<16xf32>,
        %mul3A_1163 = arith.mulf %gather3A_1161, %gather3A_1162 : vector<16xf32>
        %add3A_1164 = arith.addf %add3A_1145, %mul3A_1163 : vector<16xf32>
        %gather3A_1165 = tpu.vector_load_idx %arg11[%min3A_1067, %and3A_1160] : memref<800x32xf32, #tpu.memory_space<vmem>>[vector<16xi32>, vector<16xi32>], vector<16xf32>,
        %mul3A_1166 = arith.mulf %gather3A_1161, %gather3A_1165 : vector<16xf32>
        %add3A_1167 = arith.addf %add3A_1148, %mul3A_1166 : vector<16xf32>
        %gather3A_1168 = tpu.vector_load_idx %arg11[%min3A_1076, %and3A_1160] : memref<800x32xf32, #tpu.memory_space<vmem>>[vector<16xi32>, vector<16xi32>], vector<16xf32>,
        %mul3A_1169 = arith.mulf %gather3A_1161, %gather3A_1168 : vector<16xf32>
        %add3A_1170 = arith.addf %add3A_1151, %mul3A_1169 : vector<16xf32>
        %gather3A_1171 = tpu.vector_load_idx %arg11[%min3A_1085, %and3A_1160] : memref<800x32xf32, #tpu.memory_space<vmem>>[vector<16xi32>, vector<16xi32>], vector<16xf32>,
        %mul3A_1172 = arith.mulf %gather3A_1161, %gather3A_1171 : vector<16xf32>
        %add3A_1173 = arith.addf %add3A_1154, %mul3A_1172 : vector<16xf32>
        %add3A_1174 = arith.constant 4 : i32
        %add3A_1175 = vector.broadcast %add3A_1174 : i32 to vector<16xi32>
        %add3A_1176 = arith.addi %iota3A, %add3A_1175 : vector<16xi32>
        %and3A_1177 = arith.constant 31 : i32
        %and3A_1178 = vector.broadcast %and3A_1177 : i32 to vector<16xi32>
        %and3A_1179 = arith.andi %add3A_1176, %and3A_1178 : vector<16xi32>
        %gather3A_1180 = tpu.vector_load_idx %arg13[%add3A_1089, %and3A_1179] : memref<16x32xf32, #tpu.memory_space<vmem>>[vector<16xi32>, vector<16xi32>], vector<16xf32>,
        %gather3A_1181 = tpu.vector_load_idx %arg11[%min3A_1058, %and3A_1179] : memref<800x32xf32, #tpu.memory_space<vmem>>[vector<16xi32>, vector<16xi32>], vector<16xf32>,
        %mul3A_1182 = arith.mulf %gather3A_1180, %gather3A_1181 : vector<16xf32>
        %add3A_1183 = arith.addf %add3A_1164, %mul3A_1182 : vector<16xf32>
        %gather3A_1184 = tpu.vector_load_idx %arg11[%min3A_1067, %and3A_1179] : memref<800x32xf32, #tpu.memory_space<vmem>>[vector<16xi32>, vector<16xi32>], vector<16xf32>,
        %mul3A_1185 = arith.mulf %gather3A_1180, %gather3A_1184 : vector<16xf32>
        %add3A_1186 = arith.addf %add3A_1167, %mul3A_1185 : vector<16xf32>
        %gather3A_1187 = tpu.vector_load_idx %arg11[%min3A_1076, %and3A_1179] : memref<800x32xf32, #tpu.memory_space<vmem>>[vector<16xi32>, vector<16xi32>], vector<16xf32>,
        %mul3A_1188 = arith.mulf %gather3A_1180, %gather3A_1187 : vector<16xf32>
        %add3A_1189 = arith.addf %add3A_1170, %mul3A_1188 : vector<16xf32>
        %gather3A_1190 = tpu.vector_load_idx %arg11[%min3A_1085, %and3A_1179] : memref<800x32xf32, #tpu.memory_space<vmem>>[vector<16xi32>, vector<16xi32>], vector<16xf32>,
        %mul3A_1191 = arith.mulf %gather3A_1180, %gather3A_1190 : vector<16xf32>
        %add3A_1192 = arith.addf %add3A_1173, %mul3A_1191 : vector<16xf32>
        %add3A_1193 = arith.constant 5 : i32
        %add3A_1194 = vector.broadcast %add3A_1193 : i32 to vector<16xi32>
        %add3A_1195 = arith.addi %iota3A, %add3A_1194 : vector<16xi32>
        %and3A_1196 = arith.constant 31 : i32
        %and3A_1197 = vector.broadcast %and3A_1196 : i32 to vector<16xi32>
        %and3A_1198 = arith.andi %add3A_1195, %and3A_1197 : vector<16xi32>
        %gather3A_1199 = tpu.vector_load_idx %arg13[%add3A_1089, %and3A_1198] : memref<16x32xf32, #tpu.memory_space<vmem>>[vector<16xi32>, vector<16xi32>], vector<16xf32>,
        %gather3A_1200 = tpu.vector_load_idx %arg11[%min3A_1058, %and3A_1198] : memref<800x32xf32, #tpu.memory_space<vmem>>[vector<16xi32>, vector<16xi32>], vector<16xf32>,
        %mul3A_1201 = arith.mulf %gather3A_1199, %gather3A_1200 : vector<16xf32>
        %add3A_1202 = arith.addf %add3A_1183, %mul3A_1201 : vector<16xf32>
        %gather3A_1203 = tpu.vector_load_idx %arg11[%min3A_1067, %and3A_1198] : memref<800x32xf32, #tpu.memory_space<vmem>>[vector<16xi32>, vector<16xi32>], vector<16xf32>,
        %mul3A_1204 = arith.mulf %gather3A_1199, %gather3A_1203 : vector<16xf32>
        %add3A_1205 = arith.addf %add3A_1186, %mul3A_1204 : vector<16xf32>
        %gather3A_1206 = tpu.vector_load_idx %arg11[%min3A_1076, %and3A_1198] : memref<800x32xf32, #tpu.memory_space<vmem>>[vector<16xi32>, vector<16xi32>], vector<16xf32>,
        %mul3A_1207 = arith.mulf %gather3A_1199, %gather3A_1206 : vector<16xf32>
        %add3A_1208 = arith.addf %add3A_1189, %mul3A_1207 : vector<16xf32>
        %gather3A_1209 = tpu.vector_load_idx %arg11[%min3A_1085, %and3A_1198] : memref<800x32xf32, #tpu.memory_space<vmem>>[vector<16xi32>, vector<16xi32>], vector<16xf32>,
        %mul3A_1210 = arith.mulf %gather3A_1199, %gather3A_1209 : vector<16xf32>
        %add3A_1211 = arith.addf %add3A_1192, %mul3A_1210 : vector<16xf32>
        %add3A_1212 = arith.constant 6 : i32
        %add3A_1213 = vector.broadcast %add3A_1212 : i32 to vector<16xi32>
        %add3A_1214 = arith.addi %iota3A, %add3A_1213 : vector<16xi32>
        %and3A_1215 = arith.constant 31 : i32
        %and3A_1216 = vector.broadcast %and3A_1215 : i32 to vector<16xi32>
        %and3A_1217 = arith.andi %add3A_1214, %and3A_1216 : vector<16xi32>
        %gather3A_1218 = tpu.vector_load_idx %arg13[%add3A_1089, %and3A_1217] : memref<16x32xf32, #tpu.memory_space<vmem>>[vector<16xi32>, vector<16xi32>], vector<16xf32>,
        %gather3A_1219 = tpu.vector_load_idx %arg11[%min3A_1058, %and3A_1217] : memref<800x32xf32, #tpu.memory_space<vmem>>[vector<16xi32>, vector<16xi32>], vector<16xf32>,
        %mul3A_1220 = arith.mulf %gather3A_1218, %gather3A_1219 : vector<16xf32>
        %add3A_1221 = arith.addf %add3A_1202, %mul3A_1220 : vector<16xf32>
        %gather3A_1222 = tpu.vector_load_idx %arg11[%min3A_1067, %and3A_1217] : memref<800x32xf32, #tpu.memory_space<vmem>>[vector<16xi32>, vector<16xi32>], vector<16xf32>,
        %mul3A_1223 = arith.mulf %gather3A_1218, %gather3A_1222 : vector<16xf32>
        %add3A_1224 = arith.addf %add3A_1205, %mul3A_1223 : vector<16xf32>
        %gather3A_1225 = tpu.vector_load_idx %arg11[%min3A_1076, %and3A_1217] : memref<800x32xf32, #tpu.memory_space<vmem>>[vector<16xi32>, vector<16xi32>], vector<16xf32>,
        %mul3A_1226 = arith.mulf %gather3A_1218, %gather3A_1225 : vector<16xf32>
        %add3A_1227 = arith.addf %add3A_1208, %mul3A_1226 : vector<16xf32>
        %gather3A_1228 = tpu.vector_load_idx %arg11[%min3A_1085, %and3A_1217] : memref<800x32xf32, #tpu.memory_space<vmem>>[vector<16xi32>, vector<16xi32>], vector<16xf32>,
        %mul3A_1229 = arith.mulf %gather3A_1218, %gather3A_1228 : vector<16xf32>
        %add3A_1230 = arith.addf %add3A_1211, %mul3A_1229 : vector<16xf32>
        %add3A_1231 = arith.constant 7 : i32
        %add3A_1232 = vector.broadcast %add3A_1231 : i32 to vector<16xi32>
        %add3A_1233 = arith.addi %iota3A, %add3A_1232 : vector<16xi32>
        %and3A_1234 = arith.constant 31 : i32
        %and3A_1235 = vector.broadcast %and3A_1234 : i32 to vector<16xi32>
        %and3A_1236 = arith.andi %add3A_1233, %and3A_1235 : vector<16xi32>
        %gather3A_1237 = tpu.vector_load_idx %arg13[%add3A_1089, %and3A_1236] : memref<16x32xf32, #tpu.memory_space<vmem>>[vector<16xi32>, vector<16xi32>], vector<16xf32>,
        %gather3A_1238 = tpu.vector_load_idx %arg11[%min3A_1058, %and3A_1236] : memref<800x32xf32, #tpu.memory_space<vmem>>[vector<16xi32>, vector<16xi32>], vector<16xf32>,
        %mul3A_1239 = arith.mulf %gather3A_1237, %gather3A_1238 : vector<16xf32>
        %add3A_1240 = arith.addf %add3A_1221, %mul3A_1239 : vector<16xf32>
        %gather3A_1241 = tpu.vector_load_idx %arg11[%min3A_1067, %and3A_1236] : memref<800x32xf32, #tpu.memory_space<vmem>>[vector<16xi32>, vector<16xi32>], vector<16xf32>,
        %mul3A_1242 = arith.mulf %gather3A_1237, %gather3A_1241 : vector<16xf32>
        %add3A_1243 = arith.addf %add3A_1224, %mul3A_1242 : vector<16xf32>
        %gather3A_1244 = tpu.vector_load_idx %arg11[%min3A_1076, %and3A_1236] : memref<800x32xf32, #tpu.memory_space<vmem>>[vector<16xi32>, vector<16xi32>], vector<16xf32>,
        %mul3A_1245 = arith.mulf %gather3A_1237, %gather3A_1244 : vector<16xf32>
        %add3A_1246 = arith.addf %add3A_1227, %mul3A_1245 : vector<16xf32>
        %gather3A_1247 = tpu.vector_load_idx %arg11[%min3A_1085, %and3A_1236] : memref<800x32xf32, #tpu.memory_space<vmem>>[vector<16xi32>, vector<16xi32>], vector<16xf32>,
        %mul3A_1248 = arith.mulf %gather3A_1237, %gather3A_1247 : vector<16xf32>
        %add3A_1249 = arith.addf %add3A_1230, %mul3A_1248 : vector<16xf32>
        %add3A_1250 = arith.constant 8 : i32
        %add3A_1251 = vector.broadcast %add3A_1250 : i32 to vector<16xi32>
        %add3A_1252 = arith.addi %iota3A, %add3A_1251 : vector<16xi32>
        %and3A_1253 = arith.constant 31 : i32
        %and3A_1254 = vector.broadcast %and3A_1253 : i32 to vector<16xi32>
        %and3A_1255 = arith.andi %add3A_1252, %and3A_1254 : vector<16xi32>
        %gather3A_1256 = tpu.vector_load_idx %arg13[%add3A_1089, %and3A_1255] : memref<16x32xf32, #tpu.memory_space<vmem>>[vector<16xi32>, vector<16xi32>], vector<16xf32>,
        %gather3A_1257 = tpu.vector_load_idx %arg11[%min3A_1058, %and3A_1255] : memref<800x32xf32, #tpu.memory_space<vmem>>[vector<16xi32>, vector<16xi32>], vector<16xf32>,
        %mul3A_1258 = arith.mulf %gather3A_1256, %gather3A_1257 : vector<16xf32>
        %add3A_1259 = arith.addf %add3A_1240, %mul3A_1258 : vector<16xf32>
        %gather3A_1260 = tpu.vector_load_idx %arg11[%min3A_1067, %and3A_1255] : memref<800x32xf32, #tpu.memory_space<vmem>>[vector<16xi32>, vector<16xi32>], vector<16xf32>,
        %mul3A_1261 = arith.mulf %gather3A_1256, %gather3A_1260 : vector<16xf32>
        %add3A_1262 = arith.addf %add3A_1243, %mul3A_1261 : vector<16xf32>
        %gather3A_1263 = tpu.vector_load_idx %arg11[%min3A_1076, %and3A_1255] : memref<800x32xf32, #tpu.memory_space<vmem>>[vector<16xi32>, vector<16xi32>], vector<16xf32>,
        %mul3A_1264 = arith.mulf %gather3A_1256, %gather3A_1263 : vector<16xf32>
        %add3A_1265 = arith.addf %add3A_1246, %mul3A_1264 : vector<16xf32>
        %gather3A_1266 = tpu.vector_load_idx %arg11[%min3A_1085, %and3A_1255] : memref<800x32xf32, #tpu.memory_space<vmem>>[vector<16xi32>, vector<16xi32>], vector<16xf32>,
        %mul3A_1267 = arith.mulf %gather3A_1256, %gather3A_1266 : vector<16xf32>
        %add3A_1268 = arith.addf %add3A_1249, %mul3A_1267 : vector<16xf32>
        %add3A_1269 = arith.constant 9 : i32
        %add3A_1270 = vector.broadcast %add3A_1269 : i32 to vector<16xi32>
        %add3A_1271 = arith.addi %iota3A, %add3A_1270 : vector<16xi32>
        %and3A_1272 = arith.constant 31 : i32
        %and3A_1273 = vector.broadcast %and3A_1272 : i32 to vector<16xi32>
        %and3A_1274 = arith.andi %add3A_1271, %and3A_1273 : vector<16xi32>
        %gather3A_1275 = tpu.vector_load_idx %arg13[%add3A_1089, %and3A_1274] : memref<16x32xf32, #tpu.memory_space<vmem>>[vector<16xi32>, vector<16xi32>], vector<16xf32>,
        %gather3A_1276 = tpu.vector_load_idx %arg11[%min3A_1058, %and3A_1274] : memref<800x32xf32, #tpu.memory_space<vmem>>[vector<16xi32>, vector<16xi32>], vector<16xf32>,
        %mul3A_1277 = arith.mulf %gather3A_1275, %gather3A_1276 : vector<16xf32>
        %add3A_1278 = arith.addf %add3A_1259, %mul3A_1277 : vector<16xf32>
        %gather3A_1279 = tpu.vector_load_idx %arg11[%min3A_1067, %and3A_1274] : memref<800x32xf32, #tpu.memory_space<vmem>>[vector<16xi32>, vector<16xi32>], vector<16xf32>,
        %mul3A_1280 = arith.mulf %gather3A_1275, %gather3A_1279 : vector<16xf32>
        %add3A_1281 = arith.addf %add3A_1262, %mul3A_1280 : vector<16xf32>
        %gather3A_1282 = tpu.vector_load_idx %arg11[%min3A_1076, %and3A_1274] : memref<800x32xf32, #tpu.memory_space<vmem>>[vector<16xi32>, vector<16xi32>], vector<16xf32>,
        %mul3A_1283 = arith.mulf %gather3A_1275, %gather3A_1282 : vector<16xf32>
        %add3A_1284 = arith.addf %add3A_1265, %mul3A_1283 : vector<16xf32>
        %gather3A_1285 = tpu.vector_load_idx %arg11[%min3A_1085, %and3A_1274] : memref<800x32xf32, #tpu.memory_space<vmem>>[vector<16xi32>, vector<16xi32>], vector<16xf32>,
        %mul3A_1286 = arith.mulf %gather3A_1275, %gather3A_1285 : vector<16xf32>
        %add3A_1287 = arith.addf %add3A_1268, %mul3A_1286 : vector<16xf32>
        %add3A_1288 = arith.constant 10 : i32
        %add3A_1289 = vector.broadcast %add3A_1288 : i32 to vector<16xi32>
        %add3A_1290 = arith.addi %iota3A, %add3A_1289 : vector<16xi32>
        %and3A_1291 = arith.constant 31 : i32
        %and3A_1292 = vector.broadcast %and3A_1291 : i32 to vector<16xi32>
        %and3A_1293 = arith.andi %add3A_1290, %and3A_1292 : vector<16xi32>
        %gather3A_1294 = tpu.vector_load_idx %arg13[%add3A_1089, %and3A_1293] : memref<16x32xf32, #tpu.memory_space<vmem>>[vector<16xi32>, vector<16xi32>], vector<16xf32>,
        %gather3A_1295 = tpu.vector_load_idx %arg11[%min3A_1058, %and3A_1293] : memref<800x32xf32, #tpu.memory_space<vmem>>[vector<16xi32>, vector<16xi32>], vector<16xf32>,
        %mul3A_1296 = arith.mulf %gather3A_1294, %gather3A_1295 : vector<16xf32>
        %add3A_1297 = arith.addf %add3A_1278, %mul3A_1296 : vector<16xf32>
        %gather3A_1298 = tpu.vector_load_idx %arg11[%min3A_1067, %and3A_1293] : memref<800x32xf32, #tpu.memory_space<vmem>>[vector<16xi32>, vector<16xi32>], vector<16xf32>,
        %mul3A_1299 = arith.mulf %gather3A_1294, %gather3A_1298 : vector<16xf32>
        %add3A_1300 = arith.addf %add3A_1281, %mul3A_1299 : vector<16xf32>
        %gather3A_1301 = tpu.vector_load_idx %arg11[%min3A_1076, %and3A_1293] : memref<800x32xf32, #tpu.memory_space<vmem>>[vector<16xi32>, vector<16xi32>], vector<16xf32>,
        %mul3A_1302 = arith.mulf %gather3A_1294, %gather3A_1301 : vector<16xf32>
        %add3A_1303 = arith.addf %add3A_1284, %mul3A_1302 : vector<16xf32>
        %gather3A_1304 = tpu.vector_load_idx %arg11[%min3A_1085, %and3A_1293] : memref<800x32xf32, #tpu.memory_space<vmem>>[vector<16xi32>, vector<16xi32>], vector<16xf32>,
        %mul3A_1305 = arith.mulf %gather3A_1294, %gather3A_1304 : vector<16xf32>
        %add3A_1306 = arith.addf %add3A_1287, %mul3A_1305 : vector<16xf32>
        %add3A_1307 = arith.constant 11 : i32
        %add3A_1308 = vector.broadcast %add3A_1307 : i32 to vector<16xi32>
        %add3A_1309 = arith.addi %iota3A, %add3A_1308 : vector<16xi32>
        %and3A_1310 = arith.constant 31 : i32
        %and3A_1311 = vector.broadcast %and3A_1310 : i32 to vector<16xi32>
        %and3A_1312 = arith.andi %add3A_1309, %and3A_1311 : vector<16xi32>
        %gather3A_1313 = tpu.vector_load_idx %arg13[%add3A_1089, %and3A_1312] : memref<16x32xf32, #tpu.memory_space<vmem>>[vector<16xi32>, vector<16xi32>], vector<16xf32>,
        %gather3A_1314 = tpu.vector_load_idx %arg11[%min3A_1058, %and3A_1312] : memref<800x32xf32, #tpu.memory_space<vmem>>[vector<16xi32>, vector<16xi32>], vector<16xf32>,
        %mul3A_1315 = arith.mulf %gather3A_1313, %gather3A_1314 : vector<16xf32>
        %add3A_1316 = arith.addf %add3A_1297, %mul3A_1315 : vector<16xf32>
        %gather3A_1317 = tpu.vector_load_idx %arg11[%min3A_1067, %and3A_1312] : memref<800x32xf32, #tpu.memory_space<vmem>>[vector<16xi32>, vector<16xi32>], vector<16xf32>,
        %mul3A_1318 = arith.mulf %gather3A_1313, %gather3A_1317 : vector<16xf32>
        %add3A_1319 = arith.addf %add3A_1300, %mul3A_1318 : vector<16xf32>
        %gather3A_1320 = tpu.vector_load_idx %arg11[%min3A_1076, %and3A_1312] : memref<800x32xf32, #tpu.memory_space<vmem>>[vector<16xi32>, vector<16xi32>], vector<16xf32>,
        %mul3A_1321 = arith.mulf %gather3A_1313, %gather3A_1320 : vector<16xf32>
        %add3A_1322 = arith.addf %add3A_1303, %mul3A_1321 : vector<16xf32>
        %gather3A_1323 = tpu.vector_load_idx %arg11[%min3A_1085, %and3A_1312] : memref<800x32xf32, #tpu.memory_space<vmem>>[vector<16xi32>, vector<16xi32>], vector<16xf32>,
        %mul3A_1324 = arith.mulf %gather3A_1313, %gather3A_1323 : vector<16xf32>
        %add3A_1325 = arith.addf %add3A_1306, %mul3A_1324 : vector<16xf32>
        %add3A_1326 = arith.constant 12 : i32
        %add3A_1327 = vector.broadcast %add3A_1326 : i32 to vector<16xi32>
        %add3A_1328 = arith.addi %iota3A, %add3A_1327 : vector<16xi32>
        %and3A_1329 = arith.constant 31 : i32
        %and3A_1330 = vector.broadcast %and3A_1329 : i32 to vector<16xi32>
        %and3A_1331 = arith.andi %add3A_1328, %and3A_1330 : vector<16xi32>
        %gather3A_1332 = tpu.vector_load_idx %arg13[%add3A_1089, %and3A_1331] : memref<16x32xf32, #tpu.memory_space<vmem>>[vector<16xi32>, vector<16xi32>], vector<16xf32>,
        %gather3A_1333 = tpu.vector_load_idx %arg11[%min3A_1058, %and3A_1331] : memref<800x32xf32, #tpu.memory_space<vmem>>[vector<16xi32>, vector<16xi32>], vector<16xf32>,
        %mul3A_1334 = arith.mulf %gather3A_1332, %gather3A_1333 : vector<16xf32>
        %add3A_1335 = arith.addf %add3A_1316, %mul3A_1334 : vector<16xf32>
        %gather3A_1336 = tpu.vector_load_idx %arg11[%min3A_1067, %and3A_1331] : memref<800x32xf32, #tpu.memory_space<vmem>>[vector<16xi32>, vector<16xi32>], vector<16xf32>,
        %mul3A_1337 = arith.mulf %gather3A_1332, %gather3A_1336 : vector<16xf32>
        %add3A_1338 = arith.addf %add3A_1319, %mul3A_1337 : vector<16xf32>
        %gather3A_1339 = tpu.vector_load_idx %arg11[%min3A_1076, %and3A_1331] : memref<800x32xf32, #tpu.memory_space<vmem>>[vector<16xi32>, vector<16xi32>], vector<16xf32>,
        %mul3A_1340 = arith.mulf %gather3A_1332, %gather3A_1339 : vector<16xf32>
        %add3A_1341 = arith.addf %add3A_1322, %mul3A_1340 : vector<16xf32>
        %gather3A_1342 = tpu.vector_load_idx %arg11[%min3A_1085, %and3A_1331] : memref<800x32xf32, #tpu.memory_space<vmem>>[vector<16xi32>, vector<16xi32>], vector<16xf32>,
        %mul3A_1343 = arith.mulf %gather3A_1332, %gather3A_1342 : vector<16xf32>
        %add3A_1344 = arith.addf %add3A_1325, %mul3A_1343 : vector<16xf32>
        %add3A_1345 = arith.constant 13 : i32
        %add3A_1346 = vector.broadcast %add3A_1345 : i32 to vector<16xi32>
        %add3A_1347 = arith.addi %iota3A, %add3A_1346 : vector<16xi32>
        %and3A_1348 = arith.constant 31 : i32
        %and3A_1349 = vector.broadcast %and3A_1348 : i32 to vector<16xi32>
        %and3A_1350 = arith.andi %add3A_1347, %and3A_1349 : vector<16xi32>
        %gather3A_1351 = tpu.vector_load_idx %arg13[%add3A_1089, %and3A_1350] : memref<16x32xf32, #tpu.memory_space<vmem>>[vector<16xi32>, vector<16xi32>], vector<16xf32>,
        %gather3A_1352 = tpu.vector_load_idx %arg11[%min3A_1058, %and3A_1350] : memref<800x32xf32, #tpu.memory_space<vmem>>[vector<16xi32>, vector<16xi32>], vector<16xf32>,
        %mul3A_1353 = arith.mulf %gather3A_1351, %gather3A_1352 : vector<16xf32>
        %add3A_1354 = arith.addf %add3A_1335, %mul3A_1353 : vector<16xf32>
        %gather3A_1355 = tpu.vector_load_idx %arg11[%min3A_1067, %and3A_1350] : memref<800x32xf32, #tpu.memory_space<vmem>>[vector<16xi32>, vector<16xi32>], vector<16xf32>,
        %mul3A_1356 = arith.mulf %gather3A_1351, %gather3A_1355 : vector<16xf32>
        %add3A_1357 = arith.addf %add3A_1338, %mul3A_1356 : vector<16xf32>
        %gather3A_1358 = tpu.vector_load_idx %arg11[%min3A_1076, %and3A_1350] : memref<800x32xf32, #tpu.memory_space<vmem>>[vector<16xi32>, vector<16xi32>], vector<16xf32>,
        %mul3A_1359 = arith.mulf %gather3A_1351, %gather3A_1358 : vector<16xf32>
        %add3A_1360 = arith.addf %add3A_1341, %mul3A_1359 : vector<16xf32>
        %gather3A_1361 = tpu.vector_load_idx %arg11[%min3A_1085, %and3A_1350] : memref<800x32xf32, #tpu.memory_space<vmem>>[vector<16xi32>, vector<16xi32>], vector<16xf32>,
        %mul3A_1362 = arith.mulf %gather3A_1351, %gather3A_1361 : vector<16xf32>
        %add3A_1363 = arith.addf %add3A_1344, %mul3A_1362 : vector<16xf32>
        %add3A_1364 = arith.constant 14 : i32
        %add3A_1365 = vector.broadcast %add3A_1364 : i32 to vector<16xi32>
        %add3A_1366 = arith.addi %iota3A, %add3A_1365 : vector<16xi32>
        %and3A_1367 = arith.constant 31 : i32
        %and3A_1368 = vector.broadcast %and3A_1367 : i32 to vector<16xi32>
        %and3A_1369 = arith.andi %add3A_1366, %and3A_1368 : vector<16xi32>
        %gather3A_1370 = tpu.vector_load_idx %arg13[%add3A_1089, %and3A_1369] : memref<16x32xf32, #tpu.memory_space<vmem>>[vector<16xi32>, vector<16xi32>], vector<16xf32>,
        %gather3A_1371 = tpu.vector_load_idx %arg11[%min3A_1058, %and3A_1369] : memref<800x32xf32, #tpu.memory_space<vmem>>[vector<16xi32>, vector<16xi32>], vector<16xf32>,
        %mul3A_1372 = arith.mulf %gather3A_1370, %gather3A_1371 : vector<16xf32>
        %add3A_1373 = arith.addf %add3A_1354, %mul3A_1372 : vector<16xf32>
        %gather3A_1374 = tpu.vector_load_idx %arg11[%min3A_1067, %and3A_1369] : memref<800x32xf32, #tpu.memory_space<vmem>>[vector<16xi32>, vector<16xi32>], vector<16xf32>,
        %mul3A_1375 = arith.mulf %gather3A_1370, %gather3A_1374 : vector<16xf32>
        %add3A_1376 = arith.addf %add3A_1357, %mul3A_1375 : vector<16xf32>
        %gather3A_1377 = tpu.vector_load_idx %arg11[%min3A_1076, %and3A_1369] : memref<800x32xf32, #tpu.memory_space<vmem>>[vector<16xi32>, vector<16xi32>], vector<16xf32>,
        %mul3A_1378 = arith.mulf %gather3A_1370, %gather3A_1377 : vector<16xf32>
        %add3A_1379 = arith.addf %add3A_1360, %mul3A_1378 : vector<16xf32>
        %gather3A_1380 = tpu.vector_load_idx %arg11[%min3A_1085, %and3A_1369] : memref<800x32xf32, #tpu.memory_space<vmem>>[vector<16xi32>, vector<16xi32>], vector<16xf32>,
        %mul3A_1381 = arith.mulf %gather3A_1370, %gather3A_1380 : vector<16xf32>
        %add3A_1382 = arith.addf %add3A_1363, %mul3A_1381 : vector<16xf32>
        %add3A_1383 = arith.constant 15 : i32
        %add3A_1384 = vector.broadcast %add3A_1383 : i32 to vector<16xi32>
        %add3A_1385 = arith.addi %iota3A, %add3A_1384 : vector<16xi32>
        %and3A_1386 = arith.constant 31 : i32
        %and3A_1387 = vector.broadcast %and3A_1386 : i32 to vector<16xi32>
        %and3A_1388 = arith.andi %add3A_1385, %and3A_1387 : vector<16xi32>
        %gather3A_1389 = tpu.vector_load_idx %arg13[%add3A_1089, %and3A_1388] : memref<16x32xf32, #tpu.memory_space<vmem>>[vector<16xi32>, vector<16xi32>], vector<16xf32>,
        %gather3A_1390 = tpu.vector_load_idx %arg11[%min3A_1058, %and3A_1388] : memref<800x32xf32, #tpu.memory_space<vmem>>[vector<16xi32>, vector<16xi32>], vector<16xf32>,
        %mul3A_1391 = arith.mulf %gather3A_1389, %gather3A_1390 : vector<16xf32>
        %add3A_1392 = arith.addf %add3A_1373, %mul3A_1391 : vector<16xf32>
        %gather3A_1393 = tpu.vector_load_idx %arg11[%min3A_1067, %and3A_1388] : memref<800x32xf32, #tpu.memory_space<vmem>>[vector<16xi32>, vector<16xi32>], vector<16xf32>,
        %mul3A_1394 = arith.mulf %gather3A_1389, %gather3A_1393 : vector<16xf32>
        %add3A_1395 = arith.addf %add3A_1376, %mul3A_1394 : vector<16xf32>
        %gather3A_1396 = tpu.vector_load_idx %arg11[%min3A_1076, %and3A_1388] : memref<800x32xf32, #tpu.memory_space<vmem>>[vector<16xi32>, vector<16xi32>], vector<16xf32>,
        %mul3A_1397 = arith.mulf %gather3A_1389, %gather3A_1396 : vector<16xf32>
        %add3A_1398 = arith.addf %add3A_1379, %mul3A_1397 : vector<16xf32>
        %gather3A_1399 = tpu.vector_load_idx %arg11[%min3A_1085, %and3A_1388] : memref<800x32xf32, #tpu.memory_space<vmem>>[vector<16xi32>, vector<16xi32>], vector<16xf32>,
        %mul3A_1400 = arith.mulf %gather3A_1389, %gather3A_1399 : vector<16xf32>
        %add3A_1401 = arith.addf %add3A_1382, %mul3A_1400 : vector<16xf32>
        %add3A_1402 = arith.constant 16 : i32
        %add3A_1403 = vector.broadcast %add3A_1402 : i32 to vector<16xi32>
        %add3A_1404 = arith.addi %iota3A, %add3A_1403 : vector<16xi32>
        %and3A_1405 = arith.constant 31 : i32
        %and3A_1406 = vector.broadcast %and3A_1405 : i32 to vector<16xi32>
        %and3A_1407 = arith.andi %add3A_1404, %and3A_1406 : vector<16xi32>
        %gather3A_1408 = tpu.vector_load_idx %arg13[%add3A_1089, %and3A_1407] : memref<16x32xf32, #tpu.memory_space<vmem>>[vector<16xi32>, vector<16xi32>], vector<16xf32>,
        %gather3A_1409 = tpu.vector_load_idx %arg11[%min3A_1058, %and3A_1407] : memref<800x32xf32, #tpu.memory_space<vmem>>[vector<16xi32>, vector<16xi32>], vector<16xf32>,
        %mul3A_1410 = arith.mulf %gather3A_1408, %gather3A_1409 : vector<16xf32>
        %add3A_1411 = arith.addf %add3A_1392, %mul3A_1410 : vector<16xf32>
        %gather3A_1412 = tpu.vector_load_idx %arg11[%min3A_1067, %and3A_1407] : memref<800x32xf32, #tpu.memory_space<vmem>>[vector<16xi32>, vector<16xi32>], vector<16xf32>,
        %mul3A_1413 = arith.mulf %gather3A_1408, %gather3A_1412 : vector<16xf32>
        %add3A_1414 = arith.addf %add3A_1395, %mul3A_1413 : vector<16xf32>
        %gather3A_1415 = tpu.vector_load_idx %arg11[%min3A_1076, %and3A_1407] : memref<800x32xf32, #tpu.memory_space<vmem>>[vector<16xi32>, vector<16xi32>], vector<16xf32>,
        %mul3A_1416 = arith.mulf %gather3A_1408, %gather3A_1415 : vector<16xf32>
        %add3A_1417 = arith.addf %add3A_1398, %mul3A_1416 : vector<16xf32>
        %gather3A_1418 = tpu.vector_load_idx %arg11[%min3A_1085, %and3A_1407] : memref<800x32xf32, #tpu.memory_space<vmem>>[vector<16xi32>, vector<16xi32>], vector<16xf32>,
        %mul3A_1419 = arith.mulf %gather3A_1408, %gather3A_1418 : vector<16xf32>
        %add3A_1420 = arith.addf %add3A_1401, %mul3A_1419 : vector<16xf32>
        %add3A_1421 = arith.constant 17 : i32
        %add3A_1422 = vector.broadcast %add3A_1421 : i32 to vector<16xi32>
        %add3A_1423 = arith.addi %iota3A, %add3A_1422 : vector<16xi32>
        %and3A_1424 = arith.constant 31 : i32
        %and3A_1425 = vector.broadcast %and3A_1424 : i32 to vector<16xi32>
        %and3A_1426 = arith.andi %add3A_1423, %and3A_1425 : vector<16xi32>
        %gather3A_1427 = tpu.vector_load_idx %arg13[%add3A_1089, %and3A_1426] : memref<16x32xf32, #tpu.memory_space<vmem>>[vector<16xi32>, vector<16xi32>], vector<16xf32>,
        %gather3A_1428 = tpu.vector_load_idx %arg11[%min3A_1058, %and3A_1426] : memref<800x32xf32, #tpu.memory_space<vmem>>[vector<16xi32>, vector<16xi32>], vector<16xf32>,
        %mul3A_1429 = arith.mulf %gather3A_1427, %gather3A_1428 : vector<16xf32>
        %add3A_1430 = arith.addf %add3A_1411, %mul3A_1429 : vector<16xf32>
        %gather3A_1431 = tpu.vector_load_idx %arg11[%min3A_1067, %and3A_1426] : memref<800x32xf32, #tpu.memory_space<vmem>>[vector<16xi32>, vector<16xi32>], vector<16xf32>,
        %mul3A_1432 = arith.mulf %gather3A_1427, %gather3A_1431 : vector<16xf32>
        %add3A_1433 = arith.addf %add3A_1414, %mul3A_1432 : vector<16xf32>
        %gather3A_1434 = tpu.vector_load_idx %arg11[%min3A_1076, %and3A_1426] : memref<800x32xf32, #tpu.memory_space<vmem>>[vector<16xi32>, vector<16xi32>], vector<16xf32>,
        %mul3A_1435 = arith.mulf %gather3A_1427, %gather3A_1434 : vector<16xf32>
        %add3A_1436 = arith.addf %add3A_1417, %mul3A_1435 : vector<16xf32>
        %gather3A_1437 = tpu.vector_load_idx %arg11[%min3A_1085, %and3A_1426] : memref<800x32xf32, #tpu.memory_space<vmem>>[vector<16xi32>, vector<16xi32>], vector<16xf32>,
        %mul3A_1438 = arith.mulf %gather3A_1427, %gather3A_1437 : vector<16xf32>
        %add3A_1439 = arith.addf %add3A_1420, %mul3A_1438 : vector<16xf32>
        %add3A_1440 = arith.constant 18 : i32
        %add3A_1441 = vector.broadcast %add3A_1440 : i32 to vector<16xi32>
        %add3A_1442 = arith.addi %iota3A, %add3A_1441 : vector<16xi32>
        %and3A_1443 = arith.constant 31 : i32
        %and3A_1444 = vector.broadcast %and3A_1443 : i32 to vector<16xi32>
        %and3A_1445 = arith.andi %add3A_1442, %and3A_1444 : vector<16xi32>
        %gather3A_1446 = tpu.vector_load_idx %arg13[%add3A_1089, %and3A_1445] : memref<16x32xf32, #tpu.memory_space<vmem>>[vector<16xi32>, vector<16xi32>], vector<16xf32>,
        %gather3A_1447 = tpu.vector_load_idx %arg11[%min3A_1058, %and3A_1445] : memref<800x32xf32, #tpu.memory_space<vmem>>[vector<16xi32>, vector<16xi32>], vector<16xf32>,
        %mul3A_1448 = arith.mulf %gather3A_1446, %gather3A_1447 : vector<16xf32>
        %add3A_1449 = arith.addf %add3A_1430, %mul3A_1448 : vector<16xf32>
        %gather3A_1450 = tpu.vector_load_idx %arg11[%min3A_1067, %and3A_1445] : memref<800x32xf32, #tpu.memory_space<vmem>>[vector<16xi32>, vector<16xi32>], vector<16xf32>,
        %mul3A_1451 = arith.mulf %gather3A_1446, %gather3A_1450 : vector<16xf32>
        %add3A_1452 = arith.addf %add3A_1433, %mul3A_1451 : vector<16xf32>
        %gather3A_1453 = tpu.vector_load_idx %arg11[%min3A_1076, %and3A_1445] : memref<800x32xf32, #tpu.memory_space<vmem>>[vector<16xi32>, vector<16xi32>], vector<16xf32>,
        %mul3A_1454 = arith.mulf %gather3A_1446, %gather3A_1453 : vector<16xf32>
        %add3A_1455 = arith.addf %add3A_1436, %mul3A_1454 : vector<16xf32>
        %gather3A_1456 = tpu.vector_load_idx %arg11[%min3A_1085, %and3A_1445] : memref<800x32xf32, #tpu.memory_space<vmem>>[vector<16xi32>, vector<16xi32>], vector<16xf32>,
        %mul3A_1457 = arith.mulf %gather3A_1446, %gather3A_1456 : vector<16xf32>
        %add3A_1458 = arith.addf %add3A_1439, %mul3A_1457 : vector<16xf32>
        %add3A_1459 = arith.constant 19 : i32
        %add3A_1460 = vector.broadcast %add3A_1459 : i32 to vector<16xi32>
        %add3A_1461 = arith.addi %iota3A, %add3A_1460 : vector<16xi32>
        %and3A_1462 = arith.constant 31 : i32
        %and3A_1463 = vector.broadcast %and3A_1462 : i32 to vector<16xi32>
        %and3A_1464 = arith.andi %add3A_1461, %and3A_1463 : vector<16xi32>
        %gather3A_1465 = tpu.vector_load_idx %arg13[%add3A_1089, %and3A_1464] : memref<16x32xf32, #tpu.memory_space<vmem>>[vector<16xi32>, vector<16xi32>], vector<16xf32>,
        %gather3A_1466 = tpu.vector_load_idx %arg11[%min3A_1058, %and3A_1464] : memref<800x32xf32, #tpu.memory_space<vmem>>[vector<16xi32>, vector<16xi32>], vector<16xf32>,
        %mul3A_1467 = arith.mulf %gather3A_1465, %gather3A_1466 : vector<16xf32>
        %add3A_1468 = arith.addf %add3A_1449, %mul3A_1467 : vector<16xf32>
        %gather3A_1469 = tpu.vector_load_idx %arg11[%min3A_1067, %and3A_1464] : memref<800x32xf32, #tpu.memory_space<vmem>>[vector<16xi32>, vector<16xi32>], vector<16xf32>,
        %mul3A_1470 = arith.mulf %gather3A_1465, %gather3A_1469 : vector<16xf32>
        %add3A_1471 = arith.addf %add3A_1452, %mul3A_1470 : vector<16xf32>
        %gather3A_1472 = tpu.vector_load_idx %arg11[%min3A_1076, %and3A_1464] : memref<800x32xf32, #tpu.memory_space<vmem>>[vector<16xi32>, vector<16xi32>], vector<16xf32>,
        %mul3A_1473 = arith.mulf %gather3A_1465, %gather3A_1472 : vector<16xf32>
        %add3A_1474 = arith.addf %add3A_1455, %mul3A_1473 : vector<16xf32>
        %gather3A_1475 = tpu.vector_load_idx %arg11[%min3A_1085, %and3A_1464] : memref<800x32xf32, #tpu.memory_space<vmem>>[vector<16xi32>, vector<16xi32>], vector<16xf32>,
        %mul3A_1476 = arith.mulf %gather3A_1465, %gather3A_1475 : vector<16xf32>
        %add3A_1477 = arith.addf %add3A_1458, %mul3A_1476 : vector<16xf32>
        %add3A_1478 = arith.constant 20 : i32
        %add3A_1479 = vector.broadcast %add3A_1478 : i32 to vector<16xi32>
        %add3A_1480 = arith.addi %iota3A, %add3A_1479 : vector<16xi32>
        %and3A_1481 = arith.constant 31 : i32
        %and3A_1482 = vector.broadcast %and3A_1481 : i32 to vector<16xi32>
        %and3A_1483 = arith.andi %add3A_1480, %and3A_1482 : vector<16xi32>
        %gather3A_1484 = tpu.vector_load_idx %arg13[%add3A_1089, %and3A_1483] : memref<16x32xf32, #tpu.memory_space<vmem>>[vector<16xi32>, vector<16xi32>], vector<16xf32>,
        %gather3A_1485 = tpu.vector_load_idx %arg11[%min3A_1058, %and3A_1483] : memref<800x32xf32, #tpu.memory_space<vmem>>[vector<16xi32>, vector<16xi32>], vector<16xf32>,
        %mul3A_1486 = arith.mulf %gather3A_1484, %gather3A_1485 : vector<16xf32>
        %add3A_1487 = arith.addf %add3A_1468, %mul3A_1486 : vector<16xf32>
        %gather3A_1488 = tpu.vector_load_idx %arg11[%min3A_1067, %and3A_1483] : memref<800x32xf32, #tpu.memory_space<vmem>>[vector<16xi32>, vector<16xi32>], vector<16xf32>,
        %mul3A_1489 = arith.mulf %gather3A_1484, %gather3A_1488 : vector<16xf32>
        %add3A_1490 = arith.addf %add3A_1471, %mul3A_1489 : vector<16xf32>
        %gather3A_1491 = tpu.vector_load_idx %arg11[%min3A_1076, %and3A_1483] : memref<800x32xf32, #tpu.memory_space<vmem>>[vector<16xi32>, vector<16xi32>], vector<16xf32>,
        %mul3A_1492 = arith.mulf %gather3A_1484, %gather3A_1491 : vector<16xf32>
        %add3A_1493 = arith.addf %add3A_1474, %mul3A_1492 : vector<16xf32>
        %gather3A_1494 = tpu.vector_load_idx %arg11[%min3A_1085, %and3A_1483] : memref<800x32xf32, #tpu.memory_space<vmem>>[vector<16xi32>, vector<16xi32>], vector<16xf32>,
        %mul3A_1495 = arith.mulf %gather3A_1484, %gather3A_1494 : vector<16xf32>
        %add3A_1496 = arith.addf %add3A_1477, %mul3A_1495 : vector<16xf32>
        %add3A_1497 = arith.constant 21 : i32
        %add3A_1498 = vector.broadcast %add3A_1497 : i32 to vector<16xi32>
        %add3A_1499 = arith.addi %iota3A, %add3A_1498 : vector<16xi32>
        %and3A_1500 = arith.constant 31 : i32
        %and3A_1501 = vector.broadcast %and3A_1500 : i32 to vector<16xi32>
        %and3A_1502 = arith.andi %add3A_1499, %and3A_1501 : vector<16xi32>
        %gather3A_1503 = tpu.vector_load_idx %arg13[%add3A_1089, %and3A_1502] : memref<16x32xf32, #tpu.memory_space<vmem>>[vector<16xi32>, vector<16xi32>], vector<16xf32>,
        %gather3A_1504 = tpu.vector_load_idx %arg11[%min3A_1058, %and3A_1502] : memref<800x32xf32, #tpu.memory_space<vmem>>[vector<16xi32>, vector<16xi32>], vector<16xf32>,
        %mul3A_1505 = arith.mulf %gather3A_1503, %gather3A_1504 : vector<16xf32>
        %add3A_1506 = arith.addf %add3A_1487, %mul3A_1505 : vector<16xf32>
        %gather3A_1507 = tpu.vector_load_idx %arg11[%min3A_1067, %and3A_1502] : memref<800x32xf32, #tpu.memory_space<vmem>>[vector<16xi32>, vector<16xi32>], vector<16xf32>,
        %mul3A_1508 = arith.mulf %gather3A_1503, %gather3A_1507 : vector<16xf32>
        %add3A_1509 = arith.addf %add3A_1490, %mul3A_1508 : vector<16xf32>
        %gather3A_1510 = tpu.vector_load_idx %arg11[%min3A_1076, %and3A_1502] : memref<800x32xf32, #tpu.memory_space<vmem>>[vector<16xi32>, vector<16xi32>], vector<16xf32>,
        %mul3A_1511 = arith.mulf %gather3A_1503, %gather3A_1510 : vector<16xf32>
        %add3A_1512 = arith.addf %add3A_1493, %mul3A_1511 : vector<16xf32>
        %gather3A_1513 = tpu.vector_load_idx %arg11[%min3A_1085, %and3A_1502] : memref<800x32xf32, #tpu.memory_space<vmem>>[vector<16xi32>, vector<16xi32>], vector<16xf32>,
        %mul3A_1514 = arith.mulf %gather3A_1503, %gather3A_1513 : vector<16xf32>
        %add3A_1515 = arith.addf %add3A_1496, %mul3A_1514 : vector<16xf32>
        %add3A_1516 = arith.constant 22 : i32
        %add3A_1517 = vector.broadcast %add3A_1516 : i32 to vector<16xi32>
        %add3A_1518 = arith.addi %iota3A, %add3A_1517 : vector<16xi32>
        %and3A_1519 = arith.constant 31 : i32
        %and3A_1520 = vector.broadcast %and3A_1519 : i32 to vector<16xi32>
        %and3A_1521 = arith.andi %add3A_1518, %and3A_1520 : vector<16xi32>
        %gather3A_1522 = tpu.vector_load_idx %arg13[%add3A_1089, %and3A_1521] : memref<16x32xf32, #tpu.memory_space<vmem>>[vector<16xi32>, vector<16xi32>], vector<16xf32>,
        %gather3A_1523 = tpu.vector_load_idx %arg11[%min3A_1058, %and3A_1521] : memref<800x32xf32, #tpu.memory_space<vmem>>[vector<16xi32>, vector<16xi32>], vector<16xf32>,
        %mul3A_1524 = arith.mulf %gather3A_1522, %gather3A_1523 : vector<16xf32>
        %add3A_1525 = arith.addf %add3A_1506, %mul3A_1524 : vector<16xf32>
        %gather3A_1526 = tpu.vector_load_idx %arg11[%min3A_1067, %and3A_1521] : memref<800x32xf32, #tpu.memory_space<vmem>>[vector<16xi32>, vector<16xi32>], vector<16xf32>,
        %mul3A_1527 = arith.mulf %gather3A_1522, %gather3A_1526 : vector<16xf32>
        %add3A_1528 = arith.addf %add3A_1509, %mul3A_1527 : vector<16xf32>
        %gather3A_1529 = tpu.vector_load_idx %arg11[%min3A_1076, %and3A_1521] : memref<800x32xf32, #tpu.memory_space<vmem>>[vector<16xi32>, vector<16xi32>], vector<16xf32>,
        %mul3A_1530 = arith.mulf %gather3A_1522, %gather3A_1529 : vector<16xf32>
        %add3A_1531 = arith.addf %add3A_1512, %mul3A_1530 : vector<16xf32>
        %gather3A_1532 = tpu.vector_load_idx %arg11[%min3A_1085, %and3A_1521] : memref<800x32xf32, #tpu.memory_space<vmem>>[vector<16xi32>, vector<16xi32>], vector<16xf32>,
        %mul3A_1533 = arith.mulf %gather3A_1522, %gather3A_1532 : vector<16xf32>
        %add3A_1534 = arith.addf %add3A_1515, %mul3A_1533 : vector<16xf32>
        %add3A_1535 = arith.constant 23 : i32
        %add3A_1536 = vector.broadcast %add3A_1535 : i32 to vector<16xi32>
        %add3A_1537 = arith.addi %iota3A, %add3A_1536 : vector<16xi32>
        %and3A_1538 = arith.constant 31 : i32
        %and3A_1539 = vector.broadcast %and3A_1538 : i32 to vector<16xi32>
        %and3A_1540 = arith.andi %add3A_1537, %and3A_1539 : vector<16xi32>
        %gather3A_1541 = tpu.vector_load_idx %arg13[%add3A_1089, %and3A_1540] : memref<16x32xf32, #tpu.memory_space<vmem>>[vector<16xi32>, vector<16xi32>], vector<16xf32>,
        %gather3A_1542 = tpu.vector_load_idx %arg11[%min3A_1058, %and3A_1540] : memref<800x32xf32, #tpu.memory_space<vmem>>[vector<16xi32>, vector<16xi32>], vector<16xf32>,
        %mul3A_1543 = arith.mulf %gather3A_1541, %gather3A_1542 : vector<16xf32>
        %add3A_1544 = arith.addf %add3A_1525, %mul3A_1543 : vector<16xf32>
        %gather3A_1545 = tpu.vector_load_idx %arg11[%min3A_1067, %and3A_1540] : memref<800x32xf32, #tpu.memory_space<vmem>>[vector<16xi32>, vector<16xi32>], vector<16xf32>,
        %mul3A_1546 = arith.mulf %gather3A_1541, %gather3A_1545 : vector<16xf32>
        %add3A_1547 = arith.addf %add3A_1528, %mul3A_1546 : vector<16xf32>
        %gather3A_1548 = tpu.vector_load_idx %arg11[%min3A_1076, %and3A_1540] : memref<800x32xf32, #tpu.memory_space<vmem>>[vector<16xi32>, vector<16xi32>], vector<16xf32>,
        %mul3A_1549 = arith.mulf %gather3A_1541, %gather3A_1548 : vector<16xf32>
        %add3A_1550 = arith.addf %add3A_1531, %mul3A_1549 : vector<16xf32>
        %gather3A_1551 = tpu.vector_load_idx %arg11[%min3A_1085, %and3A_1540] : memref<800x32xf32, #tpu.memory_space<vmem>>[vector<16xi32>, vector<16xi32>], vector<16xf32>,
        %mul3A_1552 = arith.mulf %gather3A_1541, %gather3A_1551 : vector<16xf32>
        %add3A_1553 = arith.addf %add3A_1534, %mul3A_1552 : vector<16xf32>
        %add3A_1554 = arith.constant 24 : i32
        %add3A_1555 = vector.broadcast %add3A_1554 : i32 to vector<16xi32>
        %add3A_1556 = arith.addi %iota3A, %add3A_1555 : vector<16xi32>
        %and3A_1557 = arith.constant 31 : i32
        %and3A_1558 = vector.broadcast %and3A_1557 : i32 to vector<16xi32>
        %and3A_1559 = arith.andi %add3A_1556, %and3A_1558 : vector<16xi32>
        %gather3A_1560 = tpu.vector_load_idx %arg13[%add3A_1089, %and3A_1559] : memref<16x32xf32, #tpu.memory_space<vmem>>[vector<16xi32>, vector<16xi32>], vector<16xf32>,
        %gather3A_1561 = tpu.vector_load_idx %arg11[%min3A_1058, %and3A_1559] : memref<800x32xf32, #tpu.memory_space<vmem>>[vector<16xi32>, vector<16xi32>], vector<16xf32>,
        %mul3A_1562 = arith.mulf %gather3A_1560, %gather3A_1561 : vector<16xf32>
        %add3A_1563 = arith.addf %add3A_1544, %mul3A_1562 : vector<16xf32>
        %gather3A_1564 = tpu.vector_load_idx %arg11[%min3A_1067, %and3A_1559] : memref<800x32xf32, #tpu.memory_space<vmem>>[vector<16xi32>, vector<16xi32>], vector<16xf32>,
        %mul3A_1565 = arith.mulf %gather3A_1560, %gather3A_1564 : vector<16xf32>
        %add3A_1566 = arith.addf %add3A_1547, %mul3A_1565 : vector<16xf32>
        %gather3A_1567 = tpu.vector_load_idx %arg11[%min3A_1076, %and3A_1559] : memref<800x32xf32, #tpu.memory_space<vmem>>[vector<16xi32>, vector<16xi32>], vector<16xf32>,
        %mul3A_1568 = arith.mulf %gather3A_1560, %gather3A_1567 : vector<16xf32>
        %add3A_1569 = arith.addf %add3A_1550, %mul3A_1568 : vector<16xf32>
        %gather3A_1570 = tpu.vector_load_idx %arg11[%min3A_1085, %and3A_1559] : memref<800x32xf32, #tpu.memory_space<vmem>>[vector<16xi32>, vector<16xi32>], vector<16xf32>,
        %mul3A_1571 = arith.mulf %gather3A_1560, %gather3A_1570 : vector<16xf32>
        %add3A_1572 = arith.addf %add3A_1553, %mul3A_1571 : vector<16xf32>
        %add3A_1573 = arith.constant 25 : i32
        %add3A_1574 = vector.broadcast %add3A_1573 : i32 to vector<16xi32>
        %add3A_1575 = arith.addi %iota3A, %add3A_1574 : vector<16xi32>
        %and3A_1576 = arith.constant 31 : i32
        %and3A_1577 = vector.broadcast %and3A_1576 : i32 to vector<16xi32>
        %and3A_1578 = arith.andi %add3A_1575, %and3A_1577 : vector<16xi32>
        %gather3A_1579 = tpu.vector_load_idx %arg13[%add3A_1089, %and3A_1578] : memref<16x32xf32, #tpu.memory_space<vmem>>[vector<16xi32>, vector<16xi32>], vector<16xf32>,
        %gather3A_1580 = tpu.vector_load_idx %arg11[%min3A_1058, %and3A_1578] : memref<800x32xf32, #tpu.memory_space<vmem>>[vector<16xi32>, vector<16xi32>], vector<16xf32>,
        %mul3A_1581 = arith.mulf %gather3A_1579, %gather3A_1580 : vector<16xf32>
        %add3A_1582 = arith.addf %add3A_1563, %mul3A_1581 : vector<16xf32>
        %gather3A_1583 = tpu.vector_load_idx %arg11[%min3A_1067, %and3A_1578] : memref<800x32xf32, #tpu.memory_space<vmem>>[vector<16xi32>, vector<16xi32>], vector<16xf32>,
        %mul3A_1584 = arith.mulf %gather3A_1579, %gather3A_1583 : vector<16xf32>
        %add3A_1585 = arith.addf %add3A_1566, %mul3A_1584 : vector<16xf32>
        %gather3A_1586 = tpu.vector_load_idx %arg11[%min3A_1076, %and3A_1578] : memref<800x32xf32, #tpu.memory_space<vmem>>[vector<16xi32>, vector<16xi32>], vector<16xf32>,
        %mul3A_1587 = arith.mulf %gather3A_1579, %gather3A_1586 : vector<16xf32>
        %add3A_1588 = arith.addf %add3A_1569, %mul3A_1587 : vector<16xf32>
        %gather3A_1589 = tpu.vector_load_idx %arg11[%min3A_1085, %and3A_1578] : memref<800x32xf32, #tpu.memory_space<vmem>>[vector<16xi32>, vector<16xi32>], vector<16xf32>,
        %mul3A_1590 = arith.mulf %gather3A_1579, %gather3A_1589 : vector<16xf32>
        %add3A_1591 = arith.addf %add3A_1572, %mul3A_1590 : vector<16xf32>
        %add3A_1592 = arith.constant 26 : i32
        %add3A_1593 = vector.broadcast %add3A_1592 : i32 to vector<16xi32>
        %add3A_1594 = arith.addi %iota3A, %add3A_1593 : vector<16xi32>
        %and3A_1595 = arith.constant 31 : i32
        %and3A_1596 = vector.broadcast %and3A_1595 : i32 to vector<16xi32>
        %and3A_1597 = arith.andi %add3A_1594, %and3A_1596 : vector<16xi32>
        %gather3A_1598 = tpu.vector_load_idx %arg13[%add3A_1089, %and3A_1597] : memref<16x32xf32, #tpu.memory_space<vmem>>[vector<16xi32>, vector<16xi32>], vector<16xf32>,
        %gather3A_1599 = tpu.vector_load_idx %arg11[%min3A_1058, %and3A_1597] : memref<800x32xf32, #tpu.memory_space<vmem>>[vector<16xi32>, vector<16xi32>], vector<16xf32>,
        %mul3A_1600 = arith.mulf %gather3A_1598, %gather3A_1599 : vector<16xf32>
        %add3A_1601 = arith.addf %add3A_1582, %mul3A_1600 : vector<16xf32>
        %gather3A_1602 = tpu.vector_load_idx %arg11[%min3A_1067, %and3A_1597] : memref<800x32xf32, #tpu.memory_space<vmem>>[vector<16xi32>, vector<16xi32>], vector<16xf32>,
        %mul3A_1603 = arith.mulf %gather3A_1598, %gather3A_1602 : vector<16xf32>
        %add3A_1604 = arith.addf %add3A_1585, %mul3A_1603 : vector<16xf32>
        %gather3A_1605 = tpu.vector_load_idx %arg11[%min3A_1076, %and3A_1597] : memref<800x32xf32, #tpu.memory_space<vmem>>[vector<16xi32>, vector<16xi32>], vector<16xf32>,
        %mul3A_1606 = arith.mulf %gather3A_1598, %gather3A_1605 : vector<16xf32>
        %add3A_1607 = arith.addf %add3A_1588, %mul3A_1606 : vector<16xf32>
        %gather3A_1608 = tpu.vector_load_idx %arg11[%min3A_1085, %and3A_1597] : memref<800x32xf32, #tpu.memory_space<vmem>>[vector<16xi32>, vector<16xi32>], vector<16xf32>,
        %mul3A_1609 = arith.mulf %gather3A_1598, %gather3A_1608 : vector<16xf32>
        %add3A_1610 = arith.addf %add3A_1591, %mul3A_1609 : vector<16xf32>
        %add3A_1611 = arith.constant 27 : i32
        %add3A_1612 = vector.broadcast %add3A_1611 : i32 to vector<16xi32>
        %add3A_1613 = arith.addi %iota3A, %add3A_1612 : vector<16xi32>
        %and3A_1614 = arith.constant 31 : i32
        %and3A_1615 = vector.broadcast %and3A_1614 : i32 to vector<16xi32>
        %and3A_1616 = arith.andi %add3A_1613, %and3A_1615 : vector<16xi32>
        %gather3A_1617 = tpu.vector_load_idx %arg13[%add3A_1089, %and3A_1616] : memref<16x32xf32, #tpu.memory_space<vmem>>[vector<16xi32>, vector<16xi32>], vector<16xf32>,
        %gather3A_1618 = tpu.vector_load_idx %arg11[%min3A_1058, %and3A_1616] : memref<800x32xf32, #tpu.memory_space<vmem>>[vector<16xi32>, vector<16xi32>], vector<16xf32>,
        %mul3A_1619 = arith.mulf %gather3A_1617, %gather3A_1618 : vector<16xf32>
        %add3A_1620 = arith.addf %add3A_1601, %mul3A_1619 : vector<16xf32>
        %gather3A_1621 = tpu.vector_load_idx %arg11[%min3A_1067, %and3A_1616] : memref<800x32xf32, #tpu.memory_space<vmem>>[vector<16xi32>, vector<16xi32>], vector<16xf32>,
        %mul3A_1622 = arith.mulf %gather3A_1617, %gather3A_1621 : vector<16xf32>
        %add3A_1623 = arith.addf %add3A_1604, %mul3A_1622 : vector<16xf32>
        %gather3A_1624 = tpu.vector_load_idx %arg11[%min3A_1076, %and3A_1616] : memref<800x32xf32, #tpu.memory_space<vmem>>[vector<16xi32>, vector<16xi32>], vector<16xf32>,
        %mul3A_1625 = arith.mulf %gather3A_1617, %gather3A_1624 : vector<16xf32>
        %add3A_1626 = arith.addf %add3A_1607, %mul3A_1625 : vector<16xf32>
        %gather3A_1627 = tpu.vector_load_idx %arg11[%min3A_1085, %and3A_1616] : memref<800x32xf32, #tpu.memory_space<vmem>>[vector<16xi32>, vector<16xi32>], vector<16xf32>,
        %mul3A_1628 = arith.mulf %gather3A_1617, %gather3A_1627 : vector<16xf32>
        %add3A_1629 = arith.addf %add3A_1610, %mul3A_1628 : vector<16xf32>
        %add3A_1630 = arith.constant 28 : i32
        %add3A_1631 = vector.broadcast %add3A_1630 : i32 to vector<16xi32>
        %add3A_1632 = arith.addi %iota3A, %add3A_1631 : vector<16xi32>
        %and3A_1633 = arith.constant 31 : i32
        %and3A_1634 = vector.broadcast %and3A_1633 : i32 to vector<16xi32>
        %and3A_1635 = arith.andi %add3A_1632, %and3A_1634 : vector<16xi32>
        %gather3A_1636 = tpu.vector_load_idx %arg13[%add3A_1089, %and3A_1635] : memref<16x32xf32, #tpu.memory_space<vmem>>[vector<16xi32>, vector<16xi32>], vector<16xf32>,
        %gather3A_1637 = tpu.vector_load_idx %arg11[%min3A_1058, %and3A_1635] : memref<800x32xf32, #tpu.memory_space<vmem>>[vector<16xi32>, vector<16xi32>], vector<16xf32>,
        %mul3A_1638 = arith.mulf %gather3A_1636, %gather3A_1637 : vector<16xf32>
        %add3A_1639 = arith.addf %add3A_1620, %mul3A_1638 : vector<16xf32>
        %gather3A_1640 = tpu.vector_load_idx %arg11[%min3A_1067, %and3A_1635] : memref<800x32xf32, #tpu.memory_space<vmem>>[vector<16xi32>, vector<16xi32>], vector<16xf32>,
        %mul3A_1641 = arith.mulf %gather3A_1636, %gather3A_1640 : vector<16xf32>
        %add3A_1642 = arith.addf %add3A_1623, %mul3A_1641 : vector<16xf32>
        %gather3A_1643 = tpu.vector_load_idx %arg11[%min3A_1076, %and3A_1635] : memref<800x32xf32, #tpu.memory_space<vmem>>[vector<16xi32>, vector<16xi32>], vector<16xf32>,
        %mul3A_1644 = arith.mulf %gather3A_1636, %gather3A_1643 : vector<16xf32>
        %add3A_1645 = arith.addf %add3A_1626, %mul3A_1644 : vector<16xf32>
        %gather3A_1646 = tpu.vector_load_idx %arg11[%min3A_1085, %and3A_1635] : memref<800x32xf32, #tpu.memory_space<vmem>>[vector<16xi32>, vector<16xi32>], vector<16xf32>,
        %mul3A_1647 = arith.mulf %gather3A_1636, %gather3A_1646 : vector<16xf32>
        %add3A_1648 = arith.addf %add3A_1629, %mul3A_1647 : vector<16xf32>
        %add3A_1649 = arith.constant 29 : i32
        %add3A_1650 = vector.broadcast %add3A_1649 : i32 to vector<16xi32>
        %add3A_1651 = arith.addi %iota3A, %add3A_1650 : vector<16xi32>
        %and3A_1652 = arith.constant 31 : i32
        %and3A_1653 = vector.broadcast %and3A_1652 : i32 to vector<16xi32>
        %and3A_1654 = arith.andi %add3A_1651, %and3A_1653 : vector<16xi32>
        %gather3A_1655 = tpu.vector_load_idx %arg13[%add3A_1089, %and3A_1654] : memref<16x32xf32, #tpu.memory_space<vmem>>[vector<16xi32>, vector<16xi32>], vector<16xf32>,
        %gather3A_1656 = tpu.vector_load_idx %arg11[%min3A_1058, %and3A_1654] : memref<800x32xf32, #tpu.memory_space<vmem>>[vector<16xi32>, vector<16xi32>], vector<16xf32>,
        %mul3A_1657 = arith.mulf %gather3A_1655, %gather3A_1656 : vector<16xf32>
        %add3A_1658 = arith.addf %add3A_1639, %mul3A_1657 : vector<16xf32>
        %gather3A_1659 = tpu.vector_load_idx %arg11[%min3A_1067, %and3A_1654] : memref<800x32xf32, #tpu.memory_space<vmem>>[vector<16xi32>, vector<16xi32>], vector<16xf32>,
        %mul3A_1660 = arith.mulf %gather3A_1655, %gather3A_1659 : vector<16xf32>
        %add3A_1661 = arith.addf %add3A_1642, %mul3A_1660 : vector<16xf32>
        %gather3A_1662 = tpu.vector_load_idx %arg11[%min3A_1076, %and3A_1654] : memref<800x32xf32, #tpu.memory_space<vmem>>[vector<16xi32>, vector<16xi32>], vector<16xf32>,
        %mul3A_1663 = arith.mulf %gather3A_1655, %gather3A_1662 : vector<16xf32>
        %add3A_1664 = arith.addf %add3A_1645, %mul3A_1663 : vector<16xf32>
        %gather3A_1665 = tpu.vector_load_idx %arg11[%min3A_1085, %and3A_1654] : memref<800x32xf32, #tpu.memory_space<vmem>>[vector<16xi32>, vector<16xi32>], vector<16xf32>,
        %mul3A_1666 = arith.mulf %gather3A_1655, %gather3A_1665 : vector<16xf32>
        %add3A_1667 = arith.addf %add3A_1648, %mul3A_1666 : vector<16xf32>
        %add3A_1668 = arith.constant 30 : i32
        %add3A_1669 = vector.broadcast %add3A_1668 : i32 to vector<16xi32>
        %add3A_1670 = arith.addi %iota3A, %add3A_1669 : vector<16xi32>
        %and3A_1671 = arith.constant 31 : i32
        %and3A_1672 = vector.broadcast %and3A_1671 : i32 to vector<16xi32>
        %and3A_1673 = arith.andi %add3A_1670, %and3A_1672 : vector<16xi32>
        %gather3A_1674 = tpu.vector_load_idx %arg13[%add3A_1089, %and3A_1673] : memref<16x32xf32, #tpu.memory_space<vmem>>[vector<16xi32>, vector<16xi32>], vector<16xf32>,
        %gather3A_1675 = tpu.vector_load_idx %arg11[%min3A_1058, %and3A_1673] : memref<800x32xf32, #tpu.memory_space<vmem>>[vector<16xi32>, vector<16xi32>], vector<16xf32>,
        %mul3A_1676 = arith.mulf %gather3A_1674, %gather3A_1675 : vector<16xf32>
        %add3A_1677 = arith.addf %add3A_1658, %mul3A_1676 : vector<16xf32>
        %gather3A_1678 = tpu.vector_load_idx %arg11[%min3A_1067, %and3A_1673] : memref<800x32xf32, #tpu.memory_space<vmem>>[vector<16xi32>, vector<16xi32>], vector<16xf32>,
        %mul3A_1679 = arith.mulf %gather3A_1674, %gather3A_1678 : vector<16xf32>
        %add3A_1680 = arith.addf %add3A_1661, %mul3A_1679 : vector<16xf32>
        %gather3A_1681 = tpu.vector_load_idx %arg11[%min3A_1076, %and3A_1673] : memref<800x32xf32, #tpu.memory_space<vmem>>[vector<16xi32>, vector<16xi32>], vector<16xf32>,
        %mul3A_1682 = arith.mulf %gather3A_1674, %gather3A_1681 : vector<16xf32>
        %add3A_1683 = arith.addf %add3A_1664, %mul3A_1682 : vector<16xf32>
        %gather3A_1684 = tpu.vector_load_idx %arg11[%min3A_1085, %and3A_1673] : memref<800x32xf32, #tpu.memory_space<vmem>>[vector<16xi32>, vector<16xi32>], vector<16xf32>,
        %mul3A_1685 = arith.mulf %gather3A_1674, %gather3A_1684 : vector<16xf32>
        %add3A_1686 = arith.addf %add3A_1667, %mul3A_1685 : vector<16xf32>
        %add3A_1687 = arith.constant 31 : i32
        %add3A_1688 = vector.broadcast %add3A_1687 : i32 to vector<16xi32>
        %add3A_1689 = arith.addi %iota3A, %add3A_1688 : vector<16xi32>
        %and3A_1690 = arith.constant 31 : i32
        %and3A_1691 = vector.broadcast %and3A_1690 : i32 to vector<16xi32>
        %and3A_1692 = arith.andi %add3A_1689, %and3A_1691 : vector<16xi32>
        %gather3A_1693 = tpu.vector_load_idx %arg13[%add3A_1089, %and3A_1692] : memref<16x32xf32, #tpu.memory_space<vmem>>[vector<16xi32>, vector<16xi32>], vector<16xf32>,
        %gather3A_1694 = tpu.vector_load_idx %arg11[%min3A_1058, %and3A_1692] : memref<800x32xf32, #tpu.memory_space<vmem>>[vector<16xi32>, vector<16xi32>], vector<16xf32>,
        %mul3A_1695 = arith.mulf %gather3A_1693, %gather3A_1694 : vector<16xf32>
        %add3A_1696 = arith.addf %add3A_1677, %mul3A_1695 : vector<16xf32>
        %gather3A_1697 = tpu.vector_load_idx %arg11[%min3A_1067, %and3A_1692] : memref<800x32xf32, #tpu.memory_space<vmem>>[vector<16xi32>, vector<16xi32>], vector<16xf32>,
        %mul3A_1698 = arith.mulf %gather3A_1693, %gather3A_1697 : vector<16xf32>
        %add3A_1699 = arith.addf %add3A_1680, %mul3A_1698 : vector<16xf32>
        %gather3A_1700 = tpu.vector_load_idx %arg11[%min3A_1076, %and3A_1692] : memref<800x32xf32, #tpu.memory_space<vmem>>[vector<16xi32>, vector<16xi32>], vector<16xf32>,
        %mul3A_1701 = arith.mulf %gather3A_1693, %gather3A_1700 : vector<16xf32>
        %add3A_1702 = arith.addf %add3A_1683, %mul3A_1701 : vector<16xf32>
        %gather3A_1703 = tpu.vector_load_idx %arg11[%min3A_1085, %and3A_1692] : memref<800x32xf32, #tpu.memory_space<vmem>>[vector<16xi32>, vector<16xi32>], vector<16xf32>,
        %mul3A_1704 = arith.mulf %gather3A_1693, %gather3A_1703 : vector<16xf32>
        %add3A_1705 = arith.addf %add3A_1686, %mul3A_1704 : vector<16xf32>
        %add3A_1706 = arith.constant 0 : i32
        %add3A_1707 = vector.broadcast %add3A_1706 : i32 to vector<16xi32>
        %add3A_1708 = arith.addi %add3A_1707, %iota3A : vector<16xi32>
        %mul3A_1709 = arith.constant 50 : i32
        %mul3A_1710 = arith.muli %scan3A_1050, %mul3A_1709 : i32
        %add3A_1711 = vector.broadcast %mul3A_1710 : i32 to vector<16xi32>
        %add3A_1712 = arith.addi %add3A_1711, %add3A_1708 : vector<16xi32>
        %lt3A_1713 = arith.constant 50 : i32
        %lt3A_1714 = vector.broadcast %lt3A_1713 : i32 to vector<16xi32>
        %lt3A_1715 = arith.cmpi slt, %add3A_1708, %lt3A_1714 : vector<16xi32>
        tpu.vector_store_idx %arg17[%add3A_1712], %add3A_1696 masked %lt3A_1715 : memref<800xf32, #tpu.memory_space<vmem>>[vector<16xi32>], vector<16xf32>, vector<16xi1>
        %add3A_1716 = arith.constant 16 : i32
        %add3A_1717 = vector.broadcast %add3A_1716 : i32 to vector<16xi32>
        %add3A_1718 = arith.addi %add3A_1717, %iota3A : vector<16xi32>
        %mul3A_1719 = arith.constant 50 : i32
        %mul3A_1720 = arith.muli %scan3A_1050, %mul3A_1719 : i32
        %add3A_1721 = vector.broadcast %mul3A_1720 : i32 to vector<16xi32>
        %add3A_1722 = arith.addi %add3A_1721, %add3A_1718 : vector<16xi32>
        %lt3A_1723 = arith.constant 50 : i32
        %lt3A_1724 = vector.broadcast %lt3A_1723 : i32 to vector<16xi32>
        %lt3A_1725 = arith.cmpi slt, %add3A_1718, %lt3A_1724 : vector<16xi32>
        tpu.vector_store_idx %arg17[%add3A_1722], %add3A_1699 masked %lt3A_1725 : memref<800xf32, #tpu.memory_space<vmem>>[vector<16xi32>], vector<16xf32>, vector<16xi1>
        %add3A_1726 = arith.constant 32 : i32
        %add3A_1727 = vector.broadcast %add3A_1726 : i32 to vector<16xi32>
        %add3A_1728 = arith.addi %add3A_1727, %iota3A : vector<16xi32>
        %mul3A_1729 = arith.constant 50 : i32
        %mul3A_1730 = arith.muli %scan3A_1050, %mul3A_1729 : i32
        %add3A_1731 = vector.broadcast %mul3A_1730 : i32 to vector<16xi32>
        %add3A_1732 = arith.addi %add3A_1731, %add3A_1728 : vector<16xi32>
        %lt3A_1733 = arith.constant 50 : i32
        %lt3A_1734 = vector.broadcast %lt3A_1733 : i32 to vector<16xi32>
        %lt3A_1735 = arith.cmpi slt, %add3A_1728, %lt3A_1734 : vector<16xi32>
        tpu.vector_store_idx %arg17[%add3A_1732], %add3A_1702 masked %lt3A_1735 : memref<800xf32, #tpu.memory_space<vmem>>[vector<16xi32>], vector<16xf32>, vector<16xi1>
        %add3A_1736 = arith.constant 48 : i32
        %add3A_1737 = vector.broadcast %add3A_1736 : i32 to vector<16xi32>
        %add3A_1738 = arith.addi %add3A_1737, %iota3A : vector<16xi32>
        %mul3A_1739 = arith.constant 50 : i32
        %mul3A_1740 = arith.muli %scan3A_1050, %mul3A_1739 : i32
        %add3A_1741 = vector.broadcast %mul3A_1740 : i32 to vector<16xi32>
        %add3A_1742 = arith.addi %add3A_1741, %add3A_1738 : vector<16xi32>
        %lt3A_1743 = arith.constant 50 : i32
        %lt3A_1744 = vector.broadcast %lt3A_1743 : i32 to vector<16xi32>
        %lt3A_1745 = arith.cmpi slt, %add3A_1738, %lt3A_1744 : vector<16xi32>
        tpu.vector_store_idx %arg17[%add3A_1742], %add3A_1705 masked %lt3A_1745 : memref<800xf32, #tpu.memory_space<vmem>>[vector<16xi32>], vector<16xf32>, vector<16xi1>
      }
      %scan3A_579 = arith.constant 16 : i32
      %mul3A_580 = arith.constant 50 : i32
      %mul3A_581 = arith.muli %add3A_189, %mul3A_580 : i32
      "tpu.region"() ({
        %run_scoped3A = tpu.sem_alloc : memref<!tpu.dma_semaphore, #tpu.memory_space<semaphore_mem>>
        %dma_start3A_1050 = tpu.memref_slice %arg8[%mul3A_581] : memref<819200xf32, #tpu.memory_space<hbm>> -> memref<800xf32, #tpu.memory_space<hbm>>
        %dma_start3A_1051 = tpu.memref_slice %arg8[%mul3A_581] : memref<819200xf32, #tpu.memory_space<hbm>> -> memref<800xf32, #tpu.memory_space<hbm>>
        tpu.enqueue_dma source(%arg17 : memref<800xf32, #tpu.memory_space<vmem>>) target(%dma_start3A_1051 : memref<800xf32, #tpu.memory_space<hbm>>) target_semaphore(%run_scoped3A : memref<!tpu.dma_semaphore, #tpu.memory_space<semaphore_mem>>)
        %dma_wait3A_1052 = tpu.memref_slice %arg8[%mul3A_581] : memref<819200xf32, #tpu.memory_space<hbm>> -> memref<800xf32, #tpu.memory_space<hbm>>
        %dma_wait3A_1053 = tpu.memref_slice %arg8[%mul3A_581] : memref<819200xf32, #tpu.memory_space<hbm>> -> memref<800xf32, #tpu.memory_space<hbm>>
        tpu.wait_dma2 semaphore(%run_scoped3A : memref<!tpu.dma_semaphore, #tpu.memory_space<semaphore_mem>>) src(%arg17 : memref<800xf32, #tpu.memory_space<vmem>>) dst(%dma_wait3A_1053 : memref<800xf32, #tpu.memory_space<hbm>>)
        tpu.yield
      }) : () -> ()
      %add3A_582 = arith.constant 2 : i32
      %add3A_583 = arith.addi %add3A_131, %add3A_582 : i32
      %lt3A = arith.constant 32 : i32
      %lt3A_584 = arith.cmpi slt, %add3A_583, %lt3A : i32
      %convert_element_type3A = arith.extui %lt3A_584 : i1 to i32
      %cond3A = arith.constant 0 : i32
      %cond3A_585 = arith.cmpi ne, %convert_element_type3A, %cond3A : i32
      scf.if %cond3A_585 {
        %add3A_1050 = arith.constant 2 : i32
        %add3A_1051 = arith.addi %add3A_131, %add3A_1050 : i32
        %mul3A_1052 = arith.constant 16 : i32
        %mul3A_1053 = arith.muli %add3A_1051, %mul3A_1052 : i32
        %add3A_1054 = arith.addi %mul3A_2, %mul3A_1053 : i32
        %mul3A_1055 = arith.constant 50 : i32
        %mul3A_1056 = arith.muli %add3A_1054, %mul3A_1055 : i32
        "tpu.region"() ({
          %run_scoped3A = tpu.sem_alloc : memref<!tpu.dma_semaphore, #tpu.memory_space<semaphore_mem>>
          %dma_start3A_1113 = tpu.memref_slice %arg2[%mul3A_1056] : memref<819200xi32, #tpu.memory_space<hbm>> -> memref<800xi32, #tpu.memory_space<hbm>>
          %dma_start3A_1114 = tpu.memref_slice %arg2[%mul3A_1056] : memref<819200xi32, #tpu.memory_space<hbm>> -> memref<800xi32, #tpu.memory_space<hbm>>
          tpu.enqueue_dma source(%dma_start3A_1114 : memref<800xi32, #tpu.memory_space<hbm>>) target(%arg9 : memref<800xi32, #tpu.memory_space<vmem>>) target_semaphore(%run_scoped3A : memref<!tpu.dma_semaphore, #tpu.memory_space<semaphore_mem>>)
          %dma_wait3A_1115 = tpu.memref_slice %arg2[%mul3A_1056] : memref<819200xi32, #tpu.memory_space<hbm>> -> memref<800xi32, #tpu.memory_space<hbm>>
          %dma_wait3A_1116 = tpu.memref_slice %arg2[%mul3A_1056] : memref<819200xi32, #tpu.memory_space<hbm>> -> memref<800xi32, #tpu.memory_space<hbm>>
          tpu.wait_dma2 semaphore(%run_scoped3A : memref<!tpu.dma_semaphore, #tpu.memory_space<semaphore_mem>>) src(%dma_wait3A_1116 : memref<800xi32, #tpu.memory_space<hbm>>) dst(%arg9 : memref<800xi32, #tpu.memory_space<vmem>>)
          tpu.yield
        }) : () -> ()
        %dma_start3A_1057 = arith.constant 0 : i32
        %dma_start3A_1058 = arith.constant 0 : i32
        %dma_start3A_1059 = tpu.memref_slice %arg11[%dma_start3A_1057, %dma_start3A_1058] : memref<800x32xf32, #tpu.memory_space<vmem>> -> memref<128x32xf32, #tpu.memory_space<vmem>>
        %dma_start3A_1060 = arith.constant 0 : i32
        %dma_start3A_1061 = tpu.memref_slice %arg9[%dma_start3A_1060] : memref<800xi32, #tpu.memory_space<vmem>> -> memref<128xi32, #tpu.memory_space<vmem>>
        %dma_start3A_1062 = arith.constant 0 : i32
        %dma_start3A_1063 = arith.constant 0 : i32
        %dma_start3A_1064 = tpu.memref_slice %arg3[%dma_start3A_1062, %dma_start3A_1063] : memref<1000000x32xf32, #tpu.memory_space<hbm>> -> memref<1000000x32xf32, #tpu.memory_space<hbm>>
        tpu.enqueue_indirect_dma source(%dma_start3A_1064 : memref<1000000x32xf32, #tpu.memory_space<hbm>>) target(%dma_start3A_1059 : memref<128x32xf32, #tpu.memory_space<vmem>>) offsets(%dma_start3A_1061 : memref<128xi32, #tpu.memory_space<vmem>>) semaphore(%arg18 : memref<!tpu.dma_semaphore, #tpu.memory_space<semaphore_mem>>)
        %dma_start3A_1065 = arith.constant 128 : i32
        %dma_start3A_1066 = arith.constant 0 : i32
        %dma_start3A_1067 = tpu.memref_slice %arg11[%dma_start3A_1065, %dma_start3A_1066] : memref<800x32xf32, #tpu.memory_space<vmem>> -> memref<128x32xf32, #tpu.memory_space<vmem>>
        %dma_start3A_1068 = arith.constant 128 : i32
        %dma_start3A_1069 = tpu.memref_slice %arg9[%dma_start3A_1068] : memref<800xi32, #tpu.memory_space<vmem>> -> memref<128xi32, #tpu.memory_space<vmem>>
        %dma_start3A_1070 = arith.constant 0 : i32
        %dma_start3A_1071 = arith.constant 0 : i32
        %dma_start3A_1072 = tpu.memref_slice %arg3[%dma_start3A_1070, %dma_start3A_1071] : memref<1000000x32xf32, #tpu.memory_space<hbm>> -> memref<1000000x32xf32, #tpu.memory_space<hbm>>
        tpu.enqueue_indirect_dma source(%dma_start3A_1072 : memref<1000000x32xf32, #tpu.memory_space<hbm>>) target(%dma_start3A_1067 : memref<128x32xf32, #tpu.memory_space<vmem>>) offsets(%dma_start3A_1069 : memref<128xi32, #tpu.memory_space<vmem>>) semaphore(%arg18 : memref<!tpu.dma_semaphore, #tpu.memory_space<semaphore_mem>>)
        %dma_start3A_1073 = arith.constant 256 : i32
        %dma_start3A_1074 = arith.constant 0 : i32
        %dma_start3A_1075 = tpu.memref_slice %arg11[%dma_start3A_1073, %dma_start3A_1074] : memref<800x32xf32, #tpu.memory_space<vmem>> -> memref<128x32xf32, #tpu.memory_space<vmem>>
        %dma_start3A_1076 = arith.constant 256 : i32
        %dma_start3A_1077 = tpu.memref_slice %arg9[%dma_start3A_1076] : memref<800xi32, #tpu.memory_space<vmem>> -> memref<128xi32, #tpu.memory_space<vmem>>
        %dma_start3A_1078 = arith.constant 0 : i32
        %dma_start3A_1079 = arith.constant 0 : i32
        %dma_start3A_1080 = tpu.memref_slice %arg3[%dma_start3A_1078, %dma_start3A_1079] : memref<1000000x32xf32, #tpu.memory_space<hbm>> -> memref<1000000x32xf32, #tpu.memory_space<hbm>>
        tpu.enqueue_indirect_dma source(%dma_start3A_1080 : memref<1000000x32xf32, #tpu.memory_space<hbm>>) target(%dma_start3A_1075 : memref<128x32xf32, #tpu.memory_space<vmem>>) offsets(%dma_start3A_1077 : memref<128xi32, #tpu.memory_space<vmem>>) semaphore(%arg18 : memref<!tpu.dma_semaphore, #tpu.memory_space<semaphore_mem>>)
        %dma_start3A_1081 = arith.constant 384 : i32
        %dma_start3A_1082 = arith.constant 0 : i32
        %dma_start3A_1083 = tpu.memref_slice %arg11[%dma_start3A_1081, %dma_start3A_1082] : memref<800x32xf32, #tpu.memory_space<vmem>> -> memref<128x32xf32, #tpu.memory_space<vmem>>
        %dma_start3A_1084 = arith.constant 384 : i32
        %dma_start3A_1085 = tpu.memref_slice %arg9[%dma_start3A_1084] : memref<800xi32, #tpu.memory_space<vmem>> -> memref<128xi32, #tpu.memory_space<vmem>>
        %dma_start3A_1086 = arith.constant 0 : i32
        %dma_start3A_1087 = arith.constant 0 : i32
        %dma_start3A_1088 = tpu.memref_slice %arg3[%dma_start3A_1086, %dma_start3A_1087] : memref<1000000x32xf32, #tpu.memory_space<hbm>> -> memref<1000000x32xf32, #tpu.memory_space<hbm>>
        tpu.enqueue_indirect_dma source(%dma_start3A_1088 : memref<1000000x32xf32, #tpu.memory_space<hbm>>) target(%dma_start3A_1083 : memref<128x32xf32, #tpu.memory_space<vmem>>) offsets(%dma_start3A_1085 : memref<128xi32, #tpu.memory_space<vmem>>) semaphore(%arg18 : memref<!tpu.dma_semaphore, #tpu.memory_space<semaphore_mem>>)
        %dma_start3A_1089 = arith.constant 512 : i32
        %dma_start3A_1090 = arith.constant 0 : i32
        %dma_start3A_1091 = tpu.memref_slice %arg11[%dma_start3A_1089, %dma_start3A_1090] : memref<800x32xf32, #tpu.memory_space<vmem>> -> memref<128x32xf32, #tpu.memory_space<vmem>>
        %dma_start3A_1092 = arith.constant 512 : i32
        %dma_start3A_1093 = tpu.memref_slice %arg9[%dma_start3A_1092] : memref<800xi32, #tpu.memory_space<vmem>> -> memref<128xi32, #tpu.memory_space<vmem>>
        %dma_start3A_1094 = arith.constant 0 : i32
        %dma_start3A_1095 = arith.constant 0 : i32
        %dma_start3A_1096 = tpu.memref_slice %arg3[%dma_start3A_1094, %dma_start3A_1095] : memref<1000000x32xf32, #tpu.memory_space<hbm>> -> memref<1000000x32xf32, #tpu.memory_space<hbm>>
        tpu.enqueue_indirect_dma source(%dma_start3A_1096 : memref<1000000x32xf32, #tpu.memory_space<hbm>>) target(%dma_start3A_1091 : memref<128x32xf32, #tpu.memory_space<vmem>>) offsets(%dma_start3A_1093 : memref<128xi32, #tpu.memory_space<vmem>>) semaphore(%arg18 : memref<!tpu.dma_semaphore, #tpu.memory_space<semaphore_mem>>)
        %dma_start3A_1097 = arith.constant 640 : i32
        %dma_start3A_1098 = arith.constant 0 : i32
        %dma_start3A_1099 = tpu.memref_slice %arg11[%dma_start3A_1097, %dma_start3A_1098] : memref<800x32xf32, #tpu.memory_space<vmem>> -> memref<128x32xf32, #tpu.memory_space<vmem>>
        %dma_start3A_1100 = arith.constant 640 : i32
        %dma_start3A_1101 = tpu.memref_slice %arg9[%dma_start3A_1100] : memref<800xi32, #tpu.memory_space<vmem>> -> memref<128xi32, #tpu.memory_space<vmem>>
        %dma_start3A_1102 = arith.constant 0 : i32
        %dma_start3A_1103 = arith.constant 0 : i32
        %dma_start3A_1104 = tpu.memref_slice %arg3[%dma_start3A_1102, %dma_start3A_1103] : memref<1000000x32xf32, #tpu.memory_space<hbm>> -> memref<1000000x32xf32, #tpu.memory_space<hbm>>
        tpu.enqueue_indirect_dma source(%dma_start3A_1104 : memref<1000000x32xf32, #tpu.memory_space<hbm>>) target(%dma_start3A_1099 : memref<128x32xf32, #tpu.memory_space<vmem>>) offsets(%dma_start3A_1101 : memref<128xi32, #tpu.memory_space<vmem>>) semaphore(%arg18 : memref<!tpu.dma_semaphore, #tpu.memory_space<semaphore_mem>>)
        %dma_start3A_1105 = arith.constant 768 : i32
        %dma_start3A_1106 = arith.constant 0 : i32
        %dma_start3A_1107 = tpu.memref_slice %arg11[%dma_start3A_1105, %dma_start3A_1106] : memref<800x32xf32, #tpu.memory_space<vmem>> -> memref<32x32xf32, #tpu.memory_space<vmem>>
        %dma_start3A_1108 = arith.constant 768 : i32
        %dma_start3A_1109 = tpu.memref_slice %arg9[%dma_start3A_1108] : memref<800xi32, #tpu.memory_space<vmem>> -> memref<32xi32, #tpu.memory_space<vmem>>
        %dma_start3A_1110 = arith.constant 0 : i32
        %dma_start3A_1111 = arith.constant 0 : i32
        %dma_start3A_1112 = tpu.memref_slice %arg3[%dma_start3A_1110, %dma_start3A_1111] : memref<1000000x32xf32, #tpu.memory_space<hbm>> -> memref<1000000x32xf32, #tpu.memory_space<hbm>>
        tpu.enqueue_indirect_dma source(%dma_start3A_1112 : memref<1000000x32xf32, #tpu.memory_space<hbm>>) target(%dma_start3A_1107 : memref<32x32xf32, #tpu.memory_space<vmem>>) offsets(%dma_start3A_1109 : memref<32xi32, #tpu.memory_space<vmem>>) semaphore(%arg18 : memref<!tpu.dma_semaphore, #tpu.memory_space<semaphore_mem>>)
      } else {
      }
      %add3A_586 = arith.constant 1 : i32
      %add3A_587 = arith.addi %mul3A_129, %add3A_586 : i32
      %dma_wait3A_588 = arith.constant 0 : i32
      %dma_wait3A_589 = arith.constant 0 : i32
      %dma_wait3A_590 = tpu.memref_slice %arg12[%dma_wait3A_588, %dma_wait3A_589] : memref<800x32xf32, #tpu.memory_space<vmem>> -> memref<128x32xf32, #tpu.memory_space<vmem>>
      %dma_wait3A_591 = arith.constant 0 : i32
      %dma_wait3A_592 = tpu.memref_slice %arg10[%dma_wait3A_591] : memref<800xi32, #tpu.memory_space<vmem>> -> memref<128xi32, #tpu.memory_space<vmem>>
      %dma_wait3A_593 = arith.constant 0 : i32
      %dma_wait3A_594 = arith.constant 0 : i32
      %dma_wait3A_595 = tpu.memref_slice %arg3[%dma_wait3A_593, %dma_wait3A_594] : memref<1000000x32xf32, #tpu.memory_space<hbm>> -> memref<1000000x32xf32, #tpu.memory_space<hbm>>
      tpu.wait_indirect_dma semaphore(%arg19 : memref<!tpu.dma_semaphore, #tpu.memory_space<semaphore_mem>>) src(%dma_wait3A_595 : memref<1000000x32xf32, #tpu.memory_space<hbm>>) dst(%dma_wait3A_590 : memref<128x32xf32, #tpu.memory_space<vmem>>)
      %dma_wait3A_596 = arith.constant 128 : i32
      %dma_wait3A_597 = arith.constant 0 : i32
      %dma_wait3A_598 = tpu.memref_slice %arg12[%dma_wait3A_596, %dma_wait3A_597] : memref<800x32xf32, #tpu.memory_space<vmem>> -> memref<128x32xf32, #tpu.memory_space<vmem>>
      %dma_wait3A_599 = arith.constant 128 : i32
      %dma_wait3A_600 = tpu.memref_slice %arg10[%dma_wait3A_599] : memref<800xi32, #tpu.memory_space<vmem>> -> memref<128xi32, #tpu.memory_space<vmem>>
      %dma_wait3A_601 = arith.constant 0 : i32
      %dma_wait3A_602 = arith.constant 0 : i32
      %dma_wait3A_603 = tpu.memref_slice %arg3[%dma_wait3A_601, %dma_wait3A_602] : memref<1000000x32xf32, #tpu.memory_space<hbm>> -> memref<1000000x32xf32, #tpu.memory_space<hbm>>
      tpu.wait_indirect_dma semaphore(%arg19 : memref<!tpu.dma_semaphore, #tpu.memory_space<semaphore_mem>>) src(%dma_wait3A_603 : memref<1000000x32xf32, #tpu.memory_space<hbm>>) dst(%dma_wait3A_598 : memref<128x32xf32, #tpu.memory_space<vmem>>)
      %dma_wait3A_604 = arith.constant 256 : i32
      %dma_wait3A_605 = arith.constant 0 : i32
      %dma_wait3A_606 = tpu.memref_slice %arg12[%dma_wait3A_604, %dma_wait3A_605] : memref<800x32xf32, #tpu.memory_space<vmem>> -> memref<128x32xf32, #tpu.memory_space<vmem>>
      %dma_wait3A_607 = arith.constant 256 : i32
      %dma_wait3A_608 = tpu.memref_slice %arg10[%dma_wait3A_607] : memref<800xi32, #tpu.memory_space<vmem>> -> memref<128xi32, #tpu.memory_space<vmem>>
      %dma_wait3A_609 = arith.constant 0 : i32
      %dma_wait3A_610 = arith.constant 0 : i32
      %dma_wait3A_611 = tpu.memref_slice %arg3[%dma_wait3A_609, %dma_wait3A_610] : memref<1000000x32xf32, #tpu.memory_space<hbm>> -> memref<1000000x32xf32, #tpu.memory_space<hbm>>
      tpu.wait_indirect_dma semaphore(%arg19 : memref<!tpu.dma_semaphore, #tpu.memory_space<semaphore_mem>>) src(%dma_wait3A_611 : memref<1000000x32xf32, #tpu.memory_space<hbm>>) dst(%dma_wait3A_606 : memref<128x32xf32, #tpu.memory_space<vmem>>)
      %dma_wait3A_612 = arith.constant 384 : i32
      %dma_wait3A_613 = arith.constant 0 : i32
      %dma_wait3A_614 = tpu.memref_slice %arg12[%dma_wait3A_612, %dma_wait3A_613] : memref<800x32xf32, #tpu.memory_space<vmem>> -> memref<128x32xf32, #tpu.memory_space<vmem>>
      %dma_wait3A_615 = arith.constant 384 : i32
      %dma_wait3A_616 = tpu.memref_slice %arg10[%dma_wait3A_615] : memref<800xi32, #tpu.memory_space<vmem>> -> memref<128xi32, #tpu.memory_space<vmem>>
      %dma_wait3A_617 = arith.constant 0 : i32
      %dma_wait3A_618 = arith.constant 0 : i32
      %dma_wait3A_619 = tpu.memref_slice %arg3[%dma_wait3A_617, %dma_wait3A_618] : memref<1000000x32xf32, #tpu.memory_space<hbm>> -> memref<1000000x32xf32, #tpu.memory_space<hbm>>
      tpu.wait_indirect_dma semaphore(%arg19 : memref<!tpu.dma_semaphore, #tpu.memory_space<semaphore_mem>>) src(%dma_wait3A_619 : memref<1000000x32xf32, #tpu.memory_space<hbm>>) dst(%dma_wait3A_614 : memref<128x32xf32, #tpu.memory_space<vmem>>)
      %dma_wait3A_620 = arith.constant 512 : i32
      %dma_wait3A_621 = arith.constant 0 : i32
      %dma_wait3A_622 = tpu.memref_slice %arg12[%dma_wait3A_620, %dma_wait3A_621] : memref<800x32xf32, #tpu.memory_space<vmem>> -> memref<128x32xf32, #tpu.memory_space<vmem>>
      %dma_wait3A_623 = arith.constant 512 : i32
      %dma_wait3A_624 = tpu.memref_slice %arg10[%dma_wait3A_623] : memref<800xi32, #tpu.memory_space<vmem>> -> memref<128xi32, #tpu.memory_space<vmem>>
      %dma_wait3A_625 = arith.constant 0 : i32
      %dma_wait3A_626 = arith.constant 0 : i32
      %dma_wait3A_627 = tpu.memref_slice %arg3[%dma_wait3A_625, %dma_wait3A_626] : memref<1000000x32xf32, #tpu.memory_space<hbm>> -> memref<1000000x32xf32, #tpu.memory_space<hbm>>
      tpu.wait_indirect_dma semaphore(%arg19 : memref<!tpu.dma_semaphore, #tpu.memory_space<semaphore_mem>>) src(%dma_wait3A_627 : memref<1000000x32xf32, #tpu.memory_space<hbm>>) dst(%dma_wait3A_622 : memref<128x32xf32, #tpu.memory_space<vmem>>)
      %dma_wait3A_628 = arith.constant 640 : i32
      %dma_wait3A_629 = arith.constant 0 : i32
      %dma_wait3A_630 = tpu.memref_slice %arg12[%dma_wait3A_628, %dma_wait3A_629] : memref<800x32xf32, #tpu.memory_space<vmem>> -> memref<128x32xf32, #tpu.memory_space<vmem>>
      %dma_wait3A_631 = arith.constant 640 : i32
      %dma_wait3A_632 = tpu.memref_slice %arg10[%dma_wait3A_631] : memref<800xi32, #tpu.memory_space<vmem>> -> memref<128xi32, #tpu.memory_space<vmem>>
      %dma_wait3A_633 = arith.constant 0 : i32
      %dma_wait3A_634 = arith.constant 0 : i32
      %dma_wait3A_635 = tpu.memref_slice %arg3[%dma_wait3A_633, %dma_wait3A_634] : memref<1000000x32xf32, #tpu.memory_space<hbm>> -> memref<1000000x32xf32, #tpu.memory_space<hbm>>
      tpu.wait_indirect_dma semaphore(%arg19 : memref<!tpu.dma_semaphore, #tpu.memory_space<semaphore_mem>>) src(%dma_wait3A_635 : memref<1000000x32xf32, #tpu.memory_space<hbm>>) dst(%dma_wait3A_630 : memref<128x32xf32, #tpu.memory_space<vmem>>)
      %dma_wait3A_636 = arith.constant 768 : i32
      %dma_wait3A_637 = arith.constant 0 : i32
      %dma_wait3A_638 = tpu.memref_slice %arg12[%dma_wait3A_636, %dma_wait3A_637] : memref<800x32xf32, #tpu.memory_space<vmem>> -> memref<32x32xf32, #tpu.memory_space<vmem>>
      %dma_wait3A_639 = arith.constant 768 : i32
      %dma_wait3A_640 = tpu.memref_slice %arg10[%dma_wait3A_639] : memref<800xi32, #tpu.memory_space<vmem>> -> memref<32xi32, #tpu.memory_space<vmem>>
      %dma_wait3A_641 = arith.constant 0 : i32
      %dma_wait3A_642 = arith.constant 0 : i32
      %dma_wait3A_643 = tpu.memref_slice %arg3[%dma_wait3A_641, %dma_wait3A_642] : memref<1000000x32xf32, #tpu.memory_space<hbm>> -> memref<1000000x32xf32, #tpu.memory_space<hbm>>
      tpu.wait_indirect_dma semaphore(%arg19 : memref<!tpu.dma_semaphore, #tpu.memory_space<semaphore_mem>>) src(%dma_wait3A_643 : memref<1000000x32xf32, #tpu.memory_space<hbm>>) dst(%dma_wait3A_638 : memref<32x32xf32, #tpu.memory_space<vmem>>)
      %mul3A_644 = arith.constant 16 : i32
      %mul3A_645 = arith.muli %add3A_587, %mul3A_644 : i32
      %add3A_646 = arith.addi %mul3A_2, %mul3A_645 : i32
      "tpu.region"() ({
        %run_scoped3A = tpu.sem_alloc : memref<!tpu.dma_semaphore, #tpu.memory_space<semaphore_mem>>
        %dma_start3A_1050 = arith.constant 0 : i32
        %dma_start3A_1051 = tpu.memref_slice %arg4[%add3A_646, %dma_start3A_1050] : memref<16384x32xf32, #tpu.memory_space<hbm>> -> memref<16x32xf32, #tpu.memory_space<hbm>>
        %dma_start3A_1052 = arith.constant 0 : i32
        %dma_start3A_1053 = tpu.memref_slice %arg4[%add3A_646, %dma_start3A_1052] : memref<16384x32xf32, #tpu.memory_space<hbm>> -> memref<16x32xf32, #tpu.memory_space<hbm>>
        tpu.enqueue_dma source(%dma_start3A_1053 : memref<16x32xf32, #tpu.memory_space<hbm>>) target(%arg13 : memref<16x32xf32, #tpu.memory_space<vmem>>) target_semaphore(%run_scoped3A : memref<!tpu.dma_semaphore, #tpu.memory_space<semaphore_mem>>)
        %dma_wait3A_1054 = arith.constant 0 : i32
        %dma_wait3A_1055 = tpu.memref_slice %arg4[%add3A_646, %dma_wait3A_1054] : memref<16384x32xf32, #tpu.memory_space<hbm>> -> memref<16x32xf32, #tpu.memory_space<hbm>>
        %dma_wait3A_1056 = arith.constant 0 : i32
        %dma_wait3A_1057 = tpu.memref_slice %arg4[%add3A_646, %dma_wait3A_1056] : memref<16384x32xf32, #tpu.memory_space<hbm>> -> memref<16x32xf32, #tpu.memory_space<hbm>>
        tpu.wait_dma2 semaphore(%run_scoped3A : memref<!tpu.dma_semaphore, #tpu.memory_space<semaphore_mem>>) src(%dma_wait3A_1057 : memref<16x32xf32, #tpu.memory_space<hbm>>) dst(%arg13 : memref<16x32xf32, #tpu.memory_space<vmem>>)
        tpu.yield
      }) : () -> ()
      "tpu.region"() ({
        %run_scoped3A = tpu.sem_alloc : memref<!tpu.dma_semaphore, #tpu.memory_space<semaphore_mem>>
        %dma_start3A_1050 = arith.constant 0 : i32
        %dma_start3A_1051 = tpu.memref_slice %arg5[%add3A_646, %dma_start3A_1050] : memref<16384x32xf32, #tpu.memory_space<hbm>> -> memref<16x32xf32, #tpu.memory_space<hbm>>
        %dma_start3A_1052 = arith.constant 0 : i32
        %dma_start3A_1053 = tpu.memref_slice %arg5[%add3A_646, %dma_start3A_1052] : memref<16384x32xf32, #tpu.memory_space<hbm>> -> memref<16x32xf32, #tpu.memory_space<hbm>>
        tpu.enqueue_dma source(%dma_start3A_1053 : memref<16x32xf32, #tpu.memory_space<hbm>>) target(%arg14 : memref<16x32xf32, #tpu.memory_space<vmem>>) target_semaphore(%run_scoped3A : memref<!tpu.dma_semaphore, #tpu.memory_space<semaphore_mem>>)
        %dma_wait3A_1054 = arith.constant 0 : i32
        %dma_wait3A_1055 = tpu.memref_slice %arg5[%add3A_646, %dma_wait3A_1054] : memref<16384x32xf32, #tpu.memory_space<hbm>> -> memref<16x32xf32, #tpu.memory_space<hbm>>
        %dma_wait3A_1056 = arith.constant 0 : i32
        %dma_wait3A_1057 = tpu.memref_slice %arg5[%add3A_646, %dma_wait3A_1056] : memref<16384x32xf32, #tpu.memory_space<hbm>> -> memref<16x32xf32, #tpu.memory_space<hbm>>
        tpu.wait_dma2 semaphore(%run_scoped3A : memref<!tpu.dma_semaphore, #tpu.memory_space<semaphore_mem>>) src(%dma_wait3A_1057 : memref<16x32xf32, #tpu.memory_space<hbm>>) dst(%arg14 : memref<16x32xf32, #tpu.memory_space<vmem>>)
        tpu.yield
      }) : () -> ()
      "tpu.region"() ({
        %run_scoped3A = tpu.sem_alloc : memref<!tpu.dma_semaphore, #tpu.memory_space<semaphore_mem>>
        %dma_start3A_1050 = arith.constant 0 : i32
        %dma_start3A_1051 = tpu.memref_slice %arg6[%add3A_646, %dma_start3A_1050] : memref<16384x32xf32, #tpu.memory_space<hbm>> -> memref<16x32xf32, #tpu.memory_space<hbm>>
        %dma_start3A_1052 = arith.constant 0 : i32
        %dma_start3A_1053 = tpu.memref_slice %arg6[%add3A_646, %dma_start3A_1052] : memref<16384x32xf32, #tpu.memory_space<hbm>> -> memref<16x32xf32, #tpu.memory_space<hbm>>
        tpu.enqueue_dma source(%dma_start3A_1053 : memref<16x32xf32, #tpu.memory_space<hbm>>) target(%arg15 : memref<16x32xf32, #tpu.memory_space<vmem>>) target_semaphore(%run_scoped3A : memref<!tpu.dma_semaphore, #tpu.memory_space<semaphore_mem>>)
        %dma_wait3A_1054 = arith.constant 0 : i32
        %dma_wait3A_1055 = tpu.memref_slice %arg6[%add3A_646, %dma_wait3A_1054] : memref<16384x32xf32, #tpu.memory_space<hbm>> -> memref<16x32xf32, #tpu.memory_space<hbm>>
        %dma_wait3A_1056 = arith.constant 0 : i32
        %dma_wait3A_1057 = tpu.memref_slice %arg6[%add3A_646, %dma_wait3A_1056] : memref<16384x32xf32, #tpu.memory_space<hbm>> -> memref<16x32xf32, #tpu.memory_space<hbm>>
        tpu.wait_dma2 semaphore(%run_scoped3A : memref<!tpu.dma_semaphore, #tpu.memory_space<semaphore_mem>>) src(%dma_wait3A_1057 : memref<16x32xf32, #tpu.memory_space<hbm>>) dst(%arg15 : memref<16x32xf32, #tpu.memory_space<vmem>>)
        tpu.yield
      }) : () -> ()
      %broadcast_in_dim3A_647 = arith.constant 0.000000e+00 : f32
      %broadcast_in_dim3A_648 = vector.broadcast %broadcast_in_dim3A_647 : f32 to vector<16xf32>
      %add3A_649 = arith.constant 0 : i32
      %add3A_650 = vector.broadcast %add3A_649 : i32 to vector<16xi32>
      %add3A_651 = arith.addi %iota3A, %add3A_650 : vector<16xi32>
      %and3A_652 = arith.constant 31 : i32
      %and3A_653 = vector.broadcast %and3A_652 : i32 to vector<16xi32>
      %and3A_654 = arith.andi %add3A_651, %and3A_653 : vector<16xi32>
      %gather3A_655 = tpu.vector_load_idx %arg13[%iota3A, %and3A_654] : memref<16x32xf32, #tpu.memory_space<vmem>>[vector<16xi32>, vector<16xi32>], vector<16xf32>,
      %gather3A_656 = tpu.vector_load_idx %arg14[%iota3A, %and3A_654] : memref<16x32xf32, #tpu.memory_space<vmem>>[vector<16xi32>, vector<16xi32>], vector<16xf32>,
      %gather3A_657 = tpu.vector_load_idx %arg15[%iota3A, %and3A_654] : memref<16x32xf32, #tpu.memory_space<vmem>>[vector<16xi32>, vector<16xi32>], vector<16xf32>,
      %add3A_658 = arith.addf %gather3A_656, %gather3A_657 : vector<16xf32>
      %mul3A_659 = arith.mulf %gather3A_655, %add3A_658 : vector<16xf32>
      %add3A_660 = arith.addf %broadcast_in_dim3A_648, %mul3A_659 : vector<16xf32>
      %add3A_661 = arith.constant 1 : i32
      %add3A_662 = vector.broadcast %add3A_661 : i32 to vector<16xi32>
      %add3A_663 = arith.addi %iota3A, %add3A_662 : vector<16xi32>
      %and3A_664 = arith.constant 31 : i32
      %and3A_665 = vector.broadcast %and3A_664 : i32 to vector<16xi32>
      %and3A_666 = arith.andi %add3A_663, %and3A_665 : vector<16xi32>
      %gather3A_667 = tpu.vector_load_idx %arg13[%iota3A, %and3A_666] : memref<16x32xf32, #tpu.memory_space<vmem>>[vector<16xi32>, vector<16xi32>], vector<16xf32>,
      %gather3A_668 = tpu.vector_load_idx %arg14[%iota3A, %and3A_666] : memref<16x32xf32, #tpu.memory_space<vmem>>[vector<16xi32>, vector<16xi32>], vector<16xf32>,
      %gather3A_669 = tpu.vector_load_idx %arg15[%iota3A, %and3A_666] : memref<16x32xf32, #tpu.memory_space<vmem>>[vector<16xi32>, vector<16xi32>], vector<16xf32>,
      %add3A_670 = arith.addf %gather3A_668, %gather3A_669 : vector<16xf32>
      %mul3A_671 = arith.mulf %gather3A_667, %add3A_670 : vector<16xf32>
      %add3A_672 = arith.addf %add3A_660, %mul3A_671 : vector<16xf32>
      %add3A_673 = arith.constant 2 : i32
      %add3A_674 = vector.broadcast %add3A_673 : i32 to vector<16xi32>
      %add3A_675 = arith.addi %iota3A, %add3A_674 : vector<16xi32>
      %and3A_676 = arith.constant 31 : i32
      %and3A_677 = vector.broadcast %and3A_676 : i32 to vector<16xi32>
      %and3A_678 = arith.andi %add3A_675, %and3A_677 : vector<16xi32>
      %gather3A_679 = tpu.vector_load_idx %arg13[%iota3A, %and3A_678] : memref<16x32xf32, #tpu.memory_space<vmem>>[vector<16xi32>, vector<16xi32>], vector<16xf32>,
      %gather3A_680 = tpu.vector_load_idx %arg14[%iota3A, %and3A_678] : memref<16x32xf32, #tpu.memory_space<vmem>>[vector<16xi32>, vector<16xi32>], vector<16xf32>,
      %gather3A_681 = tpu.vector_load_idx %arg15[%iota3A, %and3A_678] : memref<16x32xf32, #tpu.memory_space<vmem>>[vector<16xi32>, vector<16xi32>], vector<16xf32>,
      %add3A_682 = arith.addf %gather3A_680, %gather3A_681 : vector<16xf32>
      %mul3A_683 = arith.mulf %gather3A_679, %add3A_682 : vector<16xf32>
      %add3A_684 = arith.addf %add3A_672, %mul3A_683 : vector<16xf32>
      %add3A_685 = arith.constant 3 : i32
      %add3A_686 = vector.broadcast %add3A_685 : i32 to vector<16xi32>
      %add3A_687 = arith.addi %iota3A, %add3A_686 : vector<16xi32>
      %and3A_688 = arith.constant 31 : i32
      %and3A_689 = vector.broadcast %and3A_688 : i32 to vector<16xi32>
      %and3A_690 = arith.andi %add3A_687, %and3A_689 : vector<16xi32>
      %gather3A_691 = tpu.vector_load_idx %arg13[%iota3A, %and3A_690] : memref<16x32xf32, #tpu.memory_space<vmem>>[vector<16xi32>, vector<16xi32>], vector<16xf32>,
      %gather3A_692 = tpu.vector_load_idx %arg14[%iota3A, %and3A_690] : memref<16x32xf32, #tpu.memory_space<vmem>>[vector<16xi32>, vector<16xi32>], vector<16xf32>,
      %gather3A_693 = tpu.vector_load_idx %arg15[%iota3A, %and3A_690] : memref<16x32xf32, #tpu.memory_space<vmem>>[vector<16xi32>, vector<16xi32>], vector<16xf32>,
      %add3A_694 = arith.addf %gather3A_692, %gather3A_693 : vector<16xf32>
      %mul3A_695 = arith.mulf %gather3A_691, %add3A_694 : vector<16xf32>
      %add3A_696 = arith.addf %add3A_684, %mul3A_695 : vector<16xf32>
      %add3A_697 = arith.constant 4 : i32
      %add3A_698 = vector.broadcast %add3A_697 : i32 to vector<16xi32>
      %add3A_699 = arith.addi %iota3A, %add3A_698 : vector<16xi32>
      %and3A_700 = arith.constant 31 : i32
      %and3A_701 = vector.broadcast %and3A_700 : i32 to vector<16xi32>
      %and3A_702 = arith.andi %add3A_699, %and3A_701 : vector<16xi32>
      %gather3A_703 = tpu.vector_load_idx %arg13[%iota3A, %and3A_702] : memref<16x32xf32, #tpu.memory_space<vmem>>[vector<16xi32>, vector<16xi32>], vector<16xf32>,
      %gather3A_704 = tpu.vector_load_idx %arg14[%iota3A, %and3A_702] : memref<16x32xf32, #tpu.memory_space<vmem>>[vector<16xi32>, vector<16xi32>], vector<16xf32>,
      %gather3A_705 = tpu.vector_load_idx %arg15[%iota3A, %and3A_702] : memref<16x32xf32, #tpu.memory_space<vmem>>[vector<16xi32>, vector<16xi32>], vector<16xf32>,
      %add3A_706 = arith.addf %gather3A_704, %gather3A_705 : vector<16xf32>
      %mul3A_707 = arith.mulf %gather3A_703, %add3A_706 : vector<16xf32>
      %add3A_708 = arith.addf %add3A_696, %mul3A_707 : vector<16xf32>
      %add3A_709 = arith.constant 5 : i32
      %add3A_710 = vector.broadcast %add3A_709 : i32 to vector<16xi32>
      %add3A_711 = arith.addi %iota3A, %add3A_710 : vector<16xi32>
      %and3A_712 = arith.constant 31 : i32
      %and3A_713 = vector.broadcast %and3A_712 : i32 to vector<16xi32>
      %and3A_714 = arith.andi %add3A_711, %and3A_713 : vector<16xi32>
      %gather3A_715 = tpu.vector_load_idx %arg13[%iota3A, %and3A_714] : memref<16x32xf32, #tpu.memory_space<vmem>>[vector<16xi32>, vector<16xi32>], vector<16xf32>,
      %gather3A_716 = tpu.vector_load_idx %arg14[%iota3A, %and3A_714] : memref<16x32xf32, #tpu.memory_space<vmem>>[vector<16xi32>, vector<16xi32>], vector<16xf32>,
      %gather3A_717 = tpu.vector_load_idx %arg15[%iota3A, %and3A_714] : memref<16x32xf32, #tpu.memory_space<vmem>>[vector<16xi32>, vector<16xi32>], vector<16xf32>,
      %add3A_718 = arith.addf %gather3A_716, %gather3A_717 : vector<16xf32>
      %mul3A_719 = arith.mulf %gather3A_715, %add3A_718 : vector<16xf32>
      %add3A_720 = arith.addf %add3A_708, %mul3A_719 : vector<16xf32>
      %add3A_721 = arith.constant 6 : i32
      %add3A_722 = vector.broadcast %add3A_721 : i32 to vector<16xi32>
      %add3A_723 = arith.addi %iota3A, %add3A_722 : vector<16xi32>
      %and3A_724 = arith.constant 31 : i32
      %and3A_725 = vector.broadcast %and3A_724 : i32 to vector<16xi32>
      %and3A_726 = arith.andi %add3A_723, %and3A_725 : vector<16xi32>
      %gather3A_727 = tpu.vector_load_idx %arg13[%iota3A, %and3A_726] : memref<16x32xf32, #tpu.memory_space<vmem>>[vector<16xi32>, vector<16xi32>], vector<16xf32>,
      %gather3A_728 = tpu.vector_load_idx %arg14[%iota3A, %and3A_726] : memref<16x32xf32, #tpu.memory_space<vmem>>[vector<16xi32>, vector<16xi32>], vector<16xf32>,
      %gather3A_729 = tpu.vector_load_idx %arg15[%iota3A, %and3A_726] : memref<16x32xf32, #tpu.memory_space<vmem>>[vector<16xi32>, vector<16xi32>], vector<16xf32>,
      %add3A_730 = arith.addf %gather3A_728, %gather3A_729 : vector<16xf32>
      %mul3A_731 = arith.mulf %gather3A_727, %add3A_730 : vector<16xf32>
      %add3A_732 = arith.addf %add3A_720, %mul3A_731 : vector<16xf32>
      %add3A_733 = arith.constant 7 : i32
      %add3A_734 = vector.broadcast %add3A_733 : i32 to vector<16xi32>
      %add3A_735 = arith.addi %iota3A, %add3A_734 : vector<16xi32>
      %and3A_736 = arith.constant 31 : i32
      %and3A_737 = vector.broadcast %and3A_736 : i32 to vector<16xi32>
      %and3A_738 = arith.andi %add3A_735, %and3A_737 : vector<16xi32>
      %gather3A_739 = tpu.vector_load_idx %arg13[%iota3A, %and3A_738] : memref<16x32xf32, #tpu.memory_space<vmem>>[vector<16xi32>, vector<16xi32>], vector<16xf32>,
      %gather3A_740 = tpu.vector_load_idx %arg14[%iota3A, %and3A_738] : memref<16x32xf32, #tpu.memory_space<vmem>>[vector<16xi32>, vector<16xi32>], vector<16xf32>,
      %gather3A_741 = tpu.vector_load_idx %arg15[%iota3A, %and3A_738] : memref<16x32xf32, #tpu.memory_space<vmem>>[vector<16xi32>, vector<16xi32>], vector<16xf32>,
      %add3A_742 = arith.addf %gather3A_740, %gather3A_741 : vector<16xf32>
      %mul3A_743 = arith.mulf %gather3A_739, %add3A_742 : vector<16xf32>
      %add3A_744 = arith.addf %add3A_732, %mul3A_743 : vector<16xf32>
      %add3A_745 = arith.constant 8 : i32
      %add3A_746 = vector.broadcast %add3A_745 : i32 to vector<16xi32>
      %add3A_747 = arith.addi %iota3A, %add3A_746 : vector<16xi32>
      %and3A_748 = arith.constant 31 : i32
      %and3A_749 = vector.broadcast %and3A_748 : i32 to vector<16xi32>
      %and3A_750 = arith.andi %add3A_747, %and3A_749 : vector<16xi32>
      %gather3A_751 = tpu.vector_load_idx %arg13[%iota3A, %and3A_750] : memref<16x32xf32, #tpu.memory_space<vmem>>[vector<16xi32>, vector<16xi32>], vector<16xf32>,
      %gather3A_752 = tpu.vector_load_idx %arg14[%iota3A, %and3A_750] : memref<16x32xf32, #tpu.memory_space<vmem>>[vector<16xi32>, vector<16xi32>], vector<16xf32>,
      %gather3A_753 = tpu.vector_load_idx %arg15[%iota3A, %and3A_750] : memref<16x32xf32, #tpu.memory_space<vmem>>[vector<16xi32>, vector<16xi32>], vector<16xf32>,
      %add3A_754 = arith.addf %gather3A_752, %gather3A_753 : vector<16xf32>
      %mul3A_755 = arith.mulf %gather3A_751, %add3A_754 : vector<16xf32>
      %add3A_756 = arith.addf %add3A_744, %mul3A_755 : vector<16xf32>
      %add3A_757 = arith.constant 9 : i32
      %add3A_758 = vector.broadcast %add3A_757 : i32 to vector<16xi32>
      %add3A_759 = arith.addi %iota3A, %add3A_758 : vector<16xi32>
      %and3A_760 = arith.constant 31 : i32
      %and3A_761 = vector.broadcast %and3A_760 : i32 to vector<16xi32>
      %and3A_762 = arith.andi %add3A_759, %and3A_761 : vector<16xi32>
      %gather3A_763 = tpu.vector_load_idx %arg13[%iota3A, %and3A_762] : memref<16x32xf32, #tpu.memory_space<vmem>>[vector<16xi32>, vector<16xi32>], vector<16xf32>,
      %gather3A_764 = tpu.vector_load_idx %arg14[%iota3A, %and3A_762] : memref<16x32xf32, #tpu.memory_space<vmem>>[vector<16xi32>, vector<16xi32>], vector<16xf32>,
      %gather3A_765 = tpu.vector_load_idx %arg15[%iota3A, %and3A_762] : memref<16x32xf32, #tpu.memory_space<vmem>>[vector<16xi32>, vector<16xi32>], vector<16xf32>,
      %add3A_766 = arith.addf %gather3A_764, %gather3A_765 : vector<16xf32>
      %mul3A_767 = arith.mulf %gather3A_763, %add3A_766 : vector<16xf32>
      %add3A_768 = arith.addf %add3A_756, %mul3A_767 : vector<16xf32>
      %add3A_769 = arith.constant 10 : i32
      %add3A_770 = vector.broadcast %add3A_769 : i32 to vector<16xi32>
      %add3A_771 = arith.addi %iota3A, %add3A_770 : vector<16xi32>
      %and3A_772 = arith.constant 31 : i32
      %and3A_773 = vector.broadcast %and3A_772 : i32 to vector<16xi32>
      %and3A_774 = arith.andi %add3A_771, %and3A_773 : vector<16xi32>
      %gather3A_775 = tpu.vector_load_idx %arg13[%iota3A, %and3A_774] : memref<16x32xf32, #tpu.memory_space<vmem>>[vector<16xi32>, vector<16xi32>], vector<16xf32>,
      %gather3A_776 = tpu.vector_load_idx %arg14[%iota3A, %and3A_774] : memref<16x32xf32, #tpu.memory_space<vmem>>[vector<16xi32>, vector<16xi32>], vector<16xf32>,
      %gather3A_777 = tpu.vector_load_idx %arg15[%iota3A, %and3A_774] : memref<16x32xf32, #tpu.memory_space<vmem>>[vector<16xi32>, vector<16xi32>], vector<16xf32>,
      %add3A_778 = arith.addf %gather3A_776, %gather3A_777 : vector<16xf32>
      %mul3A_779 = arith.mulf %gather3A_775, %add3A_778 : vector<16xf32>
      %add3A_780 = arith.addf %add3A_768, %mul3A_779 : vector<16xf32>
      %add3A_781 = arith.constant 11 : i32
      %add3A_782 = vector.broadcast %add3A_781 : i32 to vector<16xi32>
      %add3A_783 = arith.addi %iota3A, %add3A_782 : vector<16xi32>
      %and3A_784 = arith.constant 31 : i32
      %and3A_785 = vector.broadcast %and3A_784 : i32 to vector<16xi32>
      %and3A_786 = arith.andi %add3A_783, %and3A_785 : vector<16xi32>
      %gather3A_787 = tpu.vector_load_idx %arg13[%iota3A, %and3A_786] : memref<16x32xf32, #tpu.memory_space<vmem>>[vector<16xi32>, vector<16xi32>], vector<16xf32>,
      %gather3A_788 = tpu.vector_load_idx %arg14[%iota3A, %and3A_786] : memref<16x32xf32, #tpu.memory_space<vmem>>[vector<16xi32>, vector<16xi32>], vector<16xf32>,
      %gather3A_789 = tpu.vector_load_idx %arg15[%iota3A, %and3A_786] : memref<16x32xf32, #tpu.memory_space<vmem>>[vector<16xi32>, vector<16xi32>], vector<16xf32>,
      %add3A_790 = arith.addf %gather3A_788, %gather3A_789 : vector<16xf32>
      %mul3A_791 = arith.mulf %gather3A_787, %add3A_790 : vector<16xf32>
      %add3A_792 = arith.addf %add3A_780, %mul3A_791 : vector<16xf32>
      %add3A_793 = arith.constant 12 : i32
      %add3A_794 = vector.broadcast %add3A_793 : i32 to vector<16xi32>
      %add3A_795 = arith.addi %iota3A, %add3A_794 : vector<16xi32>
      %and3A_796 = arith.constant 31 : i32
      %and3A_797 = vector.broadcast %and3A_796 : i32 to vector<16xi32>
      %and3A_798 = arith.andi %add3A_795, %and3A_797 : vector<16xi32>
      %gather3A_799 = tpu.vector_load_idx %arg13[%iota3A, %and3A_798] : memref<16x32xf32, #tpu.memory_space<vmem>>[vector<16xi32>, vector<16xi32>], vector<16xf32>,
      %gather3A_800 = tpu.vector_load_idx %arg14[%iota3A, %and3A_798] : memref<16x32xf32, #tpu.memory_space<vmem>>[vector<16xi32>, vector<16xi32>], vector<16xf32>,
      %gather3A_801 = tpu.vector_load_idx %arg15[%iota3A, %and3A_798] : memref<16x32xf32, #tpu.memory_space<vmem>>[vector<16xi32>, vector<16xi32>], vector<16xf32>,
      %add3A_802 = arith.addf %gather3A_800, %gather3A_801 : vector<16xf32>
      %mul3A_803 = arith.mulf %gather3A_799, %add3A_802 : vector<16xf32>
      %add3A_804 = arith.addf %add3A_792, %mul3A_803 : vector<16xf32>
      %add3A_805 = arith.constant 13 : i32
      %add3A_806 = vector.broadcast %add3A_805 : i32 to vector<16xi32>
      %add3A_807 = arith.addi %iota3A, %add3A_806 : vector<16xi32>
      %and3A_808 = arith.constant 31 : i32
      %and3A_809 = vector.broadcast %and3A_808 : i32 to vector<16xi32>
      %and3A_810 = arith.andi %add3A_807, %and3A_809 : vector<16xi32>
      %gather3A_811 = tpu.vector_load_idx %arg13[%iota3A, %and3A_810] : memref<16x32xf32, #tpu.memory_space<vmem>>[vector<16xi32>, vector<16xi32>], vector<16xf32>,
      %gather3A_812 = tpu.vector_load_idx %arg14[%iota3A, %and3A_810] : memref<16x32xf32, #tpu.memory_space<vmem>>[vector<16xi32>, vector<16xi32>], vector<16xf32>,
      %gather3A_813 = tpu.vector_load_idx %arg15[%iota3A, %and3A_810] : memref<16x32xf32, #tpu.memory_space<vmem>>[vector<16xi32>, vector<16xi32>], vector<16xf32>,
      %add3A_814 = arith.addf %gather3A_812, %gather3A_813 : vector<16xf32>
      %mul3A_815 = arith.mulf %gather3A_811, %add3A_814 : vector<16xf32>
      %add3A_816 = arith.addf %add3A_804, %mul3A_815 : vector<16xf32>
      %add3A_817 = arith.constant 14 : i32
      %add3A_818 = vector.broadcast %add3A_817 : i32 to vector<16xi32>
      %add3A_819 = arith.addi %iota3A, %add3A_818 : vector<16xi32>
      %and3A_820 = arith.constant 31 : i32
      %and3A_821 = vector.broadcast %and3A_820 : i32 to vector<16xi32>
      %and3A_822 = arith.andi %add3A_819, %and3A_821 : vector<16xi32>
      %gather3A_823 = tpu.vector_load_idx %arg13[%iota3A, %and3A_822] : memref<16x32xf32, #tpu.memory_space<vmem>>[vector<16xi32>, vector<16xi32>], vector<16xf32>,
      %gather3A_824 = tpu.vector_load_idx %arg14[%iota3A, %and3A_822] : memref<16x32xf32, #tpu.memory_space<vmem>>[vector<16xi32>, vector<16xi32>], vector<16xf32>,
      %gather3A_825 = tpu.vector_load_idx %arg15[%iota3A, %and3A_822] : memref<16x32xf32, #tpu.memory_space<vmem>>[vector<16xi32>, vector<16xi32>], vector<16xf32>,
      %add3A_826 = arith.addf %gather3A_824, %gather3A_825 : vector<16xf32>
      %mul3A_827 = arith.mulf %gather3A_823, %add3A_826 : vector<16xf32>
      %add3A_828 = arith.addf %add3A_816, %mul3A_827 : vector<16xf32>
      %add3A_829 = arith.constant 15 : i32
      %add3A_830 = vector.broadcast %add3A_829 : i32 to vector<16xi32>
      %add3A_831 = arith.addi %iota3A, %add3A_830 : vector<16xi32>
      %and3A_832 = arith.constant 31 : i32
      %and3A_833 = vector.broadcast %and3A_832 : i32 to vector<16xi32>
      %and3A_834 = arith.andi %add3A_831, %and3A_833 : vector<16xi32>
      %gather3A_835 = tpu.vector_load_idx %arg13[%iota3A, %and3A_834] : memref<16x32xf32, #tpu.memory_space<vmem>>[vector<16xi32>, vector<16xi32>], vector<16xf32>,
      %gather3A_836 = tpu.vector_load_idx %arg14[%iota3A, %and3A_834] : memref<16x32xf32, #tpu.memory_space<vmem>>[vector<16xi32>, vector<16xi32>], vector<16xf32>,
      %gather3A_837 = tpu.vector_load_idx %arg15[%iota3A, %and3A_834] : memref<16x32xf32, #tpu.memory_space<vmem>>[vector<16xi32>, vector<16xi32>], vector<16xf32>,
      %add3A_838 = arith.addf %gather3A_836, %gather3A_837 : vector<16xf32>
      %mul3A_839 = arith.mulf %gather3A_835, %add3A_838 : vector<16xf32>
      %add3A_840 = arith.addf %add3A_828, %mul3A_839 : vector<16xf32>
      %add3A_841 = arith.constant 16 : i32
      %add3A_842 = vector.broadcast %add3A_841 : i32 to vector<16xi32>
      %add3A_843 = arith.addi %iota3A, %add3A_842 : vector<16xi32>
      %and3A_844 = arith.constant 31 : i32
      %and3A_845 = vector.broadcast %and3A_844 : i32 to vector<16xi32>
      %and3A_846 = arith.andi %add3A_843, %and3A_845 : vector<16xi32>
      %gather3A_847 = tpu.vector_load_idx %arg13[%iota3A, %and3A_846] : memref<16x32xf32, #tpu.memory_space<vmem>>[vector<16xi32>, vector<16xi32>], vector<16xf32>,
      %gather3A_848 = tpu.vector_load_idx %arg14[%iota3A, %and3A_846] : memref<16x32xf32, #tpu.memory_space<vmem>>[vector<16xi32>, vector<16xi32>], vector<16xf32>,
      %gather3A_849 = tpu.vector_load_idx %arg15[%iota3A, %and3A_846] : memref<16x32xf32, #tpu.memory_space<vmem>>[vector<16xi32>, vector<16xi32>], vector<16xf32>,
      %add3A_850 = arith.addf %gather3A_848, %gather3A_849 : vector<16xf32>
      %mul3A_851 = arith.mulf %gather3A_847, %add3A_850 : vector<16xf32>
      %add3A_852 = arith.addf %add3A_840, %mul3A_851 : vector<16xf32>
      %add3A_853 = arith.constant 17 : i32
      %add3A_854 = vector.broadcast %add3A_853 : i32 to vector<16xi32>
      %add3A_855 = arith.addi %iota3A, %add3A_854 : vector<16xi32>
      %and3A_856 = arith.constant 31 : i32
      %and3A_857 = vector.broadcast %and3A_856 : i32 to vector<16xi32>
      %and3A_858 = arith.andi %add3A_855, %and3A_857 : vector<16xi32>
      %gather3A_859 = tpu.vector_load_idx %arg13[%iota3A, %and3A_858] : memref<16x32xf32, #tpu.memory_space<vmem>>[vector<16xi32>, vector<16xi32>], vector<16xf32>,
      %gather3A_860 = tpu.vector_load_idx %arg14[%iota3A, %and3A_858] : memref<16x32xf32, #tpu.memory_space<vmem>>[vector<16xi32>, vector<16xi32>], vector<16xf32>,
      %gather3A_861 = tpu.vector_load_idx %arg15[%iota3A, %and3A_858] : memref<16x32xf32, #tpu.memory_space<vmem>>[vector<16xi32>, vector<16xi32>], vector<16xf32>,
      %add3A_862 = arith.addf %gather3A_860, %gather3A_861 : vector<16xf32>
      %mul3A_863 = arith.mulf %gather3A_859, %add3A_862 : vector<16xf32>
      %add3A_864 = arith.addf %add3A_852, %mul3A_863 : vector<16xf32>
      %add3A_865 = arith.constant 18 : i32
      %add3A_866 = vector.broadcast %add3A_865 : i32 to vector<16xi32>
      %add3A_867 = arith.addi %iota3A, %add3A_866 : vector<16xi32>
      %and3A_868 = arith.constant 31 : i32
      %and3A_869 = vector.broadcast %and3A_868 : i32 to vector<16xi32>
      %and3A_870 = arith.andi %add3A_867, %and3A_869 : vector<16xi32>
      %gather3A_871 = tpu.vector_load_idx %arg13[%iota3A, %and3A_870] : memref<16x32xf32, #tpu.memory_space<vmem>>[vector<16xi32>, vector<16xi32>], vector<16xf32>,
      %gather3A_872 = tpu.vector_load_idx %arg14[%iota3A, %and3A_870] : memref<16x32xf32, #tpu.memory_space<vmem>>[vector<16xi32>, vector<16xi32>], vector<16xf32>,
      %gather3A_873 = tpu.vector_load_idx %arg15[%iota3A, %and3A_870] : memref<16x32xf32, #tpu.memory_space<vmem>>[vector<16xi32>, vector<16xi32>], vector<16xf32>,
      %add3A_874 = arith.addf %gather3A_872, %gather3A_873 : vector<16xf32>
      %mul3A_875 = arith.mulf %gather3A_871, %add3A_874 : vector<16xf32>
      %add3A_876 = arith.addf %add3A_864, %mul3A_875 : vector<16xf32>
      %add3A_877 = arith.constant 19 : i32
      %add3A_878 = vector.broadcast %add3A_877 : i32 to vector<16xi32>
      %add3A_879 = arith.addi %iota3A, %add3A_878 : vector<16xi32>
      %and3A_880 = arith.constant 31 : i32
      %and3A_881 = vector.broadcast %and3A_880 : i32 to vector<16xi32>
      %and3A_882 = arith.andi %add3A_879, %and3A_881 : vector<16xi32>
      %gather3A_883 = tpu.vector_load_idx %arg13[%iota3A, %and3A_882] : memref<16x32xf32, #tpu.memory_space<vmem>>[vector<16xi32>, vector<16xi32>], vector<16xf32>,
      %gather3A_884 = tpu.vector_load_idx %arg14[%iota3A, %and3A_882] : memref<16x32xf32, #tpu.memory_space<vmem>>[vector<16xi32>, vector<16xi32>], vector<16xf32>,
      %gather3A_885 = tpu.vector_load_idx %arg15[%iota3A, %and3A_882] : memref<16x32xf32, #tpu.memory_space<vmem>>[vector<16xi32>, vector<16xi32>], vector<16xf32>,
      %add3A_886 = arith.addf %gather3A_884, %gather3A_885 : vector<16xf32>
      %mul3A_887 = arith.mulf %gather3A_883, %add3A_886 : vector<16xf32>
      %add3A_888 = arith.addf %add3A_876, %mul3A_887 : vector<16xf32>
      %add3A_889 = arith.constant 20 : i32
      %add3A_890 = vector.broadcast %add3A_889 : i32 to vector<16xi32>
      %add3A_891 = arith.addi %iota3A, %add3A_890 : vector<16xi32>
      %and3A_892 = arith.constant 31 : i32
      %and3A_893 = vector.broadcast %and3A_892 : i32 to vector<16xi32>
      %and3A_894 = arith.andi %add3A_891, %and3A_893 : vector<16xi32>
      %gather3A_895 = tpu.vector_load_idx %arg13[%iota3A, %and3A_894] : memref<16x32xf32, #tpu.memory_space<vmem>>[vector<16xi32>, vector<16xi32>], vector<16xf32>,
      %gather3A_896 = tpu.vector_load_idx %arg14[%iota3A, %and3A_894] : memref<16x32xf32, #tpu.memory_space<vmem>>[vector<16xi32>, vector<16xi32>], vector<16xf32>,
      %gather3A_897 = tpu.vector_load_idx %arg15[%iota3A, %and3A_894] : memref<16x32xf32, #tpu.memory_space<vmem>>[vector<16xi32>, vector<16xi32>], vector<16xf32>,
      %add3A_898 = arith.addf %gather3A_896, %gather3A_897 : vector<16xf32>
      %mul3A_899 = arith.mulf %gather3A_895, %add3A_898 : vector<16xf32>
      %add3A_900 = arith.addf %add3A_888, %mul3A_899 : vector<16xf32>
      %add3A_901 = arith.constant 21 : i32
      %add3A_902 = vector.broadcast %add3A_901 : i32 to vector<16xi32>
      %add3A_903 = arith.addi %iota3A, %add3A_902 : vector<16xi32>
      %and3A_904 = arith.constant 31 : i32
      %and3A_905 = vector.broadcast %and3A_904 : i32 to vector<16xi32>
      %and3A_906 = arith.andi %add3A_903, %and3A_905 : vector<16xi32>
      %gather3A_907 = tpu.vector_load_idx %arg13[%iota3A, %and3A_906] : memref<16x32xf32, #tpu.memory_space<vmem>>[vector<16xi32>, vector<16xi32>], vector<16xf32>,
      %gather3A_908 = tpu.vector_load_idx %arg14[%iota3A, %and3A_906] : memref<16x32xf32, #tpu.memory_space<vmem>>[vector<16xi32>, vector<16xi32>], vector<16xf32>,
      %gather3A_909 = tpu.vector_load_idx %arg15[%iota3A, %and3A_906] : memref<16x32xf32, #tpu.memory_space<vmem>>[vector<16xi32>, vector<16xi32>], vector<16xf32>,
      %add3A_910 = arith.addf %gather3A_908, %gather3A_909 : vector<16xf32>
      %mul3A_911 = arith.mulf %gather3A_907, %add3A_910 : vector<16xf32>
      %add3A_912 = arith.addf %add3A_900, %mul3A_911 : vector<16xf32>
      %add3A_913 = arith.constant 22 : i32
      %add3A_914 = vector.broadcast %add3A_913 : i32 to vector<16xi32>
      %add3A_915 = arith.addi %iota3A, %add3A_914 : vector<16xi32>
      %and3A_916 = arith.constant 31 : i32
      %and3A_917 = vector.broadcast %and3A_916 : i32 to vector<16xi32>
      %and3A_918 = arith.andi %add3A_915, %and3A_917 : vector<16xi32>
      %gather3A_919 = tpu.vector_load_idx %arg13[%iota3A, %and3A_918] : memref<16x32xf32, #tpu.memory_space<vmem>>[vector<16xi32>, vector<16xi32>], vector<16xf32>,
      %gather3A_920 = tpu.vector_load_idx %arg14[%iota3A, %and3A_918] : memref<16x32xf32, #tpu.memory_space<vmem>>[vector<16xi32>, vector<16xi32>], vector<16xf32>,
      %gather3A_921 = tpu.vector_load_idx %arg15[%iota3A, %and3A_918] : memref<16x32xf32, #tpu.memory_space<vmem>>[vector<16xi32>, vector<16xi32>], vector<16xf32>,
      %add3A_922 = arith.addf %gather3A_920, %gather3A_921 : vector<16xf32>
      %mul3A_923 = arith.mulf %gather3A_919, %add3A_922 : vector<16xf32>
      %add3A_924 = arith.addf %add3A_912, %mul3A_923 : vector<16xf32>
      %add3A_925 = arith.constant 23 : i32
      %add3A_926 = vector.broadcast %add3A_925 : i32 to vector<16xi32>
      %add3A_927 = arith.addi %iota3A, %add3A_926 : vector<16xi32>
      %and3A_928 = arith.constant 31 : i32
      %and3A_929 = vector.broadcast %and3A_928 : i32 to vector<16xi32>
      %and3A_930 = arith.andi %add3A_927, %and3A_929 : vector<16xi32>
      %gather3A_931 = tpu.vector_load_idx %arg13[%iota3A, %and3A_930] : memref<16x32xf32, #tpu.memory_space<vmem>>[vector<16xi32>, vector<16xi32>], vector<16xf32>,
      %gather3A_932 = tpu.vector_load_idx %arg14[%iota3A, %and3A_930] : memref<16x32xf32, #tpu.memory_space<vmem>>[vector<16xi32>, vector<16xi32>], vector<16xf32>,
      %gather3A_933 = tpu.vector_load_idx %arg15[%iota3A, %and3A_930] : memref<16x32xf32, #tpu.memory_space<vmem>>[vector<16xi32>, vector<16xi32>], vector<16xf32>,
      %add3A_934 = arith.addf %gather3A_932, %gather3A_933 : vector<16xf32>
      %mul3A_935 = arith.mulf %gather3A_931, %add3A_934 : vector<16xf32>
      %add3A_936 = arith.addf %add3A_924, %mul3A_935 : vector<16xf32>
      %add3A_937 = arith.constant 24 : i32
      %add3A_938 = vector.broadcast %add3A_937 : i32 to vector<16xi32>
      %add3A_939 = arith.addi %iota3A, %add3A_938 : vector<16xi32>
      %and3A_940 = arith.constant 31 : i32
      %and3A_941 = vector.broadcast %and3A_940 : i32 to vector<16xi32>
      %and3A_942 = arith.andi %add3A_939, %and3A_941 : vector<16xi32>
      %gather3A_943 = tpu.vector_load_idx %arg13[%iota3A, %and3A_942] : memref<16x32xf32, #tpu.memory_space<vmem>>[vector<16xi32>, vector<16xi32>], vector<16xf32>,
      %gather3A_944 = tpu.vector_load_idx %arg14[%iota3A, %and3A_942] : memref<16x32xf32, #tpu.memory_space<vmem>>[vector<16xi32>, vector<16xi32>], vector<16xf32>,
      %gather3A_945 = tpu.vector_load_idx %arg15[%iota3A, %and3A_942] : memref<16x32xf32, #tpu.memory_space<vmem>>[vector<16xi32>, vector<16xi32>], vector<16xf32>,
      %add3A_946 = arith.addf %gather3A_944, %gather3A_945 : vector<16xf32>
      %mul3A_947 = arith.mulf %gather3A_943, %add3A_946 : vector<16xf32>
      %add3A_948 = arith.addf %add3A_936, %mul3A_947 : vector<16xf32>
      %add3A_949 = arith.constant 25 : i32
      %add3A_950 = vector.broadcast %add3A_949 : i32 to vector<16xi32>
      %add3A_951 = arith.addi %iota3A, %add3A_950 : vector<16xi32>
      %and3A_952 = arith.constant 31 : i32
      %and3A_953 = vector.broadcast %and3A_952 : i32 to vector<16xi32>
      %and3A_954 = arith.andi %add3A_951, %and3A_953 : vector<16xi32>
      %gather3A_955 = tpu.vector_load_idx %arg13[%iota3A, %and3A_954] : memref<16x32xf32, #tpu.memory_space<vmem>>[vector<16xi32>, vector<16xi32>], vector<16xf32>,
      %gather3A_956 = tpu.vector_load_idx %arg14[%iota3A, %and3A_954] : memref<16x32xf32, #tpu.memory_space<vmem>>[vector<16xi32>, vector<16xi32>], vector<16xf32>,
      %gather3A_957 = tpu.vector_load_idx %arg15[%iota3A, %and3A_954] : memref<16x32xf32, #tpu.memory_space<vmem>>[vector<16xi32>, vector<16xi32>], vector<16xf32>,
      %add3A_958 = arith.addf %gather3A_956, %gather3A_957 : vector<16xf32>
      %mul3A_959 = arith.mulf %gather3A_955, %add3A_958 : vector<16xf32>
      %add3A_960 = arith.addf %add3A_948, %mul3A_959 : vector<16xf32>
      %add3A_961 = arith.constant 26 : i32
      %add3A_962 = vector.broadcast %add3A_961 : i32 to vector<16xi32>
      %add3A_963 = arith.addi %iota3A, %add3A_962 : vector<16xi32>
      %and3A_964 = arith.constant 31 : i32
      %and3A_965 = vector.broadcast %and3A_964 : i32 to vector<16xi32>
      %and3A_966 = arith.andi %add3A_963, %and3A_965 : vector<16xi32>
      %gather3A_967 = tpu.vector_load_idx %arg13[%iota3A, %and3A_966] : memref<16x32xf32, #tpu.memory_space<vmem>>[vector<16xi32>, vector<16xi32>], vector<16xf32>,
      %gather3A_968 = tpu.vector_load_idx %arg14[%iota3A, %and3A_966] : memref<16x32xf32, #tpu.memory_space<vmem>>[vector<16xi32>, vector<16xi32>], vector<16xf32>,
      %gather3A_969 = tpu.vector_load_idx %arg15[%iota3A, %and3A_966] : memref<16x32xf32, #tpu.memory_space<vmem>>[vector<16xi32>, vector<16xi32>], vector<16xf32>,
      %add3A_970 = arith.addf %gather3A_968, %gather3A_969 : vector<16xf32>
      %mul3A_971 = arith.mulf %gather3A_967, %add3A_970 : vector<16xf32>
      %add3A_972 = arith.addf %add3A_960, %mul3A_971 : vector<16xf32>
      %add3A_973 = arith.constant 27 : i32
      %add3A_974 = vector.broadcast %add3A_973 : i32 to vector<16xi32>
      %add3A_975 = arith.addi %iota3A, %add3A_974 : vector<16xi32>
      %and3A_976 = arith.constant 31 : i32
      %and3A_977 = vector.broadcast %and3A_976 : i32 to vector<16xi32>
      %and3A_978 = arith.andi %add3A_975, %and3A_977 : vector<16xi32>
      %gather3A_979 = tpu.vector_load_idx %arg13[%iota3A, %and3A_978] : memref<16x32xf32, #tpu.memory_space<vmem>>[vector<16xi32>, vector<16xi32>], vector<16xf32>,
      %gather3A_980 = tpu.vector_load_idx %arg14[%iota3A, %and3A_978] : memref<16x32xf32, #tpu.memory_space<vmem>>[vector<16xi32>, vector<16xi32>], vector<16xf32>,
      %gather3A_981 = tpu.vector_load_idx %arg15[%iota3A, %and3A_978] : memref<16x32xf32, #tpu.memory_space<vmem>>[vector<16xi32>, vector<16xi32>], vector<16xf32>,
      %add3A_982 = arith.addf %gather3A_980, %gather3A_981 : vector<16xf32>
      %mul3A_983 = arith.mulf %gather3A_979, %add3A_982 : vector<16xf32>
      %add3A_984 = arith.addf %add3A_972, %mul3A_983 : vector<16xf32>
      %add3A_985 = arith.constant 28 : i32
      %add3A_986 = vector.broadcast %add3A_985 : i32 to vector<16xi32>
      %add3A_987 = arith.addi %iota3A, %add3A_986 : vector<16xi32>
      %and3A_988 = arith.constant 31 : i32
      %and3A_989 = vector.broadcast %and3A_988 : i32 to vector<16xi32>
      %and3A_990 = arith.andi %add3A_987, %and3A_989 : vector<16xi32>
      %gather3A_991 = tpu.vector_load_idx %arg13[%iota3A, %and3A_990] : memref<16x32xf32, #tpu.memory_space<vmem>>[vector<16xi32>, vector<16xi32>], vector<16xf32>,
      %gather3A_992 = tpu.vector_load_idx %arg14[%iota3A, %and3A_990] : memref<16x32xf32, #tpu.memory_space<vmem>>[vector<16xi32>, vector<16xi32>], vector<16xf32>,
      %gather3A_993 = tpu.vector_load_idx %arg15[%iota3A, %and3A_990] : memref<16x32xf32, #tpu.memory_space<vmem>>[vector<16xi32>, vector<16xi32>], vector<16xf32>,
      %add3A_994 = arith.addf %gather3A_992, %gather3A_993 : vector<16xf32>
      %mul3A_995 = arith.mulf %gather3A_991, %add3A_994 : vector<16xf32>
      %add3A_996 = arith.addf %add3A_984, %mul3A_995 : vector<16xf32>
      %add3A_997 = arith.constant 29 : i32
      %add3A_998 = vector.broadcast %add3A_997 : i32 to vector<16xi32>
      %add3A_999 = arith.addi %iota3A, %add3A_998 : vector<16xi32>
      %and3A_1000 = arith.constant 31 : i32
      %and3A_1001 = vector.broadcast %and3A_1000 : i32 to vector<16xi32>
      %and3A_1002 = arith.andi %add3A_999, %and3A_1001 : vector<16xi32>
      %gather3A_1003 = tpu.vector_load_idx %arg13[%iota3A, %and3A_1002] : memref<16x32xf32, #tpu.memory_space<vmem>>[vector<16xi32>, vector<16xi32>], vector<16xf32>,
      %gather3A_1004 = tpu.vector_load_idx %arg14[%iota3A, %and3A_1002] : memref<16x32xf32, #tpu.memory_space<vmem>>[vector<16xi32>, vector<16xi32>], vector<16xf32>,
      %gather3A_1005 = tpu.vector_load_idx %arg15[%iota3A, %and3A_1002] : memref<16x32xf32, #tpu.memory_space<vmem>>[vector<16xi32>, vector<16xi32>], vector<16xf32>,
      %add3A_1006 = arith.addf %gather3A_1004, %gather3A_1005 : vector<16xf32>
      %mul3A_1007 = arith.mulf %gather3A_1003, %add3A_1006 : vector<16xf32>
      %add3A_1008 = arith.addf %add3A_996, %mul3A_1007 : vector<16xf32>
      %add3A_1009 = arith.constant 30 : i32
      %add3A_1010 = vector.broadcast %add3A_1009 : i32 to vector<16xi32>
      %add3A_1011 = arith.addi %iota3A, %add3A_1010 : vector<16xi32>
      %and3A_1012 = arith.constant 31 : i32
      %and3A_1013 = vector.broadcast %and3A_1012 : i32 to vector<16xi32>
      %and3A_1014 = arith.andi %add3A_1011, %and3A_1013 : vector<16xi32>
      %gather3A_1015 = tpu.vector_load_idx %arg13[%iota3A, %and3A_1014] : memref<16x32xf32, #tpu.memory_space<vmem>>[vector<16xi32>, vector<16xi32>], vector<16xf32>,
      %gather3A_1016 = tpu.vector_load_idx %arg14[%iota3A, %and3A_1014] : memref<16x32xf32, #tpu.memory_space<vmem>>[vector<16xi32>, vector<16xi32>], vector<16xf32>,
      %gather3A_1017 = tpu.vector_load_idx %arg15[%iota3A, %and3A_1014] : memref<16x32xf32, #tpu.memory_space<vmem>>[vector<16xi32>, vector<16xi32>], vector<16xf32>,
      %add3A_1018 = arith.addf %gather3A_1016, %gather3A_1017 : vector<16xf32>
      %mul3A_1019 = arith.mulf %gather3A_1015, %add3A_1018 : vector<16xf32>
      %add3A_1020 = arith.addf %add3A_1008, %mul3A_1019 : vector<16xf32>
      %add3A_1021 = arith.constant 31 : i32
      %add3A_1022 = vector.broadcast %add3A_1021 : i32 to vector<16xi32>
      %add3A_1023 = arith.addi %iota3A, %add3A_1022 : vector<16xi32>
      %and3A_1024 = arith.constant 31 : i32
      %and3A_1025 = vector.broadcast %and3A_1024 : i32 to vector<16xi32>
      %and3A_1026 = arith.andi %add3A_1023, %and3A_1025 : vector<16xi32>
      %gather3A_1027 = tpu.vector_load_idx %arg13[%iota3A, %and3A_1026] : memref<16x32xf32, #tpu.memory_space<vmem>>[vector<16xi32>, vector<16xi32>], vector<16xf32>,
      %gather3A_1028 = tpu.vector_load_idx %arg14[%iota3A, %and3A_1026] : memref<16x32xf32, #tpu.memory_space<vmem>>[vector<16xi32>, vector<16xi32>], vector<16xf32>,
      %gather3A_1029 = tpu.vector_load_idx %arg15[%iota3A, %and3A_1026] : memref<16x32xf32, #tpu.memory_space<vmem>>[vector<16xi32>, vector<16xi32>], vector<16xf32>,
      %add3A_1030 = arith.addf %gather3A_1028, %gather3A_1029 : vector<16xf32>
      %mul3A_1031 = arith.mulf %gather3A_1027, %add3A_1030 : vector<16xf32>
      %add3A_1032 = arith.addf %add3A_1020, %mul3A_1031 : vector<16xf32>
      %swap3A_1033 = arith.constant 0 : index
      %swap3A_1034 = tpu.vector_load %arg16[%swap3A_1033] {strides = array<i32>} : memref<16xf32, #tpu.memory_space<vmem>>, vector<16xf32>,
      tpu.vector_store %arg16[%swap3A_1033], %add3A_1032 {strides = array<i32>} : memref<16xf32, #tpu.memory_space<vmem>>, vector<16xf32>,
      "tpu.region"() ({
        %run_scoped3A = tpu.sem_alloc : memref<!tpu.dma_semaphore, #tpu.memory_space<semaphore_mem>>
        %dma_start3A_1050 = tpu.memref_slice %arg7[%add3A_646] : memref<16384xf32, #tpu.memory_space<hbm>> -> memref<16xf32, #tpu.memory_space<hbm>>
        %dma_start3A_1051 = tpu.memref_slice %arg7[%add3A_646] : memref<16384xf32, #tpu.memory_space<hbm>> -> memref<16xf32, #tpu.memory_space<hbm>>
        tpu.enqueue_dma source(%arg16 : memref<16xf32, #tpu.memory_space<vmem>>) target(%dma_start3A_1051 : memref<16xf32, #tpu.memory_space<hbm>>) target_semaphore(%run_scoped3A : memref<!tpu.dma_semaphore, #tpu.memory_space<semaphore_mem>>)
        %dma_wait3A_1052 = tpu.memref_slice %arg7[%add3A_646] : memref<16384xf32, #tpu.memory_space<hbm>> -> memref<16xf32, #tpu.memory_space<hbm>>
        %dma_wait3A_1053 = tpu.memref_slice %arg7[%add3A_646] : memref<16384xf32, #tpu.memory_space<hbm>> -> memref<16xf32, #tpu.memory_space<hbm>>
        tpu.wait_dma2 semaphore(%run_scoped3A : memref<!tpu.dma_semaphore, #tpu.memory_space<semaphore_mem>>) src(%arg16 : memref<16xf32, #tpu.memory_space<vmem>>) dst(%dma_wait3A_1053 : memref<16xf32, #tpu.memory_space<hbm>>)
        tpu.yield
      }) : () -> ()
      %scan3A_1035 = arith.constant 0 : i32
      %scan3A_1036 = arith.constant 0 : i32
      %scan3A_1037 = arith.constant 16 : i32
      %scan3A_1038 = arith.addi %scan3A_1036, %scan3A_1037 : i32
      %scan3A_1039 = arith.constant 1 : i32
      scf.for %scan3A_1050 = %scan3A_1036 to %scan3A_1038 step %scan3A_1039  : i32 {
        %mul3A_1051 = arith.constant 50 : i32
        %mul3A_1052 = arith.muli %scan3A_1050, %mul3A_1051 : i32
        %add3A_1053 = arith.constant 0 : i32
        %add3A_1054 = arith.addi %mul3A_1052, %add3A_1053 : i32
        %add3A_1055 = vector.broadcast %add3A_1054 : i32 to vector<16xi32>
        %add3A_1056 = arith.addi %add3A_1055, %iota3A : vector<16xi32>
        %min3A = arith.constant 799 : i32
        %min3A_1057 = vector.broadcast %min3A : i32 to vector<16xi32>
        %min3A_1058 = arith.minsi %add3A_1056, %min3A_1057 : vector<16xi32>
        %mul3A_1059 = arith.constant 50 : i32
        %mul3A_1060 = arith.muli %scan3A_1050, %mul3A_1059 : i32
        %add3A_1061 = arith.constant 16 : i32
        %add3A_1062 = arith.addi %mul3A_1060, %add3A_1061 : i32
        %add3A_1063 = vector.broadcast %add3A_1062 : i32 to vector<16xi32>
        %add3A_1064 = arith.addi %add3A_1063, %iota3A : vector<16xi32>
        %min3A_1065 = arith.constant 799 : i32
        %min3A_1066 = vector.broadcast %min3A_1065 : i32 to vector<16xi32>
        %min3A_1067 = arith.minsi %add3A_1064, %min3A_1066 : vector<16xi32>
        %mul3A_1068 = arith.constant 50 : i32
        %mul3A_1069 = arith.muli %scan3A_1050, %mul3A_1068 : i32
        %add3A_1070 = arith.constant 32 : i32
        %add3A_1071 = arith.addi %mul3A_1069, %add3A_1070 : i32
        %add3A_1072 = vector.broadcast %add3A_1071 : i32 to vector<16xi32>
        %add3A_1073 = arith.addi %add3A_1072, %iota3A : vector<16xi32>
        %min3A_1074 = arith.constant 799 : i32
        %min3A_1075 = vector.broadcast %min3A_1074 : i32 to vector<16xi32>
        %min3A_1076 = arith.minsi %add3A_1073, %min3A_1075 : vector<16xi32>
        %mul3A_1077 = arith.constant 50 : i32
        %mul3A_1078 = arith.muli %scan3A_1050, %mul3A_1077 : i32
        %add3A_1079 = arith.constant 48 : i32
        %add3A_1080 = arith.addi %mul3A_1078, %add3A_1079 : i32
        %add3A_1081 = vector.broadcast %add3A_1080 : i32 to vector<16xi32>
        %add3A_1082 = arith.addi %add3A_1081, %iota3A : vector<16xi32>
        %min3A_1083 = arith.constant 799 : i32
        %min3A_1084 = vector.broadcast %min3A_1083 : i32 to vector<16xi32>
        %min3A_1085 = arith.minsi %add3A_1082, %min3A_1084 : vector<16xi32>
        %broadcast_in_dim3A_1086 = arith.constant 0 : i32
        %broadcast_in_dim3A_1087 = vector.broadcast %broadcast_in_dim3A_1086 : i32 to vector<16xi32>
        %add3A_1088 = vector.broadcast %scan3A_1050 : i32 to vector<16xi32>
        %add3A_1089 = arith.addi %broadcast_in_dim3A_1087, %add3A_1088 : vector<16xi32>
        %broadcast_in_dim3A_1090 = arith.constant 0.000000e+00 : f32
        %broadcast_in_dim3A_1091 = vector.broadcast %broadcast_in_dim3A_1090 : f32 to vector<16xf32>
        %broadcast_in_dim3A_1092 = arith.constant 0.000000e+00 : f32
        %broadcast_in_dim3A_1093 = vector.broadcast %broadcast_in_dim3A_1092 : f32 to vector<16xf32>
        %broadcast_in_dim3A_1094 = arith.constant 0.000000e+00 : f32
        %broadcast_in_dim3A_1095 = vector.broadcast %broadcast_in_dim3A_1094 : f32 to vector<16xf32>
        %broadcast_in_dim3A_1096 = arith.constant 0.000000e+00 : f32
        %broadcast_in_dim3A_1097 = vector.broadcast %broadcast_in_dim3A_1096 : f32 to vector<16xf32>
        %add3A_1098 = arith.constant 0 : i32
        %add3A_1099 = vector.broadcast %add3A_1098 : i32 to vector<16xi32>
        %add3A_1100 = arith.addi %iota3A, %add3A_1099 : vector<16xi32>
        %and3A_1101 = arith.constant 31 : i32
        %and3A_1102 = vector.broadcast %and3A_1101 : i32 to vector<16xi32>
        %and3A_1103 = arith.andi %add3A_1100, %and3A_1102 : vector<16xi32>
        %gather3A_1104 = tpu.vector_load_idx %arg13[%add3A_1089, %and3A_1103] : memref<16x32xf32, #tpu.memory_space<vmem>>[vector<16xi32>, vector<16xi32>], vector<16xf32>,
        %gather3A_1105 = tpu.vector_load_idx %arg12[%min3A_1058, %and3A_1103] : memref<800x32xf32, #tpu.memory_space<vmem>>[vector<16xi32>, vector<16xi32>], vector<16xf32>,
        %mul3A_1106 = arith.mulf %gather3A_1104, %gather3A_1105 : vector<16xf32>
        %add3A_1107 = arith.addf %broadcast_in_dim3A_1091, %mul3A_1106 : vector<16xf32>
        %gather3A_1108 = tpu.vector_load_idx %arg12[%min3A_1067, %and3A_1103] : memref<800x32xf32, #tpu.memory_space<vmem>>[vector<16xi32>, vector<16xi32>], vector<16xf32>,
        %mul3A_1109 = arith.mulf %gather3A_1104, %gather3A_1108 : vector<16xf32>
        %add3A_1110 = arith.addf %broadcast_in_dim3A_1093, %mul3A_1109 : vector<16xf32>
        %gather3A_1111 = tpu.vector_load_idx %arg12[%min3A_1076, %and3A_1103] : memref<800x32xf32, #tpu.memory_space<vmem>>[vector<16xi32>, vector<16xi32>], vector<16xf32>,
        %mul3A_1112 = arith.mulf %gather3A_1104, %gather3A_1111 : vector<16xf32>
        %add3A_1113 = arith.addf %broadcast_in_dim3A_1095, %mul3A_1112 : vector<16xf32>
        %gather3A_1114 = tpu.vector_load_idx %arg12[%min3A_1085, %and3A_1103] : memref<800x32xf32, #tpu.memory_space<vmem>>[vector<16xi32>, vector<16xi32>], vector<16xf32>,
        %mul3A_1115 = arith.mulf %gather3A_1104, %gather3A_1114 : vector<16xf32>
        %add3A_1116 = arith.addf %broadcast_in_dim3A_1097, %mul3A_1115 : vector<16xf32>
        %add3A_1117 = arith.constant 1 : i32
        %add3A_1118 = vector.broadcast %add3A_1117 : i32 to vector<16xi32>
        %add3A_1119 = arith.addi %iota3A, %add3A_1118 : vector<16xi32>
        %and3A_1120 = arith.constant 31 : i32
        %and3A_1121 = vector.broadcast %and3A_1120 : i32 to vector<16xi32>
        %and3A_1122 = arith.andi %add3A_1119, %and3A_1121 : vector<16xi32>
        %gather3A_1123 = tpu.vector_load_idx %arg13[%add3A_1089, %and3A_1122] : memref<16x32xf32, #tpu.memory_space<vmem>>[vector<16xi32>, vector<16xi32>], vector<16xf32>,
        %gather3A_1124 = tpu.vector_load_idx %arg12[%min3A_1058, %and3A_1122] : memref<800x32xf32, #tpu.memory_space<vmem>>[vector<16xi32>, vector<16xi32>], vector<16xf32>,
        %mul3A_1125 = arith.mulf %gather3A_1123, %gather3A_1124 : vector<16xf32>
        %add3A_1126 = arith.addf %add3A_1107, %mul3A_1125 : vector<16xf32>
        %gather3A_1127 = tpu.vector_load_idx %arg12[%min3A_1067, %and3A_1122] : memref<800x32xf32, #tpu.memory_space<vmem>>[vector<16xi32>, vector<16xi32>], vector<16xf32>,
        %mul3A_1128 = arith.mulf %gather3A_1123, %gather3A_1127 : vector<16xf32>
        %add3A_1129 = arith.addf %add3A_1110, %mul3A_1128 : vector<16xf32>
        %gather3A_1130 = tpu.vector_load_idx %arg12[%min3A_1076, %and3A_1122] : memref<800x32xf32, #tpu.memory_space<vmem>>[vector<16xi32>, vector<16xi32>], vector<16xf32>,
        %mul3A_1131 = arith.mulf %gather3A_1123, %gather3A_1130 : vector<16xf32>
        %add3A_1132 = arith.addf %add3A_1113, %mul3A_1131 : vector<16xf32>
        %gather3A_1133 = tpu.vector_load_idx %arg12[%min3A_1085, %and3A_1122] : memref<800x32xf32, #tpu.memory_space<vmem>>[vector<16xi32>, vector<16xi32>], vector<16xf32>,
        %mul3A_1134 = arith.mulf %gather3A_1123, %gather3A_1133 : vector<16xf32>
        %add3A_1135 = arith.addf %add3A_1116, %mul3A_1134 : vector<16xf32>
        %add3A_1136 = arith.constant 2 : i32
        %add3A_1137 = vector.broadcast %add3A_1136 : i32 to vector<16xi32>
        %add3A_1138 = arith.addi %iota3A, %add3A_1137 : vector<16xi32>
        %and3A_1139 = arith.constant 31 : i32
        %and3A_1140 = vector.broadcast %and3A_1139 : i32 to vector<16xi32>
        %and3A_1141 = arith.andi %add3A_1138, %and3A_1140 : vector<16xi32>
        %gather3A_1142 = tpu.vector_load_idx %arg13[%add3A_1089, %and3A_1141] : memref<16x32xf32, #tpu.memory_space<vmem>>[vector<16xi32>, vector<16xi32>], vector<16xf32>,
        %gather3A_1143 = tpu.vector_load_idx %arg12[%min3A_1058, %and3A_1141] : memref<800x32xf32, #tpu.memory_space<vmem>>[vector<16xi32>, vector<16xi32>], vector<16xf32>,
        %mul3A_1144 = arith.mulf %gather3A_1142, %gather3A_1143 : vector<16xf32>
        %add3A_1145 = arith.addf %add3A_1126, %mul3A_1144 : vector<16xf32>
        %gather3A_1146 = tpu.vector_load_idx %arg12[%min3A_1067, %and3A_1141] : memref<800x32xf32, #tpu.memory_space<vmem>>[vector<16xi32>, vector<16xi32>], vector<16xf32>,
        %mul3A_1147 = arith.mulf %gather3A_1142, %gather3A_1146 : vector<16xf32>
        %add3A_1148 = arith.addf %add3A_1129, %mul3A_1147 : vector<16xf32>
        %gather3A_1149 = tpu.vector_load_idx %arg12[%min3A_1076, %and3A_1141] : memref<800x32xf32, #tpu.memory_space<vmem>>[vector<16xi32>, vector<16xi32>], vector<16xf32>,
        %mul3A_1150 = arith.mulf %gather3A_1142, %gather3A_1149 : vector<16xf32>
        %add3A_1151 = arith.addf %add3A_1132, %mul3A_1150 : vector<16xf32>
        %gather3A_1152 = tpu.vector_load_idx %arg12[%min3A_1085, %and3A_1141] : memref<800x32xf32, #tpu.memory_space<vmem>>[vector<16xi32>, vector<16xi32>], vector<16xf32>,
        %mul3A_1153 = arith.mulf %gather3A_1142, %gather3A_1152 : vector<16xf32>
        %add3A_1154 = arith.addf %add3A_1135, %mul3A_1153 : vector<16xf32>
        %add3A_1155 = arith.constant 3 : i32
        %add3A_1156 = vector.broadcast %add3A_1155 : i32 to vector<16xi32>
        %add3A_1157 = arith.addi %iota3A, %add3A_1156 : vector<16xi32>
        %and3A_1158 = arith.constant 31 : i32
        %and3A_1159 = vector.broadcast %and3A_1158 : i32 to vector<16xi32>
        %and3A_1160 = arith.andi %add3A_1157, %and3A_1159 : vector<16xi32>
        %gather3A_1161 = tpu.vector_load_idx %arg13[%add3A_1089, %and3A_1160] : memref<16x32xf32, #tpu.memory_space<vmem>>[vector<16xi32>, vector<16xi32>], vector<16xf32>,
        %gather3A_1162 = tpu.vector_load_idx %arg12[%min3A_1058, %and3A_1160] : memref<800x32xf32, #tpu.memory_space<vmem>>[vector<16xi32>, vector<16xi32>], vector<16xf32>,
        %mul3A_1163 = arith.mulf %gather3A_1161, %gather3A_1162 : vector<16xf32>
        %add3A_1164 = arith.addf %add3A_1145, %mul3A_1163 : vector<16xf32>
        %gather3A_1165 = tpu.vector_load_idx %arg12[%min3A_1067, %and3A_1160] : memref<800x32xf32, #tpu.memory_space<vmem>>[vector<16xi32>, vector<16xi32>], vector<16xf32>,
        %mul3A_1166 = arith.mulf %gather3A_1161, %gather3A_1165 : vector<16xf32>
        %add3A_1167 = arith.addf %add3A_1148, %mul3A_1166 : vector<16xf32>
        %gather3A_1168 = tpu.vector_load_idx %arg12[%min3A_1076, %and3A_1160] : memref<800x32xf32, #tpu.memory_space<vmem>>[vector<16xi32>, vector<16xi32>], vector<16xf32>,
        %mul3A_1169 = arith.mulf %gather3A_1161, %gather3A_1168 : vector<16xf32>
        %add3A_1170 = arith.addf %add3A_1151, %mul3A_1169 : vector<16xf32>
        %gather3A_1171 = tpu.vector_load_idx %arg12[%min3A_1085, %and3A_1160] : memref<800x32xf32, #tpu.memory_space<vmem>>[vector<16xi32>, vector<16xi32>], vector<16xf32>,
        %mul3A_1172 = arith.mulf %gather3A_1161, %gather3A_1171 : vector<16xf32>
        %add3A_1173 = arith.addf %add3A_1154, %mul3A_1172 : vector<16xf32>
        %add3A_1174 = arith.constant 4 : i32
        %add3A_1175 = vector.broadcast %add3A_1174 : i32 to vector<16xi32>
        %add3A_1176 = arith.addi %iota3A, %add3A_1175 : vector<16xi32>
        %and3A_1177 = arith.constant 31 : i32
        %and3A_1178 = vector.broadcast %and3A_1177 : i32 to vector<16xi32>
        %and3A_1179 = arith.andi %add3A_1176, %and3A_1178 : vector<16xi32>
        %gather3A_1180 = tpu.vector_load_idx %arg13[%add3A_1089, %and3A_1179] : memref<16x32xf32, #tpu.memory_space<vmem>>[vector<16xi32>, vector<16xi32>], vector<16xf32>,
        %gather3A_1181 = tpu.vector_load_idx %arg12[%min3A_1058, %and3A_1179] : memref<800x32xf32, #tpu.memory_space<vmem>>[vector<16xi32>, vector<16xi32>], vector<16xf32>,
        %mul3A_1182 = arith.mulf %gather3A_1180, %gather3A_1181 : vector<16xf32>
        %add3A_1183 = arith.addf %add3A_1164, %mul3A_1182 : vector<16xf32>
        %gather3A_1184 = tpu.vector_load_idx %arg12[%min3A_1067, %and3A_1179] : memref<800x32xf32, #tpu.memory_space<vmem>>[vector<16xi32>, vector<16xi32>], vector<16xf32>,
        %mul3A_1185 = arith.mulf %gather3A_1180, %gather3A_1184 : vector<16xf32>
        %add3A_1186 = arith.addf %add3A_1167, %mul3A_1185 : vector<16xf32>
        %gather3A_1187 = tpu.vector_load_idx %arg12[%min3A_1076, %and3A_1179] : memref<800x32xf32, #tpu.memory_space<vmem>>[vector<16xi32>, vector<16xi32>], vector<16xf32>,
        %mul3A_1188 = arith.mulf %gather3A_1180, %gather3A_1187 : vector<16xf32>
        %add3A_1189 = arith.addf %add3A_1170, %mul3A_1188 : vector<16xf32>
        %gather3A_1190 = tpu.vector_load_idx %arg12[%min3A_1085, %and3A_1179] : memref<800x32xf32, #tpu.memory_space<vmem>>[vector<16xi32>, vector<16xi32>], vector<16xf32>,
        %mul3A_1191 = arith.mulf %gather3A_1180, %gather3A_1190 : vector<16xf32>
        %add3A_1192 = arith.addf %add3A_1173, %mul3A_1191 : vector<16xf32>
        %add3A_1193 = arith.constant 5 : i32
        %add3A_1194 = vector.broadcast %add3A_1193 : i32 to vector<16xi32>
        %add3A_1195 = arith.addi %iota3A, %add3A_1194 : vector<16xi32>
        %and3A_1196 = arith.constant 31 : i32
        %and3A_1197 = vector.broadcast %and3A_1196 : i32 to vector<16xi32>
        %and3A_1198 = arith.andi %add3A_1195, %and3A_1197 : vector<16xi32>
        %gather3A_1199 = tpu.vector_load_idx %arg13[%add3A_1089, %and3A_1198] : memref<16x32xf32, #tpu.memory_space<vmem>>[vector<16xi32>, vector<16xi32>], vector<16xf32>,
        %gather3A_1200 = tpu.vector_load_idx %arg12[%min3A_1058, %and3A_1198] : memref<800x32xf32, #tpu.memory_space<vmem>>[vector<16xi32>, vector<16xi32>], vector<16xf32>,
        %mul3A_1201 = arith.mulf %gather3A_1199, %gather3A_1200 : vector<16xf32>
        %add3A_1202 = arith.addf %add3A_1183, %mul3A_1201 : vector<16xf32>
        %gather3A_1203 = tpu.vector_load_idx %arg12[%min3A_1067, %and3A_1198] : memref<800x32xf32, #tpu.memory_space<vmem>>[vector<16xi32>, vector<16xi32>], vector<16xf32>,
        %mul3A_1204 = arith.mulf %gather3A_1199, %gather3A_1203 : vector<16xf32>
        %add3A_1205 = arith.addf %add3A_1186, %mul3A_1204 : vector<16xf32>
        %gather3A_1206 = tpu.vector_load_idx %arg12[%min3A_1076, %and3A_1198] : memref<800x32xf32, #tpu.memory_space<vmem>>[vector<16xi32>, vector<16xi32>], vector<16xf32>,
        %mul3A_1207 = arith.mulf %gather3A_1199, %gather3A_1206 : vector<16xf32>
        %add3A_1208 = arith.addf %add3A_1189, %mul3A_1207 : vector<16xf32>
        %gather3A_1209 = tpu.vector_load_idx %arg12[%min3A_1085, %and3A_1198] : memref<800x32xf32, #tpu.memory_space<vmem>>[vector<16xi32>, vector<16xi32>], vector<16xf32>,
        %mul3A_1210 = arith.mulf %gather3A_1199, %gather3A_1209 : vector<16xf32>
        %add3A_1211 = arith.addf %add3A_1192, %mul3A_1210 : vector<16xf32>
        %add3A_1212 = arith.constant 6 : i32
        %add3A_1213 = vector.broadcast %add3A_1212 : i32 to vector<16xi32>
        %add3A_1214 = arith.addi %iota3A, %add3A_1213 : vector<16xi32>
        %and3A_1215 = arith.constant 31 : i32
        %and3A_1216 = vector.broadcast %and3A_1215 : i32 to vector<16xi32>
        %and3A_1217 = arith.andi %add3A_1214, %and3A_1216 : vector<16xi32>
        %gather3A_1218 = tpu.vector_load_idx %arg13[%add3A_1089, %and3A_1217] : memref<16x32xf32, #tpu.memory_space<vmem>>[vector<16xi32>, vector<16xi32>], vector<16xf32>,
        %gather3A_1219 = tpu.vector_load_idx %arg12[%min3A_1058, %and3A_1217] : memref<800x32xf32, #tpu.memory_space<vmem>>[vector<16xi32>, vector<16xi32>], vector<16xf32>,
        %mul3A_1220 = arith.mulf %gather3A_1218, %gather3A_1219 : vector<16xf32>
        %add3A_1221 = arith.addf %add3A_1202, %mul3A_1220 : vector<16xf32>
        %gather3A_1222 = tpu.vector_load_idx %arg12[%min3A_1067, %and3A_1217] : memref<800x32xf32, #tpu.memory_space<vmem>>[vector<16xi32>, vector<16xi32>], vector<16xf32>,
        %mul3A_1223 = arith.mulf %gather3A_1218, %gather3A_1222 : vector<16xf32>
        %add3A_1224 = arith.addf %add3A_1205, %mul3A_1223 : vector<16xf32>
        %gather3A_1225 = tpu.vector_load_idx %arg12[%min3A_1076, %and3A_1217] : memref<800x32xf32, #tpu.memory_space<vmem>>[vector<16xi32>, vector<16xi32>], vector<16xf32>,
        %mul3A_1226 = arith.mulf %gather3A_1218, %gather3A_1225 : vector<16xf32>
        %add3A_1227 = arith.addf %add3A_1208, %mul3A_1226 : vector<16xf32>
        %gather3A_1228 = tpu.vector_load_idx %arg12[%min3A_1085, %and3A_1217] : memref<800x32xf32, #tpu.memory_space<vmem>>[vector<16xi32>, vector<16xi32>], vector<16xf32>,
        %mul3A_1229 = arith.mulf %gather3A_1218, %gather3A_1228 : vector<16xf32>
        %add3A_1230 = arith.addf %add3A_1211, %mul3A_1229 : vector<16xf32>
        %add3A_1231 = arith.constant 7 : i32
        %add3A_1232 = vector.broadcast %add3A_1231 : i32 to vector<16xi32>
        %add3A_1233 = arith.addi %iota3A, %add3A_1232 : vector<16xi32>
        %and3A_1234 = arith.constant 31 : i32
        %and3A_1235 = vector.broadcast %and3A_1234 : i32 to vector<16xi32>
        %and3A_1236 = arith.andi %add3A_1233, %and3A_1235 : vector<16xi32>
        %gather3A_1237 = tpu.vector_load_idx %arg13[%add3A_1089, %and3A_1236] : memref<16x32xf32, #tpu.memory_space<vmem>>[vector<16xi32>, vector<16xi32>], vector<16xf32>,
        %gather3A_1238 = tpu.vector_load_idx %arg12[%min3A_1058, %and3A_1236] : memref<800x32xf32, #tpu.memory_space<vmem>>[vector<16xi32>, vector<16xi32>], vector<16xf32>,
        %mul3A_1239 = arith.mulf %gather3A_1237, %gather3A_1238 : vector<16xf32>
        %add3A_1240 = arith.addf %add3A_1221, %mul3A_1239 : vector<16xf32>
        %gather3A_1241 = tpu.vector_load_idx %arg12[%min3A_1067, %and3A_1236] : memref<800x32xf32, #tpu.memory_space<vmem>>[vector<16xi32>, vector<16xi32>], vector<16xf32>,
        %mul3A_1242 = arith.mulf %gather3A_1237, %gather3A_1241 : vector<16xf32>
        %add3A_1243 = arith.addf %add3A_1224, %mul3A_1242 : vector<16xf32>
        %gather3A_1244 = tpu.vector_load_idx %arg12[%min3A_1076, %and3A_1236] : memref<800x32xf32, #tpu.memory_space<vmem>>[vector<16xi32>, vector<16xi32>], vector<16xf32>,
        %mul3A_1245 = arith.mulf %gather3A_1237, %gather3A_1244 : vector<16xf32>
        %add3A_1246 = arith.addf %add3A_1227, %mul3A_1245 : vector<16xf32>
        %gather3A_1247 = tpu.vector_load_idx %arg12[%min3A_1085, %and3A_1236] : memref<800x32xf32, #tpu.memory_space<vmem>>[vector<16xi32>, vector<16xi32>], vector<16xf32>,
        %mul3A_1248 = arith.mulf %gather3A_1237, %gather3A_1247 : vector<16xf32>
        %add3A_1249 = arith.addf %add3A_1230, %mul3A_1248 : vector<16xf32>
        %add3A_1250 = arith.constant 8 : i32
        %add3A_1251 = vector.broadcast %add3A_1250 : i32 to vector<16xi32>
        %add3A_1252 = arith.addi %iota3A, %add3A_1251 : vector<16xi32>
        %and3A_1253 = arith.constant 31 : i32
        %and3A_1254 = vector.broadcast %and3A_1253 : i32 to vector<16xi32>
        %and3A_1255 = arith.andi %add3A_1252, %and3A_1254 : vector<16xi32>
        %gather3A_1256 = tpu.vector_load_idx %arg13[%add3A_1089, %and3A_1255] : memref<16x32xf32, #tpu.memory_space<vmem>>[vector<16xi32>, vector<16xi32>], vector<16xf32>,
        %gather3A_1257 = tpu.vector_load_idx %arg12[%min3A_1058, %and3A_1255] : memref<800x32xf32, #tpu.memory_space<vmem>>[vector<16xi32>, vector<16xi32>], vector<16xf32>,
        %mul3A_1258 = arith.mulf %gather3A_1256, %gather3A_1257 : vector<16xf32>
        %add3A_1259 = arith.addf %add3A_1240, %mul3A_1258 : vector<16xf32>
        %gather3A_1260 = tpu.vector_load_idx %arg12[%min3A_1067, %and3A_1255] : memref<800x32xf32, #tpu.memory_space<vmem>>[vector<16xi32>, vector<16xi32>], vector<16xf32>,
        %mul3A_1261 = arith.mulf %gather3A_1256, %gather3A_1260 : vector<16xf32>
        %add3A_1262 = arith.addf %add3A_1243, %mul3A_1261 : vector<16xf32>
        %gather3A_1263 = tpu.vector_load_idx %arg12[%min3A_1076, %and3A_1255] : memref<800x32xf32, #tpu.memory_space<vmem>>[vector<16xi32>, vector<16xi32>], vector<16xf32>,
        %mul3A_1264 = arith.mulf %gather3A_1256, %gather3A_1263 : vector<16xf32>
        %add3A_1265 = arith.addf %add3A_1246, %mul3A_1264 : vector<16xf32>
        %gather3A_1266 = tpu.vector_load_idx %arg12[%min3A_1085, %and3A_1255] : memref<800x32xf32, #tpu.memory_space<vmem>>[vector<16xi32>, vector<16xi32>], vector<16xf32>,
        %mul3A_1267 = arith.mulf %gather3A_1256, %gather3A_1266 : vector<16xf32>
        %add3A_1268 = arith.addf %add3A_1249, %mul3A_1267 : vector<16xf32>
        %add3A_1269 = arith.constant 9 : i32
        %add3A_1270 = vector.broadcast %add3A_1269 : i32 to vector<16xi32>
        %add3A_1271 = arith.addi %iota3A, %add3A_1270 : vector<16xi32>
        %and3A_1272 = arith.constant 31 : i32
        %and3A_1273 = vector.broadcast %and3A_1272 : i32 to vector<16xi32>
        %and3A_1274 = arith.andi %add3A_1271, %and3A_1273 : vector<16xi32>
        %gather3A_1275 = tpu.vector_load_idx %arg13[%add3A_1089, %and3A_1274] : memref<16x32xf32, #tpu.memory_space<vmem>>[vector<16xi32>, vector<16xi32>], vector<16xf32>,
        %gather3A_1276 = tpu.vector_load_idx %arg12[%min3A_1058, %and3A_1274] : memref<800x32xf32, #tpu.memory_space<vmem>>[vector<16xi32>, vector<16xi32>], vector<16xf32>,
        %mul3A_1277 = arith.mulf %gather3A_1275, %gather3A_1276 : vector<16xf32>
        %add3A_1278 = arith.addf %add3A_1259, %mul3A_1277 : vector<16xf32>
        %gather3A_1279 = tpu.vector_load_idx %arg12[%min3A_1067, %and3A_1274] : memref<800x32xf32, #tpu.memory_space<vmem>>[vector<16xi32>, vector<16xi32>], vector<16xf32>,
        %mul3A_1280 = arith.mulf %gather3A_1275, %gather3A_1279 : vector<16xf32>
        %add3A_1281 = arith.addf %add3A_1262, %mul3A_1280 : vector<16xf32>
        %gather3A_1282 = tpu.vector_load_idx %arg12[%min3A_1076, %and3A_1274] : memref<800x32xf32, #tpu.memory_space<vmem>>[vector<16xi32>, vector<16xi32>], vector<16xf32>,
        %mul3A_1283 = arith.mulf %gather3A_1275, %gather3A_1282 : vector<16xf32>
        %add3A_1284 = arith.addf %add3A_1265, %mul3A_1283 : vector<16xf32>
        %gather3A_1285 = tpu.vector_load_idx %arg12[%min3A_1085, %and3A_1274] : memref<800x32xf32, #tpu.memory_space<vmem>>[vector<16xi32>, vector<16xi32>], vector<16xf32>,
        %mul3A_1286 = arith.mulf %gather3A_1275, %gather3A_1285 : vector<16xf32>
        %add3A_1287 = arith.addf %add3A_1268, %mul3A_1286 : vector<16xf32>
        %add3A_1288 = arith.constant 10 : i32
        %add3A_1289 = vector.broadcast %add3A_1288 : i32 to vector<16xi32>
        %add3A_1290 = arith.addi %iota3A, %add3A_1289 : vector<16xi32>
        %and3A_1291 = arith.constant 31 : i32
        %and3A_1292 = vector.broadcast %and3A_1291 : i32 to vector<16xi32>
        %and3A_1293 = arith.andi %add3A_1290, %and3A_1292 : vector<16xi32>
        %gather3A_1294 = tpu.vector_load_idx %arg13[%add3A_1089, %and3A_1293] : memref<16x32xf32, #tpu.memory_space<vmem>>[vector<16xi32>, vector<16xi32>], vector<16xf32>,
        %gather3A_1295 = tpu.vector_load_idx %arg12[%min3A_1058, %and3A_1293] : memref<800x32xf32, #tpu.memory_space<vmem>>[vector<16xi32>, vector<16xi32>], vector<16xf32>,
        %mul3A_1296 = arith.mulf %gather3A_1294, %gather3A_1295 : vector<16xf32>
        %add3A_1297 = arith.addf %add3A_1278, %mul3A_1296 : vector<16xf32>
        %gather3A_1298 = tpu.vector_load_idx %arg12[%min3A_1067, %and3A_1293] : memref<800x32xf32, #tpu.memory_space<vmem>>[vector<16xi32>, vector<16xi32>], vector<16xf32>,
        %mul3A_1299 = arith.mulf %gather3A_1294, %gather3A_1298 : vector<16xf32>
        %add3A_1300 = arith.addf %add3A_1281, %mul3A_1299 : vector<16xf32>
        %gather3A_1301 = tpu.vector_load_idx %arg12[%min3A_1076, %and3A_1293] : memref<800x32xf32, #tpu.memory_space<vmem>>[vector<16xi32>, vector<16xi32>], vector<16xf32>,
        %mul3A_1302 = arith.mulf %gather3A_1294, %gather3A_1301 : vector<16xf32>
        %add3A_1303 = arith.addf %add3A_1284, %mul3A_1302 : vector<16xf32>
        %gather3A_1304 = tpu.vector_load_idx %arg12[%min3A_1085, %and3A_1293] : memref<800x32xf32, #tpu.memory_space<vmem>>[vector<16xi32>, vector<16xi32>], vector<16xf32>,
        %mul3A_1305 = arith.mulf %gather3A_1294, %gather3A_1304 : vector<16xf32>
        %add3A_1306 = arith.addf %add3A_1287, %mul3A_1305 : vector<16xf32>
        %add3A_1307 = arith.constant 11 : i32
        %add3A_1308 = vector.broadcast %add3A_1307 : i32 to vector<16xi32>
        %add3A_1309 = arith.addi %iota3A, %add3A_1308 : vector<16xi32>
        %and3A_1310 = arith.constant 31 : i32
        %and3A_1311 = vector.broadcast %and3A_1310 : i32 to vector<16xi32>
        %and3A_1312 = arith.andi %add3A_1309, %and3A_1311 : vector<16xi32>
        %gather3A_1313 = tpu.vector_load_idx %arg13[%add3A_1089, %and3A_1312] : memref<16x32xf32, #tpu.memory_space<vmem>>[vector<16xi32>, vector<16xi32>], vector<16xf32>,
        %gather3A_1314 = tpu.vector_load_idx %arg12[%min3A_1058, %and3A_1312] : memref<800x32xf32, #tpu.memory_space<vmem>>[vector<16xi32>, vector<16xi32>], vector<16xf32>,
        %mul3A_1315 = arith.mulf %gather3A_1313, %gather3A_1314 : vector<16xf32>
        %add3A_1316 = arith.addf %add3A_1297, %mul3A_1315 : vector<16xf32>
        %gather3A_1317 = tpu.vector_load_idx %arg12[%min3A_1067, %and3A_1312] : memref<800x32xf32, #tpu.memory_space<vmem>>[vector<16xi32>, vector<16xi32>], vector<16xf32>,
        %mul3A_1318 = arith.mulf %gather3A_1313, %gather3A_1317 : vector<16xf32>
        %add3A_1319 = arith.addf %add3A_1300, %mul3A_1318 : vector<16xf32>
        %gather3A_1320 = tpu.vector_load_idx %arg12[%min3A_1076, %and3A_1312] : memref<800x32xf32, #tpu.memory_space<vmem>>[vector<16xi32>, vector<16xi32>], vector<16xf32>,
        %mul3A_1321 = arith.mulf %gather3A_1313, %gather3A_1320 : vector<16xf32>
        %add3A_1322 = arith.addf %add3A_1303, %mul3A_1321 : vector<16xf32>
        %gather3A_1323 = tpu.vector_load_idx %arg12[%min3A_1085, %and3A_1312] : memref<800x32xf32, #tpu.memory_space<vmem>>[vector<16xi32>, vector<16xi32>], vector<16xf32>,
        %mul3A_1324 = arith.mulf %gather3A_1313, %gather3A_1323 : vector<16xf32>
        %add3A_1325 = arith.addf %add3A_1306, %mul3A_1324 : vector<16xf32>
        %add3A_1326 = arith.constant 12 : i32
        %add3A_1327 = vector.broadcast %add3A_1326 : i32 to vector<16xi32>
        %add3A_1328 = arith.addi %iota3A, %add3A_1327 : vector<16xi32>
        %and3A_1329 = arith.constant 31 : i32
        %and3A_1330 = vector.broadcast %and3A_1329 : i32 to vector<16xi32>
        %and3A_1331 = arith.andi %add3A_1328, %and3A_1330 : vector<16xi32>
        %gather3A_1332 = tpu.vector_load_idx %arg13[%add3A_1089, %and3A_1331] : memref<16x32xf32, #tpu.memory_space<vmem>>[vector<16xi32>, vector<16xi32>], vector<16xf32>,
        %gather3A_1333 = tpu.vector_load_idx %arg12[%min3A_1058, %and3A_1331] : memref<800x32xf32, #tpu.memory_space<vmem>>[vector<16xi32>, vector<16xi32>], vector<16xf32>,
        %mul3A_1334 = arith.mulf %gather3A_1332, %gather3A_1333 : vector<16xf32>
        %add3A_1335 = arith.addf %add3A_1316, %mul3A_1334 : vector<16xf32>
        %gather3A_1336 = tpu.vector_load_idx %arg12[%min3A_1067, %and3A_1331] : memref<800x32xf32, #tpu.memory_space<vmem>>[vector<16xi32>, vector<16xi32>], vector<16xf32>,
        %mul3A_1337 = arith.mulf %gather3A_1332, %gather3A_1336 : vector<16xf32>
        %add3A_1338 = arith.addf %add3A_1319, %mul3A_1337 : vector<16xf32>
        %gather3A_1339 = tpu.vector_load_idx %arg12[%min3A_1076, %and3A_1331] : memref<800x32xf32, #tpu.memory_space<vmem>>[vector<16xi32>, vector<16xi32>], vector<16xf32>,
        %mul3A_1340 = arith.mulf %gather3A_1332, %gather3A_1339 : vector<16xf32>
        %add3A_1341 = arith.addf %add3A_1322, %mul3A_1340 : vector<16xf32>
        %gather3A_1342 = tpu.vector_load_idx %arg12[%min3A_1085, %and3A_1331] : memref<800x32xf32, #tpu.memory_space<vmem>>[vector<16xi32>, vector<16xi32>], vector<16xf32>,
        %mul3A_1343 = arith.mulf %gather3A_1332, %gather3A_1342 : vector<16xf32>
        %add3A_1344 = arith.addf %add3A_1325, %mul3A_1343 : vector<16xf32>
        %add3A_1345 = arith.constant 13 : i32
        %add3A_1346 = vector.broadcast %add3A_1345 : i32 to vector<16xi32>
        %add3A_1347 = arith.addi %iota3A, %add3A_1346 : vector<16xi32>
        %and3A_1348 = arith.constant 31 : i32
        %and3A_1349 = vector.broadcast %and3A_1348 : i32 to vector<16xi32>
        %and3A_1350 = arith.andi %add3A_1347, %and3A_1349 : vector<16xi32>
        %gather3A_1351 = tpu.vector_load_idx %arg13[%add3A_1089, %and3A_1350] : memref<16x32xf32, #tpu.memory_space<vmem>>[vector<16xi32>, vector<16xi32>], vector<16xf32>,
        %gather3A_1352 = tpu.vector_load_idx %arg12[%min3A_1058, %and3A_1350] : memref<800x32xf32, #tpu.memory_space<vmem>>[vector<16xi32>, vector<16xi32>], vector<16xf32>,
        %mul3A_1353 = arith.mulf %gather3A_1351, %gather3A_1352 : vector<16xf32>
        %add3A_1354 = arith.addf %add3A_1335, %mul3A_1353 : vector<16xf32>
        %gather3A_1355 = tpu.vector_load_idx %arg12[%min3A_1067, %and3A_1350] : memref<800x32xf32, #tpu.memory_space<vmem>>[vector<16xi32>, vector<16xi32>], vector<16xf32>,
        %mul3A_1356 = arith.mulf %gather3A_1351, %gather3A_1355 : vector<16xf32>
        %add3A_1357 = arith.addf %add3A_1338, %mul3A_1356 : vector<16xf32>
        %gather3A_1358 = tpu.vector_load_idx %arg12[%min3A_1076, %and3A_1350] : memref<800x32xf32, #tpu.memory_space<vmem>>[vector<16xi32>, vector<16xi32>], vector<16xf32>,
        %mul3A_1359 = arith.mulf %gather3A_1351, %gather3A_1358 : vector<16xf32>
        %add3A_1360 = arith.addf %add3A_1341, %mul3A_1359 : vector<16xf32>
        %gather3A_1361 = tpu.vector_load_idx %arg12[%min3A_1085, %and3A_1350] : memref<800x32xf32, #tpu.memory_space<vmem>>[vector<16xi32>, vector<16xi32>], vector<16xf32>,
        %mul3A_1362 = arith.mulf %gather3A_1351, %gather3A_1361 : vector<16xf32>
        %add3A_1363 = arith.addf %add3A_1344, %mul3A_1362 : vector<16xf32>
        %add3A_1364 = arith.constant 14 : i32
        %add3A_1365 = vector.broadcast %add3A_1364 : i32 to vector<16xi32>
        %add3A_1366 = arith.addi %iota3A, %add3A_1365 : vector<16xi32>
        %and3A_1367 = arith.constant 31 : i32
        %and3A_1368 = vector.broadcast %and3A_1367 : i32 to vector<16xi32>
        %and3A_1369 = arith.andi %add3A_1366, %and3A_1368 : vector<16xi32>
        %gather3A_1370 = tpu.vector_load_idx %arg13[%add3A_1089, %and3A_1369] : memref<16x32xf32, #tpu.memory_space<vmem>>[vector<16xi32>, vector<16xi32>], vector<16xf32>,
        %gather3A_1371 = tpu.vector_load_idx %arg12[%min3A_1058, %and3A_1369] : memref<800x32xf32, #tpu.memory_space<vmem>>[vector<16xi32>, vector<16xi32>], vector<16xf32>,
        %mul3A_1372 = arith.mulf %gather3A_1370, %gather3A_1371 : vector<16xf32>
        %add3A_1373 = arith.addf %add3A_1354, %mul3A_1372 : vector<16xf32>
        %gather3A_1374 = tpu.vector_load_idx %arg12[%min3A_1067, %and3A_1369] : memref<800x32xf32, #tpu.memory_space<vmem>>[vector<16xi32>, vector<16xi32>], vector<16xf32>,
        %mul3A_1375 = arith.mulf %gather3A_1370, %gather3A_1374 : vector<16xf32>
        %add3A_1376 = arith.addf %add3A_1357, %mul3A_1375 : vector<16xf32>
        %gather3A_1377 = tpu.vector_load_idx %arg12[%min3A_1076, %and3A_1369] : memref<800x32xf32, #tpu.memory_space<vmem>>[vector<16xi32>, vector<16xi32>], vector<16xf32>,
        %mul3A_1378 = arith.mulf %gather3A_1370, %gather3A_1377 : vector<16xf32>
        %add3A_1379 = arith.addf %add3A_1360, %mul3A_1378 : vector<16xf32>
        %gather3A_1380 = tpu.vector_load_idx %arg12[%min3A_1085, %and3A_1369] : memref<800x32xf32, #tpu.memory_space<vmem>>[vector<16xi32>, vector<16xi32>], vector<16xf32>,
        %mul3A_1381 = arith.mulf %gather3A_1370, %gather3A_1380 : vector<16xf32>
        %add3A_1382 = arith.addf %add3A_1363, %mul3A_1381 : vector<16xf32>
        %add3A_1383 = arith.constant 15 : i32
        %add3A_1384 = vector.broadcast %add3A_1383 : i32 to vector<16xi32>
        %add3A_1385 = arith.addi %iota3A, %add3A_1384 : vector<16xi32>
        %and3A_1386 = arith.constant 31 : i32
        %and3A_1387 = vector.broadcast %and3A_1386 : i32 to vector<16xi32>
        %and3A_1388 = arith.andi %add3A_1385, %and3A_1387 : vector<16xi32>
        %gather3A_1389 = tpu.vector_load_idx %arg13[%add3A_1089, %and3A_1388] : memref<16x32xf32, #tpu.memory_space<vmem>>[vector<16xi32>, vector<16xi32>], vector<16xf32>,
        %gather3A_1390 = tpu.vector_load_idx %arg12[%min3A_1058, %and3A_1388] : memref<800x32xf32, #tpu.memory_space<vmem>>[vector<16xi32>, vector<16xi32>], vector<16xf32>,
        %mul3A_1391 = arith.mulf %gather3A_1389, %gather3A_1390 : vector<16xf32>
        %add3A_1392 = arith.addf %add3A_1373, %mul3A_1391 : vector<16xf32>
        %gather3A_1393 = tpu.vector_load_idx %arg12[%min3A_1067, %and3A_1388] : memref<800x32xf32, #tpu.memory_space<vmem>>[vector<16xi32>, vector<16xi32>], vector<16xf32>,
        %mul3A_1394 = arith.mulf %gather3A_1389, %gather3A_1393 : vector<16xf32>
        %add3A_1395 = arith.addf %add3A_1376, %mul3A_1394 : vector<16xf32>
        %gather3A_1396 = tpu.vector_load_idx %arg12[%min3A_1076, %and3A_1388] : memref<800x32xf32, #tpu.memory_space<vmem>>[vector<16xi32>, vector<16xi32>], vector<16xf32>,
        %mul3A_1397 = arith.mulf %gather3A_1389, %gather3A_1396 : vector<16xf32>
        %add3A_1398 = arith.addf %add3A_1379, %mul3A_1397 : vector<16xf32>
        %gather3A_1399 = tpu.vector_load_idx %arg12[%min3A_1085, %and3A_1388] : memref<800x32xf32, #tpu.memory_space<vmem>>[vector<16xi32>, vector<16xi32>], vector<16xf32>,
        %mul3A_1400 = arith.mulf %gather3A_1389, %gather3A_1399 : vector<16xf32>
        %add3A_1401 = arith.addf %add3A_1382, %mul3A_1400 : vector<16xf32>
        %add3A_1402 = arith.constant 16 : i32
        %add3A_1403 = vector.broadcast %add3A_1402 : i32 to vector<16xi32>
        %add3A_1404 = arith.addi %iota3A, %add3A_1403 : vector<16xi32>
        %and3A_1405 = arith.constant 31 : i32
        %and3A_1406 = vector.broadcast %and3A_1405 : i32 to vector<16xi32>
        %and3A_1407 = arith.andi %add3A_1404, %and3A_1406 : vector<16xi32>
        %gather3A_1408 = tpu.vector_load_idx %arg13[%add3A_1089, %and3A_1407] : memref<16x32xf32, #tpu.memory_space<vmem>>[vector<16xi32>, vector<16xi32>], vector<16xf32>,
        %gather3A_1409 = tpu.vector_load_idx %arg12[%min3A_1058, %and3A_1407] : memref<800x32xf32, #tpu.memory_space<vmem>>[vector<16xi32>, vector<16xi32>], vector<16xf32>,
        %mul3A_1410 = arith.mulf %gather3A_1408, %gather3A_1409 : vector<16xf32>
        %add3A_1411 = arith.addf %add3A_1392, %mul3A_1410 : vector<16xf32>
        %gather3A_1412 = tpu.vector_load_idx %arg12[%min3A_1067, %and3A_1407] : memref<800x32xf32, #tpu.memory_space<vmem>>[vector<16xi32>, vector<16xi32>], vector<16xf32>,
        %mul3A_1413 = arith.mulf %gather3A_1408, %gather3A_1412 : vector<16xf32>
        %add3A_1414 = arith.addf %add3A_1395, %mul3A_1413 : vector<16xf32>
        %gather3A_1415 = tpu.vector_load_idx %arg12[%min3A_1076, %and3A_1407] : memref<800x32xf32, #tpu.memory_space<vmem>>[vector<16xi32>, vector<16xi32>], vector<16xf32>,
        %mul3A_1416 = arith.mulf %gather3A_1408, %gather3A_1415 : vector<16xf32>
        %add3A_1417 = arith.addf %add3A_1398, %mul3A_1416 : vector<16xf32>
        %gather3A_1418 = tpu.vector_load_idx %arg12[%min3A_1085, %and3A_1407] : memref<800x32xf32, #tpu.memory_space<vmem>>[vector<16xi32>, vector<16xi32>], vector<16xf32>,
        %mul3A_1419 = arith.mulf %gather3A_1408, %gather3A_1418 : vector<16xf32>
        %add3A_1420 = arith.addf %add3A_1401, %mul3A_1419 : vector<16xf32>
        %add3A_1421 = arith.constant 17 : i32
        %add3A_1422 = vector.broadcast %add3A_1421 : i32 to vector<16xi32>
        %add3A_1423 = arith.addi %iota3A, %add3A_1422 : vector<16xi32>
        %and3A_1424 = arith.constant 31 : i32
        %and3A_1425 = vector.broadcast %and3A_1424 : i32 to vector<16xi32>
        %and3A_1426 = arith.andi %add3A_1423, %and3A_1425 : vector<16xi32>
        %gather3A_1427 = tpu.vector_load_idx %arg13[%add3A_1089, %and3A_1426] : memref<16x32xf32, #tpu.memory_space<vmem>>[vector<16xi32>, vector<16xi32>], vector<16xf32>,
        %gather3A_1428 = tpu.vector_load_idx %arg12[%min3A_1058, %and3A_1426] : memref<800x32xf32, #tpu.memory_space<vmem>>[vector<16xi32>, vector<16xi32>], vector<16xf32>,
        %mul3A_1429 = arith.mulf %gather3A_1427, %gather3A_1428 : vector<16xf32>
        %add3A_1430 = arith.addf %add3A_1411, %mul3A_1429 : vector<16xf32>
        %gather3A_1431 = tpu.vector_load_idx %arg12[%min3A_1067, %and3A_1426] : memref<800x32xf32, #tpu.memory_space<vmem>>[vector<16xi32>, vector<16xi32>], vector<16xf32>,
        %mul3A_1432 = arith.mulf %gather3A_1427, %gather3A_1431 : vector<16xf32>
        %add3A_1433 = arith.addf %add3A_1414, %mul3A_1432 : vector<16xf32>
        %gather3A_1434 = tpu.vector_load_idx %arg12[%min3A_1076, %and3A_1426] : memref<800x32xf32, #tpu.memory_space<vmem>>[vector<16xi32>, vector<16xi32>], vector<16xf32>,
        %mul3A_1435 = arith.mulf %gather3A_1427, %gather3A_1434 : vector<16xf32>
        %add3A_1436 = arith.addf %add3A_1417, %mul3A_1435 : vector<16xf32>
        %gather3A_1437 = tpu.vector_load_idx %arg12[%min3A_1085, %and3A_1426] : memref<800x32xf32, #tpu.memory_space<vmem>>[vector<16xi32>, vector<16xi32>], vector<16xf32>,
        %mul3A_1438 = arith.mulf %gather3A_1427, %gather3A_1437 : vector<16xf32>
        %add3A_1439 = arith.addf %add3A_1420, %mul3A_1438 : vector<16xf32>
        %add3A_1440 = arith.constant 18 : i32
        %add3A_1441 = vector.broadcast %add3A_1440 : i32 to vector<16xi32>
        %add3A_1442 = arith.addi %iota3A, %add3A_1441 : vector<16xi32>
        %and3A_1443 = arith.constant 31 : i32
        %and3A_1444 = vector.broadcast %and3A_1443 : i32 to vector<16xi32>
        %and3A_1445 = arith.andi %add3A_1442, %and3A_1444 : vector<16xi32>
        %gather3A_1446 = tpu.vector_load_idx %arg13[%add3A_1089, %and3A_1445] : memref<16x32xf32, #tpu.memory_space<vmem>>[vector<16xi32>, vector<16xi32>], vector<16xf32>,
        %gather3A_1447 = tpu.vector_load_idx %arg12[%min3A_1058, %and3A_1445] : memref<800x32xf32, #tpu.memory_space<vmem>>[vector<16xi32>, vector<16xi32>], vector<16xf32>,
        %mul3A_1448 = arith.mulf %gather3A_1446, %gather3A_1447 : vector<16xf32>
        %add3A_1449 = arith.addf %add3A_1430, %mul3A_1448 : vector<16xf32>
        %gather3A_1450 = tpu.vector_load_idx %arg12[%min3A_1067, %and3A_1445] : memref<800x32xf32, #tpu.memory_space<vmem>>[vector<16xi32>, vector<16xi32>], vector<16xf32>,
        %mul3A_1451 = arith.mulf %gather3A_1446, %gather3A_1450 : vector<16xf32>
        %add3A_1452 = arith.addf %add3A_1433, %mul3A_1451 : vector<16xf32>
        %gather3A_1453 = tpu.vector_load_idx %arg12[%min3A_1076, %and3A_1445] : memref<800x32xf32, #tpu.memory_space<vmem>>[vector<16xi32>, vector<16xi32>], vector<16xf32>,
        %mul3A_1454 = arith.mulf %gather3A_1446, %gather3A_1453 : vector<16xf32>
        %add3A_1455 = arith.addf %add3A_1436, %mul3A_1454 : vector<16xf32>
        %gather3A_1456 = tpu.vector_load_idx %arg12[%min3A_1085, %and3A_1445] : memref<800x32xf32, #tpu.memory_space<vmem>>[vector<16xi32>, vector<16xi32>], vector<16xf32>,
        %mul3A_1457 = arith.mulf %gather3A_1446, %gather3A_1456 : vector<16xf32>
        %add3A_1458 = arith.addf %add3A_1439, %mul3A_1457 : vector<16xf32>
        %add3A_1459 = arith.constant 19 : i32
        %add3A_1460 = vector.broadcast %add3A_1459 : i32 to vector<16xi32>
        %add3A_1461 = arith.addi %iota3A, %add3A_1460 : vector<16xi32>
        %and3A_1462 = arith.constant 31 : i32
        %and3A_1463 = vector.broadcast %and3A_1462 : i32 to vector<16xi32>
        %and3A_1464 = arith.andi %add3A_1461, %and3A_1463 : vector<16xi32>
        %gather3A_1465 = tpu.vector_load_idx %arg13[%add3A_1089, %and3A_1464] : memref<16x32xf32, #tpu.memory_space<vmem>>[vector<16xi32>, vector<16xi32>], vector<16xf32>,
        %gather3A_1466 = tpu.vector_load_idx %arg12[%min3A_1058, %and3A_1464] : memref<800x32xf32, #tpu.memory_space<vmem>>[vector<16xi32>, vector<16xi32>], vector<16xf32>,
        %mul3A_1467 = arith.mulf %gather3A_1465, %gather3A_1466 : vector<16xf32>
        %add3A_1468 = arith.addf %add3A_1449, %mul3A_1467 : vector<16xf32>
        %gather3A_1469 = tpu.vector_load_idx %arg12[%min3A_1067, %and3A_1464] : memref<800x32xf32, #tpu.memory_space<vmem>>[vector<16xi32>, vector<16xi32>], vector<16xf32>,
        %mul3A_1470 = arith.mulf %gather3A_1465, %gather3A_1469 : vector<16xf32>
        %add3A_1471 = arith.addf %add3A_1452, %mul3A_1470 : vector<16xf32>
        %gather3A_1472 = tpu.vector_load_idx %arg12[%min3A_1076, %and3A_1464] : memref<800x32xf32, #tpu.memory_space<vmem>>[vector<16xi32>, vector<16xi32>], vector<16xf32>,
        %mul3A_1473 = arith.mulf %gather3A_1465, %gather3A_1472 : vector<16xf32>
        %add3A_1474 = arith.addf %add3A_1455, %mul3A_1473 : vector<16xf32>
        %gather3A_1475 = tpu.vector_load_idx %arg12[%min3A_1085, %and3A_1464] : memref<800x32xf32, #tpu.memory_space<vmem>>[vector<16xi32>, vector<16xi32>], vector<16xf32>,
        %mul3A_1476 = arith.mulf %gather3A_1465, %gather3A_1475 : vector<16xf32>
        %add3A_1477 = arith.addf %add3A_1458, %mul3A_1476 : vector<16xf32>
        %add3A_1478 = arith.constant 20 : i32
        %add3A_1479 = vector.broadcast %add3A_1478 : i32 to vector<16xi32>
        %add3A_1480 = arith.addi %iota3A, %add3A_1479 : vector<16xi32>
        %and3A_1481 = arith.constant 31 : i32
        %and3A_1482 = vector.broadcast %and3A_1481 : i32 to vector<16xi32>
        %and3A_1483 = arith.andi %add3A_1480, %and3A_1482 : vector<16xi32>
        %gather3A_1484 = tpu.vector_load_idx %arg13[%add3A_1089, %and3A_1483] : memref<16x32xf32, #tpu.memory_space<vmem>>[vector<16xi32>, vector<16xi32>], vector<16xf32>,
        %gather3A_1485 = tpu.vector_load_idx %arg12[%min3A_1058, %and3A_1483] : memref<800x32xf32, #tpu.memory_space<vmem>>[vector<16xi32>, vector<16xi32>], vector<16xf32>,
        %mul3A_1486 = arith.mulf %gather3A_1484, %gather3A_1485 : vector<16xf32>
        %add3A_1487 = arith.addf %add3A_1468, %mul3A_1486 : vector<16xf32>
        %gather3A_1488 = tpu.vector_load_idx %arg12[%min3A_1067, %and3A_1483] : memref<800x32xf32, #tpu.memory_space<vmem>>[vector<16xi32>, vector<16xi32>], vector<16xf32>,
        %mul3A_1489 = arith.mulf %gather3A_1484, %gather3A_1488 : vector<16xf32>
        %add3A_1490 = arith.addf %add3A_1471, %mul3A_1489 : vector<16xf32>
        %gather3A_1491 = tpu.vector_load_idx %arg12[%min3A_1076, %and3A_1483] : memref<800x32xf32, #tpu.memory_space<vmem>>[vector<16xi32>, vector<16xi32>], vector<16xf32>,
        %mul3A_1492 = arith.mulf %gather3A_1484, %gather3A_1491 : vector<16xf32>
        %add3A_1493 = arith.addf %add3A_1474, %mul3A_1492 : vector<16xf32>
        %gather3A_1494 = tpu.vector_load_idx %arg12[%min3A_1085, %and3A_1483] : memref<800x32xf32, #tpu.memory_space<vmem>>[vector<16xi32>, vector<16xi32>], vector<16xf32>,
        %mul3A_1495 = arith.mulf %gather3A_1484, %gather3A_1494 : vector<16xf32>
        %add3A_1496 = arith.addf %add3A_1477, %mul3A_1495 : vector<16xf32>
        %add3A_1497 = arith.constant 21 : i32
        %add3A_1498 = vector.broadcast %add3A_1497 : i32 to vector<16xi32>
        %add3A_1499 = arith.addi %iota3A, %add3A_1498 : vector<16xi32>
        %and3A_1500 = arith.constant 31 : i32
        %and3A_1501 = vector.broadcast %and3A_1500 : i32 to vector<16xi32>
        %and3A_1502 = arith.andi %add3A_1499, %and3A_1501 : vector<16xi32>
        %gather3A_1503 = tpu.vector_load_idx %arg13[%add3A_1089, %and3A_1502] : memref<16x32xf32, #tpu.memory_space<vmem>>[vector<16xi32>, vector<16xi32>], vector<16xf32>,
        %gather3A_1504 = tpu.vector_load_idx %arg12[%min3A_1058, %and3A_1502] : memref<800x32xf32, #tpu.memory_space<vmem>>[vector<16xi32>, vector<16xi32>], vector<16xf32>,
        %mul3A_1505 = arith.mulf %gather3A_1503, %gather3A_1504 : vector<16xf32>
        %add3A_1506 = arith.addf %add3A_1487, %mul3A_1505 : vector<16xf32>
        %gather3A_1507 = tpu.vector_load_idx %arg12[%min3A_1067, %and3A_1502] : memref<800x32xf32, #tpu.memory_space<vmem>>[vector<16xi32>, vector<16xi32>], vector<16xf32>,
        %mul3A_1508 = arith.mulf %gather3A_1503, %gather3A_1507 : vector<16xf32>
        %add3A_1509 = arith.addf %add3A_1490, %mul3A_1508 : vector<16xf32>
        %gather3A_1510 = tpu.vector_load_idx %arg12[%min3A_1076, %and3A_1502] : memref<800x32xf32, #tpu.memory_space<vmem>>[vector<16xi32>, vector<16xi32>], vector<16xf32>,
        %mul3A_1511 = arith.mulf %gather3A_1503, %gather3A_1510 : vector<16xf32>
        %add3A_1512 = arith.addf %add3A_1493, %mul3A_1511 : vector<16xf32>
        %gather3A_1513 = tpu.vector_load_idx %arg12[%min3A_1085, %and3A_1502] : memref<800x32xf32, #tpu.memory_space<vmem>>[vector<16xi32>, vector<16xi32>], vector<16xf32>,
        %mul3A_1514 = arith.mulf %gather3A_1503, %gather3A_1513 : vector<16xf32>
        %add3A_1515 = arith.addf %add3A_1496, %mul3A_1514 : vector<16xf32>
        %add3A_1516 = arith.constant 22 : i32
        %add3A_1517 = vector.broadcast %add3A_1516 : i32 to vector<16xi32>
        %add3A_1518 = arith.addi %iota3A, %add3A_1517 : vector<16xi32>
        %and3A_1519 = arith.constant 31 : i32
        %and3A_1520 = vector.broadcast %and3A_1519 : i32 to vector<16xi32>
        %and3A_1521 = arith.andi %add3A_1518, %and3A_1520 : vector<16xi32>
        %gather3A_1522 = tpu.vector_load_idx %arg13[%add3A_1089, %and3A_1521] : memref<16x32xf32, #tpu.memory_space<vmem>>[vector<16xi32>, vector<16xi32>], vector<16xf32>,
        %gather3A_1523 = tpu.vector_load_idx %arg12[%min3A_1058, %and3A_1521] : memref<800x32xf32, #tpu.memory_space<vmem>>[vector<16xi32>, vector<16xi32>], vector<16xf32>,
        %mul3A_1524 = arith.mulf %gather3A_1522, %gather3A_1523 : vector<16xf32>
        %add3A_1525 = arith.addf %add3A_1506, %mul3A_1524 : vector<16xf32>
        %gather3A_1526 = tpu.vector_load_idx %arg12[%min3A_1067, %and3A_1521] : memref<800x32xf32, #tpu.memory_space<vmem>>[vector<16xi32>, vector<16xi32>], vector<16xf32>,
        %mul3A_1527 = arith.mulf %gather3A_1522, %gather3A_1526 : vector<16xf32>
        %add3A_1528 = arith.addf %add3A_1509, %mul3A_1527 : vector<16xf32>
        %gather3A_1529 = tpu.vector_load_idx %arg12[%min3A_1076, %and3A_1521] : memref<800x32xf32, #tpu.memory_space<vmem>>[vector<16xi32>, vector<16xi32>], vector<16xf32>,
        %mul3A_1530 = arith.mulf %gather3A_1522, %gather3A_1529 : vector<16xf32>
        %add3A_1531 = arith.addf %add3A_1512, %mul3A_1530 : vector<16xf32>
        %gather3A_1532 = tpu.vector_load_idx %arg12[%min3A_1085, %and3A_1521] : memref<800x32xf32, #tpu.memory_space<vmem>>[vector<16xi32>, vector<16xi32>], vector<16xf32>,
        %mul3A_1533 = arith.mulf %gather3A_1522, %gather3A_1532 : vector<16xf32>
        %add3A_1534 = arith.addf %add3A_1515, %mul3A_1533 : vector<16xf32>
        %add3A_1535 = arith.constant 23 : i32
        %add3A_1536 = vector.broadcast %add3A_1535 : i32 to vector<16xi32>
        %add3A_1537 = arith.addi %iota3A, %add3A_1536 : vector<16xi32>
        %and3A_1538 = arith.constant 31 : i32
        %and3A_1539 = vector.broadcast %and3A_1538 : i32 to vector<16xi32>
        %and3A_1540 = arith.andi %add3A_1537, %and3A_1539 : vector<16xi32>
        %gather3A_1541 = tpu.vector_load_idx %arg13[%add3A_1089, %and3A_1540] : memref<16x32xf32, #tpu.memory_space<vmem>>[vector<16xi32>, vector<16xi32>], vector<16xf32>,
        %gather3A_1542 = tpu.vector_load_idx %arg12[%min3A_1058, %and3A_1540] : memref<800x32xf32, #tpu.memory_space<vmem>>[vector<16xi32>, vector<16xi32>], vector<16xf32>,
        %mul3A_1543 = arith.mulf %gather3A_1541, %gather3A_1542 : vector<16xf32>
        %add3A_1544 = arith.addf %add3A_1525, %mul3A_1543 : vector<16xf32>
        %gather3A_1545 = tpu.vector_load_idx %arg12[%min3A_1067, %and3A_1540] : memref<800x32xf32, #tpu.memory_space<vmem>>[vector<16xi32>, vector<16xi32>], vector<16xf32>,
        %mul3A_1546 = arith.mulf %gather3A_1541, %gather3A_1545 : vector<16xf32>
        %add3A_1547 = arith.addf %add3A_1528, %mul3A_1546 : vector<16xf32>
        %gather3A_1548 = tpu.vector_load_idx %arg12[%min3A_1076, %and3A_1540] : memref<800x32xf32, #tpu.memory_space<vmem>>[vector<16xi32>, vector<16xi32>], vector<16xf32>,
        %mul3A_1549 = arith.mulf %gather3A_1541, %gather3A_1548 : vector<16xf32>
        %add3A_1550 = arith.addf %add3A_1531, %mul3A_1549 : vector<16xf32>
        %gather3A_1551 = tpu.vector_load_idx %arg12[%min3A_1085, %and3A_1540] : memref<800x32xf32, #tpu.memory_space<vmem>>[vector<16xi32>, vector<16xi32>], vector<16xf32>,
        %mul3A_1552 = arith.mulf %gather3A_1541, %gather3A_1551 : vector<16xf32>
        %add3A_1553 = arith.addf %add3A_1534, %mul3A_1552 : vector<16xf32>
        %add3A_1554 = arith.constant 24 : i32
        %add3A_1555 = vector.broadcast %add3A_1554 : i32 to vector<16xi32>
        %add3A_1556 = arith.addi %iota3A, %add3A_1555 : vector<16xi32>
        %and3A_1557 = arith.constant 31 : i32
        %and3A_1558 = vector.broadcast %and3A_1557 : i32 to vector<16xi32>
        %and3A_1559 = arith.andi %add3A_1556, %and3A_1558 : vector<16xi32>
        %gather3A_1560 = tpu.vector_load_idx %arg13[%add3A_1089, %and3A_1559] : memref<16x32xf32, #tpu.memory_space<vmem>>[vector<16xi32>, vector<16xi32>], vector<16xf32>,
        %gather3A_1561 = tpu.vector_load_idx %arg12[%min3A_1058, %and3A_1559] : memref<800x32xf32, #tpu.memory_space<vmem>>[vector<16xi32>, vector<16xi32>], vector<16xf32>,
        %mul3A_1562 = arith.mulf %gather3A_1560, %gather3A_1561 : vector<16xf32>
        %add3A_1563 = arith.addf %add3A_1544, %mul3A_1562 : vector<16xf32>
        %gather3A_1564 = tpu.vector_load_idx %arg12[%min3A_1067, %and3A_1559] : memref<800x32xf32, #tpu.memory_space<vmem>>[vector<16xi32>, vector<16xi32>], vector<16xf32>,
        %mul3A_1565 = arith.mulf %gather3A_1560, %gather3A_1564 : vector<16xf32>
        %add3A_1566 = arith.addf %add3A_1547, %mul3A_1565 : vector<16xf32>
        %gather3A_1567 = tpu.vector_load_idx %arg12[%min3A_1076, %and3A_1559] : memref<800x32xf32, #tpu.memory_space<vmem>>[vector<16xi32>, vector<16xi32>], vector<16xf32>,
        %mul3A_1568 = arith.mulf %gather3A_1560, %gather3A_1567 : vector<16xf32>
        %add3A_1569 = arith.addf %add3A_1550, %mul3A_1568 : vector<16xf32>
        %gather3A_1570 = tpu.vector_load_idx %arg12[%min3A_1085, %and3A_1559] : memref<800x32xf32, #tpu.memory_space<vmem>>[vector<16xi32>, vector<16xi32>], vector<16xf32>,
        %mul3A_1571 = arith.mulf %gather3A_1560, %gather3A_1570 : vector<16xf32>
        %add3A_1572 = arith.addf %add3A_1553, %mul3A_1571 : vector<16xf32>
        %add3A_1573 = arith.constant 25 : i32
        %add3A_1574 = vector.broadcast %add3A_1573 : i32 to vector<16xi32>
        %add3A_1575 = arith.addi %iota3A, %add3A_1574 : vector<16xi32>
        %and3A_1576 = arith.constant 31 : i32
        %and3A_1577 = vector.broadcast %and3A_1576 : i32 to vector<16xi32>
        %and3A_1578 = arith.andi %add3A_1575, %and3A_1577 : vector<16xi32>
        %gather3A_1579 = tpu.vector_load_idx %arg13[%add3A_1089, %and3A_1578] : memref<16x32xf32, #tpu.memory_space<vmem>>[vector<16xi32>, vector<16xi32>], vector<16xf32>,
        %gather3A_1580 = tpu.vector_load_idx %arg12[%min3A_1058, %and3A_1578] : memref<800x32xf32, #tpu.memory_space<vmem>>[vector<16xi32>, vector<16xi32>], vector<16xf32>,
        %mul3A_1581 = arith.mulf %gather3A_1579, %gather3A_1580 : vector<16xf32>
        %add3A_1582 = arith.addf %add3A_1563, %mul3A_1581 : vector<16xf32>
        %gather3A_1583 = tpu.vector_load_idx %arg12[%min3A_1067, %and3A_1578] : memref<800x32xf32, #tpu.memory_space<vmem>>[vector<16xi32>, vector<16xi32>], vector<16xf32>,
        %mul3A_1584 = arith.mulf %gather3A_1579, %gather3A_1583 : vector<16xf32>
        %add3A_1585 = arith.addf %add3A_1566, %mul3A_1584 : vector<16xf32>
        %gather3A_1586 = tpu.vector_load_idx %arg12[%min3A_1076, %and3A_1578] : memref<800x32xf32, #tpu.memory_space<vmem>>[vector<16xi32>, vector<16xi32>], vector<16xf32>,
        %mul3A_1587 = arith.mulf %gather3A_1579, %gather3A_1586 : vector<16xf32>
        %add3A_1588 = arith.addf %add3A_1569, %mul3A_1587 : vector<16xf32>
        %gather3A_1589 = tpu.vector_load_idx %arg12[%min3A_1085, %and3A_1578] : memref<800x32xf32, #tpu.memory_space<vmem>>[vector<16xi32>, vector<16xi32>], vector<16xf32>,
        %mul3A_1590 = arith.mulf %gather3A_1579, %gather3A_1589 : vector<16xf32>
        %add3A_1591 = arith.addf %add3A_1572, %mul3A_1590 : vector<16xf32>
        %add3A_1592 = arith.constant 26 : i32
        %add3A_1593 = vector.broadcast %add3A_1592 : i32 to vector<16xi32>
        %add3A_1594 = arith.addi %iota3A, %add3A_1593 : vector<16xi32>
        %and3A_1595 = arith.constant 31 : i32
        %and3A_1596 = vector.broadcast %and3A_1595 : i32 to vector<16xi32>
        %and3A_1597 = arith.andi %add3A_1594, %and3A_1596 : vector<16xi32>
        %gather3A_1598 = tpu.vector_load_idx %arg13[%add3A_1089, %and3A_1597] : memref<16x32xf32, #tpu.memory_space<vmem>>[vector<16xi32>, vector<16xi32>], vector<16xf32>,
        %gather3A_1599 = tpu.vector_load_idx %arg12[%min3A_1058, %and3A_1597] : memref<800x32xf32, #tpu.memory_space<vmem>>[vector<16xi32>, vector<16xi32>], vector<16xf32>,
        %mul3A_1600 = arith.mulf %gather3A_1598, %gather3A_1599 : vector<16xf32>
        %add3A_1601 = arith.addf %add3A_1582, %mul3A_1600 : vector<16xf32>
        %gather3A_1602 = tpu.vector_load_idx %arg12[%min3A_1067, %and3A_1597] : memref<800x32xf32, #tpu.memory_space<vmem>>[vector<16xi32>, vector<16xi32>], vector<16xf32>,
        %mul3A_1603 = arith.mulf %gather3A_1598, %gather3A_1602 : vector<16xf32>
        %add3A_1604 = arith.addf %add3A_1585, %mul3A_1603 : vector<16xf32>
        %gather3A_1605 = tpu.vector_load_idx %arg12[%min3A_1076, %and3A_1597] : memref<800x32xf32, #tpu.memory_space<vmem>>[vector<16xi32>, vector<16xi32>], vector<16xf32>,
        %mul3A_1606 = arith.mulf %gather3A_1598, %gather3A_1605 : vector<16xf32>
        %add3A_1607 = arith.addf %add3A_1588, %mul3A_1606 : vector<16xf32>
        %gather3A_1608 = tpu.vector_load_idx %arg12[%min3A_1085, %and3A_1597] : memref<800x32xf32, #tpu.memory_space<vmem>>[vector<16xi32>, vector<16xi32>], vector<16xf32>,
        %mul3A_1609 = arith.mulf %gather3A_1598, %gather3A_1608 : vector<16xf32>
        %add3A_1610 = arith.addf %add3A_1591, %mul3A_1609 : vector<16xf32>
        %add3A_1611 = arith.constant 27 : i32
        %add3A_1612 = vector.broadcast %add3A_1611 : i32 to vector<16xi32>
        %add3A_1613 = arith.addi %iota3A, %add3A_1612 : vector<16xi32>
        %and3A_1614 = arith.constant 31 : i32
        %and3A_1615 = vector.broadcast %and3A_1614 : i32 to vector<16xi32>
        %and3A_1616 = arith.andi %add3A_1613, %and3A_1615 : vector<16xi32>
        %gather3A_1617 = tpu.vector_load_idx %arg13[%add3A_1089, %and3A_1616] : memref<16x32xf32, #tpu.memory_space<vmem>>[vector<16xi32>, vector<16xi32>], vector<16xf32>,
        %gather3A_1618 = tpu.vector_load_idx %arg12[%min3A_1058, %and3A_1616] : memref<800x32xf32, #tpu.memory_space<vmem>>[vector<16xi32>, vector<16xi32>], vector<16xf32>,
        %mul3A_1619 = arith.mulf %gather3A_1617, %gather3A_1618 : vector<16xf32>
        %add3A_1620 = arith.addf %add3A_1601, %mul3A_1619 : vector<16xf32>
        %gather3A_1621 = tpu.vector_load_idx %arg12[%min3A_1067, %and3A_1616] : memref<800x32xf32, #tpu.memory_space<vmem>>[vector<16xi32>, vector<16xi32>], vector<16xf32>,
        %mul3A_1622 = arith.mulf %gather3A_1617, %gather3A_1621 : vector<16xf32>
        %add3A_1623 = arith.addf %add3A_1604, %mul3A_1622 : vector<16xf32>
        %gather3A_1624 = tpu.vector_load_idx %arg12[%min3A_1076, %and3A_1616] : memref<800x32xf32, #tpu.memory_space<vmem>>[vector<16xi32>, vector<16xi32>], vector<16xf32>,
        %mul3A_1625 = arith.mulf %gather3A_1617, %gather3A_1624 : vector<16xf32>
        %add3A_1626 = arith.addf %add3A_1607, %mul3A_1625 : vector<16xf32>
        %gather3A_1627 = tpu.vector_load_idx %arg12[%min3A_1085, %and3A_1616] : memref<800x32xf32, #tpu.memory_space<vmem>>[vector<16xi32>, vector<16xi32>], vector<16xf32>,
        %mul3A_1628 = arith.mulf %gather3A_1617, %gather3A_1627 : vector<16xf32>
        %add3A_1629 = arith.addf %add3A_1610, %mul3A_1628 : vector<16xf32>
        %add3A_1630 = arith.constant 28 : i32
        %add3A_1631 = vector.broadcast %add3A_1630 : i32 to vector<16xi32>
        %add3A_1632 = arith.addi %iota3A, %add3A_1631 : vector<16xi32>
        %and3A_1633 = arith.constant 31 : i32
        %and3A_1634 = vector.broadcast %and3A_1633 : i32 to vector<16xi32>
        %and3A_1635 = arith.andi %add3A_1632, %and3A_1634 : vector<16xi32>
        %gather3A_1636 = tpu.vector_load_idx %arg13[%add3A_1089, %and3A_1635] : memref<16x32xf32, #tpu.memory_space<vmem>>[vector<16xi32>, vector<16xi32>], vector<16xf32>,
        %gather3A_1637 = tpu.vector_load_idx %arg12[%min3A_1058, %and3A_1635] : memref<800x32xf32, #tpu.memory_space<vmem>>[vector<16xi32>, vector<16xi32>], vector<16xf32>,
        %mul3A_1638 = arith.mulf %gather3A_1636, %gather3A_1637 : vector<16xf32>
        %add3A_1639 = arith.addf %add3A_1620, %mul3A_1638 : vector<16xf32>
        %gather3A_1640 = tpu.vector_load_idx %arg12[%min3A_1067, %and3A_1635] : memref<800x32xf32, #tpu.memory_space<vmem>>[vector<16xi32>, vector<16xi32>], vector<16xf32>,
        %mul3A_1641 = arith.mulf %gather3A_1636, %gather3A_1640 : vector<16xf32>
        %add3A_1642 = arith.addf %add3A_1623, %mul3A_1641 : vector<16xf32>
        %gather3A_1643 = tpu.vector_load_idx %arg12[%min3A_1076, %and3A_1635] : memref<800x32xf32, #tpu.memory_space<vmem>>[vector<16xi32>, vector<16xi32>], vector<16xf32>,
        %mul3A_1644 = arith.mulf %gather3A_1636, %gather3A_1643 : vector<16xf32>
        %add3A_1645 = arith.addf %add3A_1626, %mul3A_1644 : vector<16xf32>
        %gather3A_1646 = tpu.vector_load_idx %arg12[%min3A_1085, %and3A_1635] : memref<800x32xf32, #tpu.memory_space<vmem>>[vector<16xi32>, vector<16xi32>], vector<16xf32>,
        %mul3A_1647 = arith.mulf %gather3A_1636, %gather3A_1646 : vector<16xf32>
        %add3A_1648 = arith.addf %add3A_1629, %mul3A_1647 : vector<16xf32>
        %add3A_1649 = arith.constant 29 : i32
        %add3A_1650 = vector.broadcast %add3A_1649 : i32 to vector<16xi32>
        %add3A_1651 = arith.addi %iota3A, %add3A_1650 : vector<16xi32>
        %and3A_1652 = arith.constant 31 : i32
        %and3A_1653 = vector.broadcast %and3A_1652 : i32 to vector<16xi32>
        %and3A_1654 = arith.andi %add3A_1651, %and3A_1653 : vector<16xi32>
        %gather3A_1655 = tpu.vector_load_idx %arg13[%add3A_1089, %and3A_1654] : memref<16x32xf32, #tpu.memory_space<vmem>>[vector<16xi32>, vector<16xi32>], vector<16xf32>,
        %gather3A_1656 = tpu.vector_load_idx %arg12[%min3A_1058, %and3A_1654] : memref<800x32xf32, #tpu.memory_space<vmem>>[vector<16xi32>, vector<16xi32>], vector<16xf32>,
        %mul3A_1657 = arith.mulf %gather3A_1655, %gather3A_1656 : vector<16xf32>
        %add3A_1658 = arith.addf %add3A_1639, %mul3A_1657 : vector<16xf32>
        %gather3A_1659 = tpu.vector_load_idx %arg12[%min3A_1067, %and3A_1654] : memref<800x32xf32, #tpu.memory_space<vmem>>[vector<16xi32>, vector<16xi32>], vector<16xf32>,
        %mul3A_1660 = arith.mulf %gather3A_1655, %gather3A_1659 : vector<16xf32>
        %add3A_1661 = arith.addf %add3A_1642, %mul3A_1660 : vector<16xf32>
        %gather3A_1662 = tpu.vector_load_idx %arg12[%min3A_1076, %and3A_1654] : memref<800x32xf32, #tpu.memory_space<vmem>>[vector<16xi32>, vector<16xi32>], vector<16xf32>,
        %mul3A_1663 = arith.mulf %gather3A_1655, %gather3A_1662 : vector<16xf32>
        %add3A_1664 = arith.addf %add3A_1645, %mul3A_1663 : vector<16xf32>
        %gather3A_1665 = tpu.vector_load_idx %arg12[%min3A_1085, %and3A_1654] : memref<800x32xf32, #tpu.memory_space<vmem>>[vector<16xi32>, vector<16xi32>], vector<16xf32>,
        %mul3A_1666 = arith.mulf %gather3A_1655, %gather3A_1665 : vector<16xf32>
        %add3A_1667 = arith.addf %add3A_1648, %mul3A_1666 : vector<16xf32>
        %add3A_1668 = arith.constant 30 : i32
        %add3A_1669 = vector.broadcast %add3A_1668 : i32 to vector<16xi32>
        %add3A_1670 = arith.addi %iota3A, %add3A_1669 : vector<16xi32>
        %and3A_1671 = arith.constant 31 : i32
        %and3A_1672 = vector.broadcast %and3A_1671 : i32 to vector<16xi32>
        %and3A_1673 = arith.andi %add3A_1670, %and3A_1672 : vector<16xi32>
        %gather3A_1674 = tpu.vector_load_idx %arg13[%add3A_1089, %and3A_1673] : memref<16x32xf32, #tpu.memory_space<vmem>>[vector<16xi32>, vector<16xi32>], vector<16xf32>,
        %gather3A_1675 = tpu.vector_load_idx %arg12[%min3A_1058, %and3A_1673] : memref<800x32xf32, #tpu.memory_space<vmem>>[vector<16xi32>, vector<16xi32>], vector<16xf32>,
        %mul3A_1676 = arith.mulf %gather3A_1674, %gather3A_1675 : vector<16xf32>
        %add3A_1677 = arith.addf %add3A_1658, %mul3A_1676 : vector<16xf32>
        %gather3A_1678 = tpu.vector_load_idx %arg12[%min3A_1067, %and3A_1673] : memref<800x32xf32, #tpu.memory_space<vmem>>[vector<16xi32>, vector<16xi32>], vector<16xf32>,
        %mul3A_1679 = arith.mulf %gather3A_1674, %gather3A_1678 : vector<16xf32>
        %add3A_1680 = arith.addf %add3A_1661, %mul3A_1679 : vector<16xf32>
        %gather3A_1681 = tpu.vector_load_idx %arg12[%min3A_1076, %and3A_1673] : memref<800x32xf32, #tpu.memory_space<vmem>>[vector<16xi32>, vector<16xi32>], vector<16xf32>,
        %mul3A_1682 = arith.mulf %gather3A_1674, %gather3A_1681 : vector<16xf32>
        %add3A_1683 = arith.addf %add3A_1664, %mul3A_1682 : vector<16xf32>
        %gather3A_1684 = tpu.vector_load_idx %arg12[%min3A_1085, %and3A_1673] : memref<800x32xf32, #tpu.memory_space<vmem>>[vector<16xi32>, vector<16xi32>], vector<16xf32>,
        %mul3A_1685 = arith.mulf %gather3A_1674, %gather3A_1684 : vector<16xf32>
        %add3A_1686 = arith.addf %add3A_1667, %mul3A_1685 : vector<16xf32>
        %add3A_1687 = arith.constant 31 : i32
        %add3A_1688 = vector.broadcast %add3A_1687 : i32 to vector<16xi32>
        %add3A_1689 = arith.addi %iota3A, %add3A_1688 : vector<16xi32>
        %and3A_1690 = arith.constant 31 : i32
        %and3A_1691 = vector.broadcast %and3A_1690 : i32 to vector<16xi32>
        %and3A_1692 = arith.andi %add3A_1689, %and3A_1691 : vector<16xi32>
        %gather3A_1693 = tpu.vector_load_idx %arg13[%add3A_1089, %and3A_1692] : memref<16x32xf32, #tpu.memory_space<vmem>>[vector<16xi32>, vector<16xi32>], vector<16xf32>,
        %gather3A_1694 = tpu.vector_load_idx %arg12[%min3A_1058, %and3A_1692] : memref<800x32xf32, #tpu.memory_space<vmem>>[vector<16xi32>, vector<16xi32>], vector<16xf32>,
        %mul3A_1695 = arith.mulf %gather3A_1693, %gather3A_1694 : vector<16xf32>
        %add3A_1696 = arith.addf %add3A_1677, %mul3A_1695 : vector<16xf32>
        %gather3A_1697 = tpu.vector_load_idx %arg12[%min3A_1067, %and3A_1692] : memref<800x32xf32, #tpu.memory_space<vmem>>[vector<16xi32>, vector<16xi32>], vector<16xf32>,
        %mul3A_1698 = arith.mulf %gather3A_1693, %gather3A_1697 : vector<16xf32>
        %add3A_1699 = arith.addf %add3A_1680, %mul3A_1698 : vector<16xf32>
        %gather3A_1700 = tpu.vector_load_idx %arg12[%min3A_1076, %and3A_1692] : memref<800x32xf32, #tpu.memory_space<vmem>>[vector<16xi32>, vector<16xi32>], vector<16xf32>,
        %mul3A_1701 = arith.mulf %gather3A_1693, %gather3A_1700 : vector<16xf32>
        %add3A_1702 = arith.addf %add3A_1683, %mul3A_1701 : vector<16xf32>
        %gather3A_1703 = tpu.vector_load_idx %arg12[%min3A_1085, %and3A_1692] : memref<800x32xf32, #tpu.memory_space<vmem>>[vector<16xi32>, vector<16xi32>], vector<16xf32>,
        %mul3A_1704 = arith.mulf %gather3A_1693, %gather3A_1703 : vector<16xf32>
        %add3A_1705 = arith.addf %add3A_1686, %mul3A_1704 : vector<16xf32>
        %add3A_1706 = arith.constant 0 : i32
        %add3A_1707 = vector.broadcast %add3A_1706 : i32 to vector<16xi32>
        %add3A_1708 = arith.addi %add3A_1707, %iota3A : vector<16xi32>
        %mul3A_1709 = arith.constant 50 : i32
        %mul3A_1710 = arith.muli %scan3A_1050, %mul3A_1709 : i32
        %add3A_1711 = vector.broadcast %mul3A_1710 : i32 to vector<16xi32>
        %add3A_1712 = arith.addi %add3A_1711, %add3A_1708 : vector<16xi32>
        %lt3A_1713 = arith.constant 50 : i32
        %lt3A_1714 = vector.broadcast %lt3A_1713 : i32 to vector<16xi32>
        %lt3A_1715 = arith.cmpi slt, %add3A_1708, %lt3A_1714 : vector<16xi32>
        tpu.vector_store_idx %arg17[%add3A_1712], %add3A_1696 masked %lt3A_1715 : memref<800xf32, #tpu.memory_space<vmem>>[vector<16xi32>], vector<16xf32>, vector<16xi1>
        %add3A_1716 = arith.constant 16 : i32
        %add3A_1717 = vector.broadcast %add3A_1716 : i32 to vector<16xi32>
        %add3A_1718 = arith.addi %add3A_1717, %iota3A : vector<16xi32>
        %mul3A_1719 = arith.constant 50 : i32
        %mul3A_1720 = arith.muli %scan3A_1050, %mul3A_1719 : i32
        %add3A_1721 = vector.broadcast %mul3A_1720 : i32 to vector<16xi32>
        %add3A_1722 = arith.addi %add3A_1721, %add3A_1718 : vector<16xi32>
        %lt3A_1723 = arith.constant 50 : i32
        %lt3A_1724 = vector.broadcast %lt3A_1723 : i32 to vector<16xi32>
        %lt3A_1725 = arith.cmpi slt, %add3A_1718, %lt3A_1724 : vector<16xi32>
        tpu.vector_store_idx %arg17[%add3A_1722], %add3A_1699 masked %lt3A_1725 : memref<800xf32, #tpu.memory_space<vmem>>[vector<16xi32>], vector<16xf32>, vector<16xi1>
        %add3A_1726 = arith.constant 32 : i32
        %add3A_1727 = vector.broadcast %add3A_1726 : i32 to vector<16xi32>
        %add3A_1728 = arith.addi %add3A_1727, %iota3A : vector<16xi32>
        %mul3A_1729 = arith.constant 50 : i32
        %mul3A_1730 = arith.muli %scan3A_1050, %mul3A_1729 : i32
        %add3A_1731 = vector.broadcast %mul3A_1730 : i32 to vector<16xi32>
        %add3A_1732 = arith.addi %add3A_1731, %add3A_1728 : vector<16xi32>
        %lt3A_1733 = arith.constant 50 : i32
        %lt3A_1734 = vector.broadcast %lt3A_1733 : i32 to vector<16xi32>
        %lt3A_1735 = arith.cmpi slt, %add3A_1728, %lt3A_1734 : vector<16xi32>
        tpu.vector_store_idx %arg17[%add3A_1732], %add3A_1702 masked %lt3A_1735 : memref<800xf32, #tpu.memory_space<vmem>>[vector<16xi32>], vector<16xf32>, vector<16xi1>
        %add3A_1736 = arith.constant 48 : i32
        %add3A_1737 = vector.broadcast %add3A_1736 : i32 to vector<16xi32>
        %add3A_1738 = arith.addi %add3A_1737, %iota3A : vector<16xi32>
        %mul3A_1739 = arith.constant 50 : i32
        %mul3A_1740 = arith.muli %scan3A_1050, %mul3A_1739 : i32
        %add3A_1741 = vector.broadcast %mul3A_1740 : i32 to vector<16xi32>
        %add3A_1742 = arith.addi %add3A_1741, %add3A_1738 : vector<16xi32>
        %lt3A_1743 = arith.constant 50 : i32
        %lt3A_1744 = vector.broadcast %lt3A_1743 : i32 to vector<16xi32>
        %lt3A_1745 = arith.cmpi slt, %add3A_1738, %lt3A_1744 : vector<16xi32>
        tpu.vector_store_idx %arg17[%add3A_1742], %add3A_1705 masked %lt3A_1745 : memref<800xf32, #tpu.memory_space<vmem>>[vector<16xi32>], vector<16xf32>, vector<16xi1>
      }
      %scan3A_1040 = arith.constant 16 : i32
      %mul3A_1041 = arith.constant 50 : i32
      %mul3A_1042 = arith.muli %add3A_646, %mul3A_1041 : i32
      "tpu.region"() ({
        %run_scoped3A = tpu.sem_alloc : memref<!tpu.dma_semaphore, #tpu.memory_space<semaphore_mem>>
        %dma_start3A_1050 = tpu.memref_slice %arg8[%mul3A_1042] : memref<819200xf32, #tpu.memory_space<hbm>> -> memref<800xf32, #tpu.memory_space<hbm>>
        %dma_start3A_1051 = tpu.memref_slice %arg8[%mul3A_1042] : memref<819200xf32, #tpu.memory_space<hbm>> -> memref<800xf32, #tpu.memory_space<hbm>>
        tpu.enqueue_dma source(%arg17 : memref<800xf32, #tpu.memory_space<vmem>>) target(%dma_start3A_1051 : memref<800xf32, #tpu.memory_space<hbm>>) target_semaphore(%run_scoped3A : memref<!tpu.dma_semaphore, #tpu.memory_space<semaphore_mem>>)
        %dma_wait3A_1052 = tpu.memref_slice %arg8[%mul3A_1042] : memref<819200xf32, #tpu.memory_space<hbm>> -> memref<800xf32, #tpu.memory_space<hbm>>
        %dma_wait3A_1053 = tpu.memref_slice %arg8[%mul3A_1042] : memref<819200xf32, #tpu.memory_space<hbm>> -> memref<800xf32, #tpu.memory_space<hbm>>
        tpu.wait_dma2 semaphore(%run_scoped3A : memref<!tpu.dma_semaphore, #tpu.memory_space<semaphore_mem>>) src(%arg17 : memref<800xf32, #tpu.memory_space<vmem>>) dst(%dma_wait3A_1053 : memref<800xf32, #tpu.memory_space<hbm>>)
        tpu.yield
      }) : () -> ()
      %add3A_1043 = arith.constant 2 : i32
      %add3A_1044 = arith.addi %add3A_587, %add3A_1043 : i32
      %lt3A_1045 = arith.constant 32 : i32
      %lt3A_1046 = arith.cmpi slt, %add3A_1044, %lt3A_1045 : i32
      %convert_element_type3A_1047 = arith.extui %lt3A_1046 : i1 to i32
      %cond3A_1048 = arith.constant 0 : i32
      %cond3A_1049 = arith.cmpi ne, %convert_element_type3A_1047, %cond3A_1048 : i32
      scf.if %cond3A_1049 {
        %add3A_1050 = arith.constant 2 : i32
        %add3A_1051 = arith.addi %add3A_587, %add3A_1050 : i32
        %mul3A_1052 = arith.constant 16 : i32
        %mul3A_1053 = arith.muli %add3A_1051, %mul3A_1052 : i32
        %add3A_1054 = arith.addi %mul3A_2, %mul3A_1053 : i32
        %mul3A_1055 = arith.constant 50 : i32
        %mul3A_1056 = arith.muli %add3A_1054, %mul3A_1055 : i32
        "tpu.region"() ({
          %run_scoped3A = tpu.sem_alloc : memref<!tpu.dma_semaphore, #tpu.memory_space<semaphore_mem>>
          %dma_start3A_1113 = tpu.memref_slice %arg2[%mul3A_1056] : memref<819200xi32, #tpu.memory_space<hbm>> -> memref<800xi32, #tpu.memory_space<hbm>>
          %dma_start3A_1114 = tpu.memref_slice %arg2[%mul3A_1056] : memref<819200xi32, #tpu.memory_space<hbm>> -> memref<800xi32, #tpu.memory_space<hbm>>
          tpu.enqueue_dma source(%dma_start3A_1114 : memref<800xi32, #tpu.memory_space<hbm>>) target(%arg10 : memref<800xi32, #tpu.memory_space<vmem>>) target_semaphore(%run_scoped3A : memref<!tpu.dma_semaphore, #tpu.memory_space<semaphore_mem>>)
          %dma_wait3A_1115 = tpu.memref_slice %arg2[%mul3A_1056] : memref<819200xi32, #tpu.memory_space<hbm>> -> memref<800xi32, #tpu.memory_space<hbm>>
          %dma_wait3A_1116 = tpu.memref_slice %arg2[%mul3A_1056] : memref<819200xi32, #tpu.memory_space<hbm>> -> memref<800xi32, #tpu.memory_space<hbm>>
          tpu.wait_dma2 semaphore(%run_scoped3A : memref<!tpu.dma_semaphore, #tpu.memory_space<semaphore_mem>>) src(%dma_wait3A_1116 : memref<800xi32, #tpu.memory_space<hbm>>) dst(%arg10 : memref<800xi32, #tpu.memory_space<vmem>>)
          tpu.yield
        }) : () -> ()
        %dma_start3A_1057 = arith.constant 0 : i32
        %dma_start3A_1058 = arith.constant 0 : i32
        %dma_start3A_1059 = tpu.memref_slice %arg12[%dma_start3A_1057, %dma_start3A_1058] : memref<800x32xf32, #tpu.memory_space<vmem>> -> memref<128x32xf32, #tpu.memory_space<vmem>>
        %dma_start3A_1060 = arith.constant 0 : i32
        %dma_start3A_1061 = tpu.memref_slice %arg10[%dma_start3A_1060] : memref<800xi32, #tpu.memory_space<vmem>> -> memref<128xi32, #tpu.memory_space<vmem>>
        %dma_start3A_1062 = arith.constant 0 : i32
        %dma_start3A_1063 = arith.constant 0 : i32
        %dma_start3A_1064 = tpu.memref_slice %arg3[%dma_start3A_1062, %dma_start3A_1063] : memref<1000000x32xf32, #tpu.memory_space<hbm>> -> memref<1000000x32xf32, #tpu.memory_space<hbm>>
        tpu.enqueue_indirect_dma source(%dma_start3A_1064 : memref<1000000x32xf32, #tpu.memory_space<hbm>>) target(%dma_start3A_1059 : memref<128x32xf32, #tpu.memory_space<vmem>>) offsets(%dma_start3A_1061 : memref<128xi32, #tpu.memory_space<vmem>>) semaphore(%arg19 : memref<!tpu.dma_semaphore, #tpu.memory_space<semaphore_mem>>)
        %dma_start3A_1065 = arith.constant 128 : i32
        %dma_start3A_1066 = arith.constant 0 : i32
        %dma_start3A_1067 = tpu.memref_slice %arg12[%dma_start3A_1065, %dma_start3A_1066] : memref<800x32xf32, #tpu.memory_space<vmem>> -> memref<128x32xf32, #tpu.memory_space<vmem>>
        %dma_start3A_1068 = arith.constant 128 : i32
        %dma_start3A_1069 = tpu.memref_slice %arg10[%dma_start3A_1068] : memref<800xi32, #tpu.memory_space<vmem>> -> memref<128xi32, #tpu.memory_space<vmem>>
        %dma_start3A_1070 = arith.constant 0 : i32
        %dma_start3A_1071 = arith.constant 0 : i32
        %dma_start3A_1072 = tpu.memref_slice %arg3[%dma_start3A_1070, %dma_start3A_1071] : memref<1000000x32xf32, #tpu.memory_space<hbm>> -> memref<1000000x32xf32, #tpu.memory_space<hbm>>
        tpu.enqueue_indirect_dma source(%dma_start3A_1072 : memref<1000000x32xf32, #tpu.memory_space<hbm>>) target(%dma_start3A_1067 : memref<128x32xf32, #tpu.memory_space<vmem>>) offsets(%dma_start3A_1069 : memref<128xi32, #tpu.memory_space<vmem>>) semaphore(%arg19 : memref<!tpu.dma_semaphore, #tpu.memory_space<semaphore_mem>>)
        %dma_start3A_1073 = arith.constant 256 : i32
        %dma_start3A_1074 = arith.constant 0 : i32
        %dma_start3A_1075 = tpu.memref_slice %arg12[%dma_start3A_1073, %dma_start3A_1074] : memref<800x32xf32, #tpu.memory_space<vmem>> -> memref<128x32xf32, #tpu.memory_space<vmem>>
        %dma_start3A_1076 = arith.constant 256 : i32
        %dma_start3A_1077 = tpu.memref_slice %arg10[%dma_start3A_1076] : memref<800xi32, #tpu.memory_space<vmem>> -> memref<128xi32, #tpu.memory_space<vmem>>
        %dma_start3A_1078 = arith.constant 0 : i32
        %dma_start3A_1079 = arith.constant 0 : i32
        %dma_start3A_1080 = tpu.memref_slice %arg3[%dma_start3A_1078, %dma_start3A_1079] : memref<1000000x32xf32, #tpu.memory_space<hbm>> -> memref<1000000x32xf32, #tpu.memory_space<hbm>>
        tpu.enqueue_indirect_dma source(%dma_start3A_1080 : memref<1000000x32xf32, #tpu.memory_space<hbm>>) target(%dma_start3A_1075 : memref<128x32xf32, #tpu.memory_space<vmem>>) offsets(%dma_start3A_1077 : memref<128xi32, #tpu.memory_space<vmem>>) semaphore(%arg19 : memref<!tpu.dma_semaphore, #tpu.memory_space<semaphore_mem>>)
        %dma_start3A_1081 = arith.constant 384 : i32
        %dma_start3A_1082 = arith.constant 0 : i32
        %dma_start3A_1083 = tpu.memref_slice %arg12[%dma_start3A_1081, %dma_start3A_1082] : memref<800x32xf32, #tpu.memory_space<vmem>> -> memref<128x32xf32, #tpu.memory_space<vmem>>
        %dma_start3A_1084 = arith.constant 384 : i32
        %dma_start3A_1085 = tpu.memref_slice %arg10[%dma_start3A_1084] : memref<800xi32, #tpu.memory_space<vmem>> -> memref<128xi32, #tpu.memory_space<vmem>>
        %dma_start3A_1086 = arith.constant 0 : i32
        %dma_start3A_1087 = arith.constant 0 : i32
        %dma_start3A_1088 = tpu.memref_slice %arg3[%dma_start3A_1086, %dma_start3A_1087] : memref<1000000x32xf32, #tpu.memory_space<hbm>> -> memref<1000000x32xf32, #tpu.memory_space<hbm>>
        tpu.enqueue_indirect_dma source(%dma_start3A_1088 : memref<1000000x32xf32, #tpu.memory_space<hbm>>) target(%dma_start3A_1083 : memref<128x32xf32, #tpu.memory_space<vmem>>) offsets(%dma_start3A_1085 : memref<128xi32, #tpu.memory_space<vmem>>) semaphore(%arg19 : memref<!tpu.dma_semaphore, #tpu.memory_space<semaphore_mem>>)
        %dma_start3A_1089 = arith.constant 512 : i32
        %dma_start3A_1090 = arith.constant 0 : i32
        %dma_start3A_1091 = tpu.memref_slice %arg12[%dma_start3A_1089, %dma_start3A_1090] : memref<800x32xf32, #tpu.memory_space<vmem>> -> memref<128x32xf32, #tpu.memory_space<vmem>>
        %dma_start3A_1092 = arith.constant 512 : i32
        %dma_start3A_1093 = tpu.memref_slice %arg10[%dma_start3A_1092] : memref<800xi32, #tpu.memory_space<vmem>> -> memref<128xi32, #tpu.memory_space<vmem>>
        %dma_start3A_1094 = arith.constant 0 : i32
        %dma_start3A_1095 = arith.constant 0 : i32
        %dma_start3A_1096 = tpu.memref_slice %arg3[%dma_start3A_1094, %dma_start3A_1095] : memref<1000000x32xf32, #tpu.memory_space<hbm>> -> memref<1000000x32xf32, #tpu.memory_space<hbm>>
        tpu.enqueue_indirect_dma source(%dma_start3A_1096 : memref<1000000x32xf32, #tpu.memory_space<hbm>>) target(%dma_start3A_1091 : memref<128x32xf32, #tpu.memory_space<vmem>>) offsets(%dma_start3A_1093 : memref<128xi32, #tpu.memory_space<vmem>>) semaphore(%arg19 : memref<!tpu.dma_semaphore, #tpu.memory_space<semaphore_mem>>)
        %dma_start3A_1097 = arith.constant 640 : i32
        %dma_start3A_1098 = arith.constant 0 : i32
        %dma_start3A_1099 = tpu.memref_slice %arg12[%dma_start3A_1097, %dma_start3A_1098] : memref<800x32xf32, #tpu.memory_space<vmem>> -> memref<128x32xf32, #tpu.memory_space<vmem>>
        %dma_start3A_1100 = arith.constant 640 : i32
        %dma_start3A_1101 = tpu.memref_slice %arg10[%dma_start3A_1100] : memref<800xi32, #tpu.memory_space<vmem>> -> memref<128xi32, #tpu.memory_space<vmem>>
        %dma_start3A_1102 = arith.constant 0 : i32
        %dma_start3A_1103 = arith.constant 0 : i32
        %dma_start3A_1104 = tpu.memref_slice %arg3[%dma_start3A_1102, %dma_start3A_1103] : memref<1000000x32xf32, #tpu.memory_space<hbm>> -> memref<1000000x32xf32, #tpu.memory_space<hbm>>
        tpu.enqueue_indirect_dma source(%dma_start3A_1104 : memref<1000000x32xf32, #tpu.memory_space<hbm>>) target(%dma_start3A_1099 : memref<128x32xf32, #tpu.memory_space<vmem>>) offsets(%dma_start3A_1101 : memref<128xi32, #tpu.memory_space<vmem>>) semaphore(%arg19 : memref<!tpu.dma_semaphore, #tpu.memory_space<semaphore_mem>>)
        %dma_start3A_1105 = arith.constant 768 : i32
        %dma_start3A_1106 = arith.constant 0 : i32
        %dma_start3A_1107 = tpu.memref_slice %arg12[%dma_start3A_1105, %dma_start3A_1106] : memref<800x32xf32, #tpu.memory_space<vmem>> -> memref<32x32xf32, #tpu.memory_space<vmem>>
        %dma_start3A_1108 = arith.constant 768 : i32
        %dma_start3A_1109 = tpu.memref_slice %arg10[%dma_start3A_1108] : memref<800xi32, #tpu.memory_space<vmem>> -> memref<32xi32, #tpu.memory_space<vmem>>
        %dma_start3A_1110 = arith.constant 0 : i32
        %dma_start3A_1111 = arith.constant 0 : i32
        %dma_start3A_1112 = tpu.memref_slice %arg3[%dma_start3A_1110, %dma_start3A_1111] : memref<1000000x32xf32, #tpu.memory_space<hbm>> -> memref<1000000x32xf32, #tpu.memory_space<hbm>>
        tpu.enqueue_indirect_dma source(%dma_start3A_1112 : memref<1000000x32xf32, #tpu.memory_space<hbm>>) target(%dma_start3A_1107 : memref<32x32xf32, #tpu.memory_space<vmem>>) offsets(%dma_start3A_1109 : memref<32xi32, #tpu.memory_space<vmem>>) semaphore(%arg19 : memref<!tpu.dma_semaphore, #tpu.memory_space<semaphore_mem>>)
      } else {
      }
    }
    %scan3A_126 = arith.constant 16 : i32
    return
  }
}

</mosaic_0001>

<sc_bundles>
// kernel: _run.3.cloned.1.call-start
scs
__scs_entry_jumppad:
0x0: {  	(pc) =	sbr.rel $0x88, $3  }
0x1: {  	(tag) =	ssettag $0x0;
	lr =	simm.s32 $0x1  }
0x2: {  	[smem:$0x3F9C] =	sst lr;
	_ =	strace $0xD0000000  }
0x3: {  	_ = 	snop  }
0x4: {  	_ = 	snop  }
0x5: {  	_ = 	snop  }
0x6: {  	_ = 	snop  }
0x7: {  	_ = 	snop  }
__scs_overlays_trampoline_lowered:
0x8: {  	[smem:$0x3FAB] =	sst s0  }
0x9: {  	[smem:$0x3FAC] =	sst s1  }
0xa: {  	[smem:$0x3FAD] =	sst s2  }
0xb: {  	[smem:$0x3FAE] =	sst s3  }
0xc: {  	[smem:$0x3FAF] =	sst s4  }
0xd: {  	[smem:$0x3FB0] =	sst s5  }
0xe: {  	[smem:$0x3FB1] =	sst s6  }
0xf: {  	[smem:$0x3FB2] =	sst s7  }
0x10: {  	[smem:$0x3FB3] =	sst s8  }
0x11: {  	[smem:$0x3FB4] =	sst s9;
	s0 =	simm.s32 @!p0 $0x0  }
0x12: {  	s1 =	sld [smem:$0x3F9A];
	s0 =	simm.s32 @p0 $0x1  }
0x13: {  	[smem:$0x3FB5] =	sst s0;
	s0 =	simm.s32 @!p1 $0x0  }
0x14: {  	s2 =	sld [smem:$0x3F99];
	s0 =	simm.s32 @p1 $0x1  }
0x15: {  	[smem:$0x3FB6] =	sst s0;
	s0 =	simm.s32 @!p2 $0x0  }
0x16: {  	s3 =	sld [smem:$0x3FDB];
	s0 =	simm.s32 @p2 $0x1  }
0x17: {  	s4 =	simm.s32 $0x1BF5;
	[smem:$0x3FB8] =	sst s0  }
0x18: {  	s0 =	sld [smem:$0x3F9B];
	_ =	swait.ge [sflag:s4], $0x0  }
0x19: {  	s7 =	sld [smem:$0x3F9C]  }
0x1a: {  	s8 =	sadd.s32 $0xFFFFE003, lr  }
0x1b: {  	s9 =	sadd.s32 $0xFFFFFEF7, lr;
	s5 =	simm.s32 $0xFFFFFFFF;
	p2 =	slt.u32 s8, $0xFFFFF086  }
0x1c: {  	p1 =	slt.u32 s9, $0xF7A;
	s5 =	simm.s32 @!p2 $0x0  }
0x1d: {  	s5 =	simm.s32 @p1 $0x1;
	p0 =	seq.s32 s7, s2  }
0x1e: {  	s7 =	smul.u32 @!p0 $0xF7A, s2;
	p2 =	seq.s32 @!p0 s5, $0x0  }
0x1f: {  	s9 =	smul.u32 $0xF7A, s1;
	s8 =	simm.s32 @!p0 $0x1BF5;
	p2 =	por !p2, p0  }
0x20: {  	[sflag:s8] =	ssyncset.s32 @!p0 $0xFFFFF086;
	s6 =	sadd.s32 @!p0 s3, s7;
	s7 =	simm.s32 @!p0 $0x108  }
0x21: {  	s3 =	sadd.s32 s3, s9;
	s6 =	sadd.s32 @!p0 $0x88, s6;
	s7 =	simm.s32 @p2 $0x1082  }
0x22: {  	[simem:s7], [sflag:s8] =	dma.local @!p0 [hbm:s6], $0xF7A  }
0x23: {  	s9 =	sor.u32 $0xD0000000, s2;
	s6 =	simm.s32 $0x108;
	_ =	swait.ge @!p0 [sflag:s8], $0x0  }
0x24: {  	s3 =	sadd.s32 $0x88, s3;
	s6 =	simm.s32 @!p1 $0x1082;
	[sflag:s4] =	ssyncset.s32 $0xFFFFF086  }
0x25: {  	[simem:s6], [sflag:s4] =	dma.local [hbm:s3], $0xF7A  }
0x26: {  	[smem:$0x3F9C] =	sst s1;
	(tag) =	ssettag s2;
	_ =	strace s9  }
0x27: {  	s1 =	sld [smem:$0x3FAC]  }
0x28: {  	s2 =	sld [smem:$0x3FAD]  }
0x29: {  	s4 =	sld [smem:$0x3FAF]  }
0x2a: {  	p0 =	seq.s32 s5, $0x0;
	s5 =	sld [smem:$0x3FB0]  }
0x2b: {  	s6 =	sld [smem:$0x3FB1]  }
0x2c: {  	s7 =	sld [smem:$0x3FB2]  }
0x2d: {  	s3 =	simm.s32 $0x108;
	s8 =	sld [smem:$0x3FB3]  }
0x2e: {  	s3 =	simm.s32 @!p0 $0x1082;
	s9 =	sld [smem:$0x3FB4]  }
0x2f: {  	lr =	sadd.s32 s0, s3;
	s0 =	sld [smem:$0x3FAB]  }
0x30: {  	s3 =	sld [smem:$0x3FAE]  }
0x31: {  	[smem:$0x3FB7] =	sst s10  }
0x32: {  	s10 =	sld [smem:$0x3FB5];
	_ =	sdelay $0x3  }
0x33: {  	p0 =	seq.s32 s10, $0x1;
	s10 =	sld [smem:$0x3FB7];
	_ =	sdelay $0x3  }
0x34: {  	[smem:$0x3FB7] =	sst s10  }
0x35: {  	s10 =	sld [smem:$0x3FB6];
	_ =	sdelay $0x3  }
0x36: {  	p1 =	seq.s32 s10, $0x1;
	s10 =	sld [smem:$0x3FB7];
	_ =	sdelay $0x3  }
0x37: {  	[smem:$0x3FB7] =	sst s10  }
0x38: {  	s10 =	sld [smem:$0x3FB8]  }
0x39: {  	_ = 	snop;
	(pc) =	sbr.ind lr, $3  }
0x3a: {  	_ = 	snop  }
0x3b: {  	_ = 	snop  }
0x3c: {  	p2 =	seq.s32 s10, $0x1;
	s10 =	sld [smem:$0x3FB7]  }
0x3d: {  	_ =	shalt  }
0x3e: {  	_ =	shalt  }
0x3f: {  	_ =	shalt  }
0x40: {  	_ =	shalt  }
0x41: {  	_ =	shalt  }
0x42: {  	_ =	shalt  }
0x43: {  	_ =	shalt  }
0x44: {  	_ =	shalt  }
0x45: {  	_ =	shalt  }
0x46: {  	_ =	shalt  }
0x47: {  	_ =	shalt  }
0x48: {  	_ =	shalt  }
0x49: {  	_ =	shalt  }
0x4a: {  	_ =	shalt  }
0x4b: {  	_ =	shalt  }
0x4c: {  	_ =	shalt  }
0x4d: {  	_ =	shalt  }
0x4e: {  	_ =	shalt  }
0x4f: {  	_ =	shalt  }
0x50: {  	_ =	shalt  }
0x51: {  	_ =	shalt  }
0x52: {  	_ =	shalt  }
0x53: {  	_ =	shalt  }
0x54: {  	_ =	shalt  }
0x55: {  	_ =	shalt  }
0x56: {  	_ =	shalt  }
0x57: {  	_ =	shalt  }
0x58: {  	_ =	shalt  }
0x59: {  	_ =	shalt  }
0x5a: {  	_ =	shalt  }
0x5b: {  	_ =	shalt  }
0x5c: {  	_ =	shalt  }
0x5d: {  	_ =	shalt  }
0x5e: {  	_ =	shalt  }
0x5f: {  	_ =	shalt  }
0x60: {  	_ =	shalt  }
0x61: {  	_ =	shalt  }
0x62: {  	_ =	shalt  }
0x63: {  	_ =	shalt  }
0x64: {  	_ =	shalt  }
0x65: {  	_ =	shalt  }
0x66: {  	_ =	shalt  }
0x67: {  	_ =	shalt  }
0x68: {  	_ =	shalt  }
0x69: {  	_ =	shalt  }
0x6a: {  	_ =	shalt  }
0x6b: {  	_ =	shalt  }
0x6c: {  	_ =	shalt  }
0x6d: {  	_ =	shalt  }
0x6e: {  	_ =	shalt  }
0x6f: {  	_ =	shalt  }
0x70: {  	_ =	shalt  }
0x71: {  	_ =	shalt  }
0x72: {  	_ =	shalt  }
0x73: {  	_ =	shalt  }
0x74: {  	_ =	shalt  }
0x75: {  	_ =	shalt  }
0x76: {  	_ =	shalt  }
0x77: {  	_ =	shalt  }
0x78: {  	_ =	shalt  }
0x79: {  	_ =	shalt  }
0x7a: {  	_ =	shalt  }
0x7b: {  	_ =	shalt  }
0x7c: {  	_ =	shalt  }
0x7d: {  	_ =	shalt  }
0x7e: {  	_ =	shalt  }
0x7f: {  	_ =	shalt  }
0x80: {  	_ =	shalt  }
0x81: {  	_ =	shalt  }
0x82: {  	_ =	shalt  }
0x83: {  	_ =	shalt  }
0x84: {  	_ =	shalt  }
0x85: {  	_ =	shalt  }
0x86: {  	_ =	shalt  }
0x87: {  	_ =	shalt  }
.Lfunc_end0:
.L_simem_size_0:
called_computation_lowered:
.L_overlay_start_0:
0x88: {  	s2 =	sld [smem:$0x3FD9]  }
0x89: {  	s3 =	sld [smem:$0x3FFE];
	_ =	sdelay $0x1  }
0x8a: {  	s1 =	srdreg.scid  }
0x8b: {  	s0 =	sand.u32 $0x1, s1  }
0x8c: {  	s14 =	sshll.u32 s0, $0xA;
	s2 =	sadd.s32 s3, s2  }
0x8d: {  	s2 =	sadd.s32 s2, s14  }
0x8e: {  	[smem:$0x3FC3] =	sst s2  }
0x8f: {  	_ = 	snop  }
0x90: {  	s2 =	sld [smem:$0x3FD0];
	_ =	sdelay $0x2  }
0x91: {  	s4 =	simm.s32 $0xA;
	s5 =	simm.s32 $0x10;
	s15 =	sld [smem:$0x3FC9]  }
0x92: {  	[smem:s5], [sflag:s4] =	dma.local [hbm:s2], $0x1  }
0x93: {  	_ =	swait.eq [sflag:s4], $0x1  }
0x94: {  	[sflag:s4] =	ssyncset.done $0x0  }
0x95: {  	s16 =	sld [smem:$0x10];
	[sflag:s4] =	ssyncadd.s32 $0xFFFFFFFF  }
0x96: {  	s17 =	sld [smem:$0x11];
	(tm) =	ssettm $0x1  }
0x97: {  	s18 =	sld [smem:$0x3FFB];
	_ =	sdelay $0x3  }
0x98: {  	_ =	strace s18  }
0x99: {  	s5 =	sld [smem:$0x3FFC];
	_ =	sdelay $0x3  }
0x9a: {  	_ =	strace s5  }
0x9b: {  	s5 =	sld [smem:$0x3FFD];
	_ =	sdelay $0x3  }
0x9c: {  	_ =	strace s5  }
0x9d: {  	_ =	strace $0x8FFFFFFF  }
0x9e: {  	s19 =	sld [smem:$0x3FDB];
	_ =	sdelay $0x1  }
0x9f: {  	s6 =	simm.s32 $_scs_section_size  }
0xa0: {  	s7 =	simm.s32 $_size__tile_overlayer_lowered;
	s8 =	simm.s32 $_tile_overlayer_lowered  }
0xa1: {  	s22 =	simm.s32 $0x1BFF;
	s21 =	sshll.u32 s8, $0x1;
	s5 =	sadd.s32 s6, s19  }
0xa2: {  	s9 =	simm.s32 $0x0;
	s20 =	sshll.u32 s7, $0x1;
	s7 =	sadd.s32 s21, s5  }
0xa3: {  	[timem:s9], [sflag:s22] =	dma.local [hbm:s7], s20  }
0xa4: {  	_ =	swait.ge [sflag:s22], s20  }
0xa5: {  	s6 =	ssub.s32 $0x0, s20;
	[sflag:s22] =	ssyncset.done $0x0  }
0xa6: {  	[sflag:s22] =	ssyncadd.s32 s6;
	_ =	sdelay $0x1  }
0xa7: {  	s23 =	simm.s32 $0x1B8B  }
0xa8: {  	_ =	swait.ge [sflag:s23], $0x1  }
0xa9: {  	[sflag:s23] =	ssyncset.done $0x0  }
0xaa: {  	s25 =	simm.s32 $0x1B8E;
	s24 =	sld [smem:$0x3FFE];
	[sflag:s23] =	ssyncadd.s32 $0xFFFFFFFF  }
0xab: {  	s26 =	simm.s32 $execute0_lowered;
	[smem:$0x3FD2] =	sst s25  }
0xac: {  	s7 =	sshll.u32 s26, $0x1;
	_ =	strace $0x80000046;
	[dreg:$0x1] =	wrdreg $0xFFFFFFFF  }
0xad: {  	s28 =	simm.s32 $_size_execute0_lowered;
	s5 =	sadd.s32 s5, s7;
	[dreg:$0x0] =	wrdreg $0x0  }
0xae: {  	s7 =	sshll.u32 s28, $0x1;
	[dreg:$0x2] =	wrdreg s5  }
0xaf: {  	[dreg:$0x3] =	wrdreg s7  }
0xb0: {  	[dreg:$0x4] =	wrdreg $0xC0  }
0xb1: {  	_ =	task [dreg:s9], $0x5FFFF  }
0xb2: {  	[dreg:$0x1] =	wrdreg $0xFFFFFFFF  }
0xb3: {  	[dreg:$0x0] =	wrdreg $0x60  }
0xb4: {  	[dreg:$0x2] =	wrdreg s15  }
0xb5: {  	[dreg:$0x3] =	wrdreg s24  }
0xb6: {  	[dreg:$0x4] =	wrdreg s16  }
0xb7: {  	[dreg:$0x5] =	wrdreg s17  }
0xb8: {  	[dreg:$0x6] =	wrdreg $0x9  }
0xb9: {  	_ =	task.clear_ibuf [dreg:s9], $0x7FFFF;
	_ =	strace $0x90000046  }
0xba: {  	s29 =	simm.s32 $0x9;
	_ =	strace $0x80000048  }
0xbb: {  	_ =	swait.ge [sflag:s29], $0x1  }
0xbc: {  	[sflag:s29] =	ssyncadd.s32 $0xFFFFFFFF  }
0xbd: {  	_ =	strace $0x90000048  }
0xbe: {  	_ =	sfence  }
0xbf: {  	s30 =	sld [smem:$0x0];
	_ =	sdelay $0x2  }
0xc0: {  	s31 =	sshll.u32 s1, $0xD;
	s1 =	sshrl.u32 s1, $0x2  }
0xc1: {  	s3 =	sand.u32 $0x4000, s31;
	s1 =	sadd.s32 s1, s30  }
0xc2: {  	s0 =	sor.u32 s3, s0;
	s1 =	sshll.u32 s1, $0x11  }
0xc3: {  	s0 =	sor.u32 s1, s0  }
0xc4: {  	s0 =	sadd.s32 $0x8F2B, s0  }
0xc5: {  	[sflag:s0] =	ssyncadd.remote.s32 $0x1  }
0xc6: {  	_ =	sfence.sel $0xFFFF  }
0xc7: {  	[dreg:$0x0] =	wrdreg $0xFFFFFFFF;
	(pc) =	sbr.abs _section_cstart, $3  }
0xc8: {  	[dreg:$0x1] =	wrdreg $0xFFFFFFFF  }
0xc9: {  	_ =	task.clear_ibuf [dreg:s9], $0x2FFFF;
	_ =	strace $0x9FFFFFFF  }
0xca: {  	(tm) =	ssettm $0x7FFFFFFF  }
0xcb: {  	_ =	shalt  }
tec
execute0_lowered:
.L_overlay_start_1:
0x0: {  	(tag) =	ssettag $0x1  }
0x1: {  	v56 =	vlaneseq.u32;
	v1 =	vimm.s32 $0x74533211;
	v2 =	vimm.s32 $0xF8D7B695  }
0x2: {  	vm4 =	vcmask $0xF00;
	vm0 =	vcmask $0x1F10;
	vm1 =	vcmask $0x2320  }
0x3: {  	vm2 =	vcmask $0x2724;
	vm3 =	vcmask $0x2B28;
	vm5 =	vcmask $0x2F2C  }
0x4: {  	v3 =	vimm.s32 $0xF9D8B796;
	vm6 =	vcmask $0x3330;
	vm7 =	vcmask $0x3734  }
0x5: {  	v4 =	vimm.s32 $0xFAD9B897;
	vm8 =	vcmask $0x3B38;
	v5 =	vimm.s32 $0xE0DFBE9D  }
0x6: {  	v7 =	vimm.s32 $0x1A191817;
	v8 =	vimm.s32 $0x3020100;
	v21 =	vmul.u32 $0x21, v56  }
0x7: {  	v9 =	vimm.s32 $0x1F1E1D1C;
	v33 =	vimm.s32 $0x17161514;
	v1 =	vunpack.c.0.s8.s32 v1  }
0x8: {  	v10 =	vimm.s32 $0x1B1A1918;
	v2 =	vunpack.c.0.s8.s32 v2;
	v0 =	vadd.s32 $0x5, v21  }
0x9: {  	v3 =	vunpack.c.0.s8.s32 v3;
	v1 =	vand.u32 $0xFF, v1;
	[tilespmem:$0x1FBA0] =	vst v0;
	v0 =	vadd.s32 $0x6, v21  }
0xa: {  	v2 =	vand.u32 $0xFF, v2;
	v1 =	vnsel vm4, $0x1E0, v1;
	[tilespmem:$0x1FBB0] =	vst v0;
	v0 =	vadd.s32 $0x7, v21  }
0xb: {  	v4 =	vunpack.c.0.s8.s32 v4;
	v1 =	vsel vm0, v2, v1;
	[tilespmem:$0x1FBC0] =	vst v0;
	v0 =	vadd.s32 $0x8, v21  }
0xc: {  	v2 =	vimm.s32 $0x75543312;
	v1 =	vsel vm1, $0x119, v1;
	[tilespmem:$0x1FBD0] =	vst v0;
	v0 =	vadd.s32 $0x9, v21  }
0xd: {  	v2 =	vunpack.c.0.s8.s32 v2;
	v1 =	vsel vm2, $0x13A, v1;
	[tilespmem:$0x1FBE0] =	vst v0;
	v0 =	vadd.s32 $0xA, v21  }
0xe: {  	v3 =	vand.u32 $0xFF, v3;
	v1 =	vsel vm3, $0x15B, v1;
	[tilespmem:$0x1FBF0] =	vst v0;
	v0 =	vadd.s32 $0xB, v21  }
0xf: {  	v2 =	vand.u32 $0xFF, v2;
	v1 =	vsel vm5, $0x17C, v1;
	[tilespmem:$0x1FC00] =	vst v0;
	v0 =	vadd.s32 $0xC, v21  }
0x10: {  	v2 =	vnsel vm4, $0x1E1, v2;
	v1 =	vsel vm6, $0x19D, v1;
	[tilespmem:$0x1FC10] =	vst v0;
	v0 =	vadd.s32 $0xD, v21  }
0x11: {  	v2 =	vsel vm0, v3, v2;
	v3 =	vimm.s32 $0x76553413;
	[tilespmem:$0x1FC20] =	vst v0;
	v0 =	vadd.s32 $0xE, v21  }
0x12: {  	v2 =	vsel vm1, $0x11A, v2;
	v3 =	vunpack.c.0.s8.s32 v3;
	[tilespmem:$0x1FC30] =	vst v0;
	v0 =	vadd.s32 $0xF, v21  }
0x13: {  	v1 =	vsel vm7, $0x1BE, v1;
	v2 =	vsel vm2, $0x13B, v2;
	[tilespmem:$0x1FC40] =	vst v0;
	v0 =	vadd.s32 $0x10, v21  }
0x14: {  	[tilespmem:$0x1FC50] =	vst v0;
	v0 =	vsel vm8, $0x1DF, v1;
	v1 =	vsel vm3, $0x15C, v2;
	v2 =	vand.u32 $0xFF, v3  }
0x15: {  	v3 =	vand.u32 $0xFF, v4;
	v4 =	vimm.s32 $0xFBDAB998;
	v2 =	vnsel vm4, $0x1E2, v2  }
0x16: {  	v1 =	vsel vm5, $0x17D, v1;
	v2 =	vsel vm0, v3, v2;
	v3 =	vimm.s32 $0x77563514  }
0x17: {  	v1 =	vsel vm6, $0x19E, v1;
	v2 =	vsel vm1, $0x11B, v2;
	v3 =	vunpack.c.0.s8.s32 v3  }
0x18: {  	v4 =	vunpack.c.0.s8.s32 v4;
	v1 =	vsel vm7, $0x1BF, v1;
	v2 =	vsel vm2, $0x13C, v2  }
0x19: {  	[tilespmem:$0x1FC60] =	vst v0;
	v0 =	vsel vm8, $0x1C0, v1;
	v1 =	vsel vm3, $0x15D, v2;
	v2 =	vand.u32 $0xFF, v3  }
0x1a: {  	v3 =	vand.u32 $0xFF, v4;
	v4 =	vimm.s32 $0xFCDBBA99;
	v2 =	vnsel vm4, $0x1E3, v2  }
0x1b: {  	v1 =	vsel vm5, $0x17E, v1;
	v2 =	vsel vm0, v3, v2;
	v3 =	vimm.s32 $0x78573615  }
0x1c: {  	v1 =	vsel vm6, $0x19F, v1;
	v2 =	vsel vm1, $0x11C, v2;
	v3 =	vunpack.c.0.s8.s32 v3  }
0x1d: {  	v4 =	vunpack.c.0.s8.s32 v4;
	v1 =	vsel vm7, $0x1A0, v1;
	v2 =	vsel vm2, $0x13D, v2  }
0x1e: {  	[tilespmem:$0x1FC70] =	vst v0;
	v0 =	vsel vm8, $0x1C1, v1;
	v1 =	vsel vm3, $0x15E, v2;
	v2 =	vand.u32 $0xFF, v3  }
0x1f: {  	v3 =	vand.u32 $0xFF, v4;
	v4 =	vimm.s32 $0xFDDCBB9A;
	v2 =	vnsel vm4, $0x1E4, v2  }
0x20: {  	v1 =	vsel vm5, $0x17F, v1;
	v2 =	vsel vm0, v3, v2;
	v3 =	vimm.s32 $0x79583716  }
0x21: {  	v1 =	vsel vm6, $0x180, v1;
	v2 =	vsel vm1, $0x11D, v2;
	v3 =	vunpack.c.0.s8.s32 v3  }
0x22: {  	v4 =	vunpack.c.0.s8.s32 v4;
	v1 =	vsel vm7, $0x1A1, v1;
	v2 =	vsel vm2, $0x13E, v2  }
0x23: {  	[tilespmem:$0x1FC80] =	vst v0;
	v0 =	vsel vm8, $0x1C2, v1;
	v1 =	vsel vm3, $0x15F, v2;
	v2 =	vand.u32 $0xFF, v3  }
0x24: {  	v3 =	vand.u32 $0xFF, v4;
	v4 =	vimm.s32 $0xFEDDBC9B;
	v2 =	vnsel vm4, $0x1E5, v2  }
0x25: {  	v1 =	vsel vm5, $0x160, v1;
	v4 =	vunpack.c.0.s8.s32 v4;
	v2 =	vsel vm0, v3, v2  }
0x26: {  	v1 =	vsel vm6, $0x181, v1;
	v3 =	vimm.s32 $0x7A593817;
	v2 =	vsel vm1, $0x11E, v2  }
0x27: {  	v3 =	vunpack.c.0.s8.s32 v3;
	v1 =	vsel vm7, $0x1A2, v1;
	v2 =	vsel vm2, $0x13F, v2  }
0x28: {  	v39 =	vimm.s32 $0x4030201;
	[tilespmem:$0x1FC90] =	vst v0;
	v0 =	vsel vm8, $0x1C3, v1;
	v1 =	vsel vm3, $0x140, v2  }
0x29: {  	v2 =	vand.u32 $0xFF, v3;
	v3 =	vand.u32 $0xFF, v4;
	v4 =	vimm.s32 $0x7C5B3A19  }
0x2a: {  	v1 =	vsel vm5, $0x161, v1;
	v2 =	vnsel vm4, $0x1E6, v2;
	v4 =	vunpack.c.0.s8.s32 v4  }
0x2b: {  	v1 =	vsel vm6, $0x182, v1;
	v2 =	vsel vm0, v3, v2;
	v3 =	vimm.s32 $0x7B5A3918  }
0x2c: {  	v1 =	vsel vm7, $0x1A3, v1;
	v2 =	vsel vm1, $0x11F, v2;
	v3 =	vunpack.c.0.s8.s32 v3  }
0x2d: {  	[tilespmem:$0x1FCA0] =	vst v0;
	v0 =	vsel vm8, $0x1C4, v1;
	v1 =	vsel vm2, $0x120, v2;
	v2 =	vimm.s32 $0xFFDEBD9C  }
0x2e: {  	v11 =	vimm.s32 $0x5040302;
	v12 =	vimm.s32 $0x87654321;
	v2 =	vunpack.c.0.s8.s32 v2  }
0x2f: {  	v40 =	vimm.s32 $0xA9876543;
	v4 =	vand.u32 $0xFF, v4;
	v3 =	vand.u32 $0xFF, v3  }
0x30: {  	v1 =	vsel vm3, $0x141, v1;
	v3 =	vnsel vm4, $0x1E7, v3;
	v2 =	vand.u32 $0xFF, v2  }
0x31: {  	v1 =	vsel vm5, $0x162, v1;
	v2 =	vsel vm0, v2, v3;
	v3 =	vunpack.c.0.s8.s32 v5  }
0x32: {  	v4 =	vnsel vm4, $0x1E8, v4;
	v1 =	vsel vm6, $0x183, v1;
	v2 =	vsel vm1, $0x100, v2  }
0x33: {  	v1 =	vsel vm7, $0x1A4, v1;
	v2 =	vsel vm2, $0x121, v2;
	v3 =	vand.u32 $0xFF, v3  }
0x34: {  	[tilespmem:$0x1FCB0] =	vst v0;
	v0 =	vsel vm8, $0x1C5, v1;
	v1 =	vsel vm3, $0x142, v2;
	v2 =	vsel vm0, v3, v4  }
0x35: {  	v3 =	vimm.s32 $0x7D5C3B1A;
	v4 =	vimm.s32 $0xE1C0BF9E;
	v2 =	vsel vm1, $0x101, v2  }
0x36: {  	v1 =	vsel vm5, $0x163, v1;
	v3 =	vunpack.c.0.s8.s32 v3;
	v2 =	vsel vm2, $0x122, v2  }
0x37: {  	v4 =	vunpack.c.0.s8.s32 v4;
	v1 =	vsel vm6, $0x184, v1;
	v2 =	vsel vm3, $0x143, v2  }
0x38: {  	v1 =	vsel vm7, $0x1A5, v1;
	v3 =	vand.u32 $0xFF, v3;
	v2 =	vsel vm5, $0x164, v2  }
0x39: {  	v4 =	vand.u32 $0xFF, v4;
	v3 =	vnsel vm4, $0x1E9, v3;
	v2 =	vsel vm6, $0x185, v2  }
0x3a: {  	[tilespmem:$0x1FCC0] =	vst v0;
	v0 =	vsel vm8, $0x1C6, v1;
	v1 =	vsel vm7, $0x1A6, v2;
	v2 =	vsel vm0, v4, v3  }
0x3b: {  	[tilespmem:$0x1FCD0] =	vst v0;
	v0 =	vsel vm8, $0x1C7, v1;
	v1 =	vsel vm1, $0x102, v2;
	v2 =	vimm.s32 $0x7E5D3C1B  }
0x3c: {  	v5 =	vimm.s32 $0xE3C2A180;
	v3 =	vimm.s32 $0xE2C1A09F;
	v2 =	vunpack.c.0.s8.s32 v2  }
0x3d: {  	v5 =	vunpack.c.0.s8.s32 v5;
	v4 =	vimm.s32 $0x7F5E3D1C;
	v3 =	vunpack.c.0.s8.s32 v3  }
0x3e: {  	v4 =	vunpack.c.0.s8.s32 v4;
	v1 =	vsel vm2, $0x123, v1;
	v2 =	vand.u32 $0xFF, v2  }
0x3f: {  	v1 =	vsel vm3, $0x144, v1;
	v3 =	vand.u32 $0xFF, v3;
	v2 =	vnsel vm4, $0x1EA, v2  }
0x40: {  	v1 =	vsel vm5, $0x165, v1;
	v2 =	vsel vm0, v3, v2;
	v3 =	vand.u32 $0xFF, v4  }
0x41: {  	v4 =	vand.u32 $0xFF, v5;
	v2 =	vsel vm1, $0x103, v2;
	v3 =	vnsel vm4, $0x1EB, v3  }
0x42: {  	v1 =	vsel vm6, $0x186, v1;
	v2 =	vsel vm2, $0x124, v2;
	v3 =	vsel vm0, v4, v3  }
0x43: {  	v1 =	vsel vm7, $0x1A7, v1;
	v2 =	vsel vm3, $0x145, v2;
	v3 =	vsel vm1, $0x104, v3  }
0x44: {  	[tilespmem:$0x1FCE0] =	vst v0;
	v0 =	vsel vm8, $0x1C8, v1;
	v1 =	vsel vm5, $0x166, v2;
	v2 =	vsel vm2, $0x125, v3  }
0x45: {  	v3 =	vimm.s32 $0x605F3E1D;
	v1 =	vsel vm6, $0x187, v1;
	v2 =	vsel vm3, $0x146, v2  }
0x46: {  	v3 =	vunpack.c.0.s8.s32 v3;
	v1 =	vsel vm7, $0x1A8, v1;
	v2 =	vsel vm5, $0x167, v2  }
0x47: {  	[tilespmem:$0x1FCF0] =	vst v0;
	v0 =	vsel vm8, $0x1C9, v1;
	v1 =	vsel vm6, $0x188, v2;
	v2 =	vimm.s32 $0xE4C3A281  }
0x48: {  	v3 =	vand.u32 $0xFF, v3;
	v1 =	vsel vm7, $0x1A9, v1;
	v2 =	vunpack.c.0.s8.s32 v2  }
0x49: {  	[tilespmem:$0x1FD00] =	vst v0;
	v0 =	vsel vm8, $0x1CA, v1;
	v1 =	vnsel vm4, $0x1EC, v3;
	v3 =	vimm.s32 $0x61403F1E  }
0x4a: {  	v4 =	vimm.s32 $0xE5C4A382;
	v2 =	vand.u32 $0xFF, v2;
	v3 =	vunpack.c.0.s8.s32 v3  }
0x4b: {  	v1 =	vsel vm0, v2, v1;
	v2 =	vunpack.c.0.s8.s32 v4;
	v4 =	vimm.s32 $0x6241201F  }
0x4c: {  	v5 =	vimm.s32 $0xE6C5A483;
	v3 =	vand.u32 $0xFF, v3;
	v4 =	vunpack.c.0.s8.s32 v4  }
0x4d: {  	v5 =	vunpack.c.0.s8.s32 v5;
	v3 =	vnsel vm4, $0x1ED, v3;
	v2 =	vand.u32 $0xFF, v2  }
0x4e: {  	v42 =	vimm.s32 $0x6050403;
	v2 =	vsel vm0, v2, v3;
	v3 =	vand.u32 $0xFF, v4  }
0x4f: {  	v1 =	vsel vm1, $0x105, v1;
	v4 =	vand.u32 $0xFF, v5;
	v3 =	vnsel vm4, $0x1EE, v3  }
0x50: {  	v1 =	vsel vm2, $0x126, v1;
	v2 =	vsel vm1, $0x106, v2;
	v3 =	vsel vm0, v4, v3  }
0x51: {  	v1 =	vsel vm3, $0x147, v1;
	v2 =	vsel vm2, $0x127, v2;
	v3 =	vsel vm1, $0x107, v3  }
0x52: {  	v1 =	vsel vm5, $0x168, v1;
	v2 =	vsel vm3, $0x148, v2;
	v3 =	vsel vm2, $0x128, v3  }
0x53: {  	v1 =	vsel vm6, $0x189, v1;
	v2 =	vsel vm5, $0x169, v2;
	v3 =	vsel vm3, $0x149, v3  }
0x54: {  	v1 =	vsel vm7, $0x1AA, v1;
	v2 =	vsel vm6, $0x18A, v2;
	v3 =	vsel vm5, $0x16A, v3  }
0x55: {  	[tilespmem:$0x1FD10] =	vst v0;
	v0 =	vsel vm8, $0x1CB, v1;
	v2 =	vsel vm7, $0x1AB, v2;
	v1 =	vsel vm6, $0x18B, v3  }
0x56: {  	v43 =	vimm.s32 $0x32107654;
	[tilespmem:$0x1FD20] =	vst v0;
	v0 =	vsel vm8, $0x1CC, v2;
	v1 =	vsel vm7, $0x1AC, v1  }
0x57: {  	s0 =	rddreg [dreg:$0x0];
	v44 =	vimm.s32 $0x43218765;
	v3 =	vimm.s32 $0x18171615;
	[tilespmem:$0x1FD30] =	vst v0;
	v0 =	vsel vm8, $0x1CD, v1  }
0x58: {  	s2 =	rddreg [dreg:$0x1];
	v46 =	vimm.s32 $0x54329876;
	v52 =	vadd.s32 $0x3, v56;
	[tilespmem:$0x1FD40] =	vst v0;
	v0 =	vunpack.c.0.s8.s32 v3  }
0x59: {  	s1 =	rddreg [dreg:$0x2];
	s5 =	simm.s32 $0x0;
	v53 =	vadd.s32 $0x4, v56;
	v54 =	vadd.s32 $0x5, v56;
	v26 =	vunpack.c.0.s8.s32 v7  }
0x5a: {  	v7 =	vimm.s32 $0x1E1D1C1B;
	v8 =	vunpack.c.0.s8.s32 v8;
	v34 =	vunpack.c.0.s8.s32 v9;
	[smem:$0x7FF] =	sst s5;
	[tilespmem:$0x1FD50] =	vst v0  }
0x5b: {  	s3 =	rddreg [dreg:$0x3];
	v62 =	vunpack.c.0.s8.s32 v10;
	v27 =	vunpack.c.0.s8.s32 v7;
	v18 =	vadd.s32 $0x1, v21;
	_ =	strace $0x80000047;
	[tilespmem:$0x1FDC0] =	vst v21  }
0x5c: {  	v7 =	vimm.s32 $0x201001F;
	v19 =	vadd.s32 $0x2, v21;
	v20 =	vadd.s32 $0x3, v21;
	[tilespmem:$0x1FDD0] =	vst v18  }
0x5d: {  	v23 =	vadd.s32 $0x4, v21;
	v5 =	vimm.s32 $0x1001F1E;
	v4 =	vimm.s32 $0x19181716;
	[tilespmem:$0x1FDE0] =	vst v19  }
0x5e: {  	v24 =	vunpack.c.0.s8.s32 v4;
	v4 =	vimm.s32 $0x1D1C1B1A;
	v2 =	vimm.s32 $0x14131211;
	[tilespmem:$0x1FDF0] =	vst v20  }
0x5f: {  	v25 =	vunpack.c.0.s8.s32 v4;
	v1 =	vunpack.c.0.s8.s32 v2;
	v2 =	vimm.s32 $0x1C1B1A19;
	[tilespmem:$0x1FE00] =	vst v23  }
0x60: {  	v4 =	vunpack.c.0.s8.s32 v5;
	v5 =	vimm.s32 $0x16151413;
	v22 =	vunpack.c.0.s8.s32 v2;
	[tilespmem:$0x1FE30] =	vst v52  }
0x61: {  	v7 =	vunpack.c.0.s8.s32 v7;
	v5 =	vunpack.c.0.s8.s32 v5;
	v2 =	vimm.s32 $0x1F1E1D;
	[tilespmem:$0x1FE40] =	vst v53  }
0x62: {  	v11 =	vunpack.c.0.s8.s32 v11;
	v3 =	vimm.s32 $0x15141312;
	v2 =	vunpack.c.0.s8.s32 v2;
	[tilespmem:$0x1FE50] =	vst v22  }
0x63: {  	v35 =	vsel vm0, v7, v27;
	v5 =	vsel vm0, v26, v5;
	v3 =	vunpack.c.0.s8.s32 v3;
	[tilespmem:$0x1FE60] =	vst v24  }
0x64: {  	v37 =	vcombine.low v5, v35;
	v1 =	vsel vm0, v0, v1;
	v6 =	vsel vm0, v2, v22;
	[tilespmem:$0x1FE70] =	vst v25  }
0x65: {  	[tilespmem:$0x1FE80] =	vst v54;
	v55 =	vcombine.low v1, v6;
	v1 =	vsel vm0, v24, v3;
	v3 =	vsel vm0, v4, v25  }
0x66: {  	v5 =	vimm.s32 $0x98765432;
	[tilespmem:$0x1FEA0] =	vst v26;
	v17 =	vcombine.low v1, v3;
	v1 =	vunpack.c.0.s8.s32 v33  }
0x67: {  	v10 =	vunpack.c.0.s8.s32 v39;
	v51 =	vadd.s32 $0x7, v56;
	v5 =	vunpack.c.l.s4.s8 v5;
	[tilespmem:$0x1FEB0] =	vst v27  }
0x68: {  	v8 =	vsel vm0, v8, v34;
	v60 =	vsel vm0, v11, v4;
	[tilespmem:$0x1FEC0] =	vst v34;
	v1 =	vsel vm0, v62, v1  }
0x69: {  	v5 =	vunpack.c.0.s8.s32 v5;
	[tilespmem:$0x1FED0] =	vst v62;
	v41 =	vcombine.low v1, v8;
	v1 =	vunpack.c.l.s4.s8 v12  }
0x6a: {  	v59 =	vadd.s32 $0xE, v56;
	v63 =	vadd.s32 $0xF, v56;
	vm1 =	vcmask $0x2F10;
	[tilespmem:$0x1FEF0] =	vst v60  }
0x6b: {  	v11 =	vunpack.c.l.s4.s8 v43;
	v5 =	vand.u32 $0xF, v5;
	[tilespmem:$0x1FF70] =	vst v51;
	v1 =	vunpack.c.0.s8.s32 v1  }
0x6c: {  	v61 =	vsel vm0, v10, v2;
	v10 =	vunpack.c.0.s8.s32 v42;
	[tilespmem:$0x1FFA0] =	vst v63;
	v45 =	vcombine.low v3, v5  }
0x6d: {  	[tilespmem:$0x1FFB0] =	vst v59;
	v3 =	vunpack.c.l.s4.s8 v44;
	v8 =	vunpack.c.l.s4.s8 v40;
	v1 =	vand.u32 $0xF, v1  }
0x6e: {  	vm2 =	vcmask $0x3F30;
	[tilespmem:$0x1FFE0] =	vst v37;
	v0 =	vcombine.low v6, v1;
	v6 =	vunpack.c.0.s8.s32 v11  }
0x6f: {  	[tilespmem:$0x1FEE0] =	vst v61;
	v58 =	vsel vm0, v10, v7;
	v3 =	vunpack.c.0.s8.s32 v3;
	v1 =	vunpack.c.0.s8.s32 v8  }
0x70: {  	[tilespmem:$0x1FE90] =	vst v55;
	v8 =	vunpack.c.l.s4.s8 v46;
	v5 =	vand.u32 $0xF, v6;
	v6 =	vimm.s32 $0xB0A0908  }
0x71: {  	[tilespmem:$0x1FF60] =	vst v58;
	v1 =	vand.u32 $0xF, v1;
	v6 =	vunpack.c.0.s8.s32 v6;
	v5 =	vsel vm1, v5, v34  }
0x72: {  	[tilespmem:$0x1FF10] =	vst v45;
	v9 =	vcombine.low v35, v1;
	v1 =	vand.u32 $0xF, v3;
	v3 =	vimm.s32 $0x6543A987  }
0x73: {  	[tilespmem:$0x1FFD0] =	vst v17;
	v1 =	vsel vm1, v1, v2;
	v2 =	vunpack.c.0.s8.s32 v8;
	v3 =	vunpack.c.l.s4.s8 v3  }
0x74: {  	[tilespmem:$0x1FFF0] =	vst v41;
	v47 =	vsel vm2, v6, v5;
	v5 =	vimm.s32 $0xC0B0A09;
	v6 =	vimm.s32 $0xD0C0B0A  }
0x75: {  	[tilespmem:$0x1FF00] =	vst v0;
	v5 =	vunpack.c.0.s8.s32 v5;
	v2 =	vand.u32 $0xF, v2;
	v6 =	vunpack.c.0.s8.s32 v6  }
0x76: {  	[tilespmem:$0x1FF20] =	vst v9;
	v3 =	vunpack.c.0.s8.s32 v3;
	v2 =	vsel vm1, v2, v4;
	v4 =	vimm.s32 $0x76543210  }
0x77: {  	v14 =	vadd.s32 $0x2, v56;
	[tilespmem:$0x1FF30] =	vst v47;
	v16 =	vsel vm2, v5, v1;
	v1 =	vimm.s32 $0xE0D0C0B  }
0x78: {  	s4 =	srdreg.scid;
	s6 =	stileid.u32;
	v15 =	vsel vm2, v6, v2;
	v2 =	vand.u32 $0xF, v3;
	v1 =	vunpack.c.0.s8.s32 v1;
	[tilespmem:$0x1FF40] =	vst v16  }
0x79: {  	s16 =	simm.s32 $0x3;
	s17 =	simm.s32 $0x80;
	s18 =	simm.s32 $0x640;
	v3 =	vunpack.c.l.s4.s8 v4;
	v2 =	vsel vm1, v2, v7;
	[tilespmem:$0x1FF50] =	vst v15;
	v4 =	vmov v14  }
0x7a: {  	s29 =	simm.s32 $0x20;
	s12 =	simm.s32 $0xCA40;
	s15 =	simm.s32 $0x1;
	v57 =	vsel vm2, v1, v2;
	[tilespmem:$0x1FE20] =	vst v4  }
0x7b: {  	s19 =	simm.s32 $0xD040;
	s20 =	simm.s32 $0xD240;
	s21 =	simm.s32 $0xD440;
	v2 =	vadd.s32 $0x8, v56;
	v1 =	vunpack.c.0.s8.s32 v3;
	[tilespmem:$0x1FF80] =	vst v57  }
0x7c: {  	s22 =	simm.s32 $0xD450;
	s23 =	simm.s32 $0x2;
	s25 =	simm.s32 $0x0;
	v13 =	vadd.s32 $0x1, v56;
	[tilespmem:$0x1FF90] =	vst v2  }
0x7d: {  	s4 =	sand.u32 $0x1, s4;
	s7 =	sshll.u32 s6, $0x1;
	s6 =	sadd.s32 $0xF43200, s2;
	v3 =	vmov v13;
	[tilespmem:$0x1FD60] =	vst v1  }
0x7e: {  	s8 =	sadd.s32 $0x10E00, s2;
	s9 =	sadd.s32 $0xE00, s2;
	s10 =	sor.u32 s4, s7;
	v1 =	vadd.s32 $0x9, v56;
	[tilespmem:$0x1FE10] =	vst v3  }
0x7f: {  	s7 =	sadd.s32 $0x20E00, s2;
	s30 =	ssub.s32 $0x2, s4;
	s11 =	smul.u32 $0xC80, s10;
	[tilespmem:$0x1FD70] =	vst v1;
	v1 =	vadd.s32 $0xA, v56  }
.Ltmp0:
0x80: {  	s4 =	sshrl.u32 s30, $0x1;
	s10 =	sshll.u32 s10, $0x9;
	[tilespmem:$0x1FD80] =	vst v1;
	v1 =	vadd.s32 $0xB, v56;
	(pc) =	sbr.rel .LBB2_1-.Ltmp0, $4  }
0x81: {  	s2 =	ssub.s32 s30, s4;
	s13 =	sor.u32 $0x20, s10;
	s11 =	sadd.s32 s0, s11;
	[tilespmem:$0x1FD90] =	vst v1;
	v1 =	vadd.s32 $0xC, v56  }
0x82: {  	s14 =	sor.u32 $0x30, s10;
	s31 =	sadd.s32 $0x64, s11;
	[dreg:$0x5] =	wrdreg s11;
	[tilespmem:$0x1FDA0] =	vst v1;
	v1 =	vadd.s32 $0xD, v56  }
0x83: {  	s4 =	simm.s32 $0x6A40;
	s2 =	smax.u32 s2, $0x1;
	[dreg:$0x6] =	wrdreg s31;
	[tilespmem:$0x1FDB0] =	vst v1;
	v1 =	vor.u32 $0x10, v56  }
0x84: {  	v48 =	vadd.s32 $0x6, v56;
	[dreg:$0x7] =	wrdreg s2;
	s2 =	simm.s32 $0x320;
	s11 =	simm.s32 $0xCE40;
	[tilespmem:$0x1FFC0] =	vst v1  }
.LBB2_8:
0x85: {  	v21 =	vld [tilespmem:$0x1FDC0]  }
0x86: {  	v18 =	vld [tilespmem:$0x1FDD0]  }
0x87: {  	s25 =	rddreg [dreg:$0x8];
	v19 =	vld [tilespmem:$0x1FDE0]  }
0x88: {  	s24 =	rddreg [dreg:$0x7];
	v20 =	vld [tilespmem:$0x1FDF0];
	s25 =	sadd.s32 $0x1, s25  }
0x89: {  	v23 =	vld [tilespmem:$0x1FE00];
	p0 =	sne.s32 s25, s24  }
.Ltmp1:
0x8a: {  	v34 =	vld [tilespmem:$0x1FEC0];
	(pc) =	sbr.rel @!p0 .LBB2_9-.Ltmp1, $4  }
0x8b: {  	v62 =	vld [tilespmem:$0x1FED0]  }
0x8c: {  	v61 =	vld [tilespmem:$0x1FEE0]  }
0x8d: {  	v60 =	vld [tilespmem:$0x1FEF0]  }
0x8e: {  	v48 =	vmov v7;
	v58 =	vld [tilespmem:$0x1FF60]  }
.LBB2_1:
0x8f: {  	[dreg:$0x8] =	wrdreg s25  }
0x90: {  	s24 =	rddreg [dreg:$0x5]  }
0x91: {  	[tilespmem:s5], [sflag:$0x3] =	stream.linear.gather [hbm4b:s24+s5], $0x320, $0x38;
	[tilespmem:$0xD770] =	vst v63  }
0x92: {  	_ =	swait.ge [sflag:s16], $0x320  }
0x93: {  	[sflag:s16] =	ssyncset.done $0x0  }
0x94: {  	[sflag:s16] =	ssyncadd.s32 $0xFFFFFCE0  }
0x95: {  	[tilespmem:s18], [sflag:$0x1] =	stream.indirect.gather [hbm4b:s6+s17], $0x20, s5, s17, $0xb8;
	[tilespmem:$0xD770] =	vst v63  }
0x96: {  	s25 =	simm.s32 $0x1640  }
0x97: {  	[tilespmem:s25], [sflag:$0x1] =	stream.indirect.gather [hbm4b:s6+s17], $0x20, s17, s17, $0xb8;
	[tilespmem:$0xD770] =	vst v63  }
0x98: {  	s26 =	simm.s32 $0x2640;
	s28 =	simm.s32 $0x100  }
0x99: {  	[tilespmem:s26], [sflag:$0x1] =	stream.indirect.gather [hbm4b:s6+s17], $0x20, s28, s17, $0xb8;
	[tilespmem:$0xD770] =	vst v63  }
0x9a: {  	s30 =	simm.s32 $0x180;
	s31 =	simm.s32 $0x3640  }
0x9b: {  	[tilespmem:s31], [sflag:$0x1] =	stream.indirect.gather [hbm4b:s6+s17], $0x20, s30, s17, $0xb8;
	[tilespmem:$0xD770] =	vst v63  }
0x9c: {  	s26 =	simm.s32 $0x200;
	s28 =	simm.s32 $0x4640  }
0x9d: {  	[tilespmem:s28], [sflag:$0x1] =	stream.indirect.gather [hbm4b:s6+s17], $0x20, s26, s17, $0xb8;
	[tilespmem:$0xD770] =	vst v63  }
0x9e: {  	s30 =	simm.s32 $0x280;
	s31 =	simm.s32 $0x5640  }
0x9f: {  	[tilespmem:s31], [sflag:$0x1] =	stream.indirect.gather [hbm4b:s6+s17], $0x20, s30, s17, $0xb8;
	[tilespmem:$0xD770] =	vst v63  }
0xa0: {  	s25 =	simm.s32 $0x300;
	s26 =	simm.s32 $0x6640  }
0xa1: {  	[tilespmem:s26], [sflag:$0x1] =	stream.indirect.gather [hbm4b:s6+s29], $0x20, s25, s29, $0xb8;
	[tilespmem:$0xD770] =	vst v63  }
0xa2: {  	s28 =	rddreg [dreg:$0x6]  }
0xa3: {  	[tilespmem:s2], [sflag:$0x3] =	stream.linear.gather [hbm4b:s28+s5], $0x320, $0x38;
	[tilespmem:$0xD770] =	vst v63  }
0xa4: {  	_ =	swait.ge [sflag:s16], $0x320  }
0xa5: {  	[sflag:s16] =	ssyncset.done $0x0  }
0xa6: {  	[sflag:s16] =	ssyncadd.s32 $0xFFFFFCE0  }
0xa7: {  	[tilespmem:s4], [sflag:$0x2] =	stream.indirect.gather [hbm4b:s6+s17], $0x20, s2, s17, $0xb8;
	[tilespmem:$0xD770] =	vst v63  }
0xa8: {  	s30 =	simm.s32 $0x3A0;
	s31 =	simm.s32 $0x7A40  }
0xa9: {  	[tilespmem:s31], [sflag:$0x2] =	stream.indirect.gather [hbm4b:s6+s17], $0x20, s30, s17, $0xb8;
	[tilespmem:$0xD770] =	vst v63  }
0xaa: {  	s26 =	simm.s32 $0x420;
	s28 =	simm.s32 $0x8A40  }
0xab: {  	[tilespmem:s28], [sflag:$0x2] =	stream.indirect.gather [hbm4b:s6+s17], $0x20, s26, s17, $0xb8;
	[tilespmem:$0xD770] =	vst v63  }
0xac: {  	s30 =	simm.s32 $0x4A0;
	s31 =	simm.s32 $0x9A40  }
0xad: {  	[tilespmem:s31], [sflag:$0x2] =	stream.indirect.gather [hbm4b:s6+s17], $0x20, s30, s17, $0xb8;
	[tilespmem:$0xD770] =	vst v63  }
0xae: {  	s25 =	simm.s32 $0x520;
	s26 =	simm.s32 $0xAA40  }
0xaf: {  	[tilespmem:s26], [sflag:$0x2] =	stream.indirect.gather [hbm4b:s6+s17], $0x20, s25, s17, $0xb8;
	[tilespmem:$0xD770] =	vst v63  }
0xb0: {  	s28 =	simm.s32 $0x5A0;
	s30 =	simm.s32 $0xBA40  }
0xb1: {  	[tilespmem:s30], [sflag:$0x2] =	stream.indirect.gather [hbm4b:s6+s17], $0x20, s28, s17, $0xb8;
	[tilespmem:$0xD770] =	vst v63  }
0xb2: {  	s24 =	simm.s32 $0x0;
	s31 =	simm.s32 $0x620  }
0xb3: {  	[tilespmem:s12], [sflag:$0x2] =	stream.indirect.gather [hbm4b:s6+s29], $0x20, s31, s29, $0xb8;
	[tilespmem:$0xD770] =	vst v63  }
.LBB2_2:
0xb4: {  	_ =	swait.ge [sflag:s15], $0x1000  }
0xb5: {  	[sflag:s15] =	ssyncset.done $0x0  }
0xb6: {  	[sflag:s15] =	ssyncadd.s32 $0xFFFFF000  }
0xb7: {  	_ =	swait.ge [sflag:s15], $0x1000  }
0xb8: {  	[sflag:s15] =	ssyncset.done $0x0  }
0xb9: {  	[sflag:s15] =	ssyncadd.s32 $0xFFFFF000  }
0xba: {  	_ =	swait.ge [sflag:s15], $0x1000  }
0xbb: {  	[sflag:s15] =	ssyncset.done $0x0  }
0xbc: {  	[sflag:s15] =	ssyncadd.s32 $0xFFFFF000  }
0xbd: {  	_ =	swait.ge [sflag:s15], $0x1000  }
0xbe: {  	[sflag:s15] =	ssyncset.done $0x0  }
0xbf: {  	[sflag:s15] =	ssyncadd.s32 $0xFFFFF000  }
0xc0: {  	_ =	swait.ge [sflag:s15], $0x1000  }
0xc1: {  	[sflag:s15] =	ssyncset.done $0x0  }
0xc2: {  	[sflag:s15] =	ssyncadd.s32 $0xFFFFF000  }
0xc3: {  	_ =	swait.ge [sflag:s15], $0x1000  }
0xc4: {  	[sflag:s15] =	ssyncset.done $0x0  }
0xc5: {  	s25 =	sshll.u32 s24, $0x5;
	[sflag:s15] =	ssyncadd.s32 $0xFFFFF000  }
0xc6: {  	s26 =	sor.u32 s10, s25;
	_ =	swait.ge [sflag:s15], $0x400  }
0xc7: {  	s30 =	sshll.u32 s26, $0x2;
	[sflag:s15] =	ssyncset.done $0x0  }
0xc8: {  	s28 =	simm.s32 $0x0;
	s31 =	sadd.s32 s7, s30;
	[sflag:s15] =	ssyncadd.s32 $0xFFFFFC00  }
0xc9: {  	[tilespmem:s11], [sflag:$0x3] =	stream.linear.gather [hbm4b:s31+s28], $0x200, $0x38;
	[tilespmem:$0xD770] =	vst v63  }
0xca: {  	_ =	swait.ge [sflag:s16], $0x200  }
0xcb: {  	[sflag:s16] =	ssyncset.done $0x0  }
0xcc: {  	s31 =	sadd.s32 s8, s30;
	[sflag:s16] =	ssyncadd.s32 $0xFFFFFE00  }
0xcd: {  	[tilespmem:s19], [sflag:$0x3] =	stream.linear.gather [hbm4b:s31+s28], $0x200, $0x38;
	[tilespmem:$0xD770] =	vst v63  }
0xce: {  	_ =	swait.ge [sflag:s16], $0x200  }
0xcf: {  	[sflag:s16] =	ssyncset.done $0x0  }
0xd0: {  	s30 =	sadd.s32 s9, s30;
	[sflag:s16] =	ssyncadd.s32 $0xFFFFFE00  }
0xd1: {  	[tilespmem:s20], [sflag:$0x3] =	stream.linear.gather [hbm4b:s30+s28], $0x200, $0x38;
	[tilespmem:$0xD770] =	vst v63  }
0xd2: {  	_ =	swait.ge [sflag:s16], $0x200  }
0xd3: {  	v0 =	vld [tilespmem:$0x1FBA0];
	_ =	sdelay $0x5  }
0xd4: {  	[sflag:s16] =	ssyncset.done $0x0  }
0xd5: {  	[sflag:s16] =	ssyncadd.s32 $0xFFFFFE00  }
0xd6: {  	v24 =	vld.idx.msk [tilespmem:v0+s11+$0x0], $0xffff  }
0xd7: {  	v25 =	vld.idx.msk [tilespmem:v0+s19+$0x0], $0xffff  }
0xd8: {  	v26 =	vld.idx.msk [tilespmem:v0+s20+$0x0], $0xffff  }
0xd9: {  	v0 =	vld [tilespmem:$0x1FBB0];
	_ =	sdelay $0x7  }
0xda: {  	v27 =	vld.idx.msk [tilespmem:v0+s11+$0x0], $0xffff  }
0xdb: {  	v28 =	vld.idx.msk [tilespmem:v0+s19+$0x0], $0xffff  }
0xdc: {  	v29 =	vld.idx.msk [tilespmem:v0+s20+$0x0], $0xffff  }
0xdd: {  	v0 =	vld [tilespmem:$0x1FBC0];
	_ =	sdelay $0x7  }
0xde: {  	v30 =	vld.idx.msk [tilespmem:v0+s11+$0x0], $0xffff  }
0xdf: {  	v31 =	vld.idx.msk [tilespmem:v0+s19+$0x0], $0xffff  }
0xe0: {  	v32 =	vld.idx.msk [tilespmem:v0+s20+$0x0], $0xffff  }
0xe1: {  	v0 =	vld [tilespmem:$0x1FBD0];
	_ =	sdelay $0x7  }
0xe2: {  	v33 =	vld.idx.msk [tilespmem:v0+s11+$0x0], $0xffff  }
0xe3: {  	v38 =	vld.idx.msk [tilespmem:v0+s19+$0x0], $0xffff  }
0xe4: {  	v39 =	vld.idx.msk [tilespmem:v0+s20+$0x0], $0xffff  }
0xe5: {  	v0 =	vld [tilespmem:$0x1FBE0];
	_ =	sdelay $0x7  }
0xe6: {  	v40 =	vld.idx.msk [tilespmem:v0+s11+$0x0], $0xffff  }
0xe7: {  	v43 =	vld.idx.msk [tilespmem:v0+s19+$0x0], $0xffff  }
0xe8: {  	v44 =	vld.idx.msk [tilespmem:v0+s20+$0x0], $0xffff  }
0xe9: {  	v0 =	vld [tilespmem:$0x1FBF0];
	_ =	sdelay $0x7  }
0xea: {  	v51 =	vld.idx.msk [tilespmem:v0+s11+$0x0], $0xffff  }
0xeb: {  	v47 =	vld.idx.msk [tilespmem:v0+s19+$0x0], $0xffff  }
0xec: {  	v50 =	vld.idx.msk [tilespmem:v0+s20+$0x0], $0xffff  }
0xed: {  	v0 =	vld [tilespmem:$0x1FC00];
	_ =	sdelay $0x7  }
0xee: {  	v2 =	vld.idx.msk [tilespmem:v0+s11+$0x0], $0xffff  }
0xef: {  	v59 =	vld.idx.msk [tilespmem:v0+s19+$0x0], $0xffff  }
0xf0: {  	v63 =	vld.idx.msk [tilespmem:v0+s20+$0x0], $0xffff  }
0xf1: {  	v0 =	vld [tilespmem:$0x1FC10];
	_ =	sdelay $0x3  }
0xf2: {  	v10 =	vld.idx.msk [tilespmem:v21+s19+$0x0], $0xffff  }
0xf3: {  	v11 =	vld.idx.msk [tilespmem:v21+s20+$0x0], $0xffff;
	_ =	sdelay $0x2  }
0xf4: {  	v1 =	vld.idx.msk [tilespmem:v0+s11+$0x0], $0xffff  }
0xf5: {  	v45 =	vld.idx.msk [tilespmem:v0+s19+$0x0], $0xffff  }
0xf6: {  	v10 =	vadd.f32 v11, v10;
	v11 =	vld.idx.msk [tilespmem:v0+s20+$0x0], $0xffff  }
0xf7: {  	v0 =	vld [tilespmem:$0x1FC20]  }
0xf8: {  	v9 =	vld.idx.msk [tilespmem:v21+s11+$0x0], $0xffff  }
0xf9: {  	v13 =	vld.idx.msk [tilespmem:v18+s19+$0x0], $0xffff  }
0xfa: {  	v14 =	vld.idx.msk [tilespmem:v18+s20+$0x0], $0xffff  }
0xfb: {  	v16 =	vld.idx.msk [tilespmem:v19+s19+$0x0], $0xffff  }
0xfc: {  	v17 =	vld.idx.msk [tilespmem:v19+s20+$0x0], $0xffff;
	_ =	sdelay $0x2  }
0xfd: {  	v9 =	vmul.f32 v10, v9;
	v10 =	vadd.f32 v14, v13;
	v13 =	vld.idx.msk [tilespmem:v0+s11+$0x0], $0xffff  }
0xfe: {  	v14 =	vld.idx.msk [tilespmem:v0+s19+$0x0], $0xffff  }
0xff: {  	v36 =	vadd.f32 v17, v16;
	v16 =	vld.idx.msk [tilespmem:v0+s20+$0x0], $0xffff  }
0x100: {  	v0 =	vld [tilespmem:$0x1FC30]  }
0x101: {  	v12 =	vld.idx.msk [tilespmem:v18+s11+$0x0], $0xffff  }
0x102: {  	v15 =	vld.idx.msk [tilespmem:v19+s11+$0x0], $0xffff  }
0x103: {  	v18 =	vld.idx.msk [tilespmem:v20+s11+$0x0], $0xffff  }
0x104: {  	v19 =	vld.idx.msk [tilespmem:v20+s19+$0x0], $0xffff  }
0x105: {  	v20 =	vld.idx.msk [tilespmem:v20+s20+$0x0], $0xffff;
	_ =	sdelay $0x1  }
0x106: {  	v9 =	vadd.f32 $0.0e+00, v9;
	v10 =	vmul.f32 v10, v12  }
0x107: {  	v17 =	vld.idx.msk [tilespmem:v0+s11+$0x0], $0xffff  }
0x108: {  	v9 =	vadd.f32 v10, v9;
	v10 =	vmul.f32 v36, v15;
	v15 =	vld.idx.msk [tilespmem:v0+s19+$0x0], $0xffff  }
0x109: {  	v37 =	vadd.f32 v20, v19;
	v19 =	vld.idx.msk [tilespmem:v0+s20+$0x0], $0xffff  }
0x10a: {  	v0 =	vld [tilespmem:$0x1FC40];
	_ =	sdelay $0x1  }
0x10b: {  	v22 =	vld.idx.msk [tilespmem:v23+s19+$0x0], $0xffff  }
0x10c: {  	v55 =	vld.idx.msk [tilespmem:v23+s20+$0x0], $0xffff;
	_ =	sdelay $0x1  }
0x10d: {  	v21 =	vld.idx.msk [tilespmem:v23+s11+$0x0], $0xffff;
	_ =	sdelay $0x2  }
0x10e: {  	v41 =	vadd.f32 v55, v22;
	v9 =	vadd.f32 v10, v9;
	v10 =	vmul.f32 v37, v18;
	v18 =	vld.idx.msk [tilespmem:v0+s11+$0x0], $0xffff  }
0x10f: {  	v20 =	vld.idx.msk [tilespmem:v0+s19+$0x0], $0xffff  }
0x110: {  	v9 =	vadd.f32 v10, v9;
	v10 =	vmul.f32 v41, v21;
	v21 =	vld.idx.msk [tilespmem:v0+s20+$0x0], $0xffff  }
0x111: {  	v0 =	vld [tilespmem:$0x1FC50];
	_ =	sdelay $0x7  }
0x112: {  	v42 =	vadd.f32 v26, v25;
	v22 =	vld.idx.msk [tilespmem:v0+s11+$0x0], $0xffff  }
0x113: {  	v23 =	vld.idx.msk [tilespmem:v0+s19+$0x0], $0xffff  }
0x114: {  	v9 =	vadd.f32 v10, v9;
	v10 =	vmul.f32 v42, v24;
	v24 =	vld.idx.msk [tilespmem:v0+s20+$0x0], $0xffff  }
0x115: {  	v0 =	vld [tilespmem:$0x1FC60];
	_ =	sdelay $0x7  }
0x116: {  	v25 =	vld.idx.msk [tilespmem:v0+s11+$0x0], $0xffff  }
0x117: {  	v26 =	vld.idx.msk [tilespmem:v0+s19+$0x0], $0xffff  }
0x118: {  	v57 =	vld.idx.msk [tilespmem:v0+s20+$0x0], $0xffff  }
0x119: {  	v0 =	vld [tilespmem:$0x1FC70];
	_ =	sdelay $0x5  }
0x11a: {  	v46 =	vadd.f32 v29, v28;
	_ =	sdelay $0x1  }
0x11b: {  	v9 =	vadd.f32 v10, v9;
	v10 =	vmul.f32 v46, v27;
	v49 =	vadd.f32 v32, v31;
	v28 =	vld.idx.msk [tilespmem:v0+s11+$0x0], $0xffff  }
0x11c: {  	v29 =	vld.idx.msk [tilespmem:v0+s19+$0x0], $0xffff  }
0x11d: {  	v9 =	vadd.f32 v10, v9;
	v10 =	vmul.f32 v49, v30;
	v30 =	vld.idx.msk [tilespmem:v0+s20+$0x0], $0xffff  }
0x11e: {  	v0 =	vld [tilespmem:$0x1FC80];
	_ =	sdelay $0x7  }
0x11f: {  	v55 =	vadd.f32 v39, v38;
	v31 =	vld.idx.msk [tilespmem:v0+s11+$0x0], $0xffff  }
0x120: {  	v32 =	vld.idx.msk [tilespmem:v0+s19+$0x0], $0xffff  }
0x121: {  	v9 =	vadd.f32 v10, v9;
	v10 =	vmul.f32 v55, v33;
	v33 =	vld.idx.msk [tilespmem:v0+s20+$0x0], $0xffff  }
0x122: {  	v0 =	vld [tilespmem:$0x1FC90];
	_ =	sdelay $0x7  }
0x123: {  	v38 =	vld.idx.msk [tilespmem:v0+s11+$0x0], $0xffff  }
0x124: {  	v42 =	vld.idx.msk [tilespmem:v0+s19+$0x0], $0xffff  }
0x125: {  	v39 =	vadd.f32 v44, v43;
	v43 =	vld.idx.msk [tilespmem:v0+s20+$0x0], $0xffff  }
0x126: {  	v0 =	vld [tilespmem:$0x1FCA0];
	_ =	sdelay $0x7  }
0x127: {  	v44 =	vld.idx.msk [tilespmem:v0+s11+$0x0], $0xffff  }
0x128: {  	v11 =	vadd.f32 v11, v45;
	v45 =	vld.idx.msk [tilespmem:v0+s19+$0x0], $0xffff  }
0x129: {  	v46 =	vld.idx.msk [tilespmem:v0+s20+$0x0], $0xffff  }
0x12a: {  	v0 =	vld [tilespmem:$0x1FCB0];
	_ =	sdelay $0x6  }
0x12b: {  	v9 =	vadd.f32 v10, v9;
	v10 =	vmul.f32 v39, v40;
	v40 =	vadd.f32 v50, v47  }
0x12c: {  	v47 =	vld.idx.msk [tilespmem:v0+s11+$0x0], $0xffff  }
0x12d: {  	v9 =	vadd.f32 v10, v9;
	v10 =	vmul.f32 v40, v51;
	v41 =	vadd.f32 v63, v59;
	v49 =	vld.idx.msk [tilespmem:v0+s19+$0x0], $0xffff  }
0x12e: {  	v50 =	vld.idx.msk [tilespmem:v0+s20+$0x0], $0xffff  }
0x12f: {  	v9 =	vadd.f32 v10, v9;
	v10 =	vmul.f32 v41, v2;
	v0 =	vld [tilespmem:$0x1FCC0];
	_ =	sdelay $0x1  }
0x130: {  	v9 =	vadd.f32 v10, v9;
	v10 =	vmul.f32 v11, v1;
	v11 =	vadd.f32 v16, v14;
	_ =	sdelay $0x1  }
0x131: {  	v9 =	vadd.f32 v10, v9;
	v10 =	vmul.f32 v11, v13;
	v11 =	vadd.f32 v19, v15;
	_ =	sdelay $0x1  }
0x132: {  	v9 =	vadd.f32 v10, v9;
	v10 =	vmul.f32 v11, v17;
	v11 =	vadd.f32 v21, v20;
	_ =	sdelay $0x1  }
0x133: {  	v9 =	vadd.f32 v10, v9;
	v10 =	vmul.f32 v11, v18;
	v11 =	vadd.f32 v24, v23;
	v51 =	vld.idx.msk [tilespmem:v0+s11+$0x0], $0xffff  }
0x134: {  	v55 =	vld.idx.msk [tilespmem:v0+s19+$0x0], $0xffff  }
0x135: {  	v9 =	vadd.f32 v10, v9;
	v10 =	vmul.f32 v11, v22;
	v11 =	vadd.f32 v57, v26;
	v57 =	vld.idx.msk [tilespmem:v0+s20+$0x0], $0xffff  }
0x136: {  	v0 =	vld [tilespmem:$0x1FCD0];
	_ =	sdelay $0x7  }
0x137: {  	v59 =	vld.idx.msk [tilespmem:v0+s11+$0x0], $0xffff  }
0x138: {  	v63 =	vld.idx.msk [tilespmem:v0+s19+$0x0], $0xffff  }
0x139: {  	v9 =	vadd.f32 v10, v9;
	v10 =	vmul.f32 v11, v25;
	v11 =	vadd.f32 v30, v29;
	v30 =	vld.idx.msk [tilespmem:v0+s20+$0x0], $0xffff  }
0x13a: {  	v0 =	vld [tilespmem:$0x1FCE0];
	_ =	sdelay $0x7  }
0x13b: {  	v9 =	vadd.f32 v10, v9;
	v10 =	vmul.f32 v11, v28;
	v11 =	vadd.f32 v33, v32;
	v33 =	vld.idx.msk [tilespmem:v0+s11+$0x0], $0xffff  }
0x13c: {  	v35 =	vld.idx.msk [tilespmem:v0+s19+$0x0], $0xffff  }
0x13d: {  	v36 =	vld.idx.msk [tilespmem:v0+s20+$0x0], $0xffff  }
0x13e: {  	v0 =	vld [tilespmem:$0x1FCF0];
	_ =	sdelay $0x6  }
0x13f: {  	v9 =	vadd.f32 v10, v9;
	v10 =	vmul.f32 v11, v31;
	v11 =	vadd.f32 v43, v42  }
0x140: {  	v37 =	vld.idx.msk [tilespmem:v0+s11+$0x0], $0xffff  }
0x141: {  	v9 =	vadd.f32 v10, v9;
	v10 =	vmul.f32 v11, v38;
	v38 =	vld.idx.msk [tilespmem:v0+s19+$0x0], $0xffff  }
0x142: {  	v39 =	vld.idx.msk [tilespmem:v0+s20+$0x0], $0xffff  }
0x143: {  	v0 =	vld [tilespmem:$0x1FD00];
	_ =	sdelay $0x7  }
0x144: {  	v40 =	vld.idx.msk [tilespmem:v0+s11+$0x0], $0xffff  }
0x145: {  	v41 =	vld.idx.msk [tilespmem:v0+s19+$0x0], $0xffff  }
0x146: {  	v42 =	vld.idx.msk [tilespmem:v0+s20+$0x0], $0xffff  }
0x147: {  	v0 =	vld [tilespmem:$0x1FD10];
	_ =	sdelay $0x6  }
0x148: {  	v11 =	vadd.f32 v46, v45  }
0x149: {  	v43 =	vld.idx.msk [tilespmem:v0+s11+$0x0], $0xffff  }
0x14a: {  	v9 =	vadd.f32 v10, v9;
	v10 =	vmul.f32 v11, v44;
	v44 =	vld.idx.msk [tilespmem:v0+s19+$0x0], $0xffff  }
0x14b: {  	v45 =	vld.idx.msk [tilespmem:v0+s20+$0x0], $0xffff  }
0x14c: {  	v0 =	vld [tilespmem:$0x1FD20];
	_ =	sdelay $0x6  }
0x14d: {  	v11 =	vadd.f32 v50, v49  }
0x14e: {  	v46 =	vld.idx.msk [tilespmem:v0+s11+$0x0], $0xffff  }
0x14f: {  	v9 =	vadd.f32 v10, v9;
	v10 =	vmul.f32 v11, v47;
	v47 =	vld.idx.msk [tilespmem:v0+s19+$0x0], $0xffff  }
0x150: {  	v49 =	vld.idx.msk [tilespmem:v0+s20+$0x0], $0xffff  }
0x151: {  	v0 =	vld [tilespmem:$0x1FD30];
	_ =	sdelay $0x6  }
0x152: {  	v11 =	vadd.f32 v57, v55  }
0x153: {  	v50 =	vld.idx.msk [tilespmem:v0+s11+$0x0], $0xffff  }
0x154: {  	v9 =	vadd.f32 v10, v9;
	v10 =	vmul.f32 v11, v51;
	v51 =	vld.idx.msk [tilespmem:v0+s19+$0x0], $0xffff  }
0x155: {  	v55 =	vld.idx.msk [tilespmem:v0+s20+$0x0], $0xffff  }
0x156: {  	v11 =	vadd.f32 v30, v63;
	v0 =	vld [tilespmem:$0x1FD40];
	_ =	sdelay $0x1  }
0x157: {  	v9 =	vadd.f32 v10, v9;
	v10 =	vmul.f32 v11, v59;
	v11 =	vadd.f32 v36, v35;
	_ =	sdelay $0x1  }
0x158: {  	v9 =	vadd.f32 v10, v9;
	v10 =	vmul.f32 v11, v33;
	v11 =	vadd.f32 v39, v38;
	_ =	sdelay $0x1  }
0x159: {  	v9 =	vadd.f32 v10, v9;
	v10 =	vmul.f32 v11, v37;
	v11 =	vadd.f32 v42, v41;
	_ =	sdelay $0x1  }
0x15a: {  	v9 =	vadd.f32 v10, v9;
	v10 =	vmul.f32 v11, v40;
	v11 =	vadd.f32 v45, v44;
	v57 =	vld.idx.msk [tilespmem:v0+s19+$0x0], $0xffff  }
0x15b: {  	v59 =	vld.idx.msk [tilespmem:v0+s20+$0x0], $0xffff  }
0x15c: {  	v9 =	vadd.f32 v10, v9;
	v10 =	vmul.f32 v11, v43;
	v11 =	vadd.f32 v49, v47  }
0x15d: {  	v63 =	vld.idx.msk [tilespmem:v0+s11+$0x0], $0xffff  }
0x15e: {  	v9 =	vadd.f32 v10, v9;
	v10 =	vmul.f32 v11, v46;
	v11 =	vadd.f32 v55, v51;
	_ =	sdelay $0x1  }
0x15f: {  	v9 =	vadd.f32 v10, v9;
	v10 =	vmul.f32 v11, v50;
	v11 =	vadd.f32 v59, v57;
	_ =	sdelay $0x1  }
0x160: {  	v9 =	vadd.f32 v10, v9;
	v10 =	vmul.f32 v11, v63;
	_ =	sdelay $0x1  }
0x161: {  	v9 =	vadd.f32 v10, v9  }
0x162: {  	s30 =	sshrl.u32 s26, $0x3  }
0x163: {  	s30 =	sadd.s32 s1, s30;
	[tilespmem:$0xD440] =	vst v9  }
0x164: {  	[hbm4b:s30+s28] =	stream.linear.scatter [tilespmem:s21], [sflag:$0x3], $0x10, $0x38;
	[tilespmem:$0xD770] =	vst v63  }
0x165: {  	_ =	swait.ge [sflag:s16], $0x10  }
0x166: {  	v5 =	vld [tilespmem:$0x1FD70]  }
0x167: {  	v6 =	vld [tilespmem:$0x1FD80]  }
0x168: {  	[sflag:s16] =	ssyncset.done $0x0;
	v1 =	vld [tilespmem:$0x1FFC0]  }
0x169: {  	v7 =	vmov v48;
	v2 =	vmov v34;
	s30 =	simm.s32 $0x0;
	v8 =	vld [tilespmem:$0x1FD90];
	[sflag:s16] =	ssyncadd.s32 $0xFFFFFFF0  }
.LBB2_3:
0x16a: {  	v15 =	vadd.s32 s28, v56;
	s31 =	sadd.s32 $0x10, s28  }
0x16b: {  	vm1 =	vlt.s32 v15, $0x31F;
	v9 =	vadd.s32 s31, v56;
	s31 =	sadd.s32 $0x20, s28  }
0x16c: {  	v10 =	vnsel vm1, $0x31F, v15;
	vm1 =	vlt.s32 v9, $0x31F;
	v11 =	vadd.s32 s31, v56  }
0x16d: {  	s31 =	sadd.s32 $0x30, s28;
	v9 =	vnsel vm1, $0x31F, v9;
	vm1 =	vlt.s32 v11, $0x31F  }
0x16e: {  	v12 =	vadd.s32 s31, v56;
	s31 =	sshll.u32 s30, $0x5;
	v17 =	vshll.u32 v10, $0x5;
	v11 =	vnsel vm1, $0x31F, v11  }
0x16f: {  	v18 =	vor.u32 s31, v56;
	vm1 =	vlt.s32 v12, $0x31F;
	v10 =	vor.u32 v56, v17  }
0x170: {  	v16 =	vshll.u32 v9, $0x5;
	v19 =	vor.u32 s31, v3;
	v20 =	vor.u32 v3, v17  }
0x171: {  	v24 =	vor.u32 s31, v4;
	v45 =	vor.u32 s31, v54;
	v9 =	vnsel vm1, $0x31F, v12  }
0x172: {  	v48 =	vld [tilespmem:$0x1FF70];
	v47 =	vor.u32 v54, v17;
	v14 =	vshll.u32 v11, $0x5;
	v13 =	vshll.u32 v9, $0x5  }
0x173: {  	v50 =	vor.u32 v54, v16;
	v51 =	vor.u32 v54, v14;
	v59 =	vor.u32 v54, v13;
	v54 =	vld [tilespmem:$0x1FF90]  }
0x174: {  	v25 =	vor.u32 v4, v17;
	v18 =	vld.idx.msk [tilespmem:v18+s11+$0x0], $0xffff  }
0x175: {  	v29 =	vor.u32 s31, v52;
	v10 =	vld.idx.msk [tilespmem:v10+s18+$0x0], $0xffff  }
0x176: {  	v30 =	vor.u32 v52, v17;
	v19 =	vld.idx.msk [tilespmem:v19+s11+$0x0], $0xffff  }
0x177: {  	v38 =	vor.u32 s31, v53;
	v20 =	vld.idx.msk [tilespmem:v20+s18+$0x0], $0xffff  }
0x178: {  	v39 =	vor.u32 v53, v17;
	v24 =	vld.idx.msk [tilespmem:v24+s11+$0x0], $0xffff  }
0x179: {  	v25 =	vld.idx.msk [tilespmem:v25+s18+$0x0], $0xffff  }
0x17a: {  	v29 =	vld.idx.msk [tilespmem:v29+s11+$0x0], $0xffff  }
0x17b: {  	v63 =	vor.u32 s31, v7;
	v30 =	vld.idx.msk [tilespmem:v30+s18+$0x0], $0xffff  }
0x17c: {  	v0 =	vor.u32 v7, v17;
	v38 =	vld.idx.msk [tilespmem:v38+s11+$0x0], $0xffff  }
0x17d: {  	v12 =	vor.u32 v56, v16;
	v39 =	vld.idx.msk [tilespmem:v39+s18+$0x0], $0xffff  }
0x17e: {  	v21 =	vor.u32 v3, v16;
	v45 =	vld.idx.msk [tilespmem:v45+s11+$0x0], $0xffff  }
0x17f: {  	v26 =	vor.u32 v4, v16;
	v47 =	vld.idx.msk [tilespmem:v47+s18+$0x0], $0xffff  }
0x180: {  	v31 =	vor.u32 v52, v16;
	v63 =	vld.idx.msk [tilespmem:v63+s11+$0x0], $0xffff  }
0x181: {  	v40 =	vor.u32 v53, v16;
	v0 =	vld.idx.msk [tilespmem:v0+s18+$0x0], $0xffff  }
0x182: {  	v12 =	vld.idx.msk [tilespmem:v12+s18+$0x0], $0xffff  }
0x183: {  	v34 =	vor.u32 v7, v16;
	v21 =	vld.idx.msk [tilespmem:v21+s18+$0x0], $0xffff  }
0x184: {  	v37 =	vor.u32 s31, v48;
	v26 =	vld.idx.msk [tilespmem:v26+s18+$0x0], $0xffff  }
0x185: {  	v41 =	vor.u32 v48, v17;
	v31 =	vld.idx.msk [tilespmem:v31+s18+$0x0], $0xffff  }
0x186: {  	v42 =	vor.u32 v48, v16;
	v40 =	vld.idx.msk [tilespmem:v40+s18+$0x0], $0xffff  }
0x187: {  	v11 =	vor.u32 v56, v14;
	v50 =	vld.idx.msk [tilespmem:v50+s18+$0x0], $0xffff  }
0x188: {  	v22 =	vor.u32 v3, v14;
	v34 =	vld.idx.msk [tilespmem:v34+s18+$0x0], $0xffff  }
0x189: {  	v27 =	vor.u32 v4, v14;
	v37 =	vld.idx.msk [tilespmem:v37+s11+$0x0], $0xffff  }
0x18a: {  	v32 =	vor.u32 v52, v14;
	v41 =	vld.idx.msk [tilespmem:v41+s18+$0x0], $0xffff  }
0x18b: {  	v43 =	vor.u32 v53, v14;
	v42 =	vld.idx.msk [tilespmem:v42+s18+$0x0], $0xffff  }
0x18c: {  	v11 =	vld.idx.msk [tilespmem:v11+s18+$0x0], $0xffff  }
0x18d: {  	v35 =	vor.u32 v7, v14;
	v22 =	vld.idx.msk [tilespmem:v22+s18+$0x0], $0xffff  }
0x18e: {  	v9 =	vor.u32 v56, v13;
	v27 =	vld.idx.msk [tilespmem:v27+s18+$0x0], $0xffff  }
0x18f: {  	v23 =	vor.u32 v3, v13;
	v32 =	vld.idx.msk [tilespmem:v32+s18+$0x0], $0xffff  }
0x190: {  	v28 =	vor.u32 v4, v13;
	v43 =	vld.idx.msk [tilespmem:v43+s18+$0x0], $0xffff  }
0x191: {  	v33 =	vor.u32 v52, v13;
	v51 =	vld.idx.msk [tilespmem:v51+s18+$0x0], $0xffff  }
0x192: {  	v44 =	vor.u32 v53, v13;
	v35 =	vld.idx.msk [tilespmem:v35+s18+$0x0], $0xffff  }
0x193: {  	v9 =	vld.idx.msk [tilespmem:v9+s18+$0x0], $0xffff  }
0x194: {  	v36 =	vor.u32 v7, v13;
	v23 =	vld.idx.msk [tilespmem:v23+s18+$0x0], $0xffff  }
0x195: {  	v46 =	vor.u32 v48, v14;
	v28 =	vld.idx.msk [tilespmem:v28+s18+$0x0], $0xffff  }
0x196: {  	v48 =	vor.u32 v48, v13;
	v33 =	vld.idx.msk [tilespmem:v33+s18+$0x0], $0xffff  }
0x197: {  	v55 =	vor.u32 v5, v17;
	v44 =	vld.idx.msk [tilespmem:v44+s18+$0x0], $0xffff;
	v49 =	vor.u32 s31, v54;
	v10 =	vmul.f32 v10, v18  }
0x198: {  	v59 =	vld.idx.msk [tilespmem:v59+s18+$0x0], $0xffff;
	v52 =	vor.u32 v54, v17;
	v57 =	vmul.f32 v20, v19;
	v0 =	vmul.f32 v0, v63  }
0x199: {  	v36 =	vld.idx.msk [tilespmem:v36+s18+$0x0], $0xffff;
	v53 =	vor.u32 v54, v16;
	v12 =	vmul.f32 v12, v18;
	v21 =	vmul.f32 v21, v19  }
0x19a: {  	v20 =	vld.idx.msk [tilespmem:v46+s18+$0x0], $0xffff;
	v46 =	vor.u32 v54, v14;
	v26 =	vmul.f32 v26, v24;
	v34 =	vmul.f32 v34, v63  }
0x19b: {  	v48 =	vld.idx.msk [tilespmem:v48+s18+$0x0], $0xffff;
	v54 =	vor.u32 v54, v13;
	v11 =	vmul.f32 v11, v18;
	v22 =	vmul.f32 v22, v19  }
0x19c: {  	v10 =	vadd.f32 $0.0e+00, v10;
	v27 =	vmul.f32 v27, v24;
	v9 =	vmul.f32 v9, v18;
	v18 =	vld.idx.msk [tilespmem:v49+s11+$0x0], $0xffff  }
0x19d: {  	v35 =	vmul.f32 v35, v63;
	v12 =	vadd.f32 $0.0e+00, v12;
	v49 =	vor.u32 s31, v5;
	v52 =	vld.idx.msk [tilespmem:v52+s18+$0x0], $0xffff  }
0x19e: {  	v19 =	vmul.f32 v23, v19;
	v23 =	vor.u32 v5, v13;
	v36 =	vmul.f32 v36, v63;
	v63 =	vld [tilespmem:$0x1FF20]  }
0x19f: {  	v11 =	vadd.f32 $0.0e+00, v11;
	v10 =	vadd.f32 v57, v10;
	v57 =	vmul.f32 v25, v24;
	v25 =	vld.idx.msk [tilespmem:v53+s18+$0x0], $0xffff  }
0x1a0: {  	v53 =	vor.u32 v5, v16;
	v24 =	vmul.f32 v28, v24;
	v12 =	vadd.f32 v21, v12;
	v21 =	vld.idx.msk [tilespmem:v46+s18+$0x0], $0xffff  }
0x1a1: {  	v9 =	vadd.f32 $0.0e+00, v9;
	v10 =	vadd.f32 v57, v10;
	v57 =	vmul.f32 v30, v29;
	v30 =	vld.idx.msk [tilespmem:v55+s18+$0x0], $0xffff  }
0x1a2: {  	v28 =	vmul.f32 v31, v29;
	v31 =	vmul.f32 v32, v29;
	v32 =	vor.u32 v6, v13;
	v55 =	vld [tilespmem:$0x1FE90]  }
0x1a3: {  	v11 =	vadd.f32 v22, v11;
	v22 =	vor.u32 v5, v14;
	v9 =	vadd.f32 v19, v9;
	v19 =	vld.idx.msk [tilespmem:v54+s18+$0x0], $0xffff  }
0x1a4: {  	v29 =	vmul.f32 v33, v29;
	v33 =	vmul.f32 v40, v38;
	v46 =	vld.idx.msk [tilespmem:v49+s11+$0x0], $0xffff;
	v49 =	vor.u32 s31, v6  }
0x1a5: {  	v11 =	vadd.f32 v27, v11;
	v10 =	vadd.f32 v57, v10;
	v23 =	vld.idx.msk [tilespmem:v23+s18+$0x0], $0xffff;
	v57 =	vmul.f32 v39, v38  }
0x1a6: {  	v54 =	vor.u32 v6, v17;
	v12 =	vadd.f32 v26, v12;
	v27 =	vor.u32 v6, v16;
	v26 =	vld.idx.msk [tilespmem:v53+s18+$0x0], $0xffff  }
0x1a7: {  	v32 =	vld.idx.msk [tilespmem:v32+s18+$0x0], $0xffff;
	v11 =	vadd.f32 v31, v11;
	v10 =	vadd.f32 v57, v10;
	v57 =	vmul.f32 v43, v38  }
0x1a8: {  	v9 =	vadd.f32 v24, v9;
	v24 =	vor.u32 v6, v14;
	v38 =	vmul.f32 v44, v38;
	v22 =	vld.idx.msk [tilespmem:v22+s18+$0x0], $0xffff  }
0x1a9: {  	v44 =	vmul.f32 v47, v45;
	v47 =	vor.u32 v8, v13;
	v11 =	vadd.f32 v57, v11;
	v57 =	vld [tilespmem:$0x1FDA0]  }
0x1aa: {  	v12 =	vadd.f32 v28, v12;
	v39 =	vld.idx.msk [tilespmem:v49+s11+$0x0], $0xffff;
	v49 =	vor.u32 s31, v8  }
0x1ab: {  	v31 =	vor.u32 v8, v17;
	v9 =	vadd.f32 v29, v9;
	v28 =	vld.idx.msk [tilespmem:v54+s18+$0x0], $0xffff  }
0x1ac: {  	v12 =	vadd.f32 v33, v12;
	v10 =	vadd.f32 v44, v10;
	v44 =	vmul.f32 v50, v45;
	v27 =	vld.idx.msk [tilespmem:v27+s18+$0x0], $0xffff  }
0x1ad: {  	v43 =	vor.u32 v8, v14;
	v24 =	vld.idx.msk [tilespmem:v24+s18+$0x0], $0xffff  }
0x1ae: {  	v29 =	vor.u32 v8, v16;
	v9 =	vadd.f32 v38, v9;
	v12 =	vadd.f32 v44, v12;
	v44 =	vld.idx.msk [tilespmem:v47+s18+$0x0], $0xffff  }
0x1af: {  	v40 =	vor.u32 s31, v57;
	v38 =	vor.u32 v57, v17;
	v50 =	vor.u32 v57, v16;
	v33 =	vld.idx.msk [tilespmem:v49+s11+$0x0], $0xffff  }
0x1b0: {  	v47 =	vor.u32 v57, v13;
	v49 =	vmul.f32 v51, v45;
	v51 =	vor.u32 v57, v14;
	v57 =	vld [tilespmem:$0x1FDB0]  }
0x1b1: {  	v31 =	vld.idx.msk [tilespmem:v31+s18+$0x0], $0xffff  }
0x1b2: {  	v41 =	vmul.f32 v41, v37;
	v0 =	vadd.f32 v0, v10;
	v43 =	vld.idx.msk [tilespmem:v43+s18+$0x0], $0xffff;
	v45 =	vmul.f32 v59, v45  }
0x1b3: {  	v29 =	vld.idx.msk [tilespmem:v29+s18+$0x0], $0xffff;
	v11 =	vadd.f32 v49, v11  }
0x1b4: {  	v0 =	vadd.f32 v41, v0;
	v9 =	vadd.f32 v45, v9;
	v10 =	vld.idx.msk [tilespmem:v40+s11+$0x0], $0xffff  }
0x1b5: {  	v49 =	vld.idx.msk [tilespmem:v50+s18+$0x0], $0xffff;
	v11 =	vadd.f32 v35, v11;
	v40 =	vor.u32 s31, v57;
	v50 =	vor.u32 v57, v16  }
0x1b6: {  	v45 =	vor.u32 v57, v17;
	v35 =	vor.u32 v57, v14;
	v41 =	vor.u32 v57, v13;
	v57 =	vld [tilespmem:$0x1FFB0]  }
0x1b7: {  	v59 =	vld [tilespmem:$0x1FF00]  }
0x1b8: {  	v42 =	vmul.f32 v42, v37;
	v20 =	vmul.f32 v20, v37;
	v38 =	vld.idx.msk [tilespmem:v38+s18+$0x0], $0xffff  }
0x1b9: {  	v37 =	vmul.f32 v48, v37;
	v48 =	vmul.f32 v52, v18;
	v9 =	vadd.f32 v36, v9;
	v36 =	vld.idx.msk [tilespmem:v47+s18+$0x0], $0xffff  }
0x1ba: {  	v11 =	vadd.f32 v20, v11;
	v20 =	vld.idx.msk [tilespmem:v50+s18+$0x0], $0xffff  }
0x1bb: {  	v0 =	vadd.f32 v48, v0;
	v48 =	vor.u32 v57, v13;
	v50 =	vld [tilespmem:$0x1FFA0]  }
0x1bc: {  	v25 =	vmul.f32 v25, v18;
	v21 =	vmul.f32 v21, v18;
	v12 =	vadd.f32 v34, v12;
	v34 =	vld.idx.msk [tilespmem:v51+s18+$0x0], $0xffff  }
0x1bd: {  	v18 =	vmul.f32 v19, v18;
	v19 =	vmul.f32 v30, v46;
	v9 =	vadd.f32 v37, v9;
	v40 =	vld.idx.msk [tilespmem:v40+s11+$0x0], $0xffff  }
0x1be: {  	v23 =	vmul.f32 v23, v46;
	v26 =	vmul.f32 v26, v46;
	v47 =	vor.u32 s31, v57;
	v45 =	vld.idx.msk [tilespmem:v45+s18+$0x0], $0xffff  }
0x1bf: {  	v22 =	vmul.f32 v22, v46;
	v9 =	vadd.f32 v18, v9;
	v51 =	vor.u32 v57, v17;
	v35 =	vld.idx.msk [tilespmem:v35+s18+$0x0], $0xffff  }
0x1c0: {  	v12 =	vadd.f32 v42, v12;
	v32 =	vmul.f32 v32, v39;
	v46 =	vld.idx.msk [tilespmem:v48+s18+$0x0], $0xffff;
	v48 =	vor.u32 v50, v13  }
0x1c1: {  	v11 =	vadd.f32 v21, v11;
	v42 =	vor.u32 v57, v16;
	v41 =	vld.idx.msk [tilespmem:v41+s18+$0x0], $0xffff;
	v9 =	vadd.f32 v23, v9  }
0x1c2: {  	v24 =	vmul.f32 v24, v39;
	v37 =	vor.u32 v57, v14;
	v57 =	vld [tilespmem:$0x1FFE0]  }
0x1c3: {  	v11 =	vadd.f32 v22, v11;
	v9 =	vadd.f32 v32, v9;
	v32 =	vor.u32 v55, v14;
	v30 =	vld.idx.msk [tilespmem:v47+s11+$0x0], $0xffff  }
0x1c4: {  	v47 =	vor.u32 s31, v50;
	v21 =	vld.idx.msk [tilespmem:v51+s18+$0x0], $0xffff  }
0x1c5: {  	v12 =	vadd.f32 v25, v12;
	v11 =	vadd.f32 v24, v11;
	v24 =	vld.idx.msk [tilespmem:v48+s18+$0x0], $0xffff;
	v48 =	vor.u32 v1, v13  }
0x1c6: {  	v28 =	vmul.f32 v28, v39;
	v0 =	vadd.f32 v19, v0;
	v18 =	vld.idx.msk [tilespmem:v42+s18+$0x0], $0xffff  }
0x1c7: {  	v27 =	vmul.f32 v27, v39;
	v12 =	vadd.f32 v26, v12;
	v25 =	vor.u32 v50, v17;
	v37 =	vld.idx.msk [tilespmem:v37+s18+$0x0], $0xffff  }
0x1c8: {  	v0 =	vadd.f32 v28, v0;
	v31 =	vmul.f32 v31, v33;
	v42 =	vor.u32 v50, v14;
	v32 =	vld.idx.msk [tilespmem:v32+s18+$0x0], $0xffff  }
0x1c9: {  	v29 =	vmul.f32 v29, v33;
	v51 =	vor.u32 s31, v1;
	v22 =	vld.idx.msk [tilespmem:v47+s11+$0x0], $0xffff  }
0x1ca: {  	v12 =	vadd.f32 v27, v12;
	v0 =	vadd.f32 v31, v0;
	v19 =	vor.u32 v50, v16;
	v27 =	vld.idx.msk [tilespmem:v48+s18+$0x0], $0xffff  }
0x1cb: {  	v38 =	vmul.f32 v38, v10;
	v50 =	vor.u32 s31, v55;
	v48 =	vmul.f32 v49, v10;
	v49 =	vld [tilespmem:$0x1FFD0]  }
0x1cc: {  	v12 =	vadd.f32 v29, v12;
	v23 =	vld.idx.msk [tilespmem:v25+s18+$0x0], $0xffff;
	v25 =	vor.u32 v1, v17  }
0x1cd: {  	v34 =	vmul.f32 v34, v10;
	v0 =	vadd.f32 v38, v0;
	v47 =	vor.u32 v1, v16;
	v39 =	vld.idx.msk [tilespmem:v42+s18+$0x0], $0xffff  }
0x1ce: {  	v42 =	vor.u32 v1, v14;
	v26 =	vld.idx.msk [tilespmem:v51+s11+$0x0], $0xffff;
	v51 =	vmul.f32 v43, v33;
	v33 =	vmul.f32 v44, v33  }
0x1cf: {  	v20 =	vmul.f32 v20, v40;
	v19 =	vld.idx.msk [tilespmem:v19+s18+$0x0], $0xffff;
	v43 =	vor.u32 v55, v17;
	v44 =	vor.u32 v55, v16  }
0x1d0: {  	v31 =	vld.idx.msk [tilespmem:v50+s11+$0x0], $0xffff;
	v9 =	vadd.f32 v33, v9;
	v10 =	vmul.f32 v36, v10;
	v50 =	vor.u32 s31, v49  }
0x1d1: {  	v11 =	vadd.f32 v51, v11;
	v33 =	vor.u32 v55, v13;
	v25 =	vld.idx.msk [tilespmem:v25+s18+$0x0], $0xffff;
	v55 =	vor.u32 v49, v17  }
0x1d2: {  	v51 =	vmul.f32 v45, v40;
	v28 =	vld.idx.msk [tilespmem:v47+s18+$0x0], $0xffff;
	v9 =	vadd.f32 v10, v9;
	v10 =	vor.u32 v49, v14  }
0x1d3: {  	v35 =	vmul.f32 v35, v40;
	v21 =	vmul.f32 v21, v30;
	v11 =	vadd.f32 v34, v11;
	v29 =	vld.idx.msk [tilespmem:v42+s18+$0x0], $0xffff  }
0x1d4: {  	v0 =	vadd.f32 v51, v0;
	v51 =	vor.u32 v57, v17;
	v34 =	vld.idx.msk [tilespmem:v44+s18+$0x0], $0xffff;
	v12 =	vadd.f32 v48, v12  }
0x1d5: {  	v18 =	vmul.f32 v18, v30;
	v40 =	vmul.f32 v41, v40;
	v41 =	vld.idx.msk [tilespmem:v50+s11+$0x0], $0xffff  }
0x1d6: {  	v37 =	vmul.f32 v37, v30;
	v23 =	vmul.f32 v23, v22;
	v12 =	vadd.f32 v20, v12;
	v20 =	vld.idx.msk [tilespmem:v55+s18+$0x0], $0xffff  }
0x1d7: {  	v44 =	vor.u32 v57, v13;
	v0 =	vadd.f32 v21, v0;
	v9 =	vadd.f32 v40, v9;
	v40 =	vld.idx.msk [tilespmem:v10+s18+$0x0], $0xffff  }
0x1d8: {  	v50 =	vor.u32 s31, v57;
	v55 =	vor.u32 v57, v16;
	v10 =	vor.u32 v57, v14;
	v57 =	vld [tilespmem:$0x1FFF0]  }
0x1d9: {  	v30 =	vmul.f32 v46, v30;
	v0 =	vadd.f32 v23, v0;
	v23 =	vld.idx.msk [tilespmem:v51+s18+$0x0], $0xffff;
	v48 =	vor.u32 v49, v16  }
0x1da: {  	v51 =	vld [tilespmem:$0x1FD50];
	v49 =	vor.u32 v49, v13  }
0x1db: {  	v30 =	vadd.f32 v30, v9;
	v9 =	vld [tilespmem:$0x1FE50]  }
0x1dc: {  	v43 =	vld.idx.msk [tilespmem:v43+s18+$0x0], $0xffff  }
0x1dd: {  	v12 =	vadd.f32 v18, v12;
	v18 =	vld.idx.msk [tilespmem:v50+s11+$0x0], $0xffff;
	v50 =	vor.u32 v57, v16  }
0x1de: {  	v21 =	vld.idx.msk [tilespmem:v48+s18+$0x0], $0xffff  }
0x1df: {  	v36 =	vld.idx.msk [tilespmem:v49+s18+$0x0], $0xffff  }
0x1e0: {  	v11 =	vadd.f32 v35, v11;
	v9 =	vsel vm0, v9, v51;
	v51 =	vld [tilespmem:$0x1FE70];
	v48 =	vor.u32 s31, v57  }
0x1e1: {  	v49 =	vor.u32 v57, v17;
	v38 =	vld.idx.msk [tilespmem:v55+s18+$0x0], $0xffff  }
0x1e2: {  	v39 =	vmul.f32 v39, v22;
	v11 =	vadd.f32 v37, v11;
	v35 =	vld.idx.msk [tilespmem:v50+s18+$0x0], $0xffff  }
0x1e3: {  	v19 =	vmul.f32 v19, v22;
	v9 =	vcombine.low v9, v61;
	v50 =	vld [tilespmem:$0x1FE60]  }
0x1e4: {  	v11 =	vadd.f32 v39, v11;
	v28 =	vmul.f32 v28, v26;
	v45 =	vld.idx.msk [tilespmem:v10+s18+$0x0], $0xffff;
	v10 =	vor.u32 v57, v14  }
0x1e5: {  	v29 =	vmul.f32 v29, v26;
	v12 =	vadd.f32 v19, v12;
	v19 =	vld.idx.msk [tilespmem:v48+s11+$0x0], $0xffff;
	v48 =	vor.u32 s31, v9  }
0x1e6: {  	v22 =	vmul.f32 v24, v22;
	v55 =	vmul.f32 v25, v26;
	v24 =	vld.idx.msk [tilespmem:v49+s18+$0x0], $0xffff;
	v49 =	vor.u32 v9, v17  }
0x1e7: {  	v33 =	vld.idx.msk [tilespmem:v33+s18+$0x0], $0xffff;
	v12 =	vadd.f32 v28, v12;
	v28 =	vadd.f32 v29, v11;
	v57 =	vor.u32 v57, v13  }
0x1e8: {  	v11 =	vld [tilespmem:$0x1FEA0];
	v0 =	vadd.f32 v55, v0;
	v55 =	vmul.f32 v43, v31;
	v42 =	vsel vm0, v51, v50  }
0x1e9: {  	v22 =	vadd.f32 v22, v30;
	v26 =	vmul.f32 v27, v26;
	v46 =	vld.idx.msk [tilespmem:v10+s18+$0x0], $0xffff;
	v10 =	vcombine.low v42, v60  }
0x1ea: {  	v47 =	vor.u32 v9, v14;
	v20 =	vmul.f32 v20, v41;
	v0 =	vadd.f32 v55, v0;
	v29 =	vld.idx.msk [tilespmem:v48+s11+$0x0], $0xffff  }
0x1eb: {  	v22 =	vadd.f32 v26, v22;
	v26 =	vld.idx.msk [tilespmem:v49+s18+$0x0], $0xffff;
	v55 =	vor.u32 v10, v14  }
0x1ec: {  	v23 =	vmul.f32 v23, v18;
	v0 =	vadd.f32 v20, v0;
	v51 =	vld [tilespmem:$0x1FEB0]  }
0x1ed: {  	v42 =	vld.idx.msk [tilespmem:v57+s18+$0x0], $0xffff;
	v57 =	vor.u32 v9, v13  }
0x1ee: {  	v39 =	vor.u32 v9, v16;
	v25 =	vld.idx.msk [tilespmem:v44+s18+$0x0], $0xffff;
	v0 =	vadd.f32 v23, v0;
	v24 =	vmul.f32 v24, v19  }
0x1ef: {  	v32 =	vmul.f32 v32, v31;
	v44 =	vld.idx.msk [tilespmem:v47+s18+$0x0], $0xffff;
	v37 =	vor.u32 s31, v10  }
0x1f0: {  	v49 =	vmul.f32 v34, v31;
	v0 =	vadd.f32 v24, v0;
	v48 =	vor.u32 v10, v17;
	v47 =	vld.idx.msk [tilespmem:v55+s18+$0x0], $0xffff  }
0x1f1: {  	v50 =	vor.u32 v10, v16;
	v11 =	vsel vm0, v51, v11;
	v26 =	vmul.f32 v26, v29;
	v55 =	vld [tilespmem:$0x1FD60]  }
0x1f2: {  	v31 =	vmul.f32 v33, v31;
	v11 =	vcombine.low v11, v58;
	v33 =	vld.idx.msk [tilespmem:v57+s18+$0x0], $0xffff;
	v57 =	vor.u32 v10, v13  }
0x1f3: {  	v34 =	vld.idx.msk [tilespmem:v39+s18+$0x0], $0xffff;
	v0 =	vadd.f32 v26, v0;
	v26 =	vor.u32 v59, v13  }
0x1f4: {  	v28 =	vadd.f32 v32, v28;
	v21 =	vmul.f32 v21, v41;
	v32 =	vld.idx.msk [tilespmem:v37+s11+$0x0], $0xffff;
	v37 =	vor.u32 s31, v11  }
0x1f5: {  	v30 =	vadd.f32 v49, v12;
	v12 =	vsel vm0, v2, v62;
	v20 =	vld.idx.msk [tilespmem:v48+s18+$0x0], $0xffff;
	v27 =	vor.u32 v11, v17  }
0x1f6: {  	v22 =	vadd.f32 v31, v22;
	v31 =	vld.idx.msk [tilespmem:v50+s18+$0x0], $0xffff;
	v48 =	vor.u32 v11, v14;
	v12 =	vcombine.low v12, v55  }
0x1f7: {  	v40 =	vmul.f32 v40, v41;
	v36 =	vmul.f32 v36, v41;
	v41 =	vld.idx.msk [tilespmem:v57+s18+$0x0], $0xffff;
	v57 =	vor.u32 v11, v13  }
0x1f8: {  	v26 =	vld.idx.msk [tilespmem:v26+s18+$0x0], $0xffff;
	v51 =	vor.u32 v12, v16  }
0x1f9: {  	v21 =	vadd.f32 v21, v30;
	v30 =	vld.idx.msk [tilespmem:v37+s11+$0x0], $0xffff;
	v55 =	vor.u32 v12, v14  }
0x1fa: {  	v28 =	vadd.f32 v40, v28;
	v35 =	vmul.f32 v35, v19;
	v49 =	vmul.f32 v38, v18;
	v23 =	vld.idx.msk [tilespmem:v27+s18+$0x0], $0xffff  }
0x1fb: {  	v50 =	vmul.f32 v45, v18;
	v18 =	vmul.f32 v25, v18;
	v25 =	vld.idx.msk [tilespmem:v48+s18+$0x0], $0xffff;
	v37 =	vor.u32 s31, v12  }
0x1fc: {  	v22 =	vadd.f32 v36, v22;
	v21 =	vadd.f32 v49, v21;
	v27 =	vor.u32 v12, v17;
	v36 =	vld.idx.msk [tilespmem:v57+s18+$0x0], $0xffff  }
0x1fd: {  	v39 =	vor.u32 v11, v16;
	v40 =	vld.idx.msk [tilespmem:v51+s18+$0x0], $0xffff  }
0x1fe: {  	v21 =	vadd.f32 v35, v21;
	v28 =	vadd.f32 v50, v28;
	v48 =	vor.u32 s31, v59;
	v35 =	vld.idx.msk [tilespmem:v55+s18+$0x0], $0xffff  }
0x1ff: {  	v50 =	vor.u32 v59, v17;
	v51 =	vor.u32 v59, v16;
	v55 =	vor.u32 v59, v14;
	v59 =	vld [tilespmem:$0x1FF10]  }
0x200: {  	v18 =	vadd.f32 v18, v22;
	v57 =	vor.u32 v12, v13;
	v22 =	vld.idx.msk [tilespmem:v37+s11+$0x0], $0xffff  }
0x201: {  	v34 =	vmul.f32 v34, v29;
	v20 =	vmul.f32 v20, v32;
	v27 =	vld.idx.msk [tilespmem:v27+s18+$0x0], $0xffff  }
0x202: {  	v49 =	vmul.f32 v46, v19;
	v19 =	vmul.f32 v42, v19;
	v39 =	vld.idx.msk [tilespmem:v39+s18+$0x0], $0xffff  }
0x203: {  	v46 =	vor.u32 v63, v17;
	v0 =	vadd.f32 v20, v0;
	v24 =	vld.idx.msk [tilespmem:v48+s11+$0x0], $0xffff;
	v23 =	vmul.f32 v23, v30  }
0x204: {  	v21 =	vadd.f32 v34, v21;
	v34 =	vld.idx.msk [tilespmem:v51+s18+$0x0], $0xffff;
	v51 =	vor.u32 v59, v14  }
0x205: {  	v18 =	vadd.f32 v19, v18;
	v0 =	vadd.f32 v23, v0;
	v19 =	vld.idx.msk [tilespmem:v57+s18+$0x0], $0xffff;
	v57 =	vmul.f32 v44, v29  }
0x206: {  	v29 =	vmul.f32 v33, v29;
	v33 =	vld.idx.msk [tilespmem:v50+s18+$0x0], $0xffff;
	v48 =	vor.u32 s31, v59;
	v27 =	vmul.f32 v27, v22  }
0x207: {  	v28 =	vadd.f32 v49, v28;
	v49 =	vor.u32 v59, v17;
	v20 =	vld.idx.msk [tilespmem:v55+s18+$0x0], $0xffff  }
0x208: {  	v50 =	vor.u32 v59, v16;
	v0 =	vadd.f32 v27, v0;
	v27 =	vld.idx.msk [tilespmem:v46+s18+$0x0], $0xffff  }
0x209: {  	v28 =	vadd.f32 v57, v28;
	v18 =	vadd.f32 v29, v18;
	v57 =	vor.u32 v59, v13;
	v29 =	vld.idx.msk [tilespmem:v51+s18+$0x0], $0xffff  }
0x20a: {  	v31 =	vmul.f32 v31, v32;
	v59 =	vor.u32 s31, v63;
	v51 =	vld [tilespmem:$0x1FF30]  }
0x20b: {  	v55 =	vmul.f32 v47, v32;
	v32 =	vmul.f32 v41, v32;
	v41 =	vld.idx.msk [tilespmem:v48+s11+$0x0], $0xffff  }
0x20c: {  	v21 =	vadd.f32 v31, v21;
	v47 =	vor.u32 v63, v16;
	v31 =	vld.idx.msk [tilespmem:v49+s18+$0x0], $0xffff  }
0x20d: {  	v25 =	vmul.f32 v25, v30;
	v28 =	vadd.f32 v55, v28;
	v23 =	vld.idx.msk [tilespmem:v50+s18+$0x0], $0xffff;
	v49 =	vor.u32 v63, v14  }
0x20e: {  	v48 =	vmul.f32 v39, v30;
	v30 =	vmul.f32 v36, v30;
	v36 =	vld.idx.msk [tilespmem:v57+s18+$0x0], $0xffff;
	v50 =	vor.u32 v63, v13  }
0x20f: {  	v25 =	vadd.f32 v25, v28;
	v28 =	vld.idx.msk [tilespmem:v59+s11+$0x0], $0xffff;
	v55 =	vor.u32 s31, v51  }
0x210: {  	v18 =	vadd.f32 v32, v18;
	v21 =	vadd.f32 v48, v21;
	v48 =	vld [tilespmem:$0x1FF40];
	v63 =	vor.u32 v51, v16  }
0x211: {  	v35 =	vmul.f32 v35, v22;
	v19 =	vmul.f32 v19, v22;
	v32 =	vld.idx.msk [tilespmem:v47+s18+$0x0], $0xffff  }
0x212: {  	v45 =	vmul.f32 v33, v24;
	v18 =	vadd.f32 v30, v18;
	v57 =	vor.u32 v51, v17;
	v33 =	vld.idx.msk [tilespmem:v49+s18+$0x0], $0xffff  }
0x213: {  	v25 =	vadd.f32 v35, v25;
	v46 =	vor.u32 v51, v14;
	v35 =	vld.idx.msk [tilespmem:v50+s18+$0x0], $0xffff  }
0x214: {  	v18 =	vadd.f32 v19, v18;
	v47 =	vor.u32 v51, v13;
	v19 =	vld.idx.msk [tilespmem:v55+s11+$0x0], $0xffff  }
0x215: {  	v51 =	vmul.f32 v31, v41;
	v31 =	vld.idx.msk [tilespmem:v63+s18+$0x0], $0xffff;
	v55 =	vor.u32 v48, v16  }
0x216: {  	v59 =	vmul.f32 v40, v22;
	v20 =	vmul.f32 v20, v24;
	v63 =	vld [tilespmem:$0x1FF50]  }
0x217: {  	v34 =	vmul.f32 v34, v24;
	v24 =	vmul.f32 v26, v24;
	v49 =	vor.u32 s31, v48;
	v30 =	vld.idx.msk [tilespmem:v57+s18+$0x0], $0xffff  }
0x218: {  	v20 =	vadd.f32 v20, v25;
	v50 =	vor.u32 v48, v17;
	v25 =	vld.idx.msk [tilespmem:v46+s18+$0x0], $0xffff  }
0x219: {  	v21 =	vadd.f32 v59, v21;
	v18 =	vadd.f32 v24, v18;
	v59 =	vor.u32 v48, v13;
	v24 =	vld.idx.msk [tilespmem:v47+s18+$0x0], $0xffff  }
0x21a: {  	v0 =	vadd.f32 v45, v0;
	v23 =	vmul.f32 v23, v41;
	v57 =	vor.u32 v48, v14;
	v46 =	vld.idx.msk [tilespmem:v55+s18+$0x0], $0xffff  }
0x21b: {  	v29 =	vmul.f32 v29, v41;
	v36 =	vmul.f32 v36, v41;
	v44 =	vor.u32 s31, v63;
	v55 =	vld [tilespmem:$0x1FF80]  }
0x21c: {  	v27 =	vmul.f32 v27, v28;
	v21 =	vadd.f32 v34, v21;
	v22 =	vld.idx.msk [tilespmem:v49+s11+$0x0], $0xffff;
	v45 =	vor.u32 v63, v17  }
0x21d: {  	v32 =	vmul.f32 v32, v28;
	v0 =	vadd.f32 v51, v0;
	v38 =	vld.idx.msk [tilespmem:v50+s18+$0x0], $0xffff;
	v47 =	vor.u32 v63, v16  }
0x21e: {  	v20 =	vadd.f32 v29, v20;
	v21 =	vadd.f32 v23, v21;
	v26 =	vld.idx.msk [tilespmem:v59+s18+$0x0], $0xffff;
	v49 =	vor.u32 v63, v14  }
0x21f: {  	v18 =	vadd.f32 v36, v18;
	v33 =	vmul.f32 v33, v28;
	v48 =	vld.idx.msk [tilespmem:v57+s18+$0x0], $0xffff;
	v50 =	vor.u32 v63, v13  }
0x220: {  	v0 =	vadd.f32 v27, v0;
	v28 =	vmul.f32 v35, v28;
	v51 =	vld.idx.msk [tilespmem:v44+s11+$0x0], $0xffff;
	v57 =	vor.u32 s31, v55  }
0x221: {  	v21 =	vadd.f32 v32, v21;
	v20 =	vadd.f32 v33, v20;
	v59 =	vld.idx.msk [tilespmem:v45+s18+$0x0], $0xffff;
	v17 =	vor.u32 v55, v17  }
0x222: {  	v18 =	vadd.f32 v28, v18;
	v30 =	vmul.f32 v30, v19;
	v63 =	vld.idx.msk [tilespmem:v47+s18+$0x0], $0xffff;
	v16 =	vor.u32 v55, v16  }
0x223: {  	v33 =	vmul.f32 v31, v19;
	v25 =	vmul.f32 v25, v19;
	v39 =	vld.idx.msk [tilespmem:v49+s18+$0x0], $0xffff;
	v14 =	vor.u32 v55, v14  }
0x224: {  	v19 =	vmul.f32 v24, v19;
	v0 =	vadd.f32 v30, v0;
	v42 =	vld.idx.msk [tilespmem:v50+s18+$0x0], $0xffff;
	v13 =	vor.u32 v55, v13  }
0x225: {  	v41 =	vmul.f32 v38, v22;
	v21 =	vadd.f32 v33, v21;
	v23 =	vmul.f32 v46, v22;
	v43 =	vld.idx.msk [tilespmem:v57+s11+$0x0], $0xffff  }
0x226: {  	v20 =	vadd.f32 v25, v20;
	v18 =	vadd.f32 v19, v18;
	v44 =	vmul.f32 v48, v22;
	v17 =	vld.idx.msk [tilespmem:v17+s18+$0x0], $0xffff  }
0x227: {  	v0 =	vadd.f32 v41, v0;
	v22 =	vmul.f32 v26, v22;
	v21 =	vadd.f32 v23, v21;
	v16 =	vld.idx.msk [tilespmem:v16+s18+$0x0], $0xffff  }
0x228: {  	v19 =	vadd.f32 v44, v20;
	v45 =	vmul.f32 v59, v51;
	v46 =	vmul.f32 v63, v51;
	v48 =	vld.idx.msk [tilespmem:v14+s18+$0x0], $0xffff  }
0x229: {  	v18 =	vadd.f32 v22, v18;
	v47 =	vmul.f32 v39, v51;
	v49 =	vld.idx.msk [tilespmem:v13+s18+$0x0], $0xffff;
	v50 =	vmul.f32 v42, v51  }
0x22a: {  	v51 =	vadd.s32 s28, v1;
	v13 =	vor.u32 $0x20, v56;
	v14 =	vor.u32 $0x30, v56  }
0x22b: {  	v55 =	vadd.s32 s28, v13;
	v0 =	vadd.f32 v45, v0;
	v17 =	vmul.f32 v17, v43  }
0x22c: {  	v59 =	vadd.s32 s28, v14;
	v20 =	vadd.f32 v46, v21;
	v16 =	vmul.f32 v16, v43  }
0x22d: {  	p0 =	sne.s32 s30, $0xF;
	v19 =	vadd.f32 v47, v19;
	v57 =	vmul.f32 v48, v43;
	v0 =	vadd.f32 v17, v0  }
.Ltmp2:
0x22e: {  	v18 =	vadd.f32 v50, v18;
	v63 =	vmul.f32 v49, v43;
	v16 =	vadd.f32 v16, v20;
	(pc) =	sbr.rel @p0 .LBB2_3-.Ltmp2, $4  }
0x22f: {  	v17 =	vadd.f32 v57, v19;
	[tilespmem:v15+s22+$0x0] =	vst.idx.msk $0xffff, v0  }
0x230: {  	v52 =	vld [tilespmem:$0x1FE30];
	v0 =	vadd.f32 v63, v18;
	[tilespmem:v51+s22+$0x0] =	vst.idx.msk $0xffff, v16  }
0x231: {  	v53 =	vld [tilespmem:$0x1FE40];
	[tilespmem:v55+s22+$0x0] =	vst.idx.msk $0xffff, v17  }
0x232: {  	s30 =	sadd.s32 $0x1, s30;
	v54 =	vld [tilespmem:$0x1FE80];
	s28 =	sadd.s32 $0x32, s28;
	[tilespmem:v59+s22+$0x0] =	vst.idx.msk $0x3, v0  }
0x233: {  	s28 =	smul.u32 $0x32, s26;
	_ =	sdelay $0x1  }
0x234: {  	s28 =	sshrl.u32 s28, $0x3  }
0x235: {  	p0 =	seq.s32 s24, $0xF;
	s28 =	sadd.s32 s3, s28  }
0x236: {  	[hbm4b:s28+s5] =	stream.linear.scatter [tilespmem:s22], [sflag:$0x3], $0x320, $0x38;
	[tilespmem:$0xD770] =	vst v63  }
0x237: {  	s28 =	sadd.s32 @!p0 s25, s13  }
0x238: {  	s28 =	smul.u32 @!p0 $0x32, s28  }
0x239: {  	_ =	swait.ge [sflag:s16], $0x320  }
0x23a: {  	[sflag:s16] =	ssyncset.done $0x0;
	s28 =	sshrl.u32 @!p0 s28, $0x3  }
0x23b: {  	s30 =	simm.s32 @!p0 $0x0;
	[sflag:s16] =	ssyncadd.s32 $0xFFFFFCE0;
	s28 =	sadd.s32 @!p0 s0, s28  }
0x23c: {  	[tilespmem:s30], [sflag:$0x3] =	stream.linear.gather @!p0 [hbm4b:s28+s30], $0x320, $0x38;
	[tilespmem:$0xD770] =	vst v63  }
0x23d: {  	s28 =	simm.s32 @!p0 $0x3  }
0x23e: {  	_ =	swait.ge @!p0 [sflag:s28], $0x320  }
0x23f: {  	[sflag:s28] =	ssyncset.done @!p0 $0x0  }
0x240: {  	s31 =	simm.s32 @!p0 $0x640;
	[sflag:s28] =	ssyncadd.s32 @!p0 $0xFFFFFCE0;
	s28 =	simm.s32 @!p0 $0x80  }
0x241: {  	[tilespmem:s31], [sflag:$0x1] =	stream.indirect.gather @!p0 [hbm4b:s6+s28], $0x20, s30, s28, $0xb8;
	[tilespmem:$0xD770] =	vst v63  }
0x242: {  	s30 =	simm.s32 @!p0 $0x1640  }
0x243: {  	[tilespmem:s30], [sflag:$0x1] =	stream.indirect.gather @!p0 [hbm4b:s6+s28], $0x20, s28, s28, $0xb8;
	[tilespmem:$0xD770] =	vst v63  }
0x244: {  	s31 =	simm.s32 @!p0 $0x2640;
	s30 =	simm.s32 @!p0 $0x100  }
0x245: {  	[tilespmem:s31], [sflag:$0x1] =	stream.indirect.gather @!p0 [hbm4b:s6+s28], $0x20, s30, s28, $0xb8;
	[tilespmem:$0xD770] =	vst v63  }
0x246: {  	s30 =	simm.s32 @!p0 $0x180;
	s31 =	simm.s32 @!p0 $0x3640  }
0x247: {  	[tilespmem:s31], [sflag:$0x1] =	stream.indirect.gather @!p0 [hbm4b:s6+s28], $0x20, s30, s28, $0xb8;
	[tilespmem:$0xD770] =	vst v63  }
0x248: {  	s30 =	simm.s32 @!p0 $0x200;
	s31 =	simm.s32 @!p0 $0x4640  }
0x249: {  	[tilespmem:s31], [sflag:$0x1] =	stream.indirect.gather @!p0 [hbm4b:s6+s28], $0x20, s30, s28, $0xb8;
	[tilespmem:$0xD770] =	vst v63  }
0x24a: {  	s30 =	simm.s32 @!p0 $0x280;
	s31 =	simm.s32 @!p0 $0x5640  }
0x24b: {  	[tilespmem:s31], [sflag:$0x1] =	stream.indirect.gather @!p0 [hbm4b:s6+s28], $0x20, s30, s28, $0xb8;
	[tilespmem:$0xD770] =	vst v63  }
0x24c: {  	s28 =	simm.s32 @!p0 $0x20;
	s30 =	simm.s32 @!p0 $0x300;
	s31 =	simm.s32 @!p0 $0x6640  }
0x24d: {  	[tilespmem:s31], [sflag:$0x1] =	stream.indirect.gather @!p0 [hbm4b:s6+s28], $0x20, s30, s28, $0xb8;
	[tilespmem:$0xD770] =	vst v63  }
0x24e: {  	_ =	swait.ge [sflag:s23], $0x1000  }
0x24f: {  	[sflag:s23] =	ssyncset.done $0x0  }
0x250: {  	[sflag:s23] =	ssyncadd.s32 $0xFFFFF000  }
0x251: {  	_ =	swait.ge [sflag:s23], $0x1000  }
0x252: {  	[sflag:s23] =	ssyncset.done $0x0  }
0x253: {  	[sflag:s23] =	ssyncadd.s32 $0xFFFFF000  }
0x254: {  	_ =	swait.ge [sflag:s23], $0x1000  }
0x255: {  	[sflag:s23] =	ssyncset.done $0x0  }
0x256: {  	[sflag:s23] =	ssyncadd.s32 $0xFFFFF000  }
0x257: {  	_ =	swait.ge [sflag:s23], $0x1000  }
0x258: {  	[sflag:s23] =	ssyncset.done $0x0  }
0x259: {  	[sflag:s23] =	ssyncadd.s32 $0xFFFFF000  }
0x25a: {  	_ =	swait.ge [sflag:s23], $0x1000  }
0x25b: {  	[sflag:s23] =	ssyncset.done $0x0  }
0x25c: {  	[sflag:s23] =	ssyncadd.s32 $0xFFFFF000  }
0x25d: {  	_ =	swait.ge [sflag:s23], $0x1000  }
0x25e: {  	[sflag:s23] =	ssyncset.done $0x0  }
0x25f: {  	s26 =	sor.u32 $0x10, s26;
	[sflag:s23] =	ssyncadd.s32 $0xFFFFF000  }
0x260: {  	s28 =	sshll.u32 s26, $0x2;
	_ =	swait.ge [sflag:s23], $0x400  }
0x261: {  	s30 =	sand.u32 $0x1FFFFFC0, s28;
	[sflag:s23] =	ssyncset.done $0x0  }
0x262: {  	s28 =	simm.s32 $0x0;
	s31 =	sadd.s32 s7, s30;
	[sflag:s23] =	ssyncadd.s32 $0xFFFFFC00  }
0x263: {  	[tilespmem:s11], [sflag:$0x3] =	stream.linear.gather [hbm4b:s31+s28], $0x200, $0x38;
	[tilespmem:$0xD770] =	vst v63  }
0x264: {  	_ =	swait.ge [sflag:s16], $0x200  }
0x265: {  	[sflag:s16] =	ssyncset.done $0x0  }
0x266: {  	s31 =	sadd.s32 s8, s30;
	[sflag:s16] =	ssyncadd.s32 $0xFFFFFE00  }
0x267: {  	[tilespmem:s19], [sflag:$0x3] =	stream.linear.gather [hbm4b:s31+s28], $0x200, $0x38;
	[tilespmem:$0xD770] =	vst v63  }
0x268: {  	_ =	swait.ge [sflag:s16], $0x200  }
0x269: {  	[sflag:s16] =	ssyncset.done $0x0  }
0x26a: {  	s30 =	sadd.s32 s9, s30;
	[sflag:s16] =	ssyncadd.s32 $0xFFFFFE00  }
0x26b: {  	[tilespmem:s20], [sflag:$0x3] =	stream.linear.gather [hbm4b:s30+s28], $0x200, $0x38;
	[tilespmem:$0xD770] =	vst v63  }
0x26c: {  	_ =	swait.ge [sflag:s16], $0x200  }
0x26d: {  	v2 =	vld [tilespmem:$0x1FDC0];
	_ =	sdelay $0x5  }
0x26e: {  	[sflag:s16] =	ssyncset.done $0x0  }
0x26f: {  	[sflag:s16] =	ssyncadd.s32 $0xFFFFFE00  }
0x270: {  	v0 =	vld.idx.msk [tilespmem:v2+s11+$0x0], $0xffff  }
0x271: {  	v15 =	vld.idx.msk [tilespmem:v2+s19+$0x0], $0xffff  }
0x272: {  	v16 =	vld.idx.msk [tilespmem:v2+s20+$0x0], $0xffff  }
0x273: {  	v2 =	vld [tilespmem:$0x1FDD0];
	_ =	sdelay $0x7  }
0x274: {  	v17 =	vld.idx.msk [tilespmem:v2+s11+$0x0], $0xffff  }
0x275: {  	v18 =	vld.idx.msk [tilespmem:v2+s19+$0x0], $0xffff  }
0x276: {  	v19 =	vld.idx.msk [tilespmem:v2+s20+$0x0], $0xffff  }
0x277: {  	v2 =	vld [tilespmem:$0x1FDE0];
	_ =	sdelay $0x7  }
0x278: {  	v20 =	vld.idx.msk [tilespmem:v2+s11+$0x0], $0xffff  }
0x279: {  	v21 =	vld.idx.msk [tilespmem:v2+s19+$0x0], $0xffff  }
0x27a: {  	v22 =	vld.idx.msk [tilespmem:v2+s20+$0x0], $0xffff  }
0x27b: {  	v2 =	vld [tilespmem:$0x1FDF0];
	_ =	sdelay $0x7  }
0x27c: {  	v23 =	vld.idx.msk [tilespmem:v2+s11+$0x0], $0xffff  }
0x27d: {  	v24 =	vld.idx.msk [tilespmem:v2+s19+$0x0], $0xffff  }
0x27e: {  	v25 =	vld.idx.msk [tilespmem:v2+s20+$0x0], $0xffff  }
0x27f: {  	v2 =	vld [tilespmem:$0x1FE00];
	_ =	sdelay $0x7  }
0x280: {  	v26 =	vld.idx.msk [tilespmem:v2+s11+$0x0], $0xffff  }
0x281: {  	v27 =	vld.idx.msk [tilespmem:v2+s19+$0x0], $0xffff  }
0x282: {  	v28 =	vld.idx.msk [tilespmem:v2+s20+$0x0], $0xffff  }
0x283: {  	v2 =	vld [tilespmem:$0x1FBA0];
	_ =	sdelay $0x7  }
0x284: {  	v29 =	vld.idx.msk [tilespmem:v2+s11+$0x0], $0xffff  }
0x285: {  	v30 =	vld.idx.msk [tilespmem:v2+s19+$0x0], $0xffff  }
0x286: {  	v31 =	vld.idx.msk [tilespmem:v2+s20+$0x0], $0xffff  }
0x287: {  	v2 =	vld [tilespmem:$0x1FBB0];
	_ =	sdelay $0x7  }
0x288: {  	v32 =	vld.idx.msk [tilespmem:v2+s11+$0x0], $0xffff  }
0x289: {  	v33 =	vld.idx.msk [tilespmem:v2+s19+$0x0], $0xffff  }
0x28a: {  	v34 =	vld.idx.msk [tilespmem:v2+s20+$0x0], $0xffff  }
0x28b: {  	v2 =	vld [tilespmem:$0x1FBC0];
	_ =	sdelay $0x7  }
0x28c: {  	v35 =	vld.idx.msk [tilespmem:v2+s11+$0x0], $0xffff  }
0x28d: {  	v36 =	vld.idx.msk [tilespmem:v2+s19+$0x0], $0xffff  }
0x28e: {  	v37 =	vld.idx.msk [tilespmem:v2+s20+$0x0], $0xffff  }
0x28f: {  	v2 =	vld [tilespmem:$0x1FBD0];
	_ =	sdelay $0x7  }
0x290: {  	v38 =	vld.idx.msk [tilespmem:v2+s11+$0x0], $0xffff  }
0x291: {  	v39 =	vld.idx.msk [tilespmem:v2+s19+$0x0], $0xffff  }
0x292: {  	v40 =	vld.idx.msk [tilespmem:v2+s20+$0x0], $0xffff  }
0x293: {  	v2 =	vld [tilespmem:$0x1FBE0];
	_ =	sdelay $0x7  }
0x294: {  	v41 =	vld.idx.msk [tilespmem:v2+s11+$0x0], $0xffff  }
0x295: {  	v42 =	vld.idx.msk [tilespmem:v2+s19+$0x0], $0xffff  }
0x296: {  	v43 =	vld.idx.msk [tilespmem:v2+s20+$0x0], $0xffff  }
0x297: {  	v2 =	vld [tilespmem:$0x1FBF0];
	_ =	sdelay $0x7  }
0x298: {  	v44 =	vld.idx.msk [tilespmem:v2+s11+$0x0], $0xffff  }
0x299: {  	v45 =	vld.idx.msk [tilespmem:v2+s19+$0x0], $0xffff  }
0x29a: {  	v46 =	vld.idx.msk [tilespmem:v2+s20+$0x0], $0xffff  }
0x29b: {  	v2 =	vld [tilespmem:$0x1FC00];
	_ =	sdelay $0x7  }
0x29c: {  	v47 =	vld.idx.msk [tilespmem:v2+s11+$0x0], $0xffff  }
0x29d: {  	v48 =	vld.idx.msk [tilespmem:v2+s19+$0x0], $0xffff  }
0x29e: {  	v49 =	vld.idx.msk [tilespmem:v2+s20+$0x0], $0xffff  }
0x29f: {  	v2 =	vld [tilespmem:$0x1FC10];
	_ =	sdelay $0x7  }
0x2a0: {  	v50 =	vld.idx.msk [tilespmem:v2+s11+$0x0], $0xffff  }
0x2a1: {  	v15 =	vadd.f32 v16, v15;
	v16 =	vld.idx.msk [tilespmem:v2+s19+$0x0], $0xffff  }
0x2a2: {  	v51 =	vld.idx.msk [tilespmem:v2+s20+$0x0], $0xffff  }
0x2a3: {  	v2 =	vld [tilespmem:$0x1FC20];
	_ =	sdelay $0x7  }
0x2a4: {  	v0 =	vmul.f32 v15, v0;
	v15 =	vadd.f32 v19, v18;
	v18 =	vld.idx.msk [tilespmem:v2+s11+$0x0], $0xffff  }
0x2a5: {  	v19 =	vld.idx.msk [tilespmem:v2+s19+$0x0], $0xffff  }
0x2a6: {  	v60 =	vadd.f32 v22, v21;
	v21 =	vld.idx.msk [tilespmem:v2+s20+$0x0], $0xffff  }
0x2a7: {  	v2 =	vld [tilespmem:$0x1FC30];
	_ =	sdelay $0x7  }
0x2a8: {  	v22 =	vld.idx.msk [tilespmem:v2+s11+$0x0], $0xffff  }
0x2a9: {  	v62 =	vld.idx.msk [tilespmem:v2+s19+$0x0], $0xffff  }
0x2aa: {  	v63 =	vld.idx.msk [tilespmem:v2+s20+$0x0], $0xffff  }
0x2ab: {  	v2 =	vld [tilespmem:$0x1FC40];
	_ =	sdelay $0x3  }
0x2ac: {  	v0 =	vadd.f32 $0.0e+00, v0;
	v15 =	vmul.f32 v15, v17;
	_ =	sdelay $0x1  }
0x2ad: {  	v0 =	vadd.f32 v15, v0;
	v15 =	vmul.f32 v60, v20;
	v61 =	vadd.f32 v25, v24;
	_ =	sdelay $0x1  }
0x2ae: {  	v0 =	vadd.f32 v15, v0;
	v15 =	vmul.f32 v61, v23;
	v28 =	vadd.f32 v28, v27;
	v23 =	vld.idx.msk [tilespmem:v2+s11+$0x0], $0xffff  }
0x2af: {  	v25 =	vld.idx.msk [tilespmem:v2+s19+$0x0], $0xffff  }
0x2b0: {  	v0 =	vadd.f32 v15, v0;
	v15 =	vmul.f32 v28, v26;
	v26 =	vld.idx.msk [tilespmem:v2+s20+$0x0], $0xffff  }
0x2b1: {  	v2 =	vld [tilespmem:$0x1FC50];
	_ =	sdelay $0x7  }
0x2b2: {  	v31 =	vadd.f32 v31, v30;
	v27 =	vld.idx.msk [tilespmem:v2+s11+$0x0], $0xffff  }
0x2b3: {  	v28 =	vld.idx.msk [tilespmem:v2+s19+$0x0], $0xffff  }
0x2b4: {  	v0 =	vadd.f32 v15, v0;
	v15 =	vmul.f32 v31, v29;
	v29 =	vld.idx.msk [tilespmem:v2+s20+$0x0], $0xffff  }
0x2b5: {  	v2 =	vld [tilespmem:$0x1FC60];
	_ =	sdelay $0x7  }
0x2b6: {  	v34 =	vadd.f32 v34, v33;
	v30 =	vld.idx.msk [tilespmem:v2+s11+$0x0], $0xffff  }
0x2b7: {  	v31 =	vld.idx.msk [tilespmem:v2+s19+$0x0], $0xffff  }
0x2b8: {  	v0 =	vadd.f32 v15, v0;
	v15 =	vmul.f32 v34, v32;
	v32 =	vld.idx.msk [tilespmem:v2+s20+$0x0], $0xffff  }
0x2b9: {  	v2 =	vld [tilespmem:$0x1FC70];
	_ =	sdelay $0x7  }
0x2ba: {  	v37 =	vadd.f32 v37, v36;
	v33 =	vld.idx.msk [tilespmem:v2+s11+$0x0], $0xffff  }
0x2bb: {  	v34 =	vld.idx.msk [tilespmem:v2+s19+$0x0], $0xffff  }
0x2bc: {  	v0 =	vadd.f32 v15, v0;
	v15 =	vmul.f32 v37, v35;
	v35 =	vld.idx.msk [tilespmem:v2+s20+$0x0], $0xffff  }
0x2bd: {  	v2 =	vld [tilespmem:$0x1FC80];
	_ =	sdelay $0x7  }
0x2be: {  	v36 =	vld.idx.msk [tilespmem:v2+s11+$0x0], $0xffff  }
0x2bf: {  	v57 =	vld.idx.msk [tilespmem:v2+s19+$0x0], $0xffff  }
0x2c0: {  	v59 =	vld.idx.msk [tilespmem:v2+s20+$0x0], $0xffff  }
0x2c1: {  	v2 =	vld [tilespmem:$0x1FC90];
	_ =	sdelay $0x7  }
0x2c2: {  	v40 =	vadd.f32 v40, v39;
	v39 =	vld.idx.msk [tilespmem:v2+s11+$0x0], $0xffff  }
0x2c3: {  	v17 =	vld.idx.msk [tilespmem:v2+s19+$0x0], $0xffff  }
0x2c4: {  	v60 =	vld.idx.msk [tilespmem:v2+s20+$0x0], $0xffff  }
0x2c5: {  	v2 =	vld [tilespmem:$0x1FCA0];
	_ =	sdelay $0x7  }
0x2c6: {  	v61 =	vadd.f32 v21, v19;
	v19 =	vld.idx.msk [tilespmem:v2+s11+$0x0], $0xffff  }
0x2c7: {  	v21 =	vld.idx.msk [tilespmem:v2+s19+$0x0], $0xffff  }
0x2c8: {  	v62 =	vadd.f32 v63, v62;
	v63 =	vld.idx.msk [tilespmem:v2+s20+$0x0], $0xffff  }
0x2c9: {  	v2 =	vld [tilespmem:$0x1FCB0];
	_ =	sdelay $0x7  }
0x2ca: {  	v0 =	vadd.f32 v15, v0;
	v15 =	vmul.f32 v40, v38;
	v43 =	vadd.f32 v43, v42;
	v20 =	vld.idx.msk [tilespmem:v2+s11+$0x0], $0xffff  }
0x2cb: {  	v42 =	vld.idx.msk [tilespmem:v2+s19+$0x0], $0xffff  }
0x2cc: {  	v0 =	vadd.f32 v15, v0;
	v15 =	vmul.f32 v43, v41;
	v43 =	vld.idx.msk [tilespmem:v2+s20+$0x0], $0xffff  }
0x2cd: {  	v2 =	vld [tilespmem:$0x1FCC0];
	_ =	sdelay $0x7  }
0x2ce: {  	v55 =	vadd.f32 v46, v45;
	v45 =	vld.idx.msk [tilespmem:v2+s11+$0x0], $0xffff  }
0x2cf: {  	v46 =	vld.idx.msk [tilespmem:v2+s19+$0x0], $0xffff  }
0x2d0: {  	v58 =	vadd.f32 v49, v48;
	v48 =	vld.idx.msk [tilespmem:v2+s20+$0x0], $0xffff  }
0x2d1: {  	v2 =	vld [tilespmem:$0x1FCD0];
	_ =	sdelay $0x7  }
0x2d2: {  	v49 =	vld.idx.msk [tilespmem:v2+s11+$0x0], $0xffff  }
0x2d3: {  	v16 =	vadd.f32 v51, v16;
	v51 =	vld.idx.msk [tilespmem:v2+s19+$0x0], $0xffff  }
0x2d4: {  	v0 =	vadd.f32 v15, v0;
	v15 =	vmul.f32 v55, v44;
	v55 =	vld.idx.msk [tilespmem:v2+s20+$0x0], $0xffff  }
0x2d5: {  	v2 =	vld [tilespmem:$0x1FCE0];
	_ =	sdelay $0x5  }
0x2d6: {  	v0 =	vadd.f32 v15, v0;
	v15 =	vmul.f32 v58, v47;
	_ =	sdelay $0x1  }
0x2d7: {  	v0 =	vadd.f32 v15, v0;
	v15 =	vmul.f32 v16, v50;
	v58 =	vld.idx.msk [tilespmem:v2+s11+$0x0], $0xffff  }
0x2d8: {  	v57 =	vadd.f32 v59, v57;
	v59 =	vld.idx.msk [tilespmem:v2+s19+$0x0], $0xffff  }
0x2d9: {  	v0 =	vadd.f32 v15, v0;
	v15 =	vmul.f32 v61, v18;
	v61 =	vld.idx.msk [tilespmem:v2+s20+$0x0], $0xffff  }
0x2da: {  	v2 =	vld [tilespmem:$0x1FCF0]  }
0x2db: {  	v0 =	vadd.f32 v15, v0;
	v15 =	vmul.f32 v62, v22;
	v41 =	vadd.f32 v26, v25;
	_ =	sdelay $0x1  }
0x2dc: {  	v0 =	vadd.f32 v15, v0;
	v15 =	vmul.f32 v41, v23;
	v44 =	vadd.f32 v29, v28;
	_ =	sdelay $0x1  }
0x2dd: {  	v0 =	vadd.f32 v15, v0;
	v15 =	vmul.f32 v44, v27;
	v47 =	vadd.f32 v32, v31;
	_ =	sdelay $0x1  }
0x2de: {  	v0 =	vadd.f32 v15, v0;
	v15 =	vmul.f32 v47, v30;
	v50 =	vadd.f32 v35, v34  }
0x2df: {  	v62 =	vld.idx.msk [tilespmem:v2+s11+$0x0], $0xffff  }
0x2e0: {  	v0 =	vadd.f32 v15, v0;
	v15 =	vmul.f32 v50, v33;
	v33 =	vld.idx.msk [tilespmem:v2+s19+$0x0], $0xffff  }
0x2e1: {  	v34 =	vld.idx.msk [tilespmem:v2+s20+$0x0], $0xffff  }
0x2e2: {  	v2 =	vld [tilespmem:$0x1FD00];
	_ =	sdelay $0x7  }
0x2e3: {  	v0 =	vadd.f32 v15, v0;
	v15 =	vmul.f32 v57, v36;
	v60 =	vadd.f32 v60, v17;
	v36 =	vld.idx.msk [tilespmem:v2+s11+$0x0], $0xffff  }
0x2e4: {  	v37 =	vld.idx.msk [tilespmem:v2+s19+$0x0], $0xffff  }
0x2e5: {  	v0 =	vadd.f32 v15, v0;
	v15 =	vmul.f32 v60, v39;
	v39 =	vld.idx.msk [tilespmem:v2+s20+$0x0], $0xffff  }
0x2e6: {  	v2 =	vld [tilespmem:$0x1FD10];
	_ =	sdelay $0x7  }
0x2e7: {  	v40 =	vld.idx.msk [tilespmem:v2+s11+$0x0], $0xffff  }
0x2e8: {  	v35 =	vadd.f32 v43, v42;
	v42 =	vld.idx.msk [tilespmem:v2+s19+$0x0], $0xffff  }
0x2e9: {  	v43 =	vld.idx.msk [tilespmem:v2+s20+$0x0], $0xffff  }
0x2ea: {  	v2 =	vld [tilespmem:$0x1FD20];
	_ =	sdelay $0x1  }
0x2eb: {  	v63 =	vadd.f32 v63, v21;
	_ =	sdelay $0x1  }
0x2ec: {  	v0 =	vadd.f32 v15, v0;
	v15 =	vmul.f32 v63, v19;
	_ =	sdelay $0x1  }
0x2ed: {  	v0 =	vadd.f32 v15, v0;
	v15 =	vmul.f32 v35, v20;
	v38 =	vadd.f32 v48, v46;
	_ =	sdelay $0x1  }
0x2ee: {  	v0 =	vadd.f32 v15, v0;
	v15 =	vmul.f32 v38, v45;
	v45 =	vld.idx.msk [tilespmem:v2+s11+$0x0], $0xffff  }
0x2ef: {  	v46 =	vld.idx.msk [tilespmem:v2+s19+$0x0], $0xffff  }
0x2f0: {  	v48 =	vld.idx.msk [tilespmem:v2+s20+$0x0], $0xffff  }
0x2f1: {  	v2 =	vld [tilespmem:$0x1FD30];
	_ =	sdelay $0x5  }
0x2f2: {  	v41 =	vadd.f32 v55, v51;
	_ =	sdelay $0x1  }
0x2f3: {  	v0 =	vadd.f32 v15, v0;
	v15 =	vmul.f32 v41, v49;
	v49 =	vld.idx.msk [tilespmem:v2+s11+$0x0], $0xffff  }
0x2f4: {  	v51 =	vld.idx.msk [tilespmem:v2+s19+$0x0], $0xffff  }
0x2f5: {  	v55 =	vld.idx.msk [tilespmem:v2+s20+$0x0], $0xffff  }
0x2f6: {  	v2 =	vld [tilespmem:$0x1FD40];
	_ =	sdelay $0x1  }
0x2f7: {  	v44 =	vadd.f32 v61, v59;
	_ =	sdelay $0x1  }
0x2f8: {  	v0 =	vadd.f32 v15, v0;
	v15 =	vmul.f32 v44, v58;
	v47 =	vadd.f32 v34, v33;
	_ =	sdelay $0x1  }
0x2f9: {  	v0 =	vadd.f32 v15, v0;
	v15 =	vmul.f32 v47, v62;
	v50 =	vadd.f32 v39, v37;
	_ =	sdelay $0x1  }
0x2fa: {  	v0 =	vadd.f32 v15, v0;
	v15 =	vmul.f32 v50, v36;
	v57 =	vadd.f32 v43, v42;
	v58 =	vld.idx.msk [tilespmem:v2+s19+$0x0], $0xffff  }
0x2fb: {  	v59 =	vld.idx.msk [tilespmem:v2+s20+$0x0], $0xffff  }
0x2fc: {  	v0 =	vadd.f32 v15, v0;
	v15 =	vmul.f32 v57, v40;
	v60 =	vadd.f32 v48, v46  }
0x2fd: {  	v61 =	vld.idx.msk [tilespmem:v2+s11+$0x0], $0xffff  }
0x2fe: {  	v0 =	vadd.f32 v15, v0;
	v15 =	vmul.f32 v60, v45;
	v62 =	vadd.f32 v55, v51;
	_ =	sdelay $0x1  }
0x2ff: {  	v0 =	vadd.f32 v15, v0;
	v15 =	vmul.f32 v62, v49;
	v63 =	vadd.f32 v59, v58;
	_ =	sdelay $0x1  }
0x300: {  	v0 =	vadd.f32 v15, v0;
	v15 =	vmul.f32 v63, v61;
	_ =	sdelay $0x1  }
0x301: {  	v0 =	vadd.f32 v15, v0  }
0x302: {  	s30 =	sshrl.u32 s26, $0x3  }
0x303: {  	s30 =	sadd.s32 s1, s30;
	[tilespmem:$0xD440] =	vst v0  }
0x304: {  	[hbm4b:s30+s28] =	stream.linear.scatter [tilespmem:s21], [sflag:$0x3], $0x10, $0x38;
	[tilespmem:$0xD770] =	vst v63  }
0x305: {  	_ =	swait.ge [sflag:s16], $0x10  }
0x306: {  	[sflag:s16] =	ssyncset.done $0x0;
	[tilespmem:$0x1FB80] =	vst v13  }
0x307: {  	s30 =	simm.s32 $0x0;
	[tilespmem:$0x1FB90] =	vst v14;
	[sflag:s16] =	ssyncadd.s32 $0xFFFFFFF0  }
.LBB2_5:
0x308: {  	s31 =	sadd.s32 $0x10, s28  }
0x309: {  	v15 =	vadd.s32 s28, v56;
	v0 =	vadd.s32 s31, v56;
	s31 =	sadd.s32 $0x20, s28  }
0x30a: {  	vm1 =	vlt.s32 v15, $0x31F;
	v17 =	vadd.s32 s31, v56;
	s31 =	sadd.s32 $0x30, s28  }
0x30b: {  	v16 =	vnsel vm1, $0x31F, v15;
	v20 =	vadd.s32 s31, v56;
	s31 =	sshll.u32 s30, $0x5  }
0x30c: {  	v19 =	vshll.u32 v16, $0x5;
	v21 =	vor.u32 s31, v56  }
0x30d: {  	v22 =	vor.u32 v56, v19  }
0x30e: {  	v24 =	vor.u32 s31, v3  }
0x30f: {  	v49 =	vor.u32 v3, v19  }
0x310: {  	v2 =	vld [tilespmem:$0x1FF70];
	v29 =	vor.u32 s31, v4  }
0x311: {  	v51 =	vor.u32 v4, v19;
	v21 =	vld.idx.msk [tilespmem:v21+s11+$0x0], $0xffff  }
0x312: {  	v34 =	vor.u32 s31, v52;
	v25 =	vld.idx.msk [tilespmem:v22+s4+$0x0], $0xffff  }
0x313: {  	vm1 =	vlt.s32 v0, $0x31F;
	v39 =	vor.u32 s31, v53;
	v24 =	vld.idx.msk [tilespmem:v24+s11+$0x0], $0xffff  }
0x314: {  	v0 =	vnsel vm1, $0x31F, v0;
	v58 =	vor.u32 v53, v19;
	v30 =	vld.idx.msk [tilespmem:v49+s4+$0x0], $0xffff  }
0x315: {  	v18 =	vshll.u32 v0, $0x5;
	v44 =	vor.u32 s31, v54;
	v29 =	vld.idx.msk [tilespmem:v29+s11+$0x0], $0xffff  }
0x316: {  	v48 =	vor.u32 v56, v18;
	v35 =	vld.idx.msk [tilespmem:v51+s4+$0x0], $0xffff  }
0x317: {  	v50 =	vor.u32 v3, v18;
	v34 =	vld.idx.msk [tilespmem:v34+s11+$0x0], $0xffff  }
0x318: {  	v55 =	vor.u32 v4, v18;
	v39 =	vld.idx.msk [tilespmem:v39+s11+$0x0], $0xffff  }
0x319: {  	v57 =	vor.u32 v52, v18;
	v45 =	vld.idx.msk [tilespmem:v58+s4+$0x0], $0xffff  }
0x31a: {  	v59 =	vor.u32 v53, v18;
	v44 =	vld.idx.msk [tilespmem:v44+s11+$0x0], $0xffff  }
0x31b: {  	v60 =	vor.u32 v54, v19;
	v26 =	vld.idx.msk [tilespmem:v48+s4+$0x0], $0xffff  }
0x31c: {  	v61 =	vor.u32 v54, v18;
	v31 =	vld.idx.msk [tilespmem:v50+s4+$0x0], $0xffff  }
0x31d: {  	vm1 =	vlt.s32 v17, $0x31F;
	v62 =	vor.u32 v7, v19;
	v36 =	vld.idx.msk [tilespmem:v55+s4+$0x0], $0xffff  }
0x31e: {  	v17 =	vnsel vm1, $0x31F, v17;
	v63 =	vor.u32 v7, v18;
	v41 =	vld.idx.msk [tilespmem:v57+s4+$0x0], $0xffff  }
0x31f: {  	vm1 =	vlt.s32 v20, $0x31F;
	v17 =	vshll.u32 v17, $0x5;
	v46 =	vld.idx.msk [tilespmem:v59+s4+$0x0], $0xffff  }
0x320: {  	v0 =	vnsel vm1, $0x31F, v20;
	v23 =	vor.u32 v56, v17;
	v50 =	vld.idx.msk [tilespmem:v60+s4+$0x0], $0xffff  }
0x321: {  	v16 =	vshll.u32 v0, $0x5;
	v27 =	vor.u32 v3, v17;
	v32 =	vor.u32 v4, v17;
	v51 =	vld.idx.msk [tilespmem:v61+s4+$0x0], $0xffff  }
0x322: {  	v37 =	vor.u32 v52, v17;
	v42 =	vor.u32 v53, v17;
	v47 =	vor.u32 v54, v17;
	v55 =	vld.idx.msk [tilespmem:v62+s4+$0x0], $0xffff  }
0x323: {  	v48 =	vor.u32 v54, v16;
	v54 =	vor.u32 s31, v2;
	v59 =	vor.u32 v2, v19;
	v63 =	vld.idx.msk [tilespmem:v63+s4+$0x0], $0xffff  }
0x324: {  	v60 =	vor.u32 v2, v18;
	v61 =	vor.u32 v2, v17;
	v57 =	vor.u32 v2, v16;
	v2 =	vld [tilespmem:$0x1FF90]  }
0x325: {  	v23 =	vld.idx.msk [tilespmem:v23+s4+$0x0], $0xffff  }
0x326: {  	v0 =	vor.u32 v56, v16;
	v27 =	vld.idx.msk [tilespmem:v27+s4+$0x0], $0xffff  }
0x327: {  	v28 =	vor.u32 v3, v16;
	v32 =	vld.idx.msk [tilespmem:v32+s4+$0x0], $0xffff  }
0x328: {  	v33 =	vor.u32 v4, v16;
	v37 =	vld.idx.msk [tilespmem:v37+s4+$0x0], $0xffff  }
0x329: {  	v56 =	vor.u32 v52, v19;
	v42 =	vld.idx.msk [tilespmem:v42+s4+$0x0], $0xffff  }
0x32a: {  	v38 =	vor.u32 v52, v16;
	v47 =	vld.idx.msk [tilespmem:v47+s4+$0x0], $0xffff  }
0x32b: {  	v43 =	vor.u32 v53, v16;
	v0 =	vld.idx.msk [tilespmem:v0+s4+$0x0], $0xffff  }
0x32c: {  	v52 =	vor.u32 v7, v17;
	v28 =	vld.idx.msk [tilespmem:v28+s4+$0x0], $0xffff  }
0x32d: {  	v53 =	vor.u32 v7, v16;
	v33 =	vld.idx.msk [tilespmem:v33+s4+$0x0], $0xffff  }
0x32e: {  	v3 =	vor.u32 v5, v17;
	v40 =	vld.idx.msk [tilespmem:v56+s4+$0x0], $0xffff  }
0x32f: {  	v4 =	vor.u32 v5, v16;
	v38 =	vld.idx.msk [tilespmem:v38+s4+$0x0], $0xffff  }
0x330: {  	v49 =	vor.u32 s31, v7;
	v43 =	vld.idx.msk [tilespmem:v43+s4+$0x0], $0xffff  }
0x331: {  	v52 =	vld.idx.msk [tilespmem:v52+s4+$0x0], $0xffff  }
0x332: {  	v53 =	vld.idx.msk [tilespmem:v53+s4+$0x0], $0xffff  }
0x333: {  	v3 =	vld.idx.msk [tilespmem:v3+s4+$0x0], $0xffff  }
0x334: {  	v4 =	vld.idx.msk [tilespmem:v4+s4+$0x0], $0xffff  }
0x335: {  	v49 =	vld.idx.msk [tilespmem:v49+s11+$0x0], $0xffff  }
0x336: {  	v48 =	vld.idx.msk [tilespmem:v48+s4+$0x0], $0xffff  }
0x337: {  	v62 =	vor.u32 v5, v19;
	v25 =	vmul.f32 v25, v21;
	v30 =	vmul.f32 v30, v24;
	v22 =	vld.idx.msk [tilespmem:v54+s11+$0x0], $0xffff  }
0x338: {  	v54 =	vor.u32 s31, v2;
	v59 =	vld.idx.msk [tilespmem:v59+s4+$0x0], $0xffff;
	v13 =	vor.u32 v2, v19;
	v14 =	vor.u32 v2, v18  }
0x339: {  	v58 =	vld.idx.msk [tilespmem:v60+s4+$0x0], $0xffff;
	v60 =	vor.u32 v2, v17;
	v26 =	vmul.f32 v26, v21;
	v31 =	vmul.f32 v31, v24  }
0x33a: {  	v56 =	vld.idx.msk [tilespmem:v61+s4+$0x0], $0xffff;
	v61 =	vor.u32 v2, v16;
	v23 =	vmul.f32 v23, v21;
	v27 =	vmul.f32 v27, v24  }
0x33b: {  	v57 =	vld.idx.msk [tilespmem:v57+s4+$0x0], $0xffff;
	v2 =	vor.u32 v5, v18;
	v32 =	vmul.f32 v32, v29;
	v37 =	vmul.f32 v37, v34  }
0x33c: {  	v25 =	vadd.f32 $0.0e+00, v25;
	v42 =	vmul.f32 v42, v39;
	v24 =	vmul.f32 v28, v24;
	v28 =	vld.idx.msk [tilespmem:v62+s4+$0x0], $0xffff  }
0x33d: {  	v47 =	vmul.f32 v47, v44;
	v0 =	vmul.f32 v0, v21;
	v20 =	vld.idx.msk [tilespmem:v54+s11+$0x0], $0xffff;
	v54 =	vor.u32 s31, v5  }
0x33e: {  	v26 =	vadd.f32 $0.0e+00, v26;
	v62 =	vor.u32 v6, v19;
	v23 =	vadd.f32 $0.0e+00, v23;
	v13 =	vld.idx.msk [tilespmem:v13+s4+$0x0], $0xffff  }
0x33f: {  	v25 =	vadd.f32 v30, v25;
	v30 =	vor.u32 v6, v18;
	v0 =	vadd.f32 $0.0e+00, v0;
	v14 =	vld.idx.msk [tilespmem:v14+s4+$0x0], $0xffff  }
0x340: {  	v26 =	vadd.f32 v31, v26;
	v31 =	vmul.f32 v36, v29;
	v60 =	vld.idx.msk [tilespmem:v60+s4+$0x0], $0xffff;
	v23 =	vadd.f32 v27, v23  }
0x341: {  	v36 =	vor.u32 s31, v8;
	v61 =	vld.idx.msk [tilespmem:v61+s4+$0x0], $0xffff;
	v27 =	vmul.f32 v35, v29;
	v35 =	vor.u32 v6, v16  }
0x342: {  	v29 =	vmul.f32 v33, v29;
	v23 =	vadd.f32 v32, v23;
	v21 =	vld.idx.msk [tilespmem:v54+s11+$0x0], $0xffff;
	v54 =	vor.u32 s31, v6  }
0x343: {  	v2 =	vld.idx.msk [tilespmem:v2+s4+$0x0], $0xffff;
	v0 =	vadd.f32 v24, v0;
	v24 =	vor.u32 v6, v17;
	v26 =	vadd.f32 v31, v26  }
0x344: {  	v31 =	vor.u32 v8, v19;
	v25 =	vadd.f32 v27, v25;
	v27 =	vld.idx.msk [tilespmem:v62+s4+$0x0], $0xffff;
	v23 =	vadd.f32 v37, v23  }
0x345: {  	v62 =	vmul.f32 v40, v34;
	v40 =	vmul.f32 v50, v44;
	v0 =	vadd.f32 v29, v0;
	v29 =	vld.idx.msk [tilespmem:v30+s4+$0x0], $0xffff  }
0x346: {  	v30 =	vor.u32 v8, v18;
	v32 =	vld.idx.msk [tilespmem:v36+s11+$0x0], $0xffff;
	v37 =	vmul.f32 v45, v39;
	v23 =	vadd.f32 v42, v23  }
0x347: {  	v25 =	vadd.f32 v62, v25;
	v62 =	vmul.f32 v46, v39;
	v33 =	vld.idx.msk [tilespmem:v54+s11+$0x0], $0xffff;
	v54 =	vmul.f32 v41, v34  }
0x348: {  	v39 =	vmul.f32 v43, v39;
	v35 =	vld.idx.msk [tilespmem:v35+s4+$0x0], $0xffff;
	v13 =	vmul.f32 v13, v20;
	v23 =	vadd.f32 v47, v23  }
0x349: {  	v41 =	vor.u32 v8, v17;
	v34 =	vmul.f32 v38, v34;
	v26 =	vadd.f32 v54, v26;
	v54 =	vld [tilespmem:$0x1FDA0]  }
0x34a: {  	v24 =	vld.idx.msk [tilespmem:v24+s4+$0x0], $0xffff;
	v47 =	vmul.f32 v63, v49;
	v63 =	vmul.f32 v52, v49;
	v38 =	vor.u32 v8, v16  }
0x34b: {  	v14 =	vmul.f32 v14, v20;
	v31 =	vld.idx.msk [tilespmem:v31+s4+$0x0], $0xffff;
	v25 =	vadd.f32 v37, v25;
	v0 =	vadd.f32 v34, v0  }
0x34c: {  	v30 =	vld.idx.msk [tilespmem:v30+s4+$0x0], $0xffff;
	v23 =	vadd.f32 v63, v23;
	v63 =	vmul.f32 v56, v22;
	v26 =	vadd.f32 v62, v26  }
0x34d: {  	v56 =	vld [tilespmem:$0x1FFA0];
	v0 =	vadd.f32 v39, v0;
	v62 =	vmul.f32 v51, v44;
	v44 =	vmul.f32 v48, v44  }
0x34e: {  	v25 =	vadd.f32 v40, v25;
	v4 =	vmul.f32 v4, v21;
	v41 =	vld.idx.msk [tilespmem:v41+s4+$0x0], $0xffff;
	v36 =	vor.u32 s31, v54  }
0x34f: {  	v37 =	vld.idx.msk [tilespmem:v38+s4+$0x0], $0xffff;
	v26 =	vadd.f32 v62, v26;
	v0 =	vadd.f32 v44, v0;
	v34 =	vor.u32 v54, v19  }
0x350: {  	v44 =	vmul.f32 v55, v49;
	v62 =	vld [tilespmem:$0x1FF20];
	v49 =	vmul.f32 v53, v49;
	v45 =	vor.u32 v54, v18  }
0x351: {  	v23 =	vadd.f32 v63, v23;
	v43 =	vor.u32 v54, v17;
	v38 =	vor.u32 v54, v16;
	v54 =	vld [tilespmem:$0x1FDB0]  }
0x352: {  	v63 =	vmul.f32 v60, v20;
	v0 =	vadd.f32 v49, v0;
	v49 =	vmul.f32 v59, v22;
	v59 =	vld [tilespmem:$0x1FF00]  }
0x353: {  	v20 =	vmul.f32 v61, v20;
	v60 =	vor.u32 s31, v1;
	v51 =	vmul.f32 v58, v22;
	v36 =	vld.idx.msk [tilespmem:v36+s11+$0x0], $0xffff  }
0x354: {  	v55 =	vor.u32 s31, v56;
	v25 =	vadd.f32 v44, v25;
	v26 =	vadd.f32 v47, v26;
	v34 =	vld.idx.msk [tilespmem:v34+s4+$0x0], $0xffff  }
0x355: {  	v61 =	vor.u32 v1, v19;
	v23 =	vadd.f32 v63, v23;
	v22 =	vmul.f32 v57, v22;
	v45 =	vld.idx.msk [tilespmem:v45+s4+$0x0], $0xffff  }
0x356: {  	v63 =	vor.u32 v1, v18;
	v25 =	vadd.f32 v49, v25;
	v26 =	vadd.f32 v51, v26;
	v40 =	vld.idx.msk [tilespmem:v43+s4+$0x0], $0xffff  }
0x357: {  	v0 =	vadd.f32 v22, v0;
	v39 =	vor.u32 s31, v54;
	v46 =	vor.u32 v54, v19;
	v38 =	vld.idx.msk [tilespmem:v38+s4+$0x0], $0xffff  }
0x358: {  	v48 =	vor.u32 v54, v18;
	v42 =	vor.u32 v54, v17;
	v43 =	vor.u32 v54, v16;
	v54 =	vld [tilespmem:$0x1FFB0]  }
0x359: {  	v51 =	vor.u32 v56, v19;
	v13 =	vadd.f32 v13, v25;
	v25 =	vld.idx.msk [tilespmem:v55+s11+$0x0], $0xffff;
	v0 =	vadd.f32 v20, v0  }
0x35a: {  	v55 =	vld [tilespmem:$0x1FE90]  }
0x35b: {  	v28 =	vmul.f32 v28, v21;
	v0 =	vadd.f32 v4, v0;
	v4 =	vld.idx.msk [tilespmem:v60+s11+$0x0], $0xffff  }
0x35c: {  	v58 =	vmul.f32 v27, v33;
	v60 =	vmul.f32 v29, v33;
	v29 =	vld.idx.msk [tilespmem:v61+s4+$0x0], $0xffff  }
0x35d: {  	v24 =	vmul.f32 v24, v33;
	v13 =	vadd.f32 v28, v13;
	v33 =	vmul.f32 v35, v33;
	v35 =	vld.idx.msk [tilespmem:v63+s4+$0x0], $0xffff  }
0x35e: {  	v20 =	vld.idx.msk [tilespmem:v51+s4+$0x0], $0xffff  }
0x35f: {  	v13 =	vadd.f32 v58, v13;
	v58 =	vld [tilespmem:$0x1FFF0]  }
0x360: {  	v28 =	vor.u32 v1, v16;
	v39 =	vld.idx.msk [tilespmem:v39+s11+$0x0], $0xffff  }
0x361: {  	v3 =	vmul.f32 v3, v21;
	v50 =	vor.u32 s31, v54;
	v46 =	vld.idx.msk [tilespmem:v46+s4+$0x0], $0xffff  }
0x362: {  	v52 =	vor.u32 v54, v19;
	v44 =	vld.idx.msk [tilespmem:v48+s4+$0x0], $0xffff  }
0x363: {  	v3 =	vadd.f32 v3, v23;
	v47 =	vor.u32 v54, v18;
	v42 =	vld.idx.msk [tilespmem:v42+s4+$0x0], $0xffff  }
0x364: {  	v48 =	vor.u32 v54, v17;
	v43 =	vld.idx.msk [tilespmem:v43+s4+$0x0], $0xffff  }
0x365: {  	v3 =	vadd.f32 v24, v3;
	v53 =	vor.u32 v54, v16;
	v24 =	vld.idx.msk [tilespmem:v28+s4+$0x0], $0xffff  }
0x366: {  	v57 =	vor.u32 s31, v55;
	v50 =	vld.idx.msk [tilespmem:v50+s11+$0x0], $0xffff  }
0x367: {  	v49 =	vld.idx.msk [tilespmem:v52+s4+$0x0], $0xffff  }
0x368: {  	v2 =	vmul.f32 v2, v21;
	v14 =	vadd.f32 v14, v26;
	v61 =	vor.u32 v55, v19;
	v22 =	vld.idx.msk [tilespmem:v47+s4+$0x0], $0xffff  }
0x369: {  	v63 =	vor.u32 v55, v18;
	v48 =	vld.idx.msk [tilespmem:v48+s4+$0x0], $0xffff  }
0x36a: {  	v2 =	vadd.f32 v2, v14;
	v27 =	vor.u32 v55, v17;
	v53 =	vld.idx.msk [tilespmem:v53+s4+$0x0], $0xffff  }
0x36b: {  	v31 =	vmul.f32 v31, v32;
	v41 =	vmul.f32 v41, v32;
	v28 =	vor.u32 v55, v16;
	v23 =	vld.idx.msk [tilespmem:v57+s11+$0x0], $0xffff  }
0x36c: {  	v30 =	vmul.f32 v30, v32;
	v2 =	vadd.f32 v60, v2;
	v52 =	vor.u32 v56, v17;
	v57 =	vld [tilespmem:$0x1FFD0]  }
0x36d: {  	v32 =	vmul.f32 v37, v32;
	v3 =	vadd.f32 v41, v3;
	v41 =	vor.u32 v58, v19;
	v37 =	vld.idx.msk [tilespmem:v61+s4+$0x0], $0xffff  }
0x36e: {  	v51 =	vor.u32 v11, v19;
	v0 =	vadd.f32 v33, v0;
	v2 =	vadd.f32 v30, v2;
	v30 =	vld.idx.msk [tilespmem:v63+s4+$0x0], $0xffff  }
0x36f: {  	v34 =	vmul.f32 v34, v36;
	v40 =	vmul.f32 v40, v36;
	v47 =	vor.u32 v56, v18;
	v27 =	vld.idx.msk [tilespmem:v27+s4+$0x0], $0xffff  }
0x370: {  	v13 =	vadd.f32 v31, v13;
	v0 =	vadd.f32 v32, v0;
	v56 =	vor.u32 v56, v16;
	v28 =	vld.idx.msk [tilespmem:v28+s4+$0x0], $0xffff  }
0x371: {  	v55 =	vmul.f32 v45, v36;
	v36 =	vmul.f32 v38, v36;
	v21 =	vld.idx.msk [tilespmem:v52+s4+$0x0], $0xffff;
	v52 =	vor.u32 v1, v17  }
0x372: {  	v3 =	vadd.f32 v40, v3;
	v41 =	vld.idx.msk [tilespmem:v41+s4+$0x0], $0xffff;
	v60 =	vor.u32 s31, v57;
	v61 =	vor.u32 v57, v19  }
0x373: {  	v63 =	vor.u32 v57, v18;
	v32 =	vor.u32 v57, v17;
	v45 =	vor.u32 v57, v16;
	v57 =	vld [tilespmem:$0x1FFE0]  }
0x374: {  	v29 =	vmul.f32 v29, v4;
	v35 =	vmul.f32 v35, v4;
	v13 =	vadd.f32 v34, v13;
	v47 =	vld.idx.msk [tilespmem:v47+s4+$0x0], $0xffff  }
0x375: {  	v20 =	vmul.f32 v20, v25;
	v2 =	vadd.f32 v55, v2;
	v44 =	vmul.f32 v44, v39;
	v14 =	vld.idx.msk [tilespmem:v56+s4+$0x0], $0xffff  }
0x376: {  	v0 =	vadd.f32 v36, v0;
	v55 =	vmul.f32 v46, v39;
	v42 =	vmul.f32 v42, v39;
	v26 =	vld.idx.msk [tilespmem:v52+s4+$0x0], $0xffff  }
0x377: {  	v39 =	vmul.f32 v43, v39;
	v2 =	vadd.f32 v44, v2;
	v44 =	vor.u32 v58, v18;
	v33 =	vld.idx.msk [tilespmem:v60+s11+$0x0], $0xffff  }
0x378: {  	v13 =	vadd.f32 v55, v13;
	v3 =	vadd.f32 v42, v3;
	v60 =	vor.u32 s31, v57;
	v34 =	vld.idx.msk [tilespmem:v61+s4+$0x0], $0xffff  }
0x379: {  	v0 =	vadd.f32 v39, v0;
	v55 =	vor.u32 v9, v17;
	v61 =	vor.u32 v57, v19;
	v31 =	vld.idx.msk [tilespmem:v63+s4+$0x0], $0xffff  }
0x37a: {  	v22 =	vmul.f32 v22, v50;
	v48 =	vmul.f32 v48, v50;
	v63 =	vor.u32 v57, v18;
	v32 =	vld.idx.msk [tilespmem:v32+s4+$0x0], $0xffff  }
0x37b: {  	v30 =	vmul.f32 v30, v23;
	v46 =	vor.u32 v57, v17;
	v43 =	vld.idx.msk [tilespmem:v45+s4+$0x0], $0xffff;
	v47 =	vmul.f32 v47, v25  }
0x37c: {  	v45 =	vor.u32 v57, v16;
	v21 =	vmul.f32 v21, v25;
	v14 =	vmul.f32 v14, v25;
	v25 =	vld.idx.msk [tilespmem:v44+s4+$0x0], $0xffff  }
0x37d: {  	v2 =	vadd.f32 v22, v2;
	v3 =	vadd.f32 v48, v3;
	v57 =	vor.u32 v58, v17;
	v38 =	vld.idx.msk [tilespmem:v60+s11+$0x0], $0xffff  }
0x37e: {  	v27 =	vmul.f32 v27, v23;
	v60 =	vor.u32 s31, v58;
	v39 =	vld.idx.msk [tilespmem:v61+s4+$0x0], $0xffff;
	v61 =	vmul.f32 v49, v50  }
0x37f: {  	v2 =	vadd.f32 v47, v2;
	v3 =	vadd.f32 v21, v3;
	v36 =	vld.idx.msk [tilespmem:v63+s4+$0x0], $0xffff;
	v58 =	vor.u32 v58, v16  }
0x380: {  	v63 =	vmul.f32 v53, v50;
	v46 =	vld.idx.msk [tilespmem:v46+s4+$0x0], $0xffff;
	v49 =	vor.u32 v10, v16;
	v13 =	vadd.f32 v61, v13  }
0x381: {  	v2 =	vadd.f32 v35, v2;
	v22 =	vld.idx.msk [tilespmem:v45+s4+$0x0], $0xffff;
	v26 =	vmul.f32 v26, v4;
	v50 =	vor.u32 s31, v11  }
0x382: {  	v4 =	vmul.f32 v24, v4;
	v0 =	vadd.f32 v63, v0;
	v13 =	vadd.f32 v20, v13;
	v20 =	vld.idx.msk [tilespmem:v57+s4+$0x0], $0xffff  }
0x383: {  	v34 =	vmul.f32 v34, v33;
	v31 =	vmul.f32 v31, v33;
	v2 =	vadd.f32 v30, v2;
	v40 =	vld.idx.msk [tilespmem:v60+s11+$0x0], $0xffff  }
0x384: {  	v61 =	vor.u32 v9, v19;
	v3 =	vadd.f32 v26, v3;
	v0 =	vadd.f32 v14, v0;
	v14 =	vld.idx.msk [tilespmem:v58+s4+$0x0], $0xffff  }
0x385: {  	v32 =	vmul.f32 v32, v33;
	v33 =	vmul.f32 v43, v33;
	v63 =	vor.u32 v9, v18;
	v43 =	vld.idx.msk [tilespmem:v49+s4+$0x0], $0xffff  }
0x386: {  	v2 =	vadd.f32 v31, v2;
	v57 =	vor.u32 v9, v16;
	v3 =	vadd.f32 v27, v3;
	v31 =	vld.idx.msk [tilespmem:v50+s11+$0x0], $0xffff  }
0x387: {  	v60 =	vor.u32 s31, v9;
	v0 =	vadd.f32 v4, v0;
	v4 =	vld.idx.msk [tilespmem:v55+s4+$0x0], $0xffff  }
0x388: {  	v58 =	vor.u32 s31, v10;
	v3 =	vadd.f32 v32, v3;
	v32 =	vld.idx.msk [tilespmem:v51+s4+$0x0], $0xffff  }
0x389: {  	v55 =	vor.u32 v11, v18;
	v24 =	vld.idx.msk [tilespmem:v61+s4+$0x0], $0xffff  }
0x38a: {  	v13 =	vadd.f32 v29, v13;
	v29 =	vld.idx.msk [tilespmem:v63+s4+$0x0], $0xffff;
	v61 =	vor.u32 v10, v18  }
0x38b: {  	v63 =	vor.u32 v10, v17;
	v21 =	vld.idx.msk [tilespmem:v57+s4+$0x0], $0xffff  }
0x38c: {  	v37 =	vmul.f32 v37, v23;
	v23 =	vmul.f32 v28, v23;
	v48 =	vor.u32 v12, v18;
	v42 =	vld.idx.msk [tilespmem:v60+s11+$0x0], $0xffff  }
0x38d: {  	v36 =	vmul.f32 v36, v38;
	v50 =	vor.u32 v12, v17;
	v28 =	vld.idx.msk [tilespmem:v58+s11+$0x0], $0xffff  }
0x38e: {  	v0 =	vadd.f32 v23, v0;
	v57 =	vor.u32 v11, v17;
	v27 =	vld.idx.msk [tilespmem:v55+s4+$0x0], $0xffff  }
0x38f: {  	v22 =	vmul.f32 v22, v38;
	v51 =	vor.u32 v12, v16;
	v2 =	vadd.f32 v36, v2;
	v23 =	vld.idx.msk [tilespmem:v61+s4+$0x0], $0xffff  }
0x390: {  	v13 =	vadd.f32 v37, v13;
	v0 =	vadd.f32 v33, v0;
	v25 =	vmul.f32 v25, v40;
	v26 =	vld.idx.msk [tilespmem:v63+s4+$0x0], $0xffff  }
0x391: {  	v60 =	vor.u32 v10, v19;
	v58 =	vor.u32 v11, v16;
	v63 =	vmul.f32 v39, v38;
	v39 =	vld.idx.msk [tilespmem:v48+s4+$0x0], $0xffff  }
0x392: {  	v14 =	vmul.f32 v14, v40;
	v0 =	vadd.f32 v22, v0;
	v2 =	vadd.f32 v25, v2;
	v25 =	vld.idx.msk [tilespmem:v50+s4+$0x0], $0xffff  }
0x393: {  	v13 =	vadd.f32 v34, v13;
	v55 =	vor.u32 s31, v59;
	v35 =	vld.idx.msk [tilespmem:v57+s4+$0x0], $0xffff  }
0x394: {  	v61 =	vor.u32 v12, v19;
	v0 =	vadd.f32 v14, v0;
	v14 =	vld.idx.msk [tilespmem:v51+s4+$0x0], $0xffff  }
0x395: {  	v13 =	vadd.f32 v63, v13;
	v57 =	vor.u32 v59, v19;
	v63 =	vld [tilespmem:$0x1FF10]  }
0x396: {  	v49 =	vmul.f32 v46, v38;
	v30 =	vld.idx.msk [tilespmem:v60+s4+$0x0], $0xffff  }
0x397: {  	v60 =	vor.u32 s31, v12;
	v36 =	vld.idx.msk [tilespmem:v58+s4+$0x0], $0xffff  }
0x398: {  	v3 =	vadd.f32 v49, v3;
	v41 =	vmul.f32 v41, v40;
	v58 =	vor.u32 v59, v18;
	v34 =	vld.idx.msk [tilespmem:v55+s11+$0x0], $0xffff  }
0x399: {  	v20 =	vmul.f32 v20, v40;
	v24 =	vmul.f32 v24, v42;
	v33 =	vld.idx.msk [tilespmem:v61+s4+$0x0], $0xffff;
	v61 =	vor.u32 v59, v16  }
0x39a: {  	v13 =	vadd.f32 v41, v13;
	v48 =	vor.u32 s31, v63;
	v41 =	vld.idx.msk [tilespmem:v57+s4+$0x0], $0xffff;
	v49 =	vor.u32 v63, v19  }
0x39b: {  	v50 =	vor.u32 v63, v18;
	v51 =	vor.u32 v63, v17;
	v55 =	vor.u32 v63, v16;
	v63 =	vld [tilespmem:$0x1FF30]  }
0x39c: {  	v29 =	vmul.f32 v29, v42;
	v22 =	vld.idx.msk [tilespmem:v60+s11+$0x0], $0xffff  }
0x39d: {  	v3 =	vadd.f32 v20, v3;
	v4 =	vmul.f32 v4, v42;
	v13 =	vadd.f32 v24, v13;
	v24 =	vld.idx.msk [tilespmem:v58+s4+$0x0], $0xffff  }
0x39e: {  	v2 =	vadd.f32 v29, v2;
	v23 =	vmul.f32 v23, v28;
	v57 =	vor.u32 s31, v62;
	v20 =	vld.idx.msk [tilespmem:v61+s4+$0x0], $0xffff  }
0x39f: {  	v3 =	vadd.f32 v4, v3;
	v26 =	vmul.f32 v26, v28;
	v37 =	vld.idx.msk [tilespmem:v48+s11+$0x0], $0xffff  }
0x3a0: {  	v21 =	vmul.f32 v21, v42;
	v2 =	vadd.f32 v23, v2;
	v60 =	vor.u32 v59, v17;
	v23 =	vld.idx.msk [tilespmem:v49+s4+$0x0], $0xffff  }
0x3a1: {  	v27 =	vmul.f32 v27, v31;
	v3 =	vadd.f32 v26, v3;
	v26 =	vld.idx.msk [tilespmem:v50+s4+$0x0], $0xffff  }
0x3a2: {  	v0 =	vadd.f32 v21, v0;
	v58 =	vor.u32 v62, v19;
	v21 =	vld.idx.msk [tilespmem:v51+s4+$0x0], $0xffff  }
0x3a3: {  	v30 =	vmul.f32 v30, v28;
	v59 =	vor.u32 v62, v18;
	v2 =	vadd.f32 v27, v2;
	v27 =	vld.idx.msk [tilespmem:v57+s11+$0x0], $0xffff  }
0x3a4: {  	v61 =	vor.u32 v62, v17;
	v49 =	vld [tilespmem:$0x1FF40]  }
0x3a5: {  	v35 =	vmul.f32 v35, v31;
	v28 =	vmul.f32 v43, v28;
	v13 =	vadd.f32 v30, v13;
	v4 =	vld.idx.msk [tilespmem:v60+s4+$0x0], $0xffff  }
0x3a6: {  	v62 =	vor.u32 v62, v16;
	v60 =	vmul.f32 v32, v31;
	v31 =	vmul.f32 v36, v31;
	v36 =	vld.idx.msk [tilespmem:v55+s4+$0x0], $0xffff  }
0x3a7: {  	v0 =	vadd.f32 v28, v0;
	v43 =	vor.u32 s31, v63;
	v44 =	vor.u32 v63, v19;
	v30 =	vld.idx.msk [tilespmem:v58+s4+$0x0], $0xffff  }
0x3a8: {  	v47 =	vor.u32 v63, v17;
	v33 =	vmul.f32 v33, v22;
	v45 =	vmul.f32 v39, v22;
	v28 =	vld.idx.msk [tilespmem:v59+s4+$0x0], $0xffff  }
0x3a9: {  	v25 =	vmul.f32 v25, v22;
	v14 =	vmul.f32 v14, v22;
	v13 =	vadd.f32 v60, v13;
	v22 =	vld.idx.msk [tilespmem:v61+s4+$0x0], $0xffff  }
0x3aa: {  	v46 =	vor.u32 v63, v18;
	v0 =	vadd.f32 v31, v0;
	v61 =	vld [tilespmem:$0x1FF50]  }
0x3ab: {  	v3 =	vadd.f32 v35, v3;
	v48 =	vor.u32 v63, v16;
	v13 =	vadd.f32 v33, v13;
	v33 =	vld.idx.msk [tilespmem:v62+s4+$0x0], $0xffff  }
0x3ac: {  	v0 =	vadd.f32 v14, v0;
	v14 =	vld.idx.msk [tilespmem:v43+s11+$0x0], $0xffff  }
0x3ad: {  	v51 =	vmul.f32 v41, v34;
	v3 =	vadd.f32 v25, v3;
	v31 =	vld.idx.msk [tilespmem:v44+s4+$0x0], $0xffff  }
0x3ae: {  	v20 =	vmul.f32 v20, v34;
	v50 =	vor.u32 s31, v49;
	v58 =	vld.idx.msk [tilespmem:v47+s4+$0x0], $0xffff;
	v4 =	vmul.f32 v4, v34  }
0x3af: {  	v24 =	vmul.f32 v24, v34;
	v55 =	vor.u32 v49, v19;
	v57 =	vor.u32 v49, v18;
	v34 =	vld.idx.msk [tilespmem:v46+s4+$0x0], $0xffff  }
0x3b0: {  	v63 =	vmul.f32 v36, v37;
	v0 =	vadd.f32 v20, v0;
	v3 =	vadd.f32 v4, v3;
	v4 =	vld.idx.msk [tilespmem:v48+s4+$0x0], $0xffff  }
0x3b1: {  	v59 =	vor.u32 v49, v17;
	v48 =	vld [tilespmem:$0x1FF80]  }
0x3b2: {  	v2 =	vadd.f32 v45, v2;
	v60 =	vor.u32 v49, v16;
	v0 =	vadd.f32 v63, v0;
	v63 =	vld [tilespmem:$0x1FB90]  }
0x3b3: {  	v62 =	vor.u32 s31, v61;
	v25 =	vld.idx.msk [tilespmem:v50+s11+$0x0], $0xffff  }
0x3b4: {  	v2 =	vadd.f32 v24, v2;
	v42 =	vor.u32 v61, v19;
	v41 =	vld.idx.msk [tilespmem:v55+s4+$0x0], $0xffff  }
0x3b5: {  	v23 =	vmul.f32 v23, v37;
	v26 =	vmul.f32 v26, v37;
	v44 =	vor.u32 v61, v18;
	v43 =	vld.idx.msk [tilespmem:v57+s4+$0x0], $0xffff  }
0x3b6: {  	v21 =	vmul.f32 v21, v37;
	v13 =	vadd.f32 v51, v13;
	v46 =	vor.u32 v61, v17;
	v45 =	vld.idx.msk [tilespmem:v59+s4+$0x0], $0xffff  }
0x3b7: {  	v28 =	vmul.f32 v28, v27;
	v2 =	vadd.f32 v26, v2;
	v47 =	vor.u32 v61, v16;
	v20 =	vld.idx.msk [tilespmem:v60+s4+$0x0], $0xffff  }
0x3b8: {  	v30 =	vmul.f32 v30, v27;
	v22 =	vmul.f32 v22, v27;
	v13 =	vadd.f32 v23, v13;
	v32 =	vld.idx.msk [tilespmem:v62+s11+$0x0], $0xffff  }
0x3b9: {  	v2 =	vadd.f32 v28, v2;
	v3 =	vadd.f32 v21, v3;
	v49 =	vor.u32 s31, v48;
	v50 =	vld.idx.msk [tilespmem:v42+s4+$0x0], $0xffff  }
0x3ba: {  	v27 =	vmul.f32 v33, v27;
	v55 =	vmul.f32 v31, v14;
	v19 =	vor.u32 v48, v19;
	v51 =	vld.idx.msk [tilespmem:v44+s4+$0x0], $0xffff  }
0x3bb: {  	v24 =	vmul.f32 v58, v14;
	v13 =	vadd.f32 v30, v13;
	v18 =	vor.u32 v48, v18;
	v29 =	vld.idx.msk [tilespmem:v46+s4+$0x0], $0xffff  }
0x3bc: {  	v57 =	vmul.f32 v34, v14;
	v17 =	vor.u32 v48, v17;
	v4 =	vmul.f32 v4, v14;
	v14 =	vld.idx.msk [tilespmem:v47+s4+$0x0], $0xffff  }
0x3bd: {  	v3 =	vadd.f32 v22, v3;
	v0 =	vadd.f32 v27, v0;
	v16 =	vor.u32 v48, v16;
	v62 =	vld [tilespmem:$0x1FB80]  }
0x3be: {  	v13 =	vadd.f32 v55, v13;
	v2 =	vadd.f32 v57, v2;
	v59 =	vld.idx.msk [tilespmem:v49+s11+$0x0], $0xffff  }
0x3bf: {  	v58 =	vmul.f32 v41, v25;
	v0 =	vadd.f32 v4, v0;
	v4 =	vmul.f32 v43, v25;
	v19 =	vld.idx.msk [tilespmem:v19+s4+$0x0], $0xffff  }
0x3c0: {  	v61 =	vadd.s32 s28, v1;
	v3 =	vadd.f32 v24, v3;
	v21 =	vmul.f32 v45, v25;
	v18 =	vld.idx.msk [tilespmem:v18+s4+$0x0], $0xffff  }
0x3c1: {  	v20 =	vmul.f32 v20, v25;
	v13 =	vadd.f32 v58, v13;
	v2 =	vadd.f32 v4, v2;
	v17 =	vld.idx.msk [tilespmem:v17+s4+$0x0], $0xffff  }
0x3c2: {  	v3 =	vadd.f32 v21, v3;
	v4 =	vmul.f32 v50, v32;
	v22 =	vmul.f32 v51, v32;
	v16 =	vld.idx.msk [tilespmem:v16+s4+$0x0], $0xffff  }
0x3c3: {  	v0 =	vadd.f32 v20, v0;
	v60 =	vmul.f32 v29, v32;
	v14 =	vmul.f32 v14, v32  }
0x3c4: {  	v20 =	vadd.s32 s28, v62;
	v4 =	vadd.f32 v4, v13;
	v13 =	vmul.f32 v19, v59  }
0x3c5: {  	v2 =	vadd.f32 v22, v2;
	v3 =	vadd.f32 v60, v3;
	v18 =	vmul.f32 v18, v59  }
0x3c6: {  	p1 =	sne.s32 s30, $0xF;
	v4 =	vadd.f32 v13, v4;
	v13 =	vmul.f32 v17, v59;
	v17 =	vadd.s32 s28, v63  }
.Ltmp3:
0x3c7: {  	v54 =	vld [tilespmem:$0x1FE80];
	v0 =	vadd.f32 v14, v0;
	v14 =	vmul.f32 v16, v59;
	v2 =	vadd.f32 v18, v2;
	(pc) =	sbr.rel @p1 .LBB2_5-.Ltmp3, $4  }
0x3c8: {  	v52 =	vld [tilespmem:$0x1FE30];
	v3 =	vadd.f32 v13, v3;
	[tilespmem:v15+s22+$0x0] =	vst.idx.msk $0xffff, v4  }
0x3c9: {  	v53 =	vld [tilespmem:$0x1FE40];
	v0 =	vadd.f32 v14, v0;
	[tilespmem:v61+s22+$0x0] =	vst.idx.msk $0xffff, v2  }
0x3ca: {  	v4 =	vld [tilespmem:$0x1FE20];
	[tilespmem:v20+s22+$0x0] =	vst.idx.msk $0xffff, v3  }
0x3cb: {  	s30 =	sadd.s32 $0x1, s30;
	v56 =	vlaneseq.u32;
	s28 =	sadd.s32 $0x32, s28;
	v3 =	vld [tilespmem:$0x1FE10];
	[tilespmem:v17+s22+$0x0] =	vst.idx.msk $0x3, v0  }
0x3cc: {  	s26 =	smul.u32 $0x32, s26;
	_ =	sdelay $0x1  }
0x3cd: {  	s26 =	sshrl.u32 s26, $0x3  }
.Ltmp4:
0x3ce: {  	s26 =	sadd.s32 s3, s26;
	(pc) =	sbr.rel @p0 .LBB2_8-.Ltmp4, $4  }
0x3cf: {  	[hbm4b:s26+s5] =	stream.linear.scatter [tilespmem:s22], [sflag:$0x3], $0x320, $0x38;
	[tilespmem:$0xD770] =	vst v63  }
0x3d0: {  	_ =	swait.ge [sflag:s16], $0x320  }
0x3d1: {  	[sflag:s16] =	ssyncset.done $0x0  }
0x3d2: {  	[sflag:s16] =	ssyncadd.s32 $0xFFFFFCE0  }
0x3d3: {  	s25 =	sadd.s32 s25, s14  }
0x3d4: {  	s25 =	smul.u32 $0x32, s25;
	_ =	sdelay $0x1  }
0x3d5: {  	s25 =	sshrl.u32 s25, $0x3  }
0x3d6: {  	s25 =	sadd.s32 s0, s25  }
0x3d7: {  	[tilespmem:s2], [sflag:$0x3] =	stream.linear.gather [hbm4b:s25+s5], $0x320, $0x38;
	[tilespmem:$0xD770] =	vst v63  }
0x3d8: {  	_ =	swait.ge [sflag:s16], $0x320  }
0x3d9: {  	[sflag:s16] =	ssyncset.done $0x0  }
0x3da: {  	[sflag:s16] =	ssyncadd.s32 $0xFFFFFCE0  }
0x3db: {  	[tilespmem:s4], [sflag:$0x2] =	stream.indirect.gather [hbm4b:s6+s17], $0x20, s2, s17, $0xb8;
	[tilespmem:$0xD770] =	vst v63  }
0x3dc: {  	s28 =	simm.s32 $0x3A0;
	s26 =	simm.s32 $0x7A40  }
0x3dd: {  	[tilespmem:s26], [sflag:$0x2] =	stream.indirect.gather [hbm4b:s6+s17], $0x20, s28, s17, $0xb8;
	[tilespmem:$0xD770] =	vst v63  }
0x3de: {  	s30 =	simm.s32 $0x420;
	s31 =	simm.s32 $0x8A40  }
0x3df: {  	v21 =	vld [tilespmem:$0x1FDC0];
	[tilespmem:s31], [sflag:$0x2] =	stream.indirect.gather [hbm4b:s6+s17], $0x20, s30, s17, $0xb8  }
0x3e0: {  	v18 =	vld [tilespmem:$0x1FDD0];
	s26 =	simm.s32 $0x4A0;
	s28 =	simm.s32 $0x9A40  }
0x3e1: {  	v19 =	vld [tilespmem:$0x1FDE0];
	[tilespmem:s28], [sflag:$0x2] =	stream.indirect.gather [hbm4b:s6+s17], $0x20, s26, s17, $0xb8  }
0x3e2: {  	v20 =	vld [tilespmem:$0x1FDF0];
	s30 =	simm.s32 $0x520;
	s31 =	simm.s32 $0xAA40  }
0x3e3: {  	v23 =	vld [tilespmem:$0x1FE00];
	[tilespmem:s31], [sflag:$0x2] =	stream.indirect.gather [hbm4b:s6+s17], $0x20, s30, s17, $0xb8  }
.Ltmp5:
0x3e4: {  	v34 =	vld [tilespmem:$0x1FEC0];
	(pc) =	sbr.rel .LBB2_2-.Ltmp5, $4  }
0x3e5: {  	v62 =	vld [tilespmem:$0x1FED0];
	s28 =	simm.s32 $0x5A0;
	s30 =	simm.s32 $0xBA40  }
0x3e6: {  	v61 =	vld [tilespmem:$0x1FEE0];
	[tilespmem:s30], [sflag:$0x2] =	stream.indirect.gather [hbm4b:s6+s17], $0x20, s28, s17, $0xb8  }
0x3e7: {  	s24 =	sadd.s32 $0x1, s24;
	v60 =	vld [tilespmem:$0x1FEF0];
	s31 =	simm.s32 $0x620  }
0x3e8: {  	v48 =	vmov v7;
	v58 =	vld [tilespmem:$0x1FF60];
	[tilespmem:s12], [sflag:$0x2] =	stream.indirect.gather [hbm4b:s6+s29], $0x20, s31, s29, $0xb8  }
.LBB2_9:
0x3e9: {  	_ =	sfence.sel $0x180000  }
0x3ea: {  	[bflag:$0x0] =	sbarrier.arrive $0xFFFF  }
0x3eb: {  	_ =	strace $0x90000047  }
0x3ec: {  	s0 =	stileid.u32;
	[bflag:$0x2] =	sbarrier.arrive $0xFFFF  }
0x3ed: {  	p0 =	sne.s32 s0, $0x0;
	s0 =	rddreg [dreg:$0x4]  }
0x3ee: {  	s0 =	sadd.s32 @!p0 $0x100000, s0  }
0x3ef: {  	[sflag:s0] =	ssyncadd.tile.s32 @!p0 $0x1;
	_ =	shalt  }
.Lfunc_end2:
_tile_overlayer_lowered:
.L_overlay_start_2:
0x3f0: {  	(tag) =	ssettag $0x2  }
0x3f1: {  	s0 =	rddreg [dreg:$0x0];
	s2 =	stileid.u32  }
0x3f2: {  	s1 =	rddreg [dreg:$0x1];
	p0 =	sne.s32 s2, $0x0  }
0x3f3: {  	s3 =	rddreg [dreg:$0x2];
	[bflag:$0x3] =	sbarrier.arrive $0xFFFF;
	s2 =	simm.s32 @!p0 $0x1C03  }
0x3f4: {  	[timem:s3], [sflag:s2] =	dma.local @!p0 [hbm:s0], s1  }
0x3f5: {  	s0 =	simm.s32 @!p0 $0x3  }
0x3f6: {  	_ =	swait.ge @!p0 [sflag:s0], s1  }
0x3f7: {  	s1 =	ssub.s32 @!p0 $0x0, s1;
	[sflag:s0] =	ssyncset.done @!p0 $0x0  }
0x3f8: {  	[sflag:s0] =	ssyncadd.s32 @!p0 s1  }
0x3f9: {  	[bflag:$0x3] =	sbarrier.arrive $0xFFFF  }
0x3fa: {  	_ =	shalt  }

</sc_bundles>
